<compile_context>
chip_gen: v7x
topology: tpu7x:2x2x1
jax: 0.10.2.dev20260603
libtpu: 0.0.44.dev20260713+nightly
codegen_flags: <defaults>
</compile_context>

<pallas_src>
import functools

import jax
import jax.numpy as jnp
from jax import lax
from jax.experimental import pallas as pl
from jax.experimental.pallas import tpu as pltpu
from jax.experimental.pallas import tpu_sc as plsc

B = 16384
D_ID = 32
D_DESC = 16
L = 20
OUT = 32
VD = 1001
ZERO_COL = VD
DT_COLS = VD + 1

NW = 32
BPW = B // NW
GCH = 128
NG = BPW // GCH
NCHUNK = BPW // 16


def _sc_body(stable, ids2, tokt, dtt,
             idrows_out, pooled_out,
             idx_v, idrows_v, tok_v, dt_v, pooled_v, sem, sem2):
    info = plsc.get_sparse_core_info()
    nc = info.num_cores
    wid = lax.axis_index("s") * nc + lax.axis_index("c")
    base = wid * BPW

    pltpu.sync_copy(ids2.at[pl.ds(wid * NG, NG)], idx_v)
    copies = [
        pltpu.async_copy(stable.at[idx_v.at[j]],
                         idrows_v.at[pl.ds(j * GCH, GCH)], sem)
        for j in range(NG)
    ]

    cp_dt = pltpu.async_copy(dtt, dt_v, sem2)
    tok_cps = [
        pltpu.async_copy(tokt.at[l, pl.ds(base, BPW)],
                         tok_v.at[pl.ds(l * BPW, BPW)], sem2)
        for l in range(L)
    ]
    cp_dt.wait()
    for cp in tok_cps:
        cp.wait()

    def chunk(c, carry):
        cbase = c * 16
        count = jnp.zeros((16,), jnp.float32)
        accs = [jnp.zeros((16,), jnp.float32) for _ in range(D_DESC)]
        for l in range(L):
            tk = tok_v[pl.ds(l * BPW + cbase, 16)]
            m = tk != 0
            count = count + jnp.where(m, 1.0, 0.0)
            tk = jnp.where(m, tk, jnp.full((16,), ZERO_COL, jnp.int32))
            for d in range(D_DESC):
                accs[d] = accs[d] + plsc.load_gather(dt_v, [tk + d * DT_COLS])
        inv = 1.0 / jnp.maximum(count, 1.0)
        for d in range(D_DESC):
            pooled_v[pl.ds(d * BPW + cbase, 16)] = accs[d] * inv
        return carry

    lax.fori_loop(0, NCHUNK, chunk, 0)

    out_cps = [
        pltpu.async_copy(pooled_v.at[pl.ds(d * BPW, BPW)],
                         pooled_out.at[d, pl.ds(base, BPW)], sem2)
        for d in range(D_DESC)
    ]
    for cp in copies:
        cp.wait()
    pltpu.sync_copy(idrows_v, idrows_out.at[pl.ds(base, BPW)])
    for cp in out_cps:
        cp.wait()


def _tc_body(idr, prt, w1, w2, bb, out):
    out[...] = (
        jnp.dot(idr[...], w1[...], preferred_element_type=jnp.float32)
        + lax.dot_general(prt[...], w2[...], (((0,), (0,)), ((), ())),
                          preferred_element_type=jnp.float32)
        + bb[...]
    )


_BM = 2048


def kernel(strategy_id, description_tokens, strategy_table, desc_table, W, b):
    ids2 = strategy_id.astype(jnp.int32).reshape(B // GCH, GCH)
    tokt = description_tokens.astype(jnp.int32).T
    dtt = jnp.concatenate(
        [desc_table.T, jnp.zeros((D_DESC, 1), jnp.float32)],
        axis=1).reshape(D_DESC * DT_COLS)

    sc = pl.kernel(
        _sc_body,
        mesh=plsc.VectorSubcoreMesh(core_axis_name="c", subcore_axis_name="s"),
        compiler_params=pltpu.CompilerParams(
            needs_layout_passes=False, use_tc_tiling_on_sc=False),
        out_type=(
            jax.ShapeDtypeStruct((B, D_ID), jnp.float32),
            jax.ShapeDtypeStruct((D_DESC, B), jnp.float32),
        ),
        scratch_types=[
            pltpu.VMEM((NG, GCH), jnp.int32),
            pltpu.VMEM((BPW, D_ID), jnp.float32),
            pltpu.VMEM((BPW * L,), jnp.int32),
            pltpu.VMEM((D_DESC * DT_COLS,), jnp.float32),
            pltpu.VMEM((D_DESC * BPW,), jnp.float32),
            pltpu.SemaphoreType.DMA,
            pltpu.SemaphoreType.DMA,
        ],
    )
    idrows, pooled_t = sc(strategy_table, ids2, tokt, dtt)

    w1 = W[:D_ID]
    w2 = W[D_ID:]
    b2 = b.reshape(1, OUT)

    out = pl.pallas_call(
        _tc_body,
        grid=(B // _BM,),
        in_specs=[
            pl.BlockSpec((_BM, D_ID), lambda i: (i, 0)),
            pl.BlockSpec((D_DESC, _BM), lambda i: (0, i)),
            pl.BlockSpec((D_ID, OUT), lambda i: (0, 0)),
            pl.BlockSpec((D_DESC, OUT), lambda i: (0, 0)),
            pl.BlockSpec((1, OUT), lambda i: (0, 0)),
        ],
        out_specs=pl.BlockSpec((_BM, OUT), lambda i: (i, 0)),
        out_shape=jax.ShapeDtypeStruct((B, OUT), jnp.float32),
    )(idrows, pooled_t, w1, w2, b2)
    return out

# --- scband reference (transcript-rebuilt; emitter-appended) ---
"""Pipeline reference for scband-strategy-model-11656541241433 (READ-ONLY COPY).

The authoritative reference and input builder live on the scoring server;
editing this copy changes nothing except your own understanding.
"""

import jax, jax.numpy as jnp
import numpy as np

B = 16384
VOCAB_ID = 100001   # len(unique_strategy_ids) + 1 (OOV at index 0 from StringLookup)
D_ID = 32
VOCAB_DESC = 1001   # TextVectorization max_tokens=1000 -> Embedding(1001, 16)
D_DESC = 16
L = 20              # output_sequence_length
OUT = 32            # EMBEDDING_DIM


def setup_inputs(seed: int = 0) -> dict:
    key = jax.random.key(seed)
    k1, k2, k3, k4, k5 = jax.random.split(key, 5)
    # strategy_id after StringLookup: ints in [0, VOCAB_ID)
    strategy_id = jax.random.randint(k1, (B,), 0, VOCAB_ID, dtype=jnp.int64)
    # description after TextVectorization: ints in [0, VOCAB_DESC), 0 = padding/mask
    description_tokens = jax.random.randint(k2, (B, L), 0, VOCAB_DESC, dtype=jnp.int64)
    # learned parameters
    strategy_table = jax.random.normal(k3, (VOCAB_ID, D_ID), dtype=jnp.float32) * 0.05
    desc_table = jax.random.normal(k4, (VOCAB_DESC, D_DESC), dtype=jnp.float32) * 0.05
    kW, kb = jax.random.split(k5)
    W = jax.random.normal(kW, (D_ID + D_DESC, OUT), dtype=jnp.float32) * 0.05
    b = jnp.zeros((OUT,), dtype=jnp.float32)
    return {
        "strategy_id": strategy_id,
        "description_tokens": description_tokens,
        "strategy_table": strategy_table,
        "desc_table": desc_table,
        "W": W,
        "b": b,
    }


def reference(strategy_id, description_tokens, strategy_table, desc_table, W, b):
    # strategy tower: StringLookup (already applied) -> Embedding
    id_vec = jnp.take(strategy_table, strategy_id, axis=0)            # [B, 32]
    # description tower: TextVectorization (already applied) -> Embedding(mask_zero=True)
    emb = jnp.take(desc_table, description_tokens, axis=0)           # [B, L, 16]
    mask = (description_tokens != 0).astype(jnp.float32)             # [B, L]
    # GlobalAveragePooling1D with mask: mean over unmasked positions
    summed = jnp.sum(emb * mask[..., None], axis=1)                  # [B, 16]
    count = jnp.maximum(jnp.sum(mask, axis=1, keepdims=True), 1.0)   # [B, 1]
    desc_vec = summed / count                                        # [B, 16]
    # output dense on concat
    feat = jnp.concatenate([id_vec, desc_vec], axis=1)               # [B, 48]
    return feat @ W + b                                              # [B, 32]

if __name__ == "__main__":
    import jax
    _d = setup_inputs()
    print(jax.jit(kernel)(*tuple(_d.values())))

</pallas_src>

<mosaic_0001>
#map = affine_map<(d0, d1) -> (0, 0)>
#map1 = affine_map<(d0, d1) -> (0)>
module attributes {stable_mosaic.version = 14 : i64} {
  func.func @_sc_body(%arg0: i32, %arg1: i32, %arg2: memref<100001x32xf32, #tpu.memory_space<hbm>>, %arg3: memref<128x128xi32, #tpu.memory_space<hbm>>, %arg4: memref<20x16384xi32, #tpu.memory_space<hbm>>, %arg5: memref<16032xf32, #tpu.memory_space<hbm>>, %arg6: memref<16384x32xf32, #tpu.memory_space<hbm>>, %arg7: memref<16x16384xf32, #tpu.memory_space<hbm>>, %arg8: memref<4x128xi32, #tpu.memory_space<vmem>>, %arg9: memref<512x32xf32, #tpu.memory_space<vmem>>, %arg10: memref<10240xi32, #tpu.memory_space<vmem>>, %arg11: memref<16032xf32, #tpu.memory_space<vmem>>, %arg12: memref<8192xf32, #tpu.memory_space<vmem>>, %arg13: memref<!tpu.dma_semaphore, #tpu.memory_space<semaphore_mem>>, %arg14: memref<!tpu.dma_semaphore, #tpu.memory_space<semaphore_mem>>) attributes {dimension_semantics = [#tpu.dimension_semantics<core_parallel>, #tpu.dimension_semantics<subcore_parallel>], iteration_bounds = array<i64: 2, 16>, scalar_prefetch = 0 : i64, scratch_operands = 7 : i64, tpu.core_type = #tpu.core_type<sc_vector_subcore>, window_params = [{transform_indices = #map}, {transform_indices = #map}, {transform_indices = #map}, {transform_indices = #map1}, {transform_indices = #map}, {transform_indices = #map}]} {
    %mul3A = arith.constant 2 : i32
    %mul3A_0 = arith.muli %arg1, %mul3A : i32
    %add3A = arith.addi %mul3A_0, %arg0 : i32
    %mul3A_1 = arith.constant 512 : i32
    %mul3A_2 = arith.muli %add3A, %mul3A_1 : i32
    %mul3A_3 = arith.constant 4 : i32
    %mul3A_4 = arith.muli %add3A, %mul3A_3 : i32
    "tpu.region"() ({
      %run_scoped3A = tpu.sem_alloc : memref<!tpu.dma_semaphore, #tpu.memory_space<semaphore_mem>>
      %dma_start3A_736 = arith.constant 0 : i32
      %dma_start3A_737 = tpu.memref_slice %arg3[%mul3A_4, %dma_start3A_736] : memref<128x128xi32, #tpu.memory_space<hbm>> -> memref<4x128xi32, #tpu.memory_space<hbm>>
      %dma_start3A_738 = arith.constant 0 : i32
      %dma_start3A_739 = tpu.memref_slice %arg3[%mul3A_4, %dma_start3A_738] : memref<128x128xi32, #tpu.memory_space<hbm>> -> memref<4x128xi32, #tpu.memory_space<hbm>>
      tpu.enqueue_dma source(%dma_start3A_739 : memref<4x128xi32, #tpu.memory_space<hbm>>) target(%arg8 : memref<4x128xi32, #tpu.memory_space<vmem>>) target_semaphore(%run_scoped3A : memref<!tpu.dma_semaphore, #tpu.memory_space<semaphore_mem>>)
      %dma_wait3A_740 = arith.constant 0 : i32
      %dma_wait3A_741 = tpu.memref_slice %arg3[%mul3A_4, %dma_wait3A_740] : memref<128x128xi32, #tpu.memory_space<hbm>> -> memref<4x128xi32, #tpu.memory_space<hbm>>
      %dma_wait3A_742 = arith.constant 0 : i32
      %dma_wait3A_743 = tpu.memref_slice %arg3[%mul3A_4, %dma_wait3A_742] : memref<128x128xi32, #tpu.memory_space<hbm>> -> memref<4x128xi32, #tpu.memory_space<hbm>>
      tpu.wait_dma2 semaphore(%run_scoped3A : memref<!tpu.dma_semaphore, #tpu.memory_space<semaphore_mem>>) src(%dma_wait3A_743 : memref<4x128xi32, #tpu.memory_space<hbm>>) dst(%arg8 : memref<4x128xi32, #tpu.memory_space<vmem>>)
      tpu.yield
    }) : () -> ()
    %dma_start3A = arith.constant 0 : i32
    %dma_start3A_5 = arith.constant 0 : i32
    %dma_start3A_6 = arith.constant 0 : i32
    %dma_start3A_7 = tpu.memref_slice %arg9[%dma_start3A_5, %dma_start3A_6] : memref<512x32xf32, #tpu.memory_space<vmem>> -> memref<128x32xf32, #tpu.memory_space<vmem>>
    %dma_start3A_8 = arith.constant 0 : i32
    %dma_start3A_9 = tpu.memref_slice %arg8[%dma_start3A, %dma_start3A_8] : memref<4x128xi32, #tpu.memory_space<vmem>> -> memref<1x128xi32, #tpu.memory_space<vmem>>
    %dma_start3A_10 = tpu.memref_squeeze %dma_start3A_9 : memref<1x128xi32, #tpu.memory_space<vmem>> -> memref<128xi32, #tpu.memory_space<vmem>>
    %dma_start3A_11 = arith.constant 0 : i32
    %dma_start3A_12 = arith.constant 0 : i32
    %dma_start3A_13 = tpu.memref_slice %arg2[%dma_start3A_11, %dma_start3A_12] : memref<100001x32xf32, #tpu.memory_space<hbm>> -> memref<100001x32xf32, #tpu.memory_space<hbm>>
    tpu.enqueue_indirect_dma source(%dma_start3A_13 : memref<100001x32xf32, #tpu.memory_space<hbm>>) target(%dma_start3A_7 : memref<128x32xf32, #tpu.memory_space<vmem>>) offsets(%dma_start3A_10 : memref<128xi32, #tpu.memory_space<vmem>>) semaphore(%arg13 : memref<!tpu.dma_semaphore, #tpu.memory_space<semaphore_mem>>)
    %dma_start3A_14 = arith.constant 1 : i32
    %dma_start3A_15 = arith.constant 128 : i32
    %dma_start3A_16 = arith.constant 0 : i32
    %dma_start3A_17 = tpu.memref_slice %arg9[%dma_start3A_15, %dma_start3A_16] : memref<512x32xf32, #tpu.memory_space<vmem>> -> memref<128x32xf32, #tpu.memory_space<vmem>>
    %dma_start3A_18 = arith.constant 0 : i32
    %dma_start3A_19 = tpu.memref_slice %arg8[%dma_start3A_14, %dma_start3A_18] : memref<4x128xi32, #tpu.memory_space<vmem>> -> memref<1x128xi32, #tpu.memory_space<vmem>>
    %dma_start3A_20 = tpu.memref_squeeze %dma_start3A_19 : memref<1x128xi32, #tpu.memory_space<vmem>> -> memref<128xi32, #tpu.memory_space<vmem>>
    %dma_start3A_21 = arith.constant 0 : i32
    %dma_start3A_22 = arith.constant 0 : i32
    %dma_start3A_23 = tpu.memref_slice %arg2[%dma_start3A_21, %dma_start3A_22] : memref<100001x32xf32, #tpu.memory_space<hbm>> -> memref<100001x32xf32, #tpu.memory_space<hbm>>
    tpu.enqueue_indirect_dma source(%dma_start3A_23 : memref<100001x32xf32, #tpu.memory_space<hbm>>) target(%dma_start3A_17 : memref<128x32xf32, #tpu.memory_space<vmem>>) offsets(%dma_start3A_20 : memref<128xi32, #tpu.memory_space<vmem>>) semaphore(%arg13 : memref<!tpu.dma_semaphore, #tpu.memory_space<semaphore_mem>>)
    %dma_start3A_24 = arith.constant 2 : i32
    %dma_start3A_25 = arith.constant 256 : i32
    %dma_start3A_26 = arith.constant 0 : i32
    %dma_start3A_27 = tpu.memref_slice %arg9[%dma_start3A_25, %dma_start3A_26] : memref<512x32xf32, #tpu.memory_space<vmem>> -> memref<128x32xf32, #tpu.memory_space<vmem>>
    %dma_start3A_28 = arith.constant 0 : i32
    %dma_start3A_29 = tpu.memref_slice %arg8[%dma_start3A_24, %dma_start3A_28] : memref<4x128xi32, #tpu.memory_space<vmem>> -> memref<1x128xi32, #tpu.memory_space<vmem>>
    %dma_start3A_30 = tpu.memref_squeeze %dma_start3A_29 : memref<1x128xi32, #tpu.memory_space<vmem>> -> memref<128xi32, #tpu.memory_space<vmem>>
    %dma_start3A_31 = arith.constant 0 : i32
    %dma_start3A_32 = arith.constant 0 : i32
    %dma_start3A_33 = tpu.memref_slice %arg2[%dma_start3A_31, %dma_start3A_32] : memref<100001x32xf32, #tpu.memory_space<hbm>> -> memref<100001x32xf32, #tpu.memory_space<hbm>>
    tpu.enqueue_indirect_dma source(%dma_start3A_33 : memref<100001x32xf32, #tpu.memory_space<hbm>>) target(%dma_start3A_27 : memref<128x32xf32, #tpu.memory_space<vmem>>) offsets(%dma_start3A_30 : memref<128xi32, #tpu.memory_space<vmem>>) semaphore(%arg13 : memref<!tpu.dma_semaphore, #tpu.memory_space<semaphore_mem>>)
    %dma_start3A_34 = arith.constant 3 : i32
    %dma_start3A_35 = arith.constant 384 : i32
    %dma_start3A_36 = arith.constant 0 : i32
    %dma_start3A_37 = tpu.memref_slice %arg9[%dma_start3A_35, %dma_start3A_36] : memref<512x32xf32, #tpu.memory_space<vmem>> -> memref<128x32xf32, #tpu.memory_space<vmem>>
    %dma_start3A_38 = arith.constant 0 : i32
    %dma_start3A_39 = tpu.memref_slice %arg8[%dma_start3A_34, %dma_start3A_38] : memref<4x128xi32, #tpu.memory_space<vmem>> -> memref<1x128xi32, #tpu.memory_space<vmem>>
    %dma_start3A_40 = tpu.memref_squeeze %dma_start3A_39 : memref<1x128xi32, #tpu.memory_space<vmem>> -> memref<128xi32, #tpu.memory_space<vmem>>
    %dma_start3A_41 = arith.constant 0 : i32
    %dma_start3A_42 = arith.constant 0 : i32
    %dma_start3A_43 = tpu.memref_slice %arg2[%dma_start3A_41, %dma_start3A_42] : memref<100001x32xf32, #tpu.memory_space<hbm>> -> memref<100001x32xf32, #tpu.memory_space<hbm>>
    tpu.enqueue_indirect_dma source(%dma_start3A_43 : memref<100001x32xf32, #tpu.memory_space<hbm>>) target(%dma_start3A_37 : memref<128x32xf32, #tpu.memory_space<vmem>>) offsets(%dma_start3A_40 : memref<128xi32, #tpu.memory_space<vmem>>) semaphore(%arg13 : memref<!tpu.dma_semaphore, #tpu.memory_space<semaphore_mem>>)
    tpu.enqueue_dma source(%arg5 : memref<16032xf32, #tpu.memory_space<hbm>>) target(%arg11 : memref<16032xf32, #tpu.memory_space<vmem>>) target_semaphore(%arg14 : memref<!tpu.dma_semaphore, #tpu.memory_space<semaphore_mem>>)
    %dma_start3A_44 = arith.constant 0 : i32
    %dma_start3A_45 = arith.constant 0 : i32
    %dma_start3A_46 = tpu.memref_slice %arg10[%dma_start3A_45] : memref<10240xi32, #tpu.memory_space<vmem>> -> memref<512xi32, #tpu.memory_space<vmem>>
    %dma_start3A_47 = tpu.memref_slice %arg4[%dma_start3A_44, %mul3A_2] : memref<20x16384xi32, #tpu.memory_space<hbm>> -> memref<1x512xi32, #tpu.memory_space<hbm>>
    %dma_start3A_48 = tpu.memref_squeeze %dma_start3A_47 : memref<1x512xi32, #tpu.memory_space<hbm>> -> memref<512xi32, #tpu.memory_space<hbm>>
    %dma_start3A_49 = arith.constant 0 : i32
    %dma_start3A_50 = tpu.memref_slice %arg10[%dma_start3A_49] : memref<10240xi32, #tpu.memory_space<vmem>> -> memref<512xi32, #tpu.memory_space<vmem>>
    %dma_start3A_51 = tpu.memref_slice %arg4[%dma_start3A_44, %mul3A_2] : memref<20x16384xi32, #tpu.memory_space<hbm>> -> memref<1x512xi32, #tpu.memory_space<hbm>>
    %dma_start3A_52 = tpu.memref_squeeze %dma_start3A_51 : memref<1x512xi32, #tpu.memory_space<hbm>> -> memref<512xi32, #tpu.memory_space<hbm>>
    tpu.enqueue_dma source(%dma_start3A_52 : memref<512xi32, #tpu.memory_space<hbm>>) target(%dma_start3A_50 : memref<512xi32, #tpu.memory_space<vmem>>) target_semaphore(%arg14 : memref<!tpu.dma_semaphore, #tpu.memory_space<semaphore_mem>>)
    %dma_start3A_53 = arith.constant 1 : i32
    %dma_start3A_54 = arith.constant 512 : i32
    %dma_start3A_55 = tpu.memref_slice %arg10[%dma_start3A_54] : memref<10240xi32, #tpu.memory_space<vmem>> -> memref<512xi32, #tpu.memory_space<vmem>>
    %dma_start3A_56 = tpu.memref_slice %arg4[%dma_start3A_53, %mul3A_2] : memref<20x16384xi32, #tpu.memory_space<hbm>> -> memref<1x512xi32, #tpu.memory_space<hbm>>
    %dma_start3A_57 = tpu.memref_squeeze %dma_start3A_56 : memref<1x512xi32, #tpu.memory_space<hbm>> -> memref<512xi32, #tpu.memory_space<hbm>>
    %dma_start3A_58 = arith.constant 512 : i32
    %dma_start3A_59 = tpu.memref_slice %arg10[%dma_start3A_58] : memref<10240xi32, #tpu.memory_space<vmem>> -> memref<512xi32, #tpu.memory_space<vmem>>
    %dma_start3A_60 = tpu.memref_slice %arg4[%dma_start3A_53, %mul3A_2] : memref<20x16384xi32, #tpu.memory_space<hbm>> -> memref<1x512xi32, #tpu.memory_space<hbm>>
    %dma_start3A_61 = tpu.memref_squeeze %dma_start3A_60 : memref<1x512xi32, #tpu.memory_space<hbm>> -> memref<512xi32, #tpu.memory_space<hbm>>
    tpu.enqueue_dma source(%dma_start3A_61 : memref<512xi32, #tpu.memory_space<hbm>>) target(%dma_start3A_59 : memref<512xi32, #tpu.memory_space<vmem>>) target_semaphore(%arg14 : memref<!tpu.dma_semaphore, #tpu.memory_space<semaphore_mem>>)
    %dma_start3A_62 = arith.constant 2 : i32
    %dma_start3A_63 = arith.constant 1024 : i32
    %dma_start3A_64 = tpu.memref_slice %arg10[%dma_start3A_63] : memref<10240xi32, #tpu.memory_space<vmem>> -> memref<512xi32, #tpu.memory_space<vmem>>
    %dma_start3A_65 = tpu.memref_slice %arg4[%dma_start3A_62, %mul3A_2] : memref<20x16384xi32, #tpu.memory_space<hbm>> -> memref<1x512xi32, #tpu.memory_space<hbm>>
    %dma_start3A_66 = tpu.memref_squeeze %dma_start3A_65 : memref<1x512xi32, #tpu.memory_space<hbm>> -> memref<512xi32, #tpu.memory_space<hbm>>
    %dma_start3A_67 = arith.constant 1024 : i32
    %dma_start3A_68 = tpu.memref_slice %arg10[%dma_start3A_67] : memref<10240xi32, #tpu.memory_space<vmem>> -> memref<512xi32, #tpu.memory_space<vmem>>
    %dma_start3A_69 = tpu.memref_slice %arg4[%dma_start3A_62, %mul3A_2] : memref<20x16384xi32, #tpu.memory_space<hbm>> -> memref<1x512xi32, #tpu.memory_space<hbm>>
    %dma_start3A_70 = tpu.memref_squeeze %dma_start3A_69 : memref<1x512xi32, #tpu.memory_space<hbm>> -> memref<512xi32, #tpu.memory_space<hbm>>
    tpu.enqueue_dma source(%dma_start3A_70 : memref<512xi32, #tpu.memory_space<hbm>>) target(%dma_start3A_68 : memref<512xi32, #tpu.memory_space<vmem>>) target_semaphore(%arg14 : memref<!tpu.dma_semaphore, #tpu.memory_space<semaphore_mem>>)
    %dma_start3A_71 = arith.constant 3 : i32
    %dma_start3A_72 = arith.constant 1536 : i32
    %dma_start3A_73 = tpu.memref_slice %arg10[%dma_start3A_72] : memref<10240xi32, #tpu.memory_space<vmem>> -> memref<512xi32, #tpu.memory_space<vmem>>
    %dma_start3A_74 = tpu.memref_slice %arg4[%dma_start3A_71, %mul3A_2] : memref<20x16384xi32, #tpu.memory_space<hbm>> -> memref<1x512xi32, #tpu.memory_space<hbm>>
    %dma_start3A_75 = tpu.memref_squeeze %dma_start3A_74 : memref<1x512xi32, #tpu.memory_space<hbm>> -> memref<512xi32, #tpu.memory_space<hbm>>
    %dma_start3A_76 = arith.constant 1536 : i32
    %dma_start3A_77 = tpu.memref_slice %arg10[%dma_start3A_76] : memref<10240xi32, #tpu.memory_space<vmem>> -> memref<512xi32, #tpu.memory_space<vmem>>
    %dma_start3A_78 = tpu.memref_slice %arg4[%dma_start3A_71, %mul3A_2] : memref<20x16384xi32, #tpu.memory_space<hbm>> -> memref<1x512xi32, #tpu.memory_space<hbm>>
    %dma_start3A_79 = tpu.memref_squeeze %dma_start3A_78 : memref<1x512xi32, #tpu.memory_space<hbm>> -> memref<512xi32, #tpu.memory_space<hbm>>
    tpu.enqueue_dma source(%dma_start3A_79 : memref<512xi32, #tpu.memory_space<hbm>>) target(%dma_start3A_77 : memref<512xi32, #tpu.memory_space<vmem>>) target_semaphore(%arg14 : memref<!tpu.dma_semaphore, #tpu.memory_space<semaphore_mem>>)
    %dma_start3A_80 = arith.constant 4 : i32
    %dma_start3A_81 = arith.constant 2048 : i32
    %dma_start3A_82 = tpu.memref_slice %arg10[%dma_start3A_81] : memref<10240xi32, #tpu.memory_space<vmem>> -> memref<512xi32, #tpu.memory_space<vmem>>
    %dma_start3A_83 = tpu.memref_slice %arg4[%dma_start3A_80, %mul3A_2] : memref<20x16384xi32, #tpu.memory_space<hbm>> -> memref<1x512xi32, #tpu.memory_space<hbm>>
    %dma_start3A_84 = tpu.memref_squeeze %dma_start3A_83 : memref<1x512xi32, #tpu.memory_space<hbm>> -> memref<512xi32, #tpu.memory_space<hbm>>
    %dma_start3A_85 = arith.constant 2048 : i32
    %dma_start3A_86 = tpu.memref_slice %arg10[%dma_start3A_85] : memref<10240xi32, #tpu.memory_space<vmem>> -> memref<512xi32, #tpu.memory_space<vmem>>
    %dma_start3A_87 = tpu.memref_slice %arg4[%dma_start3A_80, %mul3A_2] : memref<20x16384xi32, #tpu.memory_space<hbm>> -> memref<1x512xi32, #tpu.memory_space<hbm>>
    %dma_start3A_88 = tpu.memref_squeeze %dma_start3A_87 : memref<1x512xi32, #tpu.memory_space<hbm>> -> memref<512xi32, #tpu.memory_space<hbm>>
    tpu.enqueue_dma source(%dma_start3A_88 : memref<512xi32, #tpu.memory_space<hbm>>) target(%dma_start3A_86 : memref<512xi32, #tpu.memory_space<vmem>>) target_semaphore(%arg14 : memref<!tpu.dma_semaphore, #tpu.memory_space<semaphore_mem>>)
    %dma_start3A_89 = arith.constant 5 : i32
    %dma_start3A_90 = arith.constant 2560 : i32
    %dma_start3A_91 = tpu.memref_slice %arg10[%dma_start3A_90] : memref<10240xi32, #tpu.memory_space<vmem>> -> memref<512xi32, #tpu.memory_space<vmem>>
    %dma_start3A_92 = tpu.memref_slice %arg4[%dma_start3A_89, %mul3A_2] : memref<20x16384xi32, #tpu.memory_space<hbm>> -> memref<1x512xi32, #tpu.memory_space<hbm>>
    %dma_start3A_93 = tpu.memref_squeeze %dma_start3A_92 : memref<1x512xi32, #tpu.memory_space<hbm>> -> memref<512xi32, #tpu.memory_space<hbm>>
    %dma_start3A_94 = arith.constant 2560 : i32
    %dma_start3A_95 = tpu.memref_slice %arg10[%dma_start3A_94] : memref<10240xi32, #tpu.memory_space<vmem>> -> memref<512xi32, #tpu.memory_space<vmem>>
    %dma_start3A_96 = tpu.memref_slice %arg4[%dma_start3A_89, %mul3A_2] : memref<20x16384xi32, #tpu.memory_space<hbm>> -> memref<1x512xi32, #tpu.memory_space<hbm>>
    %dma_start3A_97 = tpu.memref_squeeze %dma_start3A_96 : memref<1x512xi32, #tpu.memory_space<hbm>> -> memref<512xi32, #tpu.memory_space<hbm>>
    tpu.enqueue_dma source(%dma_start3A_97 : memref<512xi32, #tpu.memory_space<hbm>>) target(%dma_start3A_95 : memref<512xi32, #tpu.memory_space<vmem>>) target_semaphore(%arg14 : memref<!tpu.dma_semaphore, #tpu.memory_space<semaphore_mem>>)
    %dma_start3A_98 = arith.constant 6 : i32
    %dma_start3A_99 = arith.constant 3072 : i32
    %dma_start3A_100 = tpu.memref_slice %arg10[%dma_start3A_99] : memref<10240xi32, #tpu.memory_space<vmem>> -> memref<512xi32, #tpu.memory_space<vmem>>
    %dma_start3A_101 = tpu.memref_slice %arg4[%dma_start3A_98, %mul3A_2] : memref<20x16384xi32, #tpu.memory_space<hbm>> -> memref<1x512xi32, #tpu.memory_space<hbm>>
    %dma_start3A_102 = tpu.memref_squeeze %dma_start3A_101 : memref<1x512xi32, #tpu.memory_space<hbm>> -> memref<512xi32, #tpu.memory_space<hbm>>
    %dma_start3A_103 = arith.constant 3072 : i32
    %dma_start3A_104 = tpu.memref_slice %arg10[%dma_start3A_103] : memref<10240xi32, #tpu.memory_space<vmem>> -> memref<512xi32, #tpu.memory_space<vmem>>
    %dma_start3A_105 = tpu.memref_slice %arg4[%dma_start3A_98, %mul3A_2] : memref<20x16384xi32, #tpu.memory_space<hbm>> -> memref<1x512xi32, #tpu.memory_space<hbm>>
    %dma_start3A_106 = tpu.memref_squeeze %dma_start3A_105 : memref<1x512xi32, #tpu.memory_space<hbm>> -> memref<512xi32, #tpu.memory_space<hbm>>
    tpu.enqueue_dma source(%dma_start3A_106 : memref<512xi32, #tpu.memory_space<hbm>>) target(%dma_start3A_104 : memref<512xi32, #tpu.memory_space<vmem>>) target_semaphore(%arg14 : memref<!tpu.dma_semaphore, #tpu.memory_space<semaphore_mem>>)
    %dma_start3A_107 = arith.constant 7 : i32
    %dma_start3A_108 = arith.constant 3584 : i32
    %dma_start3A_109 = tpu.memref_slice %arg10[%dma_start3A_108] : memref<10240xi32, #tpu.memory_space<vmem>> -> memref<512xi32, #tpu.memory_space<vmem>>
    %dma_start3A_110 = tpu.memref_slice %arg4[%dma_start3A_107, %mul3A_2] : memref<20x16384xi32, #tpu.memory_space<hbm>> -> memref<1x512xi32, #tpu.memory_space<hbm>>
    %dma_start3A_111 = tpu.memref_squeeze %dma_start3A_110 : memref<1x512xi32, #tpu.memory_space<hbm>> -> memref<512xi32, #tpu.memory_space<hbm>>
    %dma_start3A_112 = arith.constant 3584 : i32
    %dma_start3A_113 = tpu.memref_slice %arg10[%dma_start3A_112] : memref<10240xi32, #tpu.memory_space<vmem>> -> memref<512xi32, #tpu.memory_space<vmem>>
    %dma_start3A_114 = tpu.memref_slice %arg4[%dma_start3A_107, %mul3A_2] : memref<20x16384xi32, #tpu.memory_space<hbm>> -> memref<1x512xi32, #tpu.memory_space<hbm>>
    %dma_start3A_115 = tpu.memref_squeeze %dma_start3A_114 : memref<1x512xi32, #tpu.memory_space<hbm>> -> memref<512xi32, #tpu.memory_space<hbm>>
    tpu.enqueue_dma source(%dma_start3A_115 : memref<512xi32, #tpu.memory_space<hbm>>) target(%dma_start3A_113 : memref<512xi32, #tpu.memory_space<vmem>>) target_semaphore(%arg14 : memref<!tpu.dma_semaphore, #tpu.memory_space<semaphore_mem>>)
    %dma_start3A_116 = arith.constant 8 : i32
    %dma_start3A_117 = arith.constant 4096 : i32
    %dma_start3A_118 = tpu.memref_slice %arg10[%dma_start3A_117] : memref<10240xi32, #tpu.memory_space<vmem>> -> memref<512xi32, #tpu.memory_space<vmem>>
    %dma_start3A_119 = tpu.memref_slice %arg4[%dma_start3A_116, %mul3A_2] : memref<20x16384xi32, #tpu.memory_space<hbm>> -> memref<1x512xi32, #tpu.memory_space<hbm>>
    %dma_start3A_120 = tpu.memref_squeeze %dma_start3A_119 : memref<1x512xi32, #tpu.memory_space<hbm>> -> memref<512xi32, #tpu.memory_space<hbm>>
    %dma_start3A_121 = arith.constant 4096 : i32
    %dma_start3A_122 = tpu.memref_slice %arg10[%dma_start3A_121] : memref<10240xi32, #tpu.memory_space<vmem>> -> memref<512xi32, #tpu.memory_space<vmem>>
    %dma_start3A_123 = tpu.memref_slice %arg4[%dma_start3A_116, %mul3A_2] : memref<20x16384xi32, #tpu.memory_space<hbm>> -> memref<1x512xi32, #tpu.memory_space<hbm>>
    %dma_start3A_124 = tpu.memref_squeeze %dma_start3A_123 : memref<1x512xi32, #tpu.memory_space<hbm>> -> memref<512xi32, #tpu.memory_space<hbm>>
    tpu.enqueue_dma source(%dma_start3A_124 : memref<512xi32, #tpu.memory_space<hbm>>) target(%dma_start3A_122 : memref<512xi32, #tpu.memory_space<vmem>>) target_semaphore(%arg14 : memref<!tpu.dma_semaphore, #tpu.memory_space<semaphore_mem>>)
    %dma_start3A_125 = arith.constant 9 : i32
    %dma_start3A_126 = arith.constant 4608 : i32
    %dma_start3A_127 = tpu.memref_slice %arg10[%dma_start3A_126] : memref<10240xi32, #tpu.memory_space<vmem>> -> memref<512xi32, #tpu.memory_space<vmem>>
    %dma_start3A_128 = tpu.memref_slice %arg4[%dma_start3A_125, %mul3A_2] : memref<20x16384xi32, #tpu.memory_space<hbm>> -> memref<1x512xi32, #tpu.memory_space<hbm>>
    %dma_start3A_129 = tpu.memref_squeeze %dma_start3A_128 : memref<1x512xi32, #tpu.memory_space<hbm>> -> memref<512xi32, #tpu.memory_space<hbm>>
    %dma_start3A_130 = arith.constant 4608 : i32
    %dma_start3A_131 = tpu.memref_slice %arg10[%dma_start3A_130] : memref<10240xi32, #tpu.memory_space<vmem>> -> memref<512xi32, #tpu.memory_space<vmem>>
    %dma_start3A_132 = tpu.memref_slice %arg4[%dma_start3A_125, %mul3A_2] : memref<20x16384xi32, #tpu.memory_space<hbm>> -> memref<1x512xi32, #tpu.memory_space<hbm>>
    %dma_start3A_133 = tpu.memref_squeeze %dma_start3A_132 : memref<1x512xi32, #tpu.memory_space<hbm>> -> memref<512xi32, #tpu.memory_space<hbm>>
    tpu.enqueue_dma source(%dma_start3A_133 : memref<512xi32, #tpu.memory_space<hbm>>) target(%dma_start3A_131 : memref<512xi32, #tpu.memory_space<vmem>>) target_semaphore(%arg14 : memref<!tpu.dma_semaphore, #tpu.memory_space<semaphore_mem>>)
    %dma_start3A_134 = arith.constant 10 : i32
    %dma_start3A_135 = arith.constant 5120 : i32
    %dma_start3A_136 = tpu.memref_slice %arg10[%dma_start3A_135] : memref<10240xi32, #tpu.memory_space<vmem>> -> memref<512xi32, #tpu.memory_space<vmem>>
    %dma_start3A_137 = tpu.memref_slice %arg4[%dma_start3A_134, %mul3A_2] : memref<20x16384xi32, #tpu.memory_space<hbm>> -> memref<1x512xi32, #tpu.memory_space<hbm>>
    %dma_start3A_138 = tpu.memref_squeeze %dma_start3A_137 : memref<1x512xi32, #tpu.memory_space<hbm>> -> memref<512xi32, #tpu.memory_space<hbm>>
    %dma_start3A_139 = arith.constant 5120 : i32
    %dma_start3A_140 = tpu.memref_slice %arg10[%dma_start3A_139] : memref<10240xi32, #tpu.memory_space<vmem>> -> memref<512xi32, #tpu.memory_space<vmem>>
    %dma_start3A_141 = tpu.memref_slice %arg4[%dma_start3A_134, %mul3A_2] : memref<20x16384xi32, #tpu.memory_space<hbm>> -> memref<1x512xi32, #tpu.memory_space<hbm>>
    %dma_start3A_142 = tpu.memref_squeeze %dma_start3A_141 : memref<1x512xi32, #tpu.memory_space<hbm>> -> memref<512xi32, #tpu.memory_space<hbm>>
    tpu.enqueue_dma source(%dma_start3A_142 : memref<512xi32, #tpu.memory_space<hbm>>) target(%dma_start3A_140 : memref<512xi32, #tpu.memory_space<vmem>>) target_semaphore(%arg14 : memref<!tpu.dma_semaphore, #tpu.memory_space<semaphore_mem>>)
    %dma_start3A_143 = arith.constant 11 : i32
    %dma_start3A_144 = arith.constant 5632 : i32
    %dma_start3A_145 = tpu.memref_slice %arg10[%dma_start3A_144] : memref<10240xi32, #tpu.memory_space<vmem>> -> memref<512xi32, #tpu.memory_space<vmem>>
    %dma_start3A_146 = tpu.memref_slice %arg4[%dma_start3A_143, %mul3A_2] : memref<20x16384xi32, #tpu.memory_space<hbm>> -> memref<1x512xi32, #tpu.memory_space<hbm>>
    %dma_start3A_147 = tpu.memref_squeeze %dma_start3A_146 : memref<1x512xi32, #tpu.memory_space<hbm>> -> memref<512xi32, #tpu.memory_space<hbm>>
    %dma_start3A_148 = arith.constant 5632 : i32
    %dma_start3A_149 = tpu.memref_slice %arg10[%dma_start3A_148] : memref<10240xi32, #tpu.memory_space<vmem>> -> memref<512xi32, #tpu.memory_space<vmem>>
    %dma_start3A_150 = tpu.memref_slice %arg4[%dma_start3A_143, %mul3A_2] : memref<20x16384xi32, #tpu.memory_space<hbm>> -> memref<1x512xi32, #tpu.memory_space<hbm>>
    %dma_start3A_151 = tpu.memref_squeeze %dma_start3A_150 : memref<1x512xi32, #tpu.memory_space<hbm>> -> memref<512xi32, #tpu.memory_space<hbm>>
    tpu.enqueue_dma source(%dma_start3A_151 : memref<512xi32, #tpu.memory_space<hbm>>) target(%dma_start3A_149 : memref<512xi32, #tpu.memory_space<vmem>>) target_semaphore(%arg14 : memref<!tpu.dma_semaphore, #tpu.memory_space<semaphore_mem>>)
    %dma_start3A_152 = arith.constant 12 : i32
    %dma_start3A_153 = arith.constant 6144 : i32
    %dma_start3A_154 = tpu.memref_slice %arg10[%dma_start3A_153] : memref<10240xi32, #tpu.memory_space<vmem>> -> memref<512xi32, #tpu.memory_space<vmem>>
    %dma_start3A_155 = tpu.memref_slice %arg4[%dma_start3A_152, %mul3A_2] : memref<20x16384xi32, #tpu.memory_space<hbm>> -> memref<1x512xi32, #tpu.memory_space<hbm>>
    %dma_start3A_156 = tpu.memref_squeeze %dma_start3A_155 : memref<1x512xi32, #tpu.memory_space<hbm>> -> memref<512xi32, #tpu.memory_space<hbm>>
    %dma_start3A_157 = arith.constant 6144 : i32
    %dma_start3A_158 = tpu.memref_slice %arg10[%dma_start3A_157] : memref<10240xi32, #tpu.memory_space<vmem>> -> memref<512xi32, #tpu.memory_space<vmem>>
    %dma_start3A_159 = tpu.memref_slice %arg4[%dma_start3A_152, %mul3A_2] : memref<20x16384xi32, #tpu.memory_space<hbm>> -> memref<1x512xi32, #tpu.memory_space<hbm>>
    %dma_start3A_160 = tpu.memref_squeeze %dma_start3A_159 : memref<1x512xi32, #tpu.memory_space<hbm>> -> memref<512xi32, #tpu.memory_space<hbm>>
    tpu.enqueue_dma source(%dma_start3A_160 : memref<512xi32, #tpu.memory_space<hbm>>) target(%dma_start3A_158 : memref<512xi32, #tpu.memory_space<vmem>>) target_semaphore(%arg14 : memref<!tpu.dma_semaphore, #tpu.memory_space<semaphore_mem>>)
    %dma_start3A_161 = arith.constant 13 : i32
    %dma_start3A_162 = arith.constant 6656 : i32
    %dma_start3A_163 = tpu.memref_slice %arg10[%dma_start3A_162] : memref<10240xi32, #tpu.memory_space<vmem>> -> memref<512xi32, #tpu.memory_space<vmem>>
    %dma_start3A_164 = tpu.memref_slice %arg4[%dma_start3A_161, %mul3A_2] : memref<20x16384xi32, #tpu.memory_space<hbm>> -> memref<1x512xi32, #tpu.memory_space<hbm>>
    %dma_start3A_165 = tpu.memref_squeeze %dma_start3A_164 : memref<1x512xi32, #tpu.memory_space<hbm>> -> memref<512xi32, #tpu.memory_space<hbm>>
    %dma_start3A_166 = arith.constant 6656 : i32
    %dma_start3A_167 = tpu.memref_slice %arg10[%dma_start3A_166] : memref<10240xi32, #tpu.memory_space<vmem>> -> memref<512xi32, #tpu.memory_space<vmem>>
    %dma_start3A_168 = tpu.memref_slice %arg4[%dma_start3A_161, %mul3A_2] : memref<20x16384xi32, #tpu.memory_space<hbm>> -> memref<1x512xi32, #tpu.memory_space<hbm>>
    %dma_start3A_169 = tpu.memref_squeeze %dma_start3A_168 : memref<1x512xi32, #tpu.memory_space<hbm>> -> memref<512xi32, #tpu.memory_space<hbm>>
    tpu.enqueue_dma source(%dma_start3A_169 : memref<512xi32, #tpu.memory_space<hbm>>) target(%dma_start3A_167 : memref<512xi32, #tpu.memory_space<vmem>>) target_semaphore(%arg14 : memref<!tpu.dma_semaphore, #tpu.memory_space<semaphore_mem>>)
    %dma_start3A_170 = arith.constant 14 : i32
    %dma_start3A_171 = arith.constant 7168 : i32
    %dma_start3A_172 = tpu.memref_slice %arg10[%dma_start3A_171] : memref<10240xi32, #tpu.memory_space<vmem>> -> memref<512xi32, #tpu.memory_space<vmem>>
    %dma_start3A_173 = tpu.memref_slice %arg4[%dma_start3A_170, %mul3A_2] : memref<20x16384xi32, #tpu.memory_space<hbm>> -> memref<1x512xi32, #tpu.memory_space<hbm>>
    %dma_start3A_174 = tpu.memref_squeeze %dma_start3A_173 : memref<1x512xi32, #tpu.memory_space<hbm>> -> memref<512xi32, #tpu.memory_space<hbm>>
    %dma_start3A_175 = arith.constant 7168 : i32
    %dma_start3A_176 = tpu.memref_slice %arg10[%dma_start3A_175] : memref<10240xi32, #tpu.memory_space<vmem>> -> memref<512xi32, #tpu.memory_space<vmem>>
    %dma_start3A_177 = tpu.memref_slice %arg4[%dma_start3A_170, %mul3A_2] : memref<20x16384xi32, #tpu.memory_space<hbm>> -> memref<1x512xi32, #tpu.memory_space<hbm>>
    %dma_start3A_178 = tpu.memref_squeeze %dma_start3A_177 : memref<1x512xi32, #tpu.memory_space<hbm>> -> memref<512xi32, #tpu.memory_space<hbm>>
    tpu.enqueue_dma source(%dma_start3A_178 : memref<512xi32, #tpu.memory_space<hbm>>) target(%dma_start3A_176 : memref<512xi32, #tpu.memory_space<vmem>>) target_semaphore(%arg14 : memref<!tpu.dma_semaphore, #tpu.memory_space<semaphore_mem>>)
    %dma_start3A_179 = arith.constant 15 : i32
    %dma_start3A_180 = arith.constant 7680 : i32
    %dma_start3A_181 = tpu.memref_slice %arg10[%dma_start3A_180] : memref<10240xi32, #tpu.memory_space<vmem>> -> memref<512xi32, #tpu.memory_space<vmem>>
    %dma_start3A_182 = tpu.memref_slice %arg4[%dma_start3A_179, %mul3A_2] : memref<20x16384xi32, #tpu.memory_space<hbm>> -> memref<1x512xi32, #tpu.memory_space<hbm>>
    %dma_start3A_183 = tpu.memref_squeeze %dma_start3A_182 : memref<1x512xi32, #tpu.memory_space<hbm>> -> memref<512xi32, #tpu.memory_space<hbm>>
    %dma_start3A_184 = arith.constant 7680 : i32
    %dma_start3A_185 = tpu.memref_slice %arg10[%dma_start3A_184] : memref<10240xi32, #tpu.memory_space<vmem>> -> memref<512xi32, #tpu.memory_space<vmem>>
    %dma_start3A_186 = tpu.memref_slice %arg4[%dma_start3A_179, %mul3A_2] : memref<20x16384xi32, #tpu.memory_space<hbm>> -> memref<1x512xi32, #tpu.memory_space<hbm>>
    %dma_start3A_187 = tpu.memref_squeeze %dma_start3A_186 : memref<1x512xi32, #tpu.memory_space<hbm>> -> memref<512xi32, #tpu.memory_space<hbm>>
    tpu.enqueue_dma source(%dma_start3A_187 : memref<512xi32, #tpu.memory_space<hbm>>) target(%dma_start3A_185 : memref<512xi32, #tpu.memory_space<vmem>>) target_semaphore(%arg14 : memref<!tpu.dma_semaphore, #tpu.memory_space<semaphore_mem>>)
    %dma_start3A_188 = arith.constant 16 : i32
    %dma_start3A_189 = arith.constant 8192 : i32
    %dma_start3A_190 = tpu.memref_slice %arg10[%dma_start3A_189] : memref<10240xi32, #tpu.memory_space<vmem>> -> memref<512xi32, #tpu.memory_space<vmem>>
    %dma_start3A_191 = tpu.memref_slice %arg4[%dma_start3A_188, %mul3A_2] : memref<20x16384xi32, #tpu.memory_space<hbm>> -> memref<1x512xi32, #tpu.memory_space<hbm>>
    %dma_start3A_192 = tpu.memref_squeeze %dma_start3A_191 : memref<1x512xi32, #tpu.memory_space<hbm>> -> memref<512xi32, #tpu.memory_space<hbm>>
    %dma_start3A_193 = arith.constant 8192 : i32
    %dma_start3A_194 = tpu.memref_slice %arg10[%dma_start3A_193] : memref<10240xi32, #tpu.memory_space<vmem>> -> memref<512xi32, #tpu.memory_space<vmem>>
    %dma_start3A_195 = tpu.memref_slice %arg4[%dma_start3A_188, %mul3A_2] : memref<20x16384xi32, #tpu.memory_space<hbm>> -> memref<1x512xi32, #tpu.memory_space<hbm>>
    %dma_start3A_196 = tpu.memref_squeeze %dma_start3A_195 : memref<1x512xi32, #tpu.memory_space<hbm>> -> memref<512xi32, #tpu.memory_space<hbm>>
    tpu.enqueue_dma source(%dma_start3A_196 : memref<512xi32, #tpu.memory_space<hbm>>) target(%dma_start3A_194 : memref<512xi32, #tpu.memory_space<vmem>>) target_semaphore(%arg14 : memref<!tpu.dma_semaphore, #tpu.memory_space<semaphore_mem>>)
    %dma_start3A_197 = arith.constant 17 : i32
    %dma_start3A_198 = arith.constant 8704 : i32
    %dma_start3A_199 = tpu.memref_slice %arg10[%dma_start3A_198] : memref<10240xi32, #tpu.memory_space<vmem>> -> memref<512xi32, #tpu.memory_space<vmem>>
    %dma_start3A_200 = tpu.memref_slice %arg4[%dma_start3A_197, %mul3A_2] : memref<20x16384xi32, #tpu.memory_space<hbm>> -> memref<1x512xi32, #tpu.memory_space<hbm>>
    %dma_start3A_201 = tpu.memref_squeeze %dma_start3A_200 : memref<1x512xi32, #tpu.memory_space<hbm>> -> memref<512xi32, #tpu.memory_space<hbm>>
    %dma_start3A_202 = arith.constant 8704 : i32
    %dma_start3A_203 = tpu.memref_slice %arg10[%dma_start3A_202] : memref<10240xi32, #tpu.memory_space<vmem>> -> memref<512xi32, #tpu.memory_space<vmem>>
    %dma_start3A_204 = tpu.memref_slice %arg4[%dma_start3A_197, %mul3A_2] : memref<20x16384xi32, #tpu.memory_space<hbm>> -> memref<1x512xi32, #tpu.memory_space<hbm>>
    %dma_start3A_205 = tpu.memref_squeeze %dma_start3A_204 : memref<1x512xi32, #tpu.memory_space<hbm>> -> memref<512xi32, #tpu.memory_space<hbm>>
    tpu.enqueue_dma source(%dma_start3A_205 : memref<512xi32, #tpu.memory_space<hbm>>) target(%dma_start3A_203 : memref<512xi32, #tpu.memory_space<vmem>>) target_semaphore(%arg14 : memref<!tpu.dma_semaphore, #tpu.memory_space<semaphore_mem>>)
    %dma_start3A_206 = arith.constant 18 : i32
    %dma_start3A_207 = arith.constant 9216 : i32
    %dma_start3A_208 = tpu.memref_slice %arg10[%dma_start3A_207] : memref<10240xi32, #tpu.memory_space<vmem>> -> memref<512xi32, #tpu.memory_space<vmem>>
    %dma_start3A_209 = tpu.memref_slice %arg4[%dma_start3A_206, %mul3A_2] : memref<20x16384xi32, #tpu.memory_space<hbm>> -> memref<1x512xi32, #tpu.memory_space<hbm>>
    %dma_start3A_210 = tpu.memref_squeeze %dma_start3A_209 : memref<1x512xi32, #tpu.memory_space<hbm>> -> memref<512xi32, #tpu.memory_space<hbm>>
    %dma_start3A_211 = arith.constant 9216 : i32
    %dma_start3A_212 = tpu.memref_slice %arg10[%dma_start3A_211] : memref<10240xi32, #tpu.memory_space<vmem>> -> memref<512xi32, #tpu.memory_space<vmem>>
    %dma_start3A_213 = tpu.memref_slice %arg4[%dma_start3A_206, %mul3A_2] : memref<20x16384xi32, #tpu.memory_space<hbm>> -> memref<1x512xi32, #tpu.memory_space<hbm>>
    %dma_start3A_214 = tpu.memref_squeeze %dma_start3A_213 : memref<1x512xi32, #tpu.memory_space<hbm>> -> memref<512xi32, #tpu.memory_space<hbm>>
    tpu.enqueue_dma source(%dma_start3A_214 : memref<512xi32, #tpu.memory_space<hbm>>) target(%dma_start3A_212 : memref<512xi32, #tpu.memory_space<vmem>>) target_semaphore(%arg14 : memref<!tpu.dma_semaphore, #tpu.memory_space<semaphore_mem>>)
    %dma_start3A_215 = arith.constant 19 : i32
    %dma_start3A_216 = arith.constant 9728 : i32
    %dma_start3A_217 = tpu.memref_slice %arg10[%dma_start3A_216] : memref<10240xi32, #tpu.memory_space<vmem>> -> memref<512xi32, #tpu.memory_space<vmem>>
    %dma_start3A_218 = tpu.memref_slice %arg4[%dma_start3A_215, %mul3A_2] : memref<20x16384xi32, #tpu.memory_space<hbm>> -> memref<1x512xi32, #tpu.memory_space<hbm>>
    %dma_start3A_219 = tpu.memref_squeeze %dma_start3A_218 : memref<1x512xi32, #tpu.memory_space<hbm>> -> memref<512xi32, #tpu.memory_space<hbm>>
    %dma_start3A_220 = arith.constant 9728 : i32
    %dma_start3A_221 = tpu.memref_slice %arg10[%dma_start3A_220] : memref<10240xi32, #tpu.memory_space<vmem>> -> memref<512xi32, #tpu.memory_space<vmem>>
    %dma_start3A_222 = tpu.memref_slice %arg4[%dma_start3A_215, %mul3A_2] : memref<20x16384xi32, #tpu.memory_space<hbm>> -> memref<1x512xi32, #tpu.memory_space<hbm>>
    %dma_start3A_223 = tpu.memref_squeeze %dma_start3A_222 : memref<1x512xi32, #tpu.memory_space<hbm>> -> memref<512xi32, #tpu.memory_space<hbm>>
    tpu.enqueue_dma source(%dma_start3A_223 : memref<512xi32, #tpu.memory_space<hbm>>) target(%dma_start3A_221 : memref<512xi32, #tpu.memory_space<vmem>>) target_semaphore(%arg14 : memref<!tpu.dma_semaphore, #tpu.memory_space<semaphore_mem>>)
    tpu.wait_dma2 semaphore(%arg14 : memref<!tpu.dma_semaphore, #tpu.memory_space<semaphore_mem>>) src(%arg5 : memref<16032xf32, #tpu.memory_space<hbm>>) dst(%arg11 : memref<16032xf32, #tpu.memory_space<vmem>>)
    %dma_wait3A = arith.constant 0 : i32
    %dma_wait3A_224 = arith.constant 0 : i32
    %dma_wait3A_225 = tpu.memref_slice %arg10[%dma_wait3A_224] : memref<10240xi32, #tpu.memory_space<vmem>> -> memref<512xi32, #tpu.memory_space<vmem>>
    %dma_wait3A_226 = tpu.memref_slice %arg4[%dma_wait3A, %mul3A_2] : memref<20x16384xi32, #tpu.memory_space<hbm>> -> memref<1x512xi32, #tpu.memory_space<hbm>>
    %dma_wait3A_227 = tpu.memref_squeeze %dma_wait3A_226 : memref<1x512xi32, #tpu.memory_space<hbm>> -> memref<512xi32, #tpu.memory_space<hbm>>
    %dma_wait3A_228 = arith.constant 0 : i32
    %dma_wait3A_229 = tpu.memref_slice %arg10[%dma_wait3A_228] : memref<10240xi32, #tpu.memory_space<vmem>> -> memref<512xi32, #tpu.memory_space<vmem>>
    %dma_wait3A_230 = tpu.memref_slice %arg4[%dma_wait3A, %mul3A_2] : memref<20x16384xi32, #tpu.memory_space<hbm>> -> memref<1x512xi32, #tpu.memory_space<hbm>>
    %dma_wait3A_231 = tpu.memref_squeeze %dma_wait3A_230 : memref<1x512xi32, #tpu.memory_space<hbm>> -> memref<512xi32, #tpu.memory_space<hbm>>
    tpu.wait_dma2 semaphore(%arg14 : memref<!tpu.dma_semaphore, #tpu.memory_space<semaphore_mem>>) src(%dma_wait3A_231 : memref<512xi32, #tpu.memory_space<hbm>>) dst(%dma_wait3A_229 : memref<512xi32, #tpu.memory_space<vmem>>)
    %dma_wait3A_232 = arith.constant 1 : i32
    %dma_wait3A_233 = arith.constant 512 : i32
    %dma_wait3A_234 = tpu.memref_slice %arg10[%dma_wait3A_233] : memref<10240xi32, #tpu.memory_space<vmem>> -> memref<512xi32, #tpu.memory_space<vmem>>
    %dma_wait3A_235 = tpu.memref_slice %arg4[%dma_wait3A_232, %mul3A_2] : memref<20x16384xi32, #tpu.memory_space<hbm>> -> memref<1x512xi32, #tpu.memory_space<hbm>>
    %dma_wait3A_236 = tpu.memref_squeeze %dma_wait3A_235 : memref<1x512xi32, #tpu.memory_space<hbm>> -> memref<512xi32, #tpu.memory_space<hbm>>
    %dma_wait3A_237 = arith.constant 512 : i32
    %dma_wait3A_238 = tpu.memref_slice %arg10[%dma_wait3A_237] : memref<10240xi32, #tpu.memory_space<vmem>> -> memref<512xi32, #tpu.memory_space<vmem>>
    %dma_wait3A_239 = tpu.memref_slice %arg4[%dma_wait3A_232, %mul3A_2] : memref<20x16384xi32, #tpu.memory_space<hbm>> -> memref<1x512xi32, #tpu.memory_space<hbm>>
    %dma_wait3A_240 = tpu.memref_squeeze %dma_wait3A_239 : memref<1x512xi32, #tpu.memory_space<hbm>> -> memref<512xi32, #tpu.memory_space<hbm>>
    tpu.wait_dma2 semaphore(%arg14 : memref<!tpu.dma_semaphore, #tpu.memory_space<semaphore_mem>>) src(%dma_wait3A_240 : memref<512xi32, #tpu.memory_space<hbm>>) dst(%dma_wait3A_238 : memref<512xi32, #tpu.memory_space<vmem>>)
    %dma_wait3A_241 = arith.constant 2 : i32
    %dma_wait3A_242 = arith.constant 1024 : i32
    %dma_wait3A_243 = tpu.memref_slice %arg10[%dma_wait3A_242] : memref<10240xi32, #tpu.memory_space<vmem>> -> memref<512xi32, #tpu.memory_space<vmem>>
    %dma_wait3A_244 = tpu.memref_slice %arg4[%dma_wait3A_241, %mul3A_2] : memref<20x16384xi32, #tpu.memory_space<hbm>> -> memref<1x512xi32, #tpu.memory_space<hbm>>
    %dma_wait3A_245 = tpu.memref_squeeze %dma_wait3A_244 : memref<1x512xi32, #tpu.memory_space<hbm>> -> memref<512xi32, #tpu.memory_space<hbm>>
    %dma_wait3A_246 = arith.constant 1024 : i32
    %dma_wait3A_247 = tpu.memref_slice %arg10[%dma_wait3A_246] : memref<10240xi32, #tpu.memory_space<vmem>> -> memref<512xi32, #tpu.memory_space<vmem>>
    %dma_wait3A_248 = tpu.memref_slice %arg4[%dma_wait3A_241, %mul3A_2] : memref<20x16384xi32, #tpu.memory_space<hbm>> -> memref<1x512xi32, #tpu.memory_space<hbm>>
    %dma_wait3A_249 = tpu.memref_squeeze %dma_wait3A_248 : memref<1x512xi32, #tpu.memory_space<hbm>> -> memref<512xi32, #tpu.memory_space<hbm>>
    tpu.wait_dma2 semaphore(%arg14 : memref<!tpu.dma_semaphore, #tpu.memory_space<semaphore_mem>>) src(%dma_wait3A_249 : memref<512xi32, #tpu.memory_space<hbm>>) dst(%dma_wait3A_247 : memref<512xi32, #tpu.memory_space<vmem>>)
    %dma_wait3A_250 = arith.constant 3 : i32
    %dma_wait3A_251 = arith.constant 1536 : i32
    %dma_wait3A_252 = tpu.memref_slice %arg10[%dma_wait3A_251] : memref<10240xi32, #tpu.memory_space<vmem>> -> memref<512xi32, #tpu.memory_space<vmem>>
    %dma_wait3A_253 = tpu.memref_slice %arg4[%dma_wait3A_250, %mul3A_2] : memref<20x16384xi32, #tpu.memory_space<hbm>> -> memref<1x512xi32, #tpu.memory_space<hbm>>
    %dma_wait3A_254 = tpu.memref_squeeze %dma_wait3A_253 : memref<1x512xi32, #tpu.memory_space<hbm>> -> memref<512xi32, #tpu.memory_space<hbm>>
    %dma_wait3A_255 = arith.constant 1536 : i32
    %dma_wait3A_256 = tpu.memref_slice %arg10[%dma_wait3A_255] : memref<10240xi32, #tpu.memory_space<vmem>> -> memref<512xi32, #tpu.memory_space<vmem>>
    %dma_wait3A_257 = tpu.memref_slice %arg4[%dma_wait3A_250, %mul3A_2] : memref<20x16384xi32, #tpu.memory_space<hbm>> -> memref<1x512xi32, #tpu.memory_space<hbm>>
    %dma_wait3A_258 = tpu.memref_squeeze %dma_wait3A_257 : memref<1x512xi32, #tpu.memory_space<hbm>> -> memref<512xi32, #tpu.memory_space<hbm>>
    tpu.wait_dma2 semaphore(%arg14 : memref<!tpu.dma_semaphore, #tpu.memory_space<semaphore_mem>>) src(%dma_wait3A_258 : memref<512xi32, #tpu.memory_space<hbm>>) dst(%dma_wait3A_256 : memref<512xi32, #tpu.memory_space<vmem>>)
    %dma_wait3A_259 = arith.constant 4 : i32
    %dma_wait3A_260 = arith.constant 2048 : i32
    %dma_wait3A_261 = tpu.memref_slice %arg10[%dma_wait3A_260] : memref<10240xi32, #tpu.memory_space<vmem>> -> memref<512xi32, #tpu.memory_space<vmem>>
    %dma_wait3A_262 = tpu.memref_slice %arg4[%dma_wait3A_259, %mul3A_2] : memref<20x16384xi32, #tpu.memory_space<hbm>> -> memref<1x512xi32, #tpu.memory_space<hbm>>
    %dma_wait3A_263 = tpu.memref_squeeze %dma_wait3A_262 : memref<1x512xi32, #tpu.memory_space<hbm>> -> memref<512xi32, #tpu.memory_space<hbm>>
    %dma_wait3A_264 = arith.constant 2048 : i32
    %dma_wait3A_265 = tpu.memref_slice %arg10[%dma_wait3A_264] : memref<10240xi32, #tpu.memory_space<vmem>> -> memref<512xi32, #tpu.memory_space<vmem>>
    %dma_wait3A_266 = tpu.memref_slice %arg4[%dma_wait3A_259, %mul3A_2] : memref<20x16384xi32, #tpu.memory_space<hbm>> -> memref<1x512xi32, #tpu.memory_space<hbm>>
    %dma_wait3A_267 = tpu.memref_squeeze %dma_wait3A_266 : memref<1x512xi32, #tpu.memory_space<hbm>> -> memref<512xi32, #tpu.memory_space<hbm>>
    tpu.wait_dma2 semaphore(%arg14 : memref<!tpu.dma_semaphore, #tpu.memory_space<semaphore_mem>>) src(%dma_wait3A_267 : memref<512xi32, #tpu.memory_space<hbm>>) dst(%dma_wait3A_265 : memref<512xi32, #tpu.memory_space<vmem>>)
    %dma_wait3A_268 = arith.constant 5 : i32
    %dma_wait3A_269 = arith.constant 2560 : i32
    %dma_wait3A_270 = tpu.memref_slice %arg10[%dma_wait3A_269] : memref<10240xi32, #tpu.memory_space<vmem>> -> memref<512xi32, #tpu.memory_space<vmem>>
    %dma_wait3A_271 = tpu.memref_slice %arg4[%dma_wait3A_268, %mul3A_2] : memref<20x16384xi32, #tpu.memory_space<hbm>> -> memref<1x512xi32, #tpu.memory_space<hbm>>
    %dma_wait3A_272 = tpu.memref_squeeze %dma_wait3A_271 : memref<1x512xi32, #tpu.memory_space<hbm>> -> memref<512xi32, #tpu.memory_space<hbm>>
    %dma_wait3A_273 = arith.constant 2560 : i32
    %dma_wait3A_274 = tpu.memref_slice %arg10[%dma_wait3A_273] : memref<10240xi32, #tpu.memory_space<vmem>> -> memref<512xi32, #tpu.memory_space<vmem>>
    %dma_wait3A_275 = tpu.memref_slice %arg4[%dma_wait3A_268, %mul3A_2] : memref<20x16384xi32, #tpu.memory_space<hbm>> -> memref<1x512xi32, #tpu.memory_space<hbm>>
    %dma_wait3A_276 = tpu.memref_squeeze %dma_wait3A_275 : memref<1x512xi32, #tpu.memory_space<hbm>> -> memref<512xi32, #tpu.memory_space<hbm>>
    tpu.wait_dma2 semaphore(%arg14 : memref<!tpu.dma_semaphore, #tpu.memory_space<semaphore_mem>>) src(%dma_wait3A_276 : memref<512xi32, #tpu.memory_space<hbm>>) dst(%dma_wait3A_274 : memref<512xi32, #tpu.memory_space<vmem>>)
    %dma_wait3A_277 = arith.constant 6 : i32
    %dma_wait3A_278 = arith.constant 3072 : i32
    %dma_wait3A_279 = tpu.memref_slice %arg10[%dma_wait3A_278] : memref<10240xi32, #tpu.memory_space<vmem>> -> memref<512xi32, #tpu.memory_space<vmem>>
    %dma_wait3A_280 = tpu.memref_slice %arg4[%dma_wait3A_277, %mul3A_2] : memref<20x16384xi32, #tpu.memory_space<hbm>> -> memref<1x512xi32, #tpu.memory_space<hbm>>
    %dma_wait3A_281 = tpu.memref_squeeze %dma_wait3A_280 : memref<1x512xi32, #tpu.memory_space<hbm>> -> memref<512xi32, #tpu.memory_space<hbm>>
    %dma_wait3A_282 = arith.constant 3072 : i32
    %dma_wait3A_283 = tpu.memref_slice %arg10[%dma_wait3A_282] : memref<10240xi32, #tpu.memory_space<vmem>> -> memref<512xi32, #tpu.memory_space<vmem>>
    %dma_wait3A_284 = tpu.memref_slice %arg4[%dma_wait3A_277, %mul3A_2] : memref<20x16384xi32, #tpu.memory_space<hbm>> -> memref<1x512xi32, #tpu.memory_space<hbm>>
    %dma_wait3A_285 = tpu.memref_squeeze %dma_wait3A_284 : memref<1x512xi32, #tpu.memory_space<hbm>> -> memref<512xi32, #tpu.memory_space<hbm>>
    tpu.wait_dma2 semaphore(%arg14 : memref<!tpu.dma_semaphore, #tpu.memory_space<semaphore_mem>>) src(%dma_wait3A_285 : memref<512xi32, #tpu.memory_space<hbm>>) dst(%dma_wait3A_283 : memref<512xi32, #tpu.memory_space<vmem>>)
    %dma_wait3A_286 = arith.constant 7 : i32
    %dma_wait3A_287 = arith.constant 3584 : i32
    %dma_wait3A_288 = tpu.memref_slice %arg10[%dma_wait3A_287] : memref<10240xi32, #tpu.memory_space<vmem>> -> memref<512xi32, #tpu.memory_space<vmem>>
    %dma_wait3A_289 = tpu.memref_slice %arg4[%dma_wait3A_286, %mul3A_2] : memref<20x16384xi32, #tpu.memory_space<hbm>> -> memref<1x512xi32, #tpu.memory_space<hbm>>
    %dma_wait3A_290 = tpu.memref_squeeze %dma_wait3A_289 : memref<1x512xi32, #tpu.memory_space<hbm>> -> memref<512xi32, #tpu.memory_space<hbm>>
    %dma_wait3A_291 = arith.constant 3584 : i32
    %dma_wait3A_292 = tpu.memref_slice %arg10[%dma_wait3A_291] : memref<10240xi32, #tpu.memory_space<vmem>> -> memref<512xi32, #tpu.memory_space<vmem>>
    %dma_wait3A_293 = tpu.memref_slice %arg4[%dma_wait3A_286, %mul3A_2] : memref<20x16384xi32, #tpu.memory_space<hbm>> -> memref<1x512xi32, #tpu.memory_space<hbm>>
    %dma_wait3A_294 = tpu.memref_squeeze %dma_wait3A_293 : memref<1x512xi32, #tpu.memory_space<hbm>> -> memref<512xi32, #tpu.memory_space<hbm>>
    tpu.wait_dma2 semaphore(%arg14 : memref<!tpu.dma_semaphore, #tpu.memory_space<semaphore_mem>>) src(%dma_wait3A_294 : memref<512xi32, #tpu.memory_space<hbm>>) dst(%dma_wait3A_292 : memref<512xi32, #tpu.memory_space<vmem>>)
    %dma_wait3A_295 = arith.constant 8 : i32
    %dma_wait3A_296 = arith.constant 4096 : i32
    %dma_wait3A_297 = tpu.memref_slice %arg10[%dma_wait3A_296] : memref<10240xi32, #tpu.memory_space<vmem>> -> memref<512xi32, #tpu.memory_space<vmem>>
    %dma_wait3A_298 = tpu.memref_slice %arg4[%dma_wait3A_295, %mul3A_2] : memref<20x16384xi32, #tpu.memory_space<hbm>> -> memref<1x512xi32, #tpu.memory_space<hbm>>
    %dma_wait3A_299 = tpu.memref_squeeze %dma_wait3A_298 : memref<1x512xi32, #tpu.memory_space<hbm>> -> memref<512xi32, #tpu.memory_space<hbm>>
    %dma_wait3A_300 = arith.constant 4096 : i32
    %dma_wait3A_301 = tpu.memref_slice %arg10[%dma_wait3A_300] : memref<10240xi32, #tpu.memory_space<vmem>> -> memref<512xi32, #tpu.memory_space<vmem>>
    %dma_wait3A_302 = tpu.memref_slice %arg4[%dma_wait3A_295, %mul3A_2] : memref<20x16384xi32, #tpu.memory_space<hbm>> -> memref<1x512xi32, #tpu.memory_space<hbm>>
    %dma_wait3A_303 = tpu.memref_squeeze %dma_wait3A_302 : memref<1x512xi32, #tpu.memory_space<hbm>> -> memref<512xi32, #tpu.memory_space<hbm>>
    tpu.wait_dma2 semaphore(%arg14 : memref<!tpu.dma_semaphore, #tpu.memory_space<semaphore_mem>>) src(%dma_wait3A_303 : memref<512xi32, #tpu.memory_space<hbm>>) dst(%dma_wait3A_301 : memref<512xi32, #tpu.memory_space<vmem>>)
    %dma_wait3A_304 = arith.constant 9 : i32
    %dma_wait3A_305 = arith.constant 4608 : i32
    %dma_wait3A_306 = tpu.memref_slice %arg10[%dma_wait3A_305] : memref<10240xi32, #tpu.memory_space<vmem>> -> memref<512xi32, #tpu.memory_space<vmem>>
    %dma_wait3A_307 = tpu.memref_slice %arg4[%dma_wait3A_304, %mul3A_2] : memref<20x16384xi32, #tpu.memory_space<hbm>> -> memref<1x512xi32, #tpu.memory_space<hbm>>
    %dma_wait3A_308 = tpu.memref_squeeze %dma_wait3A_307 : memref<1x512xi32, #tpu.memory_space<hbm>> -> memref<512xi32, #tpu.memory_space<hbm>>
    %dma_wait3A_309 = arith.constant 4608 : i32
    %dma_wait3A_310 = tpu.memref_slice %arg10[%dma_wait3A_309] : memref<10240xi32, #tpu.memory_space<vmem>> -> memref<512xi32, #tpu.memory_space<vmem>>
    %dma_wait3A_311 = tpu.memref_slice %arg4[%dma_wait3A_304, %mul3A_2] : memref<20x16384xi32, #tpu.memory_space<hbm>> -> memref<1x512xi32, #tpu.memory_space<hbm>>
    %dma_wait3A_312 = tpu.memref_squeeze %dma_wait3A_311 : memref<1x512xi32, #tpu.memory_space<hbm>> -> memref<512xi32, #tpu.memory_space<hbm>>
    tpu.wait_dma2 semaphore(%arg14 : memref<!tpu.dma_semaphore, #tpu.memory_space<semaphore_mem>>) src(%dma_wait3A_312 : memref<512xi32, #tpu.memory_space<hbm>>) dst(%dma_wait3A_310 : memref<512xi32, #tpu.memory_space<vmem>>)
    %dma_wait3A_313 = arith.constant 10 : i32
    %dma_wait3A_314 = arith.constant 5120 : i32
    %dma_wait3A_315 = tpu.memref_slice %arg10[%dma_wait3A_314] : memref<10240xi32, #tpu.memory_space<vmem>> -> memref<512xi32, #tpu.memory_space<vmem>>
    %dma_wait3A_316 = tpu.memref_slice %arg4[%dma_wait3A_313, %mul3A_2] : memref<20x16384xi32, #tpu.memory_space<hbm>> -> memref<1x512xi32, #tpu.memory_space<hbm>>
    %dma_wait3A_317 = tpu.memref_squeeze %dma_wait3A_316 : memref<1x512xi32, #tpu.memory_space<hbm>> -> memref<512xi32, #tpu.memory_space<hbm>>
    %dma_wait3A_318 = arith.constant 5120 : i32
    %dma_wait3A_319 = tpu.memref_slice %arg10[%dma_wait3A_318] : memref<10240xi32, #tpu.memory_space<vmem>> -> memref<512xi32, #tpu.memory_space<vmem>>
    %dma_wait3A_320 = tpu.memref_slice %arg4[%dma_wait3A_313, %mul3A_2] : memref<20x16384xi32, #tpu.memory_space<hbm>> -> memref<1x512xi32, #tpu.memory_space<hbm>>
    %dma_wait3A_321 = tpu.memref_squeeze %dma_wait3A_320 : memref<1x512xi32, #tpu.memory_space<hbm>> -> memref<512xi32, #tpu.memory_space<hbm>>
    tpu.wait_dma2 semaphore(%arg14 : memref<!tpu.dma_semaphore, #tpu.memory_space<semaphore_mem>>) src(%dma_wait3A_321 : memref<512xi32, #tpu.memory_space<hbm>>) dst(%dma_wait3A_319 : memref<512xi32, #tpu.memory_space<vmem>>)
    %dma_wait3A_322 = arith.constant 11 : i32
    %dma_wait3A_323 = arith.constant 5632 : i32
    %dma_wait3A_324 = tpu.memref_slice %arg10[%dma_wait3A_323] : memref<10240xi32, #tpu.memory_space<vmem>> -> memref<512xi32, #tpu.memory_space<vmem>>
    %dma_wait3A_325 = tpu.memref_slice %arg4[%dma_wait3A_322, %mul3A_2] : memref<20x16384xi32, #tpu.memory_space<hbm>> -> memref<1x512xi32, #tpu.memory_space<hbm>>
    %dma_wait3A_326 = tpu.memref_squeeze %dma_wait3A_325 : memref<1x512xi32, #tpu.memory_space<hbm>> -> memref<512xi32, #tpu.memory_space<hbm>>
    %dma_wait3A_327 = arith.constant 5632 : i32
    %dma_wait3A_328 = tpu.memref_slice %arg10[%dma_wait3A_327] : memref<10240xi32, #tpu.memory_space<vmem>> -> memref<512xi32, #tpu.memory_space<vmem>>
    %dma_wait3A_329 = tpu.memref_slice %arg4[%dma_wait3A_322, %mul3A_2] : memref<20x16384xi32, #tpu.memory_space<hbm>> -> memref<1x512xi32, #tpu.memory_space<hbm>>
    %dma_wait3A_330 = tpu.memref_squeeze %dma_wait3A_329 : memref<1x512xi32, #tpu.memory_space<hbm>> -> memref<512xi32, #tpu.memory_space<hbm>>
    tpu.wait_dma2 semaphore(%arg14 : memref<!tpu.dma_semaphore, #tpu.memory_space<semaphore_mem>>) src(%dma_wait3A_330 : memref<512xi32, #tpu.memory_space<hbm>>) dst(%dma_wait3A_328 : memref<512xi32, #tpu.memory_space<vmem>>)
    %dma_wait3A_331 = arith.constant 12 : i32
    %dma_wait3A_332 = arith.constant 6144 : i32
    %dma_wait3A_333 = tpu.memref_slice %arg10[%dma_wait3A_332] : memref<10240xi32, #tpu.memory_space<vmem>> -> memref<512xi32, #tpu.memory_space<vmem>>
    %dma_wait3A_334 = tpu.memref_slice %arg4[%dma_wait3A_331, %mul3A_2] : memref<20x16384xi32, #tpu.memory_space<hbm>> -> memref<1x512xi32, #tpu.memory_space<hbm>>
    %dma_wait3A_335 = tpu.memref_squeeze %dma_wait3A_334 : memref<1x512xi32, #tpu.memory_space<hbm>> -> memref<512xi32, #tpu.memory_space<hbm>>
    %dma_wait3A_336 = arith.constant 6144 : i32
    %dma_wait3A_337 = tpu.memref_slice %arg10[%dma_wait3A_336] : memref<10240xi32, #tpu.memory_space<vmem>> -> memref<512xi32, #tpu.memory_space<vmem>>
    %dma_wait3A_338 = tpu.memref_slice %arg4[%dma_wait3A_331, %mul3A_2] : memref<20x16384xi32, #tpu.memory_space<hbm>> -> memref<1x512xi32, #tpu.memory_space<hbm>>
    %dma_wait3A_339 = tpu.memref_squeeze %dma_wait3A_338 : memref<1x512xi32, #tpu.memory_space<hbm>> -> memref<512xi32, #tpu.memory_space<hbm>>
    tpu.wait_dma2 semaphore(%arg14 : memref<!tpu.dma_semaphore, #tpu.memory_space<semaphore_mem>>) src(%dma_wait3A_339 : memref<512xi32, #tpu.memory_space<hbm>>) dst(%dma_wait3A_337 : memref<512xi32, #tpu.memory_space<vmem>>)
    %dma_wait3A_340 = arith.constant 13 : i32
    %dma_wait3A_341 = arith.constant 6656 : i32
    %dma_wait3A_342 = tpu.memref_slice %arg10[%dma_wait3A_341] : memref<10240xi32, #tpu.memory_space<vmem>> -> memref<512xi32, #tpu.memory_space<vmem>>
    %dma_wait3A_343 = tpu.memref_slice %arg4[%dma_wait3A_340, %mul3A_2] : memref<20x16384xi32, #tpu.memory_space<hbm>> -> memref<1x512xi32, #tpu.memory_space<hbm>>
    %dma_wait3A_344 = tpu.memref_squeeze %dma_wait3A_343 : memref<1x512xi32, #tpu.memory_space<hbm>> -> memref<512xi32, #tpu.memory_space<hbm>>
    %dma_wait3A_345 = arith.constant 6656 : i32
    %dma_wait3A_346 = tpu.memref_slice %arg10[%dma_wait3A_345] : memref<10240xi32, #tpu.memory_space<vmem>> -> memref<512xi32, #tpu.memory_space<vmem>>
    %dma_wait3A_347 = tpu.memref_slice %arg4[%dma_wait3A_340, %mul3A_2] : memref<20x16384xi32, #tpu.memory_space<hbm>> -> memref<1x512xi32, #tpu.memory_space<hbm>>
    %dma_wait3A_348 = tpu.memref_squeeze %dma_wait3A_347 : memref<1x512xi32, #tpu.memory_space<hbm>> -> memref<512xi32, #tpu.memory_space<hbm>>
    tpu.wait_dma2 semaphore(%arg14 : memref<!tpu.dma_semaphore, #tpu.memory_space<semaphore_mem>>) src(%dma_wait3A_348 : memref<512xi32, #tpu.memory_space<hbm>>) dst(%dma_wait3A_346 : memref<512xi32, #tpu.memory_space<vmem>>)
    %dma_wait3A_349 = arith.constant 14 : i32
    %dma_wait3A_350 = arith.constant 7168 : i32
    %dma_wait3A_351 = tpu.memref_slice %arg10[%dma_wait3A_350] : memref<10240xi32, #tpu.memory_space<vmem>> -> memref<512xi32, #tpu.memory_space<vmem>>
    %dma_wait3A_352 = tpu.memref_slice %arg4[%dma_wait3A_349, %mul3A_2] : memref<20x16384xi32, #tpu.memory_space<hbm>> -> memref<1x512xi32, #tpu.memory_space<hbm>>
    %dma_wait3A_353 = tpu.memref_squeeze %dma_wait3A_352 : memref<1x512xi32, #tpu.memory_space<hbm>> -> memref<512xi32, #tpu.memory_space<hbm>>
    %dma_wait3A_354 = arith.constant 7168 : i32
    %dma_wait3A_355 = tpu.memref_slice %arg10[%dma_wait3A_354] : memref<10240xi32, #tpu.memory_space<vmem>> -> memref<512xi32, #tpu.memory_space<vmem>>
    %dma_wait3A_356 = tpu.memref_slice %arg4[%dma_wait3A_349, %mul3A_2] : memref<20x16384xi32, #tpu.memory_space<hbm>> -> memref<1x512xi32, #tpu.memory_space<hbm>>
    %dma_wait3A_357 = tpu.memref_squeeze %dma_wait3A_356 : memref<1x512xi32, #tpu.memory_space<hbm>> -> memref<512xi32, #tpu.memory_space<hbm>>
    tpu.wait_dma2 semaphore(%arg14 : memref<!tpu.dma_semaphore, #tpu.memory_space<semaphore_mem>>) src(%dma_wait3A_357 : memref<512xi32, #tpu.memory_space<hbm>>) dst(%dma_wait3A_355 : memref<512xi32, #tpu.memory_space<vmem>>)
    %dma_wait3A_358 = arith.constant 15 : i32
    %dma_wait3A_359 = arith.constant 7680 : i32
    %dma_wait3A_360 = tpu.memref_slice %arg10[%dma_wait3A_359] : memref<10240xi32, #tpu.memory_space<vmem>> -> memref<512xi32, #tpu.memory_space<vmem>>
    %dma_wait3A_361 = tpu.memref_slice %arg4[%dma_wait3A_358, %mul3A_2] : memref<20x16384xi32, #tpu.memory_space<hbm>> -> memref<1x512xi32, #tpu.memory_space<hbm>>
    %dma_wait3A_362 = tpu.memref_squeeze %dma_wait3A_361 : memref<1x512xi32, #tpu.memory_space<hbm>> -> memref<512xi32, #tpu.memory_space<hbm>>
    %dma_wait3A_363 = arith.constant 7680 : i32
    %dma_wait3A_364 = tpu.memref_slice %arg10[%dma_wait3A_363] : memref<10240xi32, #tpu.memory_space<vmem>> -> memref<512xi32, #tpu.memory_space<vmem>>
    %dma_wait3A_365 = tpu.memref_slice %arg4[%dma_wait3A_358, %mul3A_2] : memref<20x16384xi32, #tpu.memory_space<hbm>> -> memref<1x512xi32, #tpu.memory_space<hbm>>
    %dma_wait3A_366 = tpu.memref_squeeze %dma_wait3A_365 : memref<1x512xi32, #tpu.memory_space<hbm>> -> memref<512xi32, #tpu.memory_space<hbm>>
    tpu.wait_dma2 semaphore(%arg14 : memref<!tpu.dma_semaphore, #tpu.memory_space<semaphore_mem>>) src(%dma_wait3A_366 : memref<512xi32, #tpu.memory_space<hbm>>) dst(%dma_wait3A_364 : memref<512xi32, #tpu.memory_space<vmem>>)
    %dma_wait3A_367 = arith.constant 16 : i32
    %dma_wait3A_368 = arith.constant 8192 : i32
    %dma_wait3A_369 = tpu.memref_slice %arg10[%dma_wait3A_368] : memref<10240xi32, #tpu.memory_space<vmem>> -> memref<512xi32, #tpu.memory_space<vmem>>
    %dma_wait3A_370 = tpu.memref_slice %arg4[%dma_wait3A_367, %mul3A_2] : memref<20x16384xi32, #tpu.memory_space<hbm>> -> memref<1x512xi32, #tpu.memory_space<hbm>>
    %dma_wait3A_371 = tpu.memref_squeeze %dma_wait3A_370 : memref<1x512xi32, #tpu.memory_space<hbm>> -> memref<512xi32, #tpu.memory_space<hbm>>
    %dma_wait3A_372 = arith.constant 8192 : i32
    %dma_wait3A_373 = tpu.memref_slice %arg10[%dma_wait3A_372] : memref<10240xi32, #tpu.memory_space<vmem>> -> memref<512xi32, #tpu.memory_space<vmem>>
    %dma_wait3A_374 = tpu.memref_slice %arg4[%dma_wait3A_367, %mul3A_2] : memref<20x16384xi32, #tpu.memory_space<hbm>> -> memref<1x512xi32, #tpu.memory_space<hbm>>
    %dma_wait3A_375 = tpu.memref_squeeze %dma_wait3A_374 : memref<1x512xi32, #tpu.memory_space<hbm>> -> memref<512xi32, #tpu.memory_space<hbm>>
    tpu.wait_dma2 semaphore(%arg14 : memref<!tpu.dma_semaphore, #tpu.memory_space<semaphore_mem>>) src(%dma_wait3A_375 : memref<512xi32, #tpu.memory_space<hbm>>) dst(%dma_wait3A_373 : memref<512xi32, #tpu.memory_space<vmem>>)
    %dma_wait3A_376 = arith.constant 17 : i32
    %dma_wait3A_377 = arith.constant 8704 : i32
    %dma_wait3A_378 = tpu.memref_slice %arg10[%dma_wait3A_377] : memref<10240xi32, #tpu.memory_space<vmem>> -> memref<512xi32, #tpu.memory_space<vmem>>
    %dma_wait3A_379 = tpu.memref_slice %arg4[%dma_wait3A_376, %mul3A_2] : memref<20x16384xi32, #tpu.memory_space<hbm>> -> memref<1x512xi32, #tpu.memory_space<hbm>>
    %dma_wait3A_380 = tpu.memref_squeeze %dma_wait3A_379 : memref<1x512xi32, #tpu.memory_space<hbm>> -> memref<512xi32, #tpu.memory_space<hbm>>
    %dma_wait3A_381 = arith.constant 8704 : i32
    %dma_wait3A_382 = tpu.memref_slice %arg10[%dma_wait3A_381] : memref<10240xi32, #tpu.memory_space<vmem>> -> memref<512xi32, #tpu.memory_space<vmem>>
    %dma_wait3A_383 = tpu.memref_slice %arg4[%dma_wait3A_376, %mul3A_2] : memref<20x16384xi32, #tpu.memory_space<hbm>> -> memref<1x512xi32, #tpu.memory_space<hbm>>
    %dma_wait3A_384 = tpu.memref_squeeze %dma_wait3A_383 : memref<1x512xi32, #tpu.memory_space<hbm>> -> memref<512xi32, #tpu.memory_space<hbm>>
    tpu.wait_dma2 semaphore(%arg14 : memref<!tpu.dma_semaphore, #tpu.memory_space<semaphore_mem>>) src(%dma_wait3A_384 : memref<512xi32, #tpu.memory_space<hbm>>) dst(%dma_wait3A_382 : memref<512xi32, #tpu.memory_space<vmem>>)
    %dma_wait3A_385 = arith.constant 18 : i32
    %dma_wait3A_386 = arith.constant 9216 : i32
    %dma_wait3A_387 = tpu.memref_slice %arg10[%dma_wait3A_386] : memref<10240xi32, #tpu.memory_space<vmem>> -> memref<512xi32, #tpu.memory_space<vmem>>
    %dma_wait3A_388 = tpu.memref_slice %arg4[%dma_wait3A_385, %mul3A_2] : memref<20x16384xi32, #tpu.memory_space<hbm>> -> memref<1x512xi32, #tpu.memory_space<hbm>>
    %dma_wait3A_389 = tpu.memref_squeeze %dma_wait3A_388 : memref<1x512xi32, #tpu.memory_space<hbm>> -> memref<512xi32, #tpu.memory_space<hbm>>
    %dma_wait3A_390 = arith.constant 9216 : i32
    %dma_wait3A_391 = tpu.memref_slice %arg10[%dma_wait3A_390] : memref<10240xi32, #tpu.memory_space<vmem>> -> memref<512xi32, #tpu.memory_space<vmem>>
    %dma_wait3A_392 = tpu.memref_slice %arg4[%dma_wait3A_385, %mul3A_2] : memref<20x16384xi32, #tpu.memory_space<hbm>> -> memref<1x512xi32, #tpu.memory_space<hbm>>
    %dma_wait3A_393 = tpu.memref_squeeze %dma_wait3A_392 : memref<1x512xi32, #tpu.memory_space<hbm>> -> memref<512xi32, #tpu.memory_space<hbm>>
    tpu.wait_dma2 semaphore(%arg14 : memref<!tpu.dma_semaphore, #tpu.memory_space<semaphore_mem>>) src(%dma_wait3A_393 : memref<512xi32, #tpu.memory_space<hbm>>) dst(%dma_wait3A_391 : memref<512xi32, #tpu.memory_space<vmem>>)
    %dma_wait3A_394 = arith.constant 19 : i32
    %dma_wait3A_395 = arith.constant 9728 : i32
    %dma_wait3A_396 = tpu.memref_slice %arg10[%dma_wait3A_395] : memref<10240xi32, #tpu.memory_space<vmem>> -> memref<512xi32, #tpu.memory_space<vmem>>
    %dma_wait3A_397 = tpu.memref_slice %arg4[%dma_wait3A_394, %mul3A_2] : memref<20x16384xi32, #tpu.memory_space<hbm>> -> memref<1x512xi32, #tpu.memory_space<hbm>>
    %dma_wait3A_398 = tpu.memref_squeeze %dma_wait3A_397 : memref<1x512xi32, #tpu.memory_space<hbm>> -> memref<512xi32, #tpu.memory_space<hbm>>
    %dma_wait3A_399 = arith.constant 9728 : i32
    %dma_wait3A_400 = tpu.memref_slice %arg10[%dma_wait3A_399] : memref<10240xi32, #tpu.memory_space<vmem>> -> memref<512xi32, #tpu.memory_space<vmem>>
    %dma_wait3A_401 = tpu.memref_slice %arg4[%dma_wait3A_394, %mul3A_2] : memref<20x16384xi32, #tpu.memory_space<hbm>> -> memref<1x512xi32, #tpu.memory_space<hbm>>
    %dma_wait3A_402 = tpu.memref_squeeze %dma_wait3A_401 : memref<1x512xi32, #tpu.memory_space<hbm>> -> memref<512xi32, #tpu.memory_space<hbm>>
    tpu.wait_dma2 semaphore(%arg14 : memref<!tpu.dma_semaphore, #tpu.memory_space<semaphore_mem>>) src(%dma_wait3A_402 : memref<512xi32, #tpu.memory_space<hbm>>) dst(%dma_wait3A_400 : memref<512xi32, #tpu.memory_space<vmem>>)
    %scan3A = arith.constant 0 : i32
    %scan3A_403 = arith.constant 0 : i32
    %scan3A_404 = arith.constant 32 : i32
    %scan3A_405 = arith.addi %scan3A_403, %scan3A_404 : i32
    %scan3A_406 = arith.constant 1 : i32
    scf.for %scan3A_736 = %scan3A_403 to %scan3A_405 step %scan3A_406  : i32 {
      %mul3A_737 = arith.constant 16 : i32
      %mul3A_738 = arith.muli %scan3A_736, %mul3A_737 : i32
      %broadcast_in_dim3A = arith.constant 0.000000e+00 : f32
      %broadcast_in_dim3A_739 = vector.broadcast %broadcast_in_dim3A : f32 to vector<16xf32>
      %broadcast_in_dim3A_740 = arith.constant 0.000000e+00 : f32
      %broadcast_in_dim3A_741 = vector.broadcast %broadcast_in_dim3A_740 : f32 to vector<16xf32>
      %broadcast_in_dim3A_742 = arith.constant 0.000000e+00 : f32
      %broadcast_in_dim3A_743 = vector.broadcast %broadcast_in_dim3A_742 : f32 to vector<16xf32>
      %broadcast_in_dim3A_744 = arith.constant 0.000000e+00 : f32
      %broadcast_in_dim3A_745 = vector.broadcast %broadcast_in_dim3A_744 : f32 to vector<16xf32>
      %broadcast_in_dim3A_746 = arith.constant 0.000000e+00 : f32
      %broadcast_in_dim3A_747 = vector.broadcast %broadcast_in_dim3A_746 : f32 to vector<16xf32>
      %broadcast_in_dim3A_748 = arith.constant 0.000000e+00 : f32
      %broadcast_in_dim3A_749 = vector.broadcast %broadcast_in_dim3A_748 : f32 to vector<16xf32>
      %broadcast_in_dim3A_750 = arith.constant 0.000000e+00 : f32
      %broadcast_in_dim3A_751 = vector.broadcast %broadcast_in_dim3A_750 : f32 to vector<16xf32>
      %broadcast_in_dim3A_752 = arith.constant 0.000000e+00 : f32
      %broadcast_in_dim3A_753 = vector.broadcast %broadcast_in_dim3A_752 : f32 to vector<16xf32>
      %broadcast_in_dim3A_754 = arith.constant 0.000000e+00 : f32
      %broadcast_in_dim3A_755 = vector.broadcast %broadcast_in_dim3A_754 : f32 to vector<16xf32>
      %broadcast_in_dim3A_756 = arith.constant 0.000000e+00 : f32
      %broadcast_in_dim3A_757 = vector.broadcast %broadcast_in_dim3A_756 : f32 to vector<16xf32>
      %broadcast_in_dim3A_758 = arith.constant 0.000000e+00 : f32
      %broadcast_in_dim3A_759 = vector.broadcast %broadcast_in_dim3A_758 : f32 to vector<16xf32>
      %broadcast_in_dim3A_760 = arith.constant 0.000000e+00 : f32
      %broadcast_in_dim3A_761 = vector.broadcast %broadcast_in_dim3A_760 : f32 to vector<16xf32>
      %broadcast_in_dim3A_762 = arith.constant 0.000000e+00 : f32
      %broadcast_in_dim3A_763 = vector.broadcast %broadcast_in_dim3A_762 : f32 to vector<16xf32>
      %broadcast_in_dim3A_764 = arith.constant 0.000000e+00 : f32
      %broadcast_in_dim3A_765 = vector.broadcast %broadcast_in_dim3A_764 : f32 to vector<16xf32>
      %broadcast_in_dim3A_766 = arith.constant 0.000000e+00 : f32
      %broadcast_in_dim3A_767 = vector.broadcast %broadcast_in_dim3A_766 : f32 to vector<16xf32>
      %broadcast_in_dim3A_768 = arith.constant 0.000000e+00 : f32
      %broadcast_in_dim3A_769 = vector.broadcast %broadcast_in_dim3A_768 : f32 to vector<16xf32>
      %broadcast_in_dim3A_770 = arith.constant 0.000000e+00 : f32
      %broadcast_in_dim3A_771 = vector.broadcast %broadcast_in_dim3A_770 : f32 to vector<16xf32>
      %add3A_772 = arith.constant 0 : i32
      %add3A_773 = arith.addi %add3A_772, %mul3A_738 : i32
      %get3A = arith.index_cast %add3A_773 : i32 to index
      %get3A_774 = tpu.vector_load %arg10[%get3A] {strides = array<i32>} : memref<10240xi32, #tpu.memory_space<vmem>>, vector<16xi32>,
      %ne3A = arith.constant 0 : i32
      %ne3A_775 = vector.broadcast %ne3A : i32 to vector<16xi32>
      %ne3A_776 = arith.cmpi ne, %get3A_774, %ne3A_775 : vector<16xi32>
      %jit3A = arith.constant 1.000000e+00 : f32
      %jit3A_777 = arith.constant 0.000000e+00 : f32
      %broadcast_in_dim3A_778 = vector.broadcast %jit3A : f32 to vector<16xf32>
      %broadcast_in_dim3A_779 = vector.broadcast %jit3A_777 : f32 to vector<16xf32>
      %select_n3A = arith.select %ne3A_776, %broadcast_in_dim3A_778, %broadcast_in_dim3A_779 : vector<16xi1>, vector<16xf32>
      %add3A_780 = arith.addf %broadcast_in_dim3A_739, %select_n3A : vector<16xf32>
      %broadcast_in_dim3A_781 = arith.constant 1001 : i32
      %broadcast_in_dim3A_782 = vector.broadcast %broadcast_in_dim3A_781 : i32 to vector<16xi32>
      %select_n3A_783 = arith.select %ne3A_776, %get3A_774, %broadcast_in_dim3A_782 : vector<16xi1>, vector<16xi32>
      %add3A_784 = arith.constant 0 : i32
      %add3A_785 = vector.broadcast %add3A_784 : i32 to vector<16xi32>
      %add3A_786 = arith.addi %select_n3A_783, %add3A_785 : vector<16xi32>
      %gather3A = tpu.vector_load_idx %arg11[%add3A_786] : memref<16032xf32, #tpu.memory_space<vmem>>[vector<16xi32>], vector<16xf32>,
      %add3A_787 = arith.addf %broadcast_in_dim3A_741, %gather3A : vector<16xf32>
      %add3A_788 = arith.constant 1002 : i32
      %add3A_789 = vector.broadcast %add3A_788 : i32 to vector<16xi32>
      %add3A_790 = arith.addi %select_n3A_783, %add3A_789 : vector<16xi32>
      %gather3A_791 = tpu.vector_load_idx %arg11[%add3A_790] : memref<16032xf32, #tpu.memory_space<vmem>>[vector<16xi32>], vector<16xf32>,
      %add3A_792 = arith.addf %broadcast_in_dim3A_743, %gather3A_791 : vector<16xf32>
      %add3A_793 = arith.constant 2004 : i32
      %add3A_794 = vector.broadcast %add3A_793 : i32 to vector<16xi32>
      %add3A_795 = arith.addi %select_n3A_783, %add3A_794 : vector<16xi32>
      %gather3A_796 = tpu.vector_load_idx %arg11[%add3A_795] : memref<16032xf32, #tpu.memory_space<vmem>>[vector<16xi32>], vector<16xf32>,
      %add3A_797 = arith.addf %broadcast_in_dim3A_745, %gather3A_796 : vector<16xf32>
      %add3A_798 = arith.constant 3006 : i32
      %add3A_799 = vector.broadcast %add3A_798 : i32 to vector<16xi32>
      %add3A_800 = arith.addi %select_n3A_783, %add3A_799 : vector<16xi32>
      %gather3A_801 = tpu.vector_load_idx %arg11[%add3A_800] : memref<16032xf32, #tpu.memory_space<vmem>>[vector<16xi32>], vector<16xf32>,
      %add3A_802 = arith.addf %broadcast_in_dim3A_747, %gather3A_801 : vector<16xf32>
      %add3A_803 = arith.constant 4008 : i32
      %add3A_804 = vector.broadcast %add3A_803 : i32 to vector<16xi32>
      %add3A_805 = arith.addi %select_n3A_783, %add3A_804 : vector<16xi32>
      %gather3A_806 = tpu.vector_load_idx %arg11[%add3A_805] : memref<16032xf32, #tpu.memory_space<vmem>>[vector<16xi32>], vector<16xf32>,
      %add3A_807 = arith.addf %broadcast_in_dim3A_749, %gather3A_806 : vector<16xf32>
      %add3A_808 = arith.constant 5010 : i32
      %add3A_809 = vector.broadcast %add3A_808 : i32 to vector<16xi32>
      %add3A_810 = arith.addi %select_n3A_783, %add3A_809 : vector<16xi32>
      %gather3A_811 = tpu.vector_load_idx %arg11[%add3A_810] : memref<16032xf32, #tpu.memory_space<vmem>>[vector<16xi32>], vector<16xf32>,
      %add3A_812 = arith.addf %broadcast_in_dim3A_751, %gather3A_811 : vector<16xf32>
      %add3A_813 = arith.constant 6012 : i32
      %add3A_814 = vector.broadcast %add3A_813 : i32 to vector<16xi32>
      %add3A_815 = arith.addi %select_n3A_783, %add3A_814 : vector<16xi32>
      %gather3A_816 = tpu.vector_load_idx %arg11[%add3A_815] : memref<16032xf32, #tpu.memory_space<vmem>>[vector<16xi32>], vector<16xf32>,
      %add3A_817 = arith.addf %broadcast_in_dim3A_753, %gather3A_816 : vector<16xf32>
      %add3A_818 = arith.constant 7014 : i32
      %add3A_819 = vector.broadcast %add3A_818 : i32 to vector<16xi32>
      %add3A_820 = arith.addi %select_n3A_783, %add3A_819 : vector<16xi32>
      %gather3A_821 = tpu.vector_load_idx %arg11[%add3A_820] : memref<16032xf32, #tpu.memory_space<vmem>>[vector<16xi32>], vector<16xf32>,
      %add3A_822 = arith.addf %broadcast_in_dim3A_755, %gather3A_821 : vector<16xf32>
      %add3A_823 = arith.constant 8016 : i32
      %add3A_824 = vector.broadcast %add3A_823 : i32 to vector<16xi32>
      %add3A_825 = arith.addi %select_n3A_783, %add3A_824 : vector<16xi32>
      %gather3A_826 = tpu.vector_load_idx %arg11[%add3A_825] : memref<16032xf32, #tpu.memory_space<vmem>>[vector<16xi32>], vector<16xf32>,
      %add3A_827 = arith.addf %broadcast_in_dim3A_757, %gather3A_826 : vector<16xf32>
      %add3A_828 = arith.constant 9018 : i32
      %add3A_829 = vector.broadcast %add3A_828 : i32 to vector<16xi32>
      %add3A_830 = arith.addi %select_n3A_783, %add3A_829 : vector<16xi32>
      %gather3A_831 = tpu.vector_load_idx %arg11[%add3A_830] : memref<16032xf32, #tpu.memory_space<vmem>>[vector<16xi32>], vector<16xf32>,
      %add3A_832 = arith.addf %broadcast_in_dim3A_759, %gather3A_831 : vector<16xf32>
      %add3A_833 = arith.constant 10020 : i32
      %add3A_834 = vector.broadcast %add3A_833 : i32 to vector<16xi32>
      %add3A_835 = arith.addi %select_n3A_783, %add3A_834 : vector<16xi32>
      %gather3A_836 = tpu.vector_load_idx %arg11[%add3A_835] : memref<16032xf32, #tpu.memory_space<vmem>>[vector<16xi32>], vector<16xf32>,
      %add3A_837 = arith.addf %broadcast_in_dim3A_761, %gather3A_836 : vector<16xf32>
      %add3A_838 = arith.constant 11022 : i32
      %add3A_839 = vector.broadcast %add3A_838 : i32 to vector<16xi32>
      %add3A_840 = arith.addi %select_n3A_783, %add3A_839 : vector<16xi32>
      %gather3A_841 = tpu.vector_load_idx %arg11[%add3A_840] : memref<16032xf32, #tpu.memory_space<vmem>>[vector<16xi32>], vector<16xf32>,
      %add3A_842 = arith.addf %broadcast_in_dim3A_763, %gather3A_841 : vector<16xf32>
      %add3A_843 = arith.constant 12024 : i32
      %add3A_844 = vector.broadcast %add3A_843 : i32 to vector<16xi32>
      %add3A_845 = arith.addi %select_n3A_783, %add3A_844 : vector<16xi32>
      %gather3A_846 = tpu.vector_load_idx %arg11[%add3A_845] : memref<16032xf32, #tpu.memory_space<vmem>>[vector<16xi32>], vector<16xf32>,
      %add3A_847 = arith.addf %broadcast_in_dim3A_765, %gather3A_846 : vector<16xf32>
      %add3A_848 = arith.constant 13026 : i32
      %add3A_849 = vector.broadcast %add3A_848 : i32 to vector<16xi32>
      %add3A_850 = arith.addi %select_n3A_783, %add3A_849 : vector<16xi32>
      %gather3A_851 = tpu.vector_load_idx %arg11[%add3A_850] : memref<16032xf32, #tpu.memory_space<vmem>>[vector<16xi32>], vector<16xf32>,
      %add3A_852 = arith.addf %broadcast_in_dim3A_767, %gather3A_851 : vector<16xf32>
      %add3A_853 = arith.constant 14028 : i32
      %add3A_854 = vector.broadcast %add3A_853 : i32 to vector<16xi32>
      %add3A_855 = arith.addi %select_n3A_783, %add3A_854 : vector<16xi32>
      %gather3A_856 = tpu.vector_load_idx %arg11[%add3A_855] : memref<16032xf32, #tpu.memory_space<vmem>>[vector<16xi32>], vector<16xf32>,
      %add3A_857 = arith.addf %broadcast_in_dim3A_769, %gather3A_856 : vector<16xf32>
      %add3A_858 = arith.constant 15030 : i32
      %add3A_859 = vector.broadcast %add3A_858 : i32 to vector<16xi32>
      %add3A_860 = arith.addi %select_n3A_783, %add3A_859 : vector<16xi32>
      %gather3A_861 = tpu.vector_load_idx %arg11[%add3A_860] : memref<16032xf32, #tpu.memory_space<vmem>>[vector<16xi32>], vector<16xf32>,
      %add3A_862 = arith.addf %broadcast_in_dim3A_771, %gather3A_861 : vector<16xf32>
      %add3A_863 = arith.constant 512 : i32
      %add3A_864 = arith.addi %add3A_863, %mul3A_738 : i32
      %get3A_865 = arith.index_cast %add3A_864 : i32 to index
      %get3A_866 = tpu.vector_load %arg10[%get3A_865] {strides = array<i32>} : memref<10240xi32, #tpu.memory_space<vmem>>, vector<16xi32>,
      %ne3A_867 = arith.constant 0 : i32
      %ne3A_868 = vector.broadcast %ne3A_867 : i32 to vector<16xi32>
      %ne3A_869 = arith.cmpi ne, %get3A_866, %ne3A_868 : vector<16xi32>
      %jit3A_870 = arith.constant 1.000000e+00 : f32
      %jit3A_871 = arith.constant 0.000000e+00 : f32
      %broadcast_in_dim3A_872 = vector.broadcast %jit3A_870 : f32 to vector<16xf32>
      %broadcast_in_dim3A_873 = vector.broadcast %jit3A_871 : f32 to vector<16xf32>
      %select_n3A_874 = arith.select %ne3A_869, %broadcast_in_dim3A_872, %broadcast_in_dim3A_873 : vector<16xi1>, vector<16xf32>
      %add3A_875 = arith.addf %add3A_780, %select_n3A_874 : vector<16xf32>
      %broadcast_in_dim3A_876 = arith.constant 1001 : i32
      %broadcast_in_dim3A_877 = vector.broadcast %broadcast_in_dim3A_876 : i32 to vector<16xi32>
      %select_n3A_878 = arith.select %ne3A_869, %get3A_866, %broadcast_in_dim3A_877 : vector<16xi1>, vector<16xi32>
      %add3A_879 = arith.constant 0 : i32
      %add3A_880 = vector.broadcast %add3A_879 : i32 to vector<16xi32>
      %add3A_881 = arith.addi %select_n3A_878, %add3A_880 : vector<16xi32>
      %gather3A_882 = tpu.vector_load_idx %arg11[%add3A_881] : memref<16032xf32, #tpu.memory_space<vmem>>[vector<16xi32>], vector<16xf32>,
      %add3A_883 = arith.addf %add3A_787, %gather3A_882 : vector<16xf32>
      %add3A_884 = arith.constant 1002 : i32
      %add3A_885 = vector.broadcast %add3A_884 : i32 to vector<16xi32>
      %add3A_886 = arith.addi %select_n3A_878, %add3A_885 : vector<16xi32>
      %gather3A_887 = tpu.vector_load_idx %arg11[%add3A_886] : memref<16032xf32, #tpu.memory_space<vmem>>[vector<16xi32>], vector<16xf32>,
      %add3A_888 = arith.addf %add3A_792, %gather3A_887 : vector<16xf32>
      %add3A_889 = arith.constant 2004 : i32
      %add3A_890 = vector.broadcast %add3A_889 : i32 to vector<16xi32>
      %add3A_891 = arith.addi %select_n3A_878, %add3A_890 : vector<16xi32>
      %gather3A_892 = tpu.vector_load_idx %arg11[%add3A_891] : memref<16032xf32, #tpu.memory_space<vmem>>[vector<16xi32>], vector<16xf32>,
      %add3A_893 = arith.addf %add3A_797, %gather3A_892 : vector<16xf32>
      %add3A_894 = arith.constant 3006 : i32
      %add3A_895 = vector.broadcast %add3A_894 : i32 to vector<16xi32>
      %add3A_896 = arith.addi %select_n3A_878, %add3A_895 : vector<16xi32>
      %gather3A_897 = tpu.vector_load_idx %arg11[%add3A_896] : memref<16032xf32, #tpu.memory_space<vmem>>[vector<16xi32>], vector<16xf32>,
      %add3A_898 = arith.addf %add3A_802, %gather3A_897 : vector<16xf32>
      %add3A_899 = arith.constant 4008 : i32
      %add3A_900 = vector.broadcast %add3A_899 : i32 to vector<16xi32>
      %add3A_901 = arith.addi %select_n3A_878, %add3A_900 : vector<16xi32>
      %gather3A_902 = tpu.vector_load_idx %arg11[%add3A_901] : memref<16032xf32, #tpu.memory_space<vmem>>[vector<16xi32>], vector<16xf32>,
      %add3A_903 = arith.addf %add3A_807, %gather3A_902 : vector<16xf32>
      %add3A_904 = arith.constant 5010 : i32
      %add3A_905 = vector.broadcast %add3A_904 : i32 to vector<16xi32>
      %add3A_906 = arith.addi %select_n3A_878, %add3A_905 : vector<16xi32>
      %gather3A_907 = tpu.vector_load_idx %arg11[%add3A_906] : memref<16032xf32, #tpu.memory_space<vmem>>[vector<16xi32>], vector<16xf32>,
      %add3A_908 = arith.addf %add3A_812, %gather3A_907 : vector<16xf32>
      %add3A_909 = arith.constant 6012 : i32
      %add3A_910 = vector.broadcast %add3A_909 : i32 to vector<16xi32>
      %add3A_911 = arith.addi %select_n3A_878, %add3A_910 : vector<16xi32>
      %gather3A_912 = tpu.vector_load_idx %arg11[%add3A_911] : memref<16032xf32, #tpu.memory_space<vmem>>[vector<16xi32>], vector<16xf32>,
      %add3A_913 = arith.addf %add3A_817, %gather3A_912 : vector<16xf32>
      %add3A_914 = arith.constant 7014 : i32
      %add3A_915 = vector.broadcast %add3A_914 : i32 to vector<16xi32>
      %add3A_916 = arith.addi %select_n3A_878, %add3A_915 : vector<16xi32>
      %gather3A_917 = tpu.vector_load_idx %arg11[%add3A_916] : memref<16032xf32, #tpu.memory_space<vmem>>[vector<16xi32>], vector<16xf32>,
      %add3A_918 = arith.addf %add3A_822, %gather3A_917 : vector<16xf32>
      %add3A_919 = arith.constant 8016 : i32
      %add3A_920 = vector.broadcast %add3A_919 : i32 to vector<16xi32>
      %add3A_921 = arith.addi %select_n3A_878, %add3A_920 : vector<16xi32>
      %gather3A_922 = tpu.vector_load_idx %arg11[%add3A_921] : memref<16032xf32, #tpu.memory_space<vmem>>[vector<16xi32>], vector<16xf32>,
      %add3A_923 = arith.addf %add3A_827, %gather3A_922 : vector<16xf32>
      %add3A_924 = arith.constant 9018 : i32
      %add3A_925 = vector.broadcast %add3A_924 : i32 to vector<16xi32>
      %add3A_926 = arith.addi %select_n3A_878, %add3A_925 : vector<16xi32>
      %gather3A_927 = tpu.vector_load_idx %arg11[%add3A_926] : memref<16032xf32, #tpu.memory_space<vmem>>[vector<16xi32>], vector<16xf32>,
      %add3A_928 = arith.addf %add3A_832, %gather3A_927 : vector<16xf32>
      %add3A_929 = arith.constant 10020 : i32
      %add3A_930 = vector.broadcast %add3A_929 : i32 to vector<16xi32>
      %add3A_931 = arith.addi %select_n3A_878, %add3A_930 : vector<16xi32>
      %gather3A_932 = tpu.vector_load_idx %arg11[%add3A_931] : memref<16032xf32, #tpu.memory_space<vmem>>[vector<16xi32>], vector<16xf32>,
      %add3A_933 = arith.addf %add3A_837, %gather3A_932 : vector<16xf32>
      %add3A_934 = arith.constant 11022 : i32
      %add3A_935 = vector.broadcast %add3A_934 : i32 to vector<16xi32>
      %add3A_936 = arith.addi %select_n3A_878, %add3A_935 : vector<16xi32>
      %gather3A_937 = tpu.vector_load_idx %arg11[%add3A_936] : memref<16032xf32, #tpu.memory_space<vmem>>[vector<16xi32>], vector<16xf32>,
      %add3A_938 = arith.addf %add3A_842, %gather3A_937 : vector<16xf32>
      %add3A_939 = arith.constant 12024 : i32
      %add3A_940 = vector.broadcast %add3A_939 : i32 to vector<16xi32>
      %add3A_941 = arith.addi %select_n3A_878, %add3A_940 : vector<16xi32>
      %gather3A_942 = tpu.vector_load_idx %arg11[%add3A_941] : memref<16032xf32, #tpu.memory_space<vmem>>[vector<16xi32>], vector<16xf32>,
      %add3A_943 = arith.addf %add3A_847, %gather3A_942 : vector<16xf32>
      %add3A_944 = arith.constant 13026 : i32
      %add3A_945 = vector.broadcast %add3A_944 : i32 to vector<16xi32>
      %add3A_946 = arith.addi %select_n3A_878, %add3A_945 : vector<16xi32>
      %gather3A_947 = tpu.vector_load_idx %arg11[%add3A_946] : memref<16032xf32, #tpu.memory_space<vmem>>[vector<16xi32>], vector<16xf32>,
      %add3A_948 = arith.addf %add3A_852, %gather3A_947 : vector<16xf32>
      %add3A_949 = arith.constant 14028 : i32
      %add3A_950 = vector.broadcast %add3A_949 : i32 to vector<16xi32>
      %add3A_951 = arith.addi %select_n3A_878, %add3A_950 : vector<16xi32>
      %gather3A_952 = tpu.vector_load_idx %arg11[%add3A_951] : memref<16032xf32, #tpu.memory_space<vmem>>[vector<16xi32>], vector<16xf32>,
      %add3A_953 = arith.addf %add3A_857, %gather3A_952 : vector<16xf32>
      %add3A_954 = arith.constant 15030 : i32
      %add3A_955 = vector.broadcast %add3A_954 : i32 to vector<16xi32>
      %add3A_956 = arith.addi %select_n3A_878, %add3A_955 : vector<16xi32>
      %gather3A_957 = tpu.vector_load_idx %arg11[%add3A_956] : memref<16032xf32, #tpu.memory_space<vmem>>[vector<16xi32>], vector<16xf32>,
      %add3A_958 = arith.addf %add3A_862, %gather3A_957 : vector<16xf32>
      %add3A_959 = arith.constant 1024 : i32
      %add3A_960 = arith.addi %add3A_959, %mul3A_738 : i32
      %get3A_961 = arith.index_cast %add3A_960 : i32 to index
      %get3A_962 = tpu.vector_load %arg10[%get3A_961] {strides = array<i32>} : memref<10240xi32, #tpu.memory_space<vmem>>, vector<16xi32>,
      %ne3A_963 = arith.constant 0 : i32
      %ne3A_964 = vector.broadcast %ne3A_963 : i32 to vector<16xi32>
      %ne3A_965 = arith.cmpi ne, %get3A_962, %ne3A_964 : vector<16xi32>
      %jit3A_966 = arith.constant 1.000000e+00 : f32
      %jit3A_967 = arith.constant 0.000000e+00 : f32
      %broadcast_in_dim3A_968 = vector.broadcast %jit3A_966 : f32 to vector<16xf32>
      %broadcast_in_dim3A_969 = vector.broadcast %jit3A_967 : f32 to vector<16xf32>
      %select_n3A_970 = arith.select %ne3A_965, %broadcast_in_dim3A_968, %broadcast_in_dim3A_969 : vector<16xi1>, vector<16xf32>
      %add3A_971 = arith.addf %add3A_875, %select_n3A_970 : vector<16xf32>
      %broadcast_in_dim3A_972 = arith.constant 1001 : i32
      %broadcast_in_dim3A_973 = vector.broadcast %broadcast_in_dim3A_972 : i32 to vector<16xi32>
      %select_n3A_974 = arith.select %ne3A_965, %get3A_962, %broadcast_in_dim3A_973 : vector<16xi1>, vector<16xi32>
      %add3A_975 = arith.constant 0 : i32
      %add3A_976 = vector.broadcast %add3A_975 : i32 to vector<16xi32>
      %add3A_977 = arith.addi %select_n3A_974, %add3A_976 : vector<16xi32>
      %gather3A_978 = tpu.vector_load_idx %arg11[%add3A_977] : memref<16032xf32, #tpu.memory_space<vmem>>[vector<16xi32>], vector<16xf32>,
      %add3A_979 = arith.addf %add3A_883, %gather3A_978 : vector<16xf32>
      %add3A_980 = arith.constant 1002 : i32
      %add3A_981 = vector.broadcast %add3A_980 : i32 to vector<16xi32>
      %add3A_982 = arith.addi %select_n3A_974, %add3A_981 : vector<16xi32>
      %gather3A_983 = tpu.vector_load_idx %arg11[%add3A_982] : memref<16032xf32, #tpu.memory_space<vmem>>[vector<16xi32>], vector<16xf32>,
      %add3A_984 = arith.addf %add3A_888, %gather3A_983 : vector<16xf32>
      %add3A_985 = arith.constant 2004 : i32
      %add3A_986 = vector.broadcast %add3A_985 : i32 to vector<16xi32>
      %add3A_987 = arith.addi %select_n3A_974, %add3A_986 : vector<16xi32>
      %gather3A_988 = tpu.vector_load_idx %arg11[%add3A_987] : memref<16032xf32, #tpu.memory_space<vmem>>[vector<16xi32>], vector<16xf32>,
      %add3A_989 = arith.addf %add3A_893, %gather3A_988 : vector<16xf32>
      %add3A_990 = arith.constant 3006 : i32
      %add3A_991 = vector.broadcast %add3A_990 : i32 to vector<16xi32>
      %add3A_992 = arith.addi %select_n3A_974, %add3A_991 : vector<16xi32>
      %gather3A_993 = tpu.vector_load_idx %arg11[%add3A_992] : memref<16032xf32, #tpu.memory_space<vmem>>[vector<16xi32>], vector<16xf32>,
      %add3A_994 = arith.addf %add3A_898, %gather3A_993 : vector<16xf32>
      %add3A_995 = arith.constant 4008 : i32
      %add3A_996 = vector.broadcast %add3A_995 : i32 to vector<16xi32>
      %add3A_997 = arith.addi %select_n3A_974, %add3A_996 : vector<16xi32>
      %gather3A_998 = tpu.vector_load_idx %arg11[%add3A_997] : memref<16032xf32, #tpu.memory_space<vmem>>[vector<16xi32>], vector<16xf32>,
      %add3A_999 = arith.addf %add3A_903, %gather3A_998 : vector<16xf32>
      %add3A_1000 = arith.constant 5010 : i32
      %add3A_1001 = vector.broadcast %add3A_1000 : i32 to vector<16xi32>
      %add3A_1002 = arith.addi %select_n3A_974, %add3A_1001 : vector<16xi32>
      %gather3A_1003 = tpu.vector_load_idx %arg11[%add3A_1002] : memref<16032xf32, #tpu.memory_space<vmem>>[vector<16xi32>], vector<16xf32>,
      %add3A_1004 = arith.addf %add3A_908, %gather3A_1003 : vector<16xf32>
      %add3A_1005 = arith.constant 6012 : i32
      %add3A_1006 = vector.broadcast %add3A_1005 : i32 to vector<16xi32>
      %add3A_1007 = arith.addi %select_n3A_974, %add3A_1006 : vector<16xi32>
      %gather3A_1008 = tpu.vector_load_idx %arg11[%add3A_1007] : memref<16032xf32, #tpu.memory_space<vmem>>[vector<16xi32>], vector<16xf32>,
      %add3A_1009 = arith.addf %add3A_913, %gather3A_1008 : vector<16xf32>
      %add3A_1010 = arith.constant 7014 : i32
      %add3A_1011 = vector.broadcast %add3A_1010 : i32 to vector<16xi32>
      %add3A_1012 = arith.addi %select_n3A_974, %add3A_1011 : vector<16xi32>
      %gather3A_1013 = tpu.vector_load_idx %arg11[%add3A_1012] : memref<16032xf32, #tpu.memory_space<vmem>>[vector<16xi32>], vector<16xf32>,
      %add3A_1014 = arith.addf %add3A_918, %gather3A_1013 : vector<16xf32>
      %add3A_1015 = arith.constant 8016 : i32
      %add3A_1016 = vector.broadcast %add3A_1015 : i32 to vector<16xi32>
      %add3A_1017 = arith.addi %select_n3A_974, %add3A_1016 : vector<16xi32>
      %gather3A_1018 = tpu.vector_load_idx %arg11[%add3A_1017] : memref<16032xf32, #tpu.memory_space<vmem>>[vector<16xi32>], vector<16xf32>,
      %add3A_1019 = arith.addf %add3A_923, %gather3A_1018 : vector<16xf32>
      %add3A_1020 = arith.constant 9018 : i32
      %add3A_1021 = vector.broadcast %add3A_1020 : i32 to vector<16xi32>
      %add3A_1022 = arith.addi %select_n3A_974, %add3A_1021 : vector<16xi32>
      %gather3A_1023 = tpu.vector_load_idx %arg11[%add3A_1022] : memref<16032xf32, #tpu.memory_space<vmem>>[vector<16xi32>], vector<16xf32>,
      %add3A_1024 = arith.addf %add3A_928, %gather3A_1023 : vector<16xf32>
      %add3A_1025 = arith.constant 10020 : i32
      %add3A_1026 = vector.broadcast %add3A_1025 : i32 to vector<16xi32>
      %add3A_1027 = arith.addi %select_n3A_974, %add3A_1026 : vector<16xi32>
      %gather3A_1028 = tpu.vector_load_idx %arg11[%add3A_1027] : memref<16032xf32, #tpu.memory_space<vmem>>[vector<16xi32>], vector<16xf32>,
      %add3A_1029 = arith.addf %add3A_933, %gather3A_1028 : vector<16xf32>
      %add3A_1030 = arith.constant 11022 : i32
      %add3A_1031 = vector.broadcast %add3A_1030 : i32 to vector<16xi32>
      %add3A_1032 = arith.addi %select_n3A_974, %add3A_1031 : vector<16xi32>
      %gather3A_1033 = tpu.vector_load_idx %arg11[%add3A_1032] : memref<16032xf32, #tpu.memory_space<vmem>>[vector<16xi32>], vector<16xf32>,
      %add3A_1034 = arith.addf %add3A_938, %gather3A_1033 : vector<16xf32>
      %add3A_1035 = arith.constant 12024 : i32
      %add3A_1036 = vector.broadcast %add3A_1035 : i32 to vector<16xi32>
      %add3A_1037 = arith.addi %select_n3A_974, %add3A_1036 : vector<16xi32>
      %gather3A_1038 = tpu.vector_load_idx %arg11[%add3A_1037] : memref<16032xf32, #tpu.memory_space<vmem>>[vector<16xi32>], vector<16xf32>,
      %add3A_1039 = arith.addf %add3A_943, %gather3A_1038 : vector<16xf32>
      %add3A_1040 = arith.constant 13026 : i32
      %add3A_1041 = vector.broadcast %add3A_1040 : i32 to vector<16xi32>
      %add3A_1042 = arith.addi %select_n3A_974, %add3A_1041 : vector<16xi32>
      %gather3A_1043 = tpu.vector_load_idx %arg11[%add3A_1042] : memref<16032xf32, #tpu.memory_space<vmem>>[vector<16xi32>], vector<16xf32>,
      %add3A_1044 = arith.addf %add3A_948, %gather3A_1043 : vector<16xf32>
      %add3A_1045 = arith.constant 14028 : i32
      %add3A_1046 = vector.broadcast %add3A_1045 : i32 to vector<16xi32>
      %add3A_1047 = arith.addi %select_n3A_974, %add3A_1046 : vector<16xi32>
      %gather3A_1048 = tpu.vector_load_idx %arg11[%add3A_1047] : memref<16032xf32, #tpu.memory_space<vmem>>[vector<16xi32>], vector<16xf32>,
      %add3A_1049 = arith.addf %add3A_953, %gather3A_1048 : vector<16xf32>
      %add3A_1050 = arith.constant 15030 : i32
      %add3A_1051 = vector.broadcast %add3A_1050 : i32 to vector<16xi32>
      %add3A_1052 = arith.addi %select_n3A_974, %add3A_1051 : vector<16xi32>
      %gather3A_1053 = tpu.vector_load_idx %arg11[%add3A_1052] : memref<16032xf32, #tpu.memory_space<vmem>>[vector<16xi32>], vector<16xf32>,
      %add3A_1054 = arith.addf %add3A_958, %gather3A_1053 : vector<16xf32>
      %add3A_1055 = arith.constant 1536 : i32
      %add3A_1056 = arith.addi %add3A_1055, %mul3A_738 : i32
      %get3A_1057 = arith.index_cast %add3A_1056 : i32 to index
      %get3A_1058 = tpu.vector_load %arg10[%get3A_1057] {strides = array<i32>} : memref<10240xi32, #tpu.memory_space<vmem>>, vector<16xi32>,
      %ne3A_1059 = arith.constant 0 : i32
      %ne3A_1060 = vector.broadcast %ne3A_1059 : i32 to vector<16xi32>
      %ne3A_1061 = arith.cmpi ne, %get3A_1058, %ne3A_1060 : vector<16xi32>
      %jit3A_1062 = arith.constant 1.000000e+00 : f32
      %jit3A_1063 = arith.constant 0.000000e+00 : f32
      %broadcast_in_dim3A_1064 = vector.broadcast %jit3A_1062 : f32 to vector<16xf32>
      %broadcast_in_dim3A_1065 = vector.broadcast %jit3A_1063 : f32 to vector<16xf32>
      %select_n3A_1066 = arith.select %ne3A_1061, %broadcast_in_dim3A_1064, %broadcast_in_dim3A_1065 : vector<16xi1>, vector<16xf32>
      %add3A_1067 = arith.addf %add3A_971, %select_n3A_1066 : vector<16xf32>
      %broadcast_in_dim3A_1068 = arith.constant 1001 : i32
      %broadcast_in_dim3A_1069 = vector.broadcast %broadcast_in_dim3A_1068 : i32 to vector<16xi32>
      %select_n3A_1070 = arith.select %ne3A_1061, %get3A_1058, %broadcast_in_dim3A_1069 : vector<16xi1>, vector<16xi32>
      %add3A_1071 = arith.constant 0 : i32
      %add3A_1072 = vector.broadcast %add3A_1071 : i32 to vector<16xi32>
      %add3A_1073 = arith.addi %select_n3A_1070, %add3A_1072 : vector<16xi32>
      %gather3A_1074 = tpu.vector_load_idx %arg11[%add3A_1073] : memref<16032xf32, #tpu.memory_space<vmem>>[vector<16xi32>], vector<16xf32>,
      %add3A_1075 = arith.addf %add3A_979, %gather3A_1074 : vector<16xf32>
      %add3A_1076 = arith.constant 1002 : i32
      %add3A_1077 = vector.broadcast %add3A_1076 : i32 to vector<16xi32>
      %add3A_1078 = arith.addi %select_n3A_1070, %add3A_1077 : vector<16xi32>
      %gather3A_1079 = tpu.vector_load_idx %arg11[%add3A_1078] : memref<16032xf32, #tpu.memory_space<vmem>>[vector<16xi32>], vector<16xf32>,
      %add3A_1080 = arith.addf %add3A_984, %gather3A_1079 : vector<16xf32>
      %add3A_1081 = arith.constant 2004 : i32
      %add3A_1082 = vector.broadcast %add3A_1081 : i32 to vector<16xi32>
      %add3A_1083 = arith.addi %select_n3A_1070, %add3A_1082 : vector<16xi32>
      %gather3A_1084 = tpu.vector_load_idx %arg11[%add3A_1083] : memref<16032xf32, #tpu.memory_space<vmem>>[vector<16xi32>], vector<16xf32>,
      %add3A_1085 = arith.addf %add3A_989, %gather3A_1084 : vector<16xf32>
      %add3A_1086 = arith.constant 3006 : i32
      %add3A_1087 = vector.broadcast %add3A_1086 : i32 to vector<16xi32>
      %add3A_1088 = arith.addi %select_n3A_1070, %add3A_1087 : vector<16xi32>
      %gather3A_1089 = tpu.vector_load_idx %arg11[%add3A_1088] : memref<16032xf32, #tpu.memory_space<vmem>>[vector<16xi32>], vector<16xf32>,
      %add3A_1090 = arith.addf %add3A_994, %gather3A_1089 : vector<16xf32>
      %add3A_1091 = arith.constant 4008 : i32
      %add3A_1092 = vector.broadcast %add3A_1091 : i32 to vector<16xi32>
      %add3A_1093 = arith.addi %select_n3A_1070, %add3A_1092 : vector<16xi32>
      %gather3A_1094 = tpu.vector_load_idx %arg11[%add3A_1093] : memref<16032xf32, #tpu.memory_space<vmem>>[vector<16xi32>], vector<16xf32>,
      %add3A_1095 = arith.addf %add3A_999, %gather3A_1094 : vector<16xf32>
      %add3A_1096 = arith.constant 5010 : i32
      %add3A_1097 = vector.broadcast %add3A_1096 : i32 to vector<16xi32>
      %add3A_1098 = arith.addi %select_n3A_1070, %add3A_1097 : vector<16xi32>
      %gather3A_1099 = tpu.vector_load_idx %arg11[%add3A_1098] : memref<16032xf32, #tpu.memory_space<vmem>>[vector<16xi32>], vector<16xf32>,
      %add3A_1100 = arith.addf %add3A_1004, %gather3A_1099 : vector<16xf32>
      %add3A_1101 = arith.constant 6012 : i32
      %add3A_1102 = vector.broadcast %add3A_1101 : i32 to vector<16xi32>
      %add3A_1103 = arith.addi %select_n3A_1070, %add3A_1102 : vector<16xi32>
      %gather3A_1104 = tpu.vector_load_idx %arg11[%add3A_1103] : memref<16032xf32, #tpu.memory_space<vmem>>[vector<16xi32>], vector<16xf32>,
      %add3A_1105 = arith.addf %add3A_1009, %gather3A_1104 : vector<16xf32>
      %add3A_1106 = arith.constant 7014 : i32
      %add3A_1107 = vector.broadcast %add3A_1106 : i32 to vector<16xi32>
      %add3A_1108 = arith.addi %select_n3A_1070, %add3A_1107 : vector<16xi32>
      %gather3A_1109 = tpu.vector_load_idx %arg11[%add3A_1108] : memref<16032xf32, #tpu.memory_space<vmem>>[vector<16xi32>], vector<16xf32>,
      %add3A_1110 = arith.addf %add3A_1014, %gather3A_1109 : vector<16xf32>
      %add3A_1111 = arith.constant 8016 : i32
      %add3A_1112 = vector.broadcast %add3A_1111 : i32 to vector<16xi32>
      %add3A_1113 = arith.addi %select_n3A_1070, %add3A_1112 : vector<16xi32>
      %gather3A_1114 = tpu.vector_load_idx %arg11[%add3A_1113] : memref<16032xf32, #tpu.memory_space<vmem>>[vector<16xi32>], vector<16xf32>,
      %add3A_1115 = arith.addf %add3A_1019, %gather3A_1114 : vector<16xf32>
      %add3A_1116 = arith.constant 9018 : i32
      %add3A_1117 = vector.broadcast %add3A_1116 : i32 to vector<16xi32>
      %add3A_1118 = arith.addi %select_n3A_1070, %add3A_1117 : vector<16xi32>
      %gather3A_1119 = tpu.vector_load_idx %arg11[%add3A_1118] : memref<16032xf32, #tpu.memory_space<vmem>>[vector<16xi32>], vector<16xf32>,
      %add3A_1120 = arith.addf %add3A_1024, %gather3A_1119 : vector<16xf32>
      %add3A_1121 = arith.constant 10020 : i32
      %add3A_1122 = vector.broadcast %add3A_1121 : i32 to vector<16xi32>
      %add3A_1123 = arith.addi %select_n3A_1070, %add3A_1122 : vector<16xi32>
      %gather3A_1124 = tpu.vector_load_idx %arg11[%add3A_1123] : memref<16032xf32, #tpu.memory_space<vmem>>[vector<16xi32>], vector<16xf32>,
      %add3A_1125 = arith.addf %add3A_1029, %gather3A_1124 : vector<16xf32>
      %add3A_1126 = arith.constant 11022 : i32
      %add3A_1127 = vector.broadcast %add3A_1126 : i32 to vector<16xi32>
      %add3A_1128 = arith.addi %select_n3A_1070, %add3A_1127 : vector<16xi32>
      %gather3A_1129 = tpu.vector_load_idx %arg11[%add3A_1128] : memref<16032xf32, #tpu.memory_space<vmem>>[vector<16xi32>], vector<16xf32>,
      %add3A_1130 = arith.addf %add3A_1034, %gather3A_1129 : vector<16xf32>
      %add3A_1131 = arith.constant 12024 : i32
      %add3A_1132 = vector.broadcast %add3A_1131 : i32 to vector<16xi32>
      %add3A_1133 = arith.addi %select_n3A_1070, %add3A_1132 : vector<16xi32>
      %gather3A_1134 = tpu.vector_load_idx %arg11[%add3A_1133] : memref<16032xf32, #tpu.memory_space<vmem>>[vector<16xi32>], vector<16xf32>,
      %add3A_1135 = arith.addf %add3A_1039, %gather3A_1134 : vector<16xf32>
      %add3A_1136 = arith.constant 13026 : i32
      %add3A_1137 = vector.broadcast %add3A_1136 : i32 to vector<16xi32>
      %add3A_1138 = arith.addi %select_n3A_1070, %add3A_1137 : vector<16xi32>
      %gather3A_1139 = tpu.vector_load_idx %arg11[%add3A_1138] : memref<16032xf32, #tpu.memory_space<vmem>>[vector<16xi32>], vector<16xf32>,
      %add3A_1140 = arith.addf %add3A_1044, %gather3A_1139 : vector<16xf32>
      %add3A_1141 = arith.constant 14028 : i32
      %add3A_1142 = vector.broadcast %add3A_1141 : i32 to vector<16xi32>
      %add3A_1143 = arith.addi %select_n3A_1070, %add3A_1142 : vector<16xi32>
      %gather3A_1144 = tpu.vector_load_idx %arg11[%add3A_1143] : memref<16032xf32, #tpu.memory_space<vmem>>[vector<16xi32>], vector<16xf32>,
      %add3A_1145 = arith.addf %add3A_1049, %gather3A_1144 : vector<16xf32>
      %add3A_1146 = arith.constant 15030 : i32
      %add3A_1147 = vector.broadcast %add3A_1146 : i32 to vector<16xi32>
      %add3A_1148 = arith.addi %select_n3A_1070, %add3A_1147 : vector<16xi32>
      %gather3A_1149 = tpu.vector_load_idx %arg11[%add3A_1148] : memref<16032xf32, #tpu.memory_space<vmem>>[vector<16xi32>], vector<16xf32>,
      %add3A_1150 = arith.addf %add3A_1054, %gather3A_1149 : vector<16xf32>
      %add3A_1151 = arith.constant 2048 : i32
      %add3A_1152 = arith.addi %add3A_1151, %mul3A_738 : i32
      %get3A_1153 = arith.index_cast %add3A_1152 : i32 to index
      %get3A_1154 = tpu.vector_load %arg10[%get3A_1153] {strides = array<i32>} : memref<10240xi32, #tpu.memory_space<vmem>>, vector<16xi32>,
      %ne3A_1155 = arith.constant 0 : i32
      %ne3A_1156 = vector.broadcast %ne3A_1155 : i32 to vector<16xi32>
      %ne3A_1157 = arith.cmpi ne, %get3A_1154, %ne3A_1156 : vector<16xi32>
      %jit3A_1158 = arith.constant 1.000000e+00 : f32
      %jit3A_1159 = arith.constant 0.000000e+00 : f32
      %broadcast_in_dim3A_1160 = vector.broadcast %jit3A_1158 : f32 to vector<16xf32>
      %broadcast_in_dim3A_1161 = vector.broadcast %jit3A_1159 : f32 to vector<16xf32>
      %select_n3A_1162 = arith.select %ne3A_1157, %broadcast_in_dim3A_1160, %broadcast_in_dim3A_1161 : vector<16xi1>, vector<16xf32>
      %add3A_1163 = arith.addf %add3A_1067, %select_n3A_1162 : vector<16xf32>
      %broadcast_in_dim3A_1164 = arith.constant 1001 : i32
      %broadcast_in_dim3A_1165 = vector.broadcast %broadcast_in_dim3A_1164 : i32 to vector<16xi32>
      %select_n3A_1166 = arith.select %ne3A_1157, %get3A_1154, %broadcast_in_dim3A_1165 : vector<16xi1>, vector<16xi32>
      %add3A_1167 = arith.constant 0 : i32
      %add3A_1168 = vector.broadcast %add3A_1167 : i32 to vector<16xi32>
      %add3A_1169 = arith.addi %select_n3A_1166, %add3A_1168 : vector<16xi32>
      %gather3A_1170 = tpu.vector_load_idx %arg11[%add3A_1169] : memref<16032xf32, #tpu.memory_space<vmem>>[vector<16xi32>], vector<16xf32>,
      %add3A_1171 = arith.addf %add3A_1075, %gather3A_1170 : vector<16xf32>
      %add3A_1172 = arith.constant 1002 : i32
      %add3A_1173 = vector.broadcast %add3A_1172 : i32 to vector<16xi32>
      %add3A_1174 = arith.addi %select_n3A_1166, %add3A_1173 : vector<16xi32>
      %gather3A_1175 = tpu.vector_load_idx %arg11[%add3A_1174] : memref<16032xf32, #tpu.memory_space<vmem>>[vector<16xi32>], vector<16xf32>,
      %add3A_1176 = arith.addf %add3A_1080, %gather3A_1175 : vector<16xf32>
      %add3A_1177 = arith.constant 2004 : i32
      %add3A_1178 = vector.broadcast %add3A_1177 : i32 to vector<16xi32>
      %add3A_1179 = arith.addi %select_n3A_1166, %add3A_1178 : vector<16xi32>
      %gather3A_1180 = tpu.vector_load_idx %arg11[%add3A_1179] : memref<16032xf32, #tpu.memory_space<vmem>>[vector<16xi32>], vector<16xf32>,
      %add3A_1181 = arith.addf %add3A_1085, %gather3A_1180 : vector<16xf32>
      %add3A_1182 = arith.constant 3006 : i32
      %add3A_1183 = vector.broadcast %add3A_1182 : i32 to vector<16xi32>
      %add3A_1184 = arith.addi %select_n3A_1166, %add3A_1183 : vector<16xi32>
      %gather3A_1185 = tpu.vector_load_idx %arg11[%add3A_1184] : memref<16032xf32, #tpu.memory_space<vmem>>[vector<16xi32>], vector<16xf32>,
      %add3A_1186 = arith.addf %add3A_1090, %gather3A_1185 : vector<16xf32>
      %add3A_1187 = arith.constant 4008 : i32
      %add3A_1188 = vector.broadcast %add3A_1187 : i32 to vector<16xi32>
      %add3A_1189 = arith.addi %select_n3A_1166, %add3A_1188 : vector<16xi32>
      %gather3A_1190 = tpu.vector_load_idx %arg11[%add3A_1189] : memref<16032xf32, #tpu.memory_space<vmem>>[vector<16xi32>], vector<16xf32>,
      %add3A_1191 = arith.addf %add3A_1095, %gather3A_1190 : vector<16xf32>
      %add3A_1192 = arith.constant 5010 : i32
      %add3A_1193 = vector.broadcast %add3A_1192 : i32 to vector<16xi32>
      %add3A_1194 = arith.addi %select_n3A_1166, %add3A_1193 : vector<16xi32>
      %gather3A_1195 = tpu.vector_load_idx %arg11[%add3A_1194] : memref<16032xf32, #tpu.memory_space<vmem>>[vector<16xi32>], vector<16xf32>,
      %add3A_1196 = arith.addf %add3A_1100, %gather3A_1195 : vector<16xf32>
      %add3A_1197 = arith.constant 6012 : i32
      %add3A_1198 = vector.broadcast %add3A_1197 : i32 to vector<16xi32>
      %add3A_1199 = arith.addi %select_n3A_1166, %add3A_1198 : vector<16xi32>
      %gather3A_1200 = tpu.vector_load_idx %arg11[%add3A_1199] : memref<16032xf32, #tpu.memory_space<vmem>>[vector<16xi32>], vector<16xf32>,
      %add3A_1201 = arith.addf %add3A_1105, %gather3A_1200 : vector<16xf32>
      %add3A_1202 = arith.constant 7014 : i32
      %add3A_1203 = vector.broadcast %add3A_1202 : i32 to vector<16xi32>
      %add3A_1204 = arith.addi %select_n3A_1166, %add3A_1203 : vector<16xi32>
      %gather3A_1205 = tpu.vector_load_idx %arg11[%add3A_1204] : memref<16032xf32, #tpu.memory_space<vmem>>[vector<16xi32>], vector<16xf32>,
      %add3A_1206 = arith.addf %add3A_1110, %gather3A_1205 : vector<16xf32>
      %add3A_1207 = arith.constant 8016 : i32
      %add3A_1208 = vector.broadcast %add3A_1207 : i32 to vector<16xi32>
      %add3A_1209 = arith.addi %select_n3A_1166, %add3A_1208 : vector<16xi32>
      %gather3A_1210 = tpu.vector_load_idx %arg11[%add3A_1209] : memref<16032xf32, #tpu.memory_space<vmem>>[vector<16xi32>], vector<16xf32>,
      %add3A_1211 = arith.addf %add3A_1115, %gather3A_1210 : vector<16xf32>
      %add3A_1212 = arith.constant 9018 : i32
      %add3A_1213 = vector.broadcast %add3A_1212 : i32 to vector<16xi32>
      %add3A_1214 = arith.addi %select_n3A_1166, %add3A_1213 : vector<16xi32>
      %gather3A_1215 = tpu.vector_load_idx %arg11[%add3A_1214] : memref<16032xf32, #tpu.memory_space<vmem>>[vector<16xi32>], vector<16xf32>,
      %add3A_1216 = arith.addf %add3A_1120, %gather3A_1215 : vector<16xf32>
      %add3A_1217 = arith.constant 10020 : i32
      %add3A_1218 = vector.broadcast %add3A_1217 : i32 to vector<16xi32>
      %add3A_1219 = arith.addi %select_n3A_1166, %add3A_1218 : vector<16xi32>
      %gather3A_1220 = tpu.vector_load_idx %arg11[%add3A_1219] : memref<16032xf32, #tpu.memory_space<vmem>>[vector<16xi32>], vector<16xf32>,
      %add3A_1221 = arith.addf %add3A_1125, %gather3A_1220 : vector<16xf32>
      %add3A_1222 = arith.constant 11022 : i32
      %add3A_1223 = vector.broadcast %add3A_1222 : i32 to vector<16xi32>
      %add3A_1224 = arith.addi %select_n3A_1166, %add3A_1223 : vector<16xi32>
      %gather3A_1225 = tpu.vector_load_idx %arg11[%add3A_1224] : memref<16032xf32, #tpu.memory_space<vmem>>[vector<16xi32>], vector<16xf32>,
      %add3A_1226 = arith.addf %add3A_1130, %gather3A_1225 : vector<16xf32>
      %add3A_1227 = arith.constant 12024 : i32
      %add3A_1228 = vector.broadcast %add3A_1227 : i32 to vector<16xi32>
      %add3A_1229 = arith.addi %select_n3A_1166, %add3A_1228 : vector<16xi32>
      %gather3A_1230 = tpu.vector_load_idx %arg11[%add3A_1229] : memref<16032xf32, #tpu.memory_space<vmem>>[vector<16xi32>], vector<16xf32>,
      %add3A_1231 = arith.addf %add3A_1135, %gather3A_1230 : vector<16xf32>
      %add3A_1232 = arith.constant 13026 : i32
      %add3A_1233 = vector.broadcast %add3A_1232 : i32 to vector<16xi32>
      %add3A_1234 = arith.addi %select_n3A_1166, %add3A_1233 : vector<16xi32>
      %gather3A_1235 = tpu.vector_load_idx %arg11[%add3A_1234] : memref<16032xf32, #tpu.memory_space<vmem>>[vector<16xi32>], vector<16xf32>,
      %add3A_1236 = arith.addf %add3A_1140, %gather3A_1235 : vector<16xf32>
      %add3A_1237 = arith.constant 14028 : i32
      %add3A_1238 = vector.broadcast %add3A_1237 : i32 to vector<16xi32>
      %add3A_1239 = arith.addi %select_n3A_1166, %add3A_1238 : vector<16xi32>
      %gather3A_1240 = tpu.vector_load_idx %arg11[%add3A_1239] : memref<16032xf32, #tpu.memory_space<vmem>>[vector<16xi32>], vector<16xf32>,
      %add3A_1241 = arith.addf %add3A_1145, %gather3A_1240 : vector<16xf32>
      %add3A_1242 = arith.constant 15030 : i32
      %add3A_1243 = vector.broadcast %add3A_1242 : i32 to vector<16xi32>
      %add3A_1244 = arith.addi %select_n3A_1166, %add3A_1243 : vector<16xi32>
      %gather3A_1245 = tpu.vector_load_idx %arg11[%add3A_1244] : memref<16032xf32, #tpu.memory_space<vmem>>[vector<16xi32>], vector<16xf32>,
      %add3A_1246 = arith.addf %add3A_1150, %gather3A_1245 : vector<16xf32>
      %add3A_1247 = arith.constant 2560 : i32
      %add3A_1248 = arith.addi %add3A_1247, %mul3A_738 : i32
      %get3A_1249 = arith.index_cast %add3A_1248 : i32 to index
      %get3A_1250 = tpu.vector_load %arg10[%get3A_1249] {strides = array<i32>} : memref<10240xi32, #tpu.memory_space<vmem>>, vector<16xi32>,
      %ne3A_1251 = arith.constant 0 : i32
      %ne3A_1252 = vector.broadcast %ne3A_1251 : i32 to vector<16xi32>
      %ne3A_1253 = arith.cmpi ne, %get3A_1250, %ne3A_1252 : vector<16xi32>
      %jit3A_1254 = arith.constant 1.000000e+00 : f32
      %jit3A_1255 = arith.constant 0.000000e+00 : f32
      %broadcast_in_dim3A_1256 = vector.broadcast %jit3A_1254 : f32 to vector<16xf32>
      %broadcast_in_dim3A_1257 = vector.broadcast %jit3A_1255 : f32 to vector<16xf32>
      %select_n3A_1258 = arith.select %ne3A_1253, %broadcast_in_dim3A_1256, %broadcast_in_dim3A_1257 : vector<16xi1>, vector<16xf32>
      %add3A_1259 = arith.addf %add3A_1163, %select_n3A_1258 : vector<16xf32>
      %broadcast_in_dim3A_1260 = arith.constant 1001 : i32
      %broadcast_in_dim3A_1261 = vector.broadcast %broadcast_in_dim3A_1260 : i32 to vector<16xi32>
      %select_n3A_1262 = arith.select %ne3A_1253, %get3A_1250, %broadcast_in_dim3A_1261 : vector<16xi1>, vector<16xi32>
      %add3A_1263 = arith.constant 0 : i32
      %add3A_1264 = vector.broadcast %add3A_1263 : i32 to vector<16xi32>
      %add3A_1265 = arith.addi %select_n3A_1262, %add3A_1264 : vector<16xi32>
      %gather3A_1266 = tpu.vector_load_idx %arg11[%add3A_1265] : memref<16032xf32, #tpu.memory_space<vmem>>[vector<16xi32>], vector<16xf32>,
      %add3A_1267 = arith.addf %add3A_1171, %gather3A_1266 : vector<16xf32>
      %add3A_1268 = arith.constant 1002 : i32
      %add3A_1269 = vector.broadcast %add3A_1268 : i32 to vector<16xi32>
      %add3A_1270 = arith.addi %select_n3A_1262, %add3A_1269 : vector<16xi32>
      %gather3A_1271 = tpu.vector_load_idx %arg11[%add3A_1270] : memref<16032xf32, #tpu.memory_space<vmem>>[vector<16xi32>], vector<16xf32>,
      %add3A_1272 = arith.addf %add3A_1176, %gather3A_1271 : vector<16xf32>
      %add3A_1273 = arith.constant 2004 : i32
      %add3A_1274 = vector.broadcast %add3A_1273 : i32 to vector<16xi32>
      %add3A_1275 = arith.addi %select_n3A_1262, %add3A_1274 : vector<16xi32>
      %gather3A_1276 = tpu.vector_load_idx %arg11[%add3A_1275] : memref<16032xf32, #tpu.memory_space<vmem>>[vector<16xi32>], vector<16xf32>,
      %add3A_1277 = arith.addf %add3A_1181, %gather3A_1276 : vector<16xf32>
      %add3A_1278 = arith.constant 3006 : i32
      %add3A_1279 = vector.broadcast %add3A_1278 : i32 to vector<16xi32>
      %add3A_1280 = arith.addi %select_n3A_1262, %add3A_1279 : vector<16xi32>
      %gather3A_1281 = tpu.vector_load_idx %arg11[%add3A_1280] : memref<16032xf32, #tpu.memory_space<vmem>>[vector<16xi32>], vector<16xf32>,
      %add3A_1282 = arith.addf %add3A_1186, %gather3A_1281 : vector<16xf32>
      %add3A_1283 = arith.constant 4008 : i32
      %add3A_1284 = vector.broadcast %add3A_1283 : i32 to vector<16xi32>
      %add3A_1285 = arith.addi %select_n3A_1262, %add3A_1284 : vector<16xi32>
      %gather3A_1286 = tpu.vector_load_idx %arg11[%add3A_1285] : memref<16032xf32, #tpu.memory_space<vmem>>[vector<16xi32>], vector<16xf32>,
      %add3A_1287 = arith.addf %add3A_1191, %gather3A_1286 : vector<16xf32>
      %add3A_1288 = arith.constant 5010 : i32
      %add3A_1289 = vector.broadcast %add3A_1288 : i32 to vector<16xi32>
      %add3A_1290 = arith.addi %select_n3A_1262, %add3A_1289 : vector<16xi32>
      %gather3A_1291 = tpu.vector_load_idx %arg11[%add3A_1290] : memref<16032xf32, #tpu.memory_space<vmem>>[vector<16xi32>], vector<16xf32>,
      %add3A_1292 = arith.addf %add3A_1196, %gather3A_1291 : vector<16xf32>
      %add3A_1293 = arith.constant 6012 : i32
      %add3A_1294 = vector.broadcast %add3A_1293 : i32 to vector<16xi32>
      %add3A_1295 = arith.addi %select_n3A_1262, %add3A_1294 : vector<16xi32>
      %gather3A_1296 = tpu.vector_load_idx %arg11[%add3A_1295] : memref<16032xf32, #tpu.memory_space<vmem>>[vector<16xi32>], vector<16xf32>,
      %add3A_1297 = arith.addf %add3A_1201, %gather3A_1296 : vector<16xf32>
      %add3A_1298 = arith.constant 7014 : i32
      %add3A_1299 = vector.broadcast %add3A_1298 : i32 to vector<16xi32>
      %add3A_1300 = arith.addi %select_n3A_1262, %add3A_1299 : vector<16xi32>
      %gather3A_1301 = tpu.vector_load_idx %arg11[%add3A_1300] : memref<16032xf32, #tpu.memory_space<vmem>>[vector<16xi32>], vector<16xf32>,
      %add3A_1302 = arith.addf %add3A_1206, %gather3A_1301 : vector<16xf32>
      %add3A_1303 = arith.constant 8016 : i32
      %add3A_1304 = vector.broadcast %add3A_1303 : i32 to vector<16xi32>
      %add3A_1305 = arith.addi %select_n3A_1262, %add3A_1304 : vector<16xi32>
      %gather3A_1306 = tpu.vector_load_idx %arg11[%add3A_1305] : memref<16032xf32, #tpu.memory_space<vmem>>[vector<16xi32>], vector<16xf32>,
      %add3A_1307 = arith.addf %add3A_1211, %gather3A_1306 : vector<16xf32>
      %add3A_1308 = arith.constant 9018 : i32
      %add3A_1309 = vector.broadcast %add3A_1308 : i32 to vector<16xi32>
      %add3A_1310 = arith.addi %select_n3A_1262, %add3A_1309 : vector<16xi32>
      %gather3A_1311 = tpu.vector_load_idx %arg11[%add3A_1310] : memref<16032xf32, #tpu.memory_space<vmem>>[vector<16xi32>], vector<16xf32>,
      %add3A_1312 = arith.addf %add3A_1216, %gather3A_1311 : vector<16xf32>
      %add3A_1313 = arith.constant 10020 : i32
      %add3A_1314 = vector.broadcast %add3A_1313 : i32 to vector<16xi32>
      %add3A_1315 = arith.addi %select_n3A_1262, %add3A_1314 : vector<16xi32>
      %gather3A_1316 = tpu.vector_load_idx %arg11[%add3A_1315] : memref<16032xf32, #tpu.memory_space<vmem>>[vector<16xi32>], vector<16xf32>,
      %add3A_1317 = arith.addf %add3A_1221, %gather3A_1316 : vector<16xf32>
      %add3A_1318 = arith.constant 11022 : i32
      %add3A_1319 = vector.broadcast %add3A_1318 : i32 to vector<16xi32>
      %add3A_1320 = arith.addi %select_n3A_1262, %add3A_1319 : vector<16xi32>
      %gather3A_1321 = tpu.vector_load_idx %arg11[%add3A_1320] : memref<16032xf32, #tpu.memory_space<vmem>>[vector<16xi32>], vector<16xf32>,
      %add3A_1322 = arith.addf %add3A_1226, %gather3A_1321 : vector<16xf32>
      %add3A_1323 = arith.constant 12024 : i32
      %add3A_1324 = vector.broadcast %add3A_1323 : i32 to vector<16xi32>
      %add3A_1325 = arith.addi %select_n3A_1262, %add3A_1324 : vector<16xi32>
      %gather3A_1326 = tpu.vector_load_idx %arg11[%add3A_1325] : memref<16032xf32, #tpu.memory_space<vmem>>[vector<16xi32>], vector<16xf32>,
      %add3A_1327 = arith.addf %add3A_1231, %gather3A_1326 : vector<16xf32>
      %add3A_1328 = arith.constant 13026 : i32
      %add3A_1329 = vector.broadcast %add3A_1328 : i32 to vector<16xi32>
      %add3A_1330 = arith.addi %select_n3A_1262, %add3A_1329 : vector<16xi32>
      %gather3A_1331 = tpu.vector_load_idx %arg11[%add3A_1330] : memref<16032xf32, #tpu.memory_space<vmem>>[vector<16xi32>], vector<16xf32>,
      %add3A_1332 = arith.addf %add3A_1236, %gather3A_1331 : vector<16xf32>
      %add3A_1333 = arith.constant 14028 : i32
      %add3A_1334 = vector.broadcast %add3A_1333 : i32 to vector<16xi32>
      %add3A_1335 = arith.addi %select_n3A_1262, %add3A_1334 : vector<16xi32>
      %gather3A_1336 = tpu.vector_load_idx %arg11[%add3A_1335] : memref<16032xf32, #tpu.memory_space<vmem>>[vector<16xi32>], vector<16xf32>,
      %add3A_1337 = arith.addf %add3A_1241, %gather3A_1336 : vector<16xf32>
      %add3A_1338 = arith.constant 15030 : i32
      %add3A_1339 = vector.broadcast %add3A_1338 : i32 to vector<16xi32>
      %add3A_1340 = arith.addi %select_n3A_1262, %add3A_1339 : vector<16xi32>
      %gather3A_1341 = tpu.vector_load_idx %arg11[%add3A_1340] : memref<16032xf32, #tpu.memory_space<vmem>>[vector<16xi32>], vector<16xf32>,
      %add3A_1342 = arith.addf %add3A_1246, %gather3A_1341 : vector<16xf32>
      %add3A_1343 = arith.constant 3072 : i32
      %add3A_1344 = arith.addi %add3A_1343, %mul3A_738 : i32
      %get3A_1345 = arith.index_cast %add3A_1344 : i32 to index
      %get3A_1346 = tpu.vector_load %arg10[%get3A_1345] {strides = array<i32>} : memref<10240xi32, #tpu.memory_space<vmem>>, vector<16xi32>,
      %ne3A_1347 = arith.constant 0 : i32
      %ne3A_1348 = vector.broadcast %ne3A_1347 : i32 to vector<16xi32>
      %ne3A_1349 = arith.cmpi ne, %get3A_1346, %ne3A_1348 : vector<16xi32>
      %jit3A_1350 = arith.constant 1.000000e+00 : f32
      %jit3A_1351 = arith.constant 0.000000e+00 : f32
      %broadcast_in_dim3A_1352 = vector.broadcast %jit3A_1350 : f32 to vector<16xf32>
      %broadcast_in_dim3A_1353 = vector.broadcast %jit3A_1351 : f32 to vector<16xf32>
      %select_n3A_1354 = arith.select %ne3A_1349, %broadcast_in_dim3A_1352, %broadcast_in_dim3A_1353 : vector<16xi1>, vector<16xf32>
      %add3A_1355 = arith.addf %add3A_1259, %select_n3A_1354 : vector<16xf32>
      %broadcast_in_dim3A_1356 = arith.constant 1001 : i32
      %broadcast_in_dim3A_1357 = vector.broadcast %broadcast_in_dim3A_1356 : i32 to vector<16xi32>
      %select_n3A_1358 = arith.select %ne3A_1349, %get3A_1346, %broadcast_in_dim3A_1357 : vector<16xi1>, vector<16xi32>
      %add3A_1359 = arith.constant 0 : i32
      %add3A_1360 = vector.broadcast %add3A_1359 : i32 to vector<16xi32>
      %add3A_1361 = arith.addi %select_n3A_1358, %add3A_1360 : vector<16xi32>
      %gather3A_1362 = tpu.vector_load_idx %arg11[%add3A_1361] : memref<16032xf32, #tpu.memory_space<vmem>>[vector<16xi32>], vector<16xf32>,
      %add3A_1363 = arith.addf %add3A_1267, %gather3A_1362 : vector<16xf32>
      %add3A_1364 = arith.constant 1002 : i32
      %add3A_1365 = vector.broadcast %add3A_1364 : i32 to vector<16xi32>
      %add3A_1366 = arith.addi %select_n3A_1358, %add3A_1365 : vector<16xi32>
      %gather3A_1367 = tpu.vector_load_idx %arg11[%add3A_1366] : memref<16032xf32, #tpu.memory_space<vmem>>[vector<16xi32>], vector<16xf32>,
      %add3A_1368 = arith.addf %add3A_1272, %gather3A_1367 : vector<16xf32>
      %add3A_1369 = arith.constant 2004 : i32
      %add3A_1370 = vector.broadcast %add3A_1369 : i32 to vector<16xi32>
      %add3A_1371 = arith.addi %select_n3A_1358, %add3A_1370 : vector<16xi32>
      %gather3A_1372 = tpu.vector_load_idx %arg11[%add3A_1371] : memref<16032xf32, #tpu.memory_space<vmem>>[vector<16xi32>], vector<16xf32>,
      %add3A_1373 = arith.addf %add3A_1277, %gather3A_1372 : vector<16xf32>
      %add3A_1374 = arith.constant 3006 : i32
      %add3A_1375 = vector.broadcast %add3A_1374 : i32 to vector<16xi32>
      %add3A_1376 = arith.addi %select_n3A_1358, %add3A_1375 : vector<16xi32>
      %gather3A_1377 = tpu.vector_load_idx %arg11[%add3A_1376] : memref<16032xf32, #tpu.memory_space<vmem>>[vector<16xi32>], vector<16xf32>,
      %add3A_1378 = arith.addf %add3A_1282, %gather3A_1377 : vector<16xf32>
      %add3A_1379 = arith.constant 4008 : i32
      %add3A_1380 = vector.broadcast %add3A_1379 : i32 to vector<16xi32>
      %add3A_1381 = arith.addi %select_n3A_1358, %add3A_1380 : vector<16xi32>
      %gather3A_1382 = tpu.vector_load_idx %arg11[%add3A_1381] : memref<16032xf32, #tpu.memory_space<vmem>>[vector<16xi32>], vector<16xf32>,
      %add3A_1383 = arith.addf %add3A_1287, %gather3A_1382 : vector<16xf32>
      %add3A_1384 = arith.constant 5010 : i32
      %add3A_1385 = vector.broadcast %add3A_1384 : i32 to vector<16xi32>
      %add3A_1386 = arith.addi %select_n3A_1358, %add3A_1385 : vector<16xi32>
      %gather3A_1387 = tpu.vector_load_idx %arg11[%add3A_1386] : memref<16032xf32, #tpu.memory_space<vmem>>[vector<16xi32>], vector<16xf32>,
      %add3A_1388 = arith.addf %add3A_1292, %gather3A_1387 : vector<16xf32>
      %add3A_1389 = arith.constant 6012 : i32
      %add3A_1390 = vector.broadcast %add3A_1389 : i32 to vector<16xi32>
      %add3A_1391 = arith.addi %select_n3A_1358, %add3A_1390 : vector<16xi32>
      %gather3A_1392 = tpu.vector_load_idx %arg11[%add3A_1391] : memref<16032xf32, #tpu.memory_space<vmem>>[vector<16xi32>], vector<16xf32>,
      %add3A_1393 = arith.addf %add3A_1297, %gather3A_1392 : vector<16xf32>
      %add3A_1394 = arith.constant 7014 : i32
      %add3A_1395 = vector.broadcast %add3A_1394 : i32 to vector<16xi32>
      %add3A_1396 = arith.addi %select_n3A_1358, %add3A_1395 : vector<16xi32>
      %gather3A_1397 = tpu.vector_load_idx %arg11[%add3A_1396] : memref<16032xf32, #tpu.memory_space<vmem>>[vector<16xi32>], vector<16xf32>,
      %add3A_1398 = arith.addf %add3A_1302, %gather3A_1397 : vector<16xf32>
      %add3A_1399 = arith.constant 8016 : i32
      %add3A_1400 = vector.broadcast %add3A_1399 : i32 to vector<16xi32>
      %add3A_1401 = arith.addi %select_n3A_1358, %add3A_1400 : vector<16xi32>
      %gather3A_1402 = tpu.vector_load_idx %arg11[%add3A_1401] : memref<16032xf32, #tpu.memory_space<vmem>>[vector<16xi32>], vector<16xf32>,
      %add3A_1403 = arith.addf %add3A_1307, %gather3A_1402 : vector<16xf32>
      %add3A_1404 = arith.constant 9018 : i32
      %add3A_1405 = vector.broadcast %add3A_1404 : i32 to vector<16xi32>
      %add3A_1406 = arith.addi %select_n3A_1358, %add3A_1405 : vector<16xi32>
      %gather3A_1407 = tpu.vector_load_idx %arg11[%add3A_1406] : memref<16032xf32, #tpu.memory_space<vmem>>[vector<16xi32>], vector<16xf32>,
      %add3A_1408 = arith.addf %add3A_1312, %gather3A_1407 : vector<16xf32>
      %add3A_1409 = arith.constant 10020 : i32
      %add3A_1410 = vector.broadcast %add3A_1409 : i32 to vector<16xi32>
      %add3A_1411 = arith.addi %select_n3A_1358, %add3A_1410 : vector<16xi32>
      %gather3A_1412 = tpu.vector_load_idx %arg11[%add3A_1411] : memref<16032xf32, #tpu.memory_space<vmem>>[vector<16xi32>], vector<16xf32>,
      %add3A_1413 = arith.addf %add3A_1317, %gather3A_1412 : vector<16xf32>
      %add3A_1414 = arith.constant 11022 : i32
      %add3A_1415 = vector.broadcast %add3A_1414 : i32 to vector<16xi32>
      %add3A_1416 = arith.addi %select_n3A_1358, %add3A_1415 : vector<16xi32>
      %gather3A_1417 = tpu.vector_load_idx %arg11[%add3A_1416] : memref<16032xf32, #tpu.memory_space<vmem>>[vector<16xi32>], vector<16xf32>,
      %add3A_1418 = arith.addf %add3A_1322, %gather3A_1417 : vector<16xf32>
      %add3A_1419 = arith.constant 12024 : i32
      %add3A_1420 = vector.broadcast %add3A_1419 : i32 to vector<16xi32>
      %add3A_1421 = arith.addi %select_n3A_1358, %add3A_1420 : vector<16xi32>
      %gather3A_1422 = tpu.vector_load_idx %arg11[%add3A_1421] : memref<16032xf32, #tpu.memory_space<vmem>>[vector<16xi32>], vector<16xf32>,
      %add3A_1423 = arith.addf %add3A_1327, %gather3A_1422 : vector<16xf32>
      %add3A_1424 = arith.constant 13026 : i32
      %add3A_1425 = vector.broadcast %add3A_1424 : i32 to vector<16xi32>
      %add3A_1426 = arith.addi %select_n3A_1358, %add3A_1425 : vector<16xi32>
      %gather3A_1427 = tpu.vector_load_idx %arg11[%add3A_1426] : memref<16032xf32, #tpu.memory_space<vmem>>[vector<16xi32>], vector<16xf32>,
      %add3A_1428 = arith.addf %add3A_1332, %gather3A_1427 : vector<16xf32>
      %add3A_1429 = arith.constant 14028 : i32
      %add3A_1430 = vector.broadcast %add3A_1429 : i32 to vector<16xi32>
      %add3A_1431 = arith.addi %select_n3A_1358, %add3A_1430 : vector<16xi32>
      %gather3A_1432 = tpu.vector_load_idx %arg11[%add3A_1431] : memref<16032xf32, #tpu.memory_space<vmem>>[vector<16xi32>], vector<16xf32>,
      %add3A_1433 = arith.addf %add3A_1337, %gather3A_1432 : vector<16xf32>
      %add3A_1434 = arith.constant 15030 : i32
      %add3A_1435 = vector.broadcast %add3A_1434 : i32 to vector<16xi32>
      %add3A_1436 = arith.addi %select_n3A_1358, %add3A_1435 : vector<16xi32>
      %gather3A_1437 = tpu.vector_load_idx %arg11[%add3A_1436] : memref<16032xf32, #tpu.memory_space<vmem>>[vector<16xi32>], vector<16xf32>,
      %add3A_1438 = arith.addf %add3A_1342, %gather3A_1437 : vector<16xf32>
      %add3A_1439 = arith.constant 3584 : i32
      %add3A_1440 = arith.addi %add3A_1439, %mul3A_738 : i32
      %get3A_1441 = arith.index_cast %add3A_1440 : i32 to index
      %get3A_1442 = tpu.vector_load %arg10[%get3A_1441] {strides = array<i32>} : memref<10240xi32, #tpu.memory_space<vmem>>, vector<16xi32>,
      %ne3A_1443 = arith.constant 0 : i32
      %ne3A_1444 = vector.broadcast %ne3A_1443 : i32 to vector<16xi32>
      %ne3A_1445 = arith.cmpi ne, %get3A_1442, %ne3A_1444 : vector<16xi32>
      %jit3A_1446 = arith.constant 1.000000e+00 : f32
      %jit3A_1447 = arith.constant 0.000000e+00 : f32
      %broadcast_in_dim3A_1448 = vector.broadcast %jit3A_1446 : f32 to vector<16xf32>
      %broadcast_in_dim3A_1449 = vector.broadcast %jit3A_1447 : f32 to vector<16xf32>
      %select_n3A_1450 = arith.select %ne3A_1445, %broadcast_in_dim3A_1448, %broadcast_in_dim3A_1449 : vector<16xi1>, vector<16xf32>
      %add3A_1451 = arith.addf %add3A_1355, %select_n3A_1450 : vector<16xf32>
      %broadcast_in_dim3A_1452 = arith.constant 1001 : i32
      %broadcast_in_dim3A_1453 = vector.broadcast %broadcast_in_dim3A_1452 : i32 to vector<16xi32>
      %select_n3A_1454 = arith.select %ne3A_1445, %get3A_1442, %broadcast_in_dim3A_1453 : vector<16xi1>, vector<16xi32>
      %add3A_1455 = arith.constant 0 : i32
      %add3A_1456 = vector.broadcast %add3A_1455 : i32 to vector<16xi32>
      %add3A_1457 = arith.addi %select_n3A_1454, %add3A_1456 : vector<16xi32>
      %gather3A_1458 = tpu.vector_load_idx %arg11[%add3A_1457] : memref<16032xf32, #tpu.memory_space<vmem>>[vector<16xi32>], vector<16xf32>,
      %add3A_1459 = arith.addf %add3A_1363, %gather3A_1458 : vector<16xf32>
      %add3A_1460 = arith.constant 1002 : i32
      %add3A_1461 = vector.broadcast %add3A_1460 : i32 to vector<16xi32>
      %add3A_1462 = arith.addi %select_n3A_1454, %add3A_1461 : vector<16xi32>
      %gather3A_1463 = tpu.vector_load_idx %arg11[%add3A_1462] : memref<16032xf32, #tpu.memory_space<vmem>>[vector<16xi32>], vector<16xf32>,
      %add3A_1464 = arith.addf %add3A_1368, %gather3A_1463 : vector<16xf32>
      %add3A_1465 = arith.constant 2004 : i32
      %add3A_1466 = vector.broadcast %add3A_1465 : i32 to vector<16xi32>
      %add3A_1467 = arith.addi %select_n3A_1454, %add3A_1466 : vector<16xi32>
      %gather3A_1468 = tpu.vector_load_idx %arg11[%add3A_1467] : memref<16032xf32, #tpu.memory_space<vmem>>[vector<16xi32>], vector<16xf32>,
      %add3A_1469 = arith.addf %add3A_1373, %gather3A_1468 : vector<16xf32>
      %add3A_1470 = arith.constant 3006 : i32
      %add3A_1471 = vector.broadcast %add3A_1470 : i32 to vector<16xi32>
      %add3A_1472 = arith.addi %select_n3A_1454, %add3A_1471 : vector<16xi32>
      %gather3A_1473 = tpu.vector_load_idx %arg11[%add3A_1472] : memref<16032xf32, #tpu.memory_space<vmem>>[vector<16xi32>], vector<16xf32>,
      %add3A_1474 = arith.addf %add3A_1378, %gather3A_1473 : vector<16xf32>
      %add3A_1475 = arith.constant 4008 : i32
      %add3A_1476 = vector.broadcast %add3A_1475 : i32 to vector<16xi32>
      %add3A_1477 = arith.addi %select_n3A_1454, %add3A_1476 : vector<16xi32>
      %gather3A_1478 = tpu.vector_load_idx %arg11[%add3A_1477] : memref<16032xf32, #tpu.memory_space<vmem>>[vector<16xi32>], vector<16xf32>,
      %add3A_1479 = arith.addf %add3A_1383, %gather3A_1478 : vector<16xf32>
      %add3A_1480 = arith.constant 5010 : i32
      %add3A_1481 = vector.broadcast %add3A_1480 : i32 to vector<16xi32>
      %add3A_1482 = arith.addi %select_n3A_1454, %add3A_1481 : vector<16xi32>
      %gather3A_1483 = tpu.vector_load_idx %arg11[%add3A_1482] : memref<16032xf32, #tpu.memory_space<vmem>>[vector<16xi32>], vector<16xf32>,
      %add3A_1484 = arith.addf %add3A_1388, %gather3A_1483 : vector<16xf32>
      %add3A_1485 = arith.constant 6012 : i32
      %add3A_1486 = vector.broadcast %add3A_1485 : i32 to vector<16xi32>
      %add3A_1487 = arith.addi %select_n3A_1454, %add3A_1486 : vector<16xi32>
      %gather3A_1488 = tpu.vector_load_idx %arg11[%add3A_1487] : memref<16032xf32, #tpu.memory_space<vmem>>[vector<16xi32>], vector<16xf32>,
      %add3A_1489 = arith.addf %add3A_1393, %gather3A_1488 : vector<16xf32>
      %add3A_1490 = arith.constant 7014 : i32
      %add3A_1491 = vector.broadcast %add3A_1490 : i32 to vector<16xi32>
      %add3A_1492 = arith.addi %select_n3A_1454, %add3A_1491 : vector<16xi32>
      %gather3A_1493 = tpu.vector_load_idx %arg11[%add3A_1492] : memref<16032xf32, #tpu.memory_space<vmem>>[vector<16xi32>], vector<16xf32>,
      %add3A_1494 = arith.addf %add3A_1398, %gather3A_1493 : vector<16xf32>
      %add3A_1495 = arith.constant 8016 : i32
      %add3A_1496 = vector.broadcast %add3A_1495 : i32 to vector<16xi32>
      %add3A_1497 = arith.addi %select_n3A_1454, %add3A_1496 : vector<16xi32>
      %gather3A_1498 = tpu.vector_load_idx %arg11[%add3A_1497] : memref<16032xf32, #tpu.memory_space<vmem>>[vector<16xi32>], vector<16xf32>,
      %add3A_1499 = arith.addf %add3A_1403, %gather3A_1498 : vector<16xf32>
      %add3A_1500 = arith.constant 9018 : i32
      %add3A_1501 = vector.broadcast %add3A_1500 : i32 to vector<16xi32>
      %add3A_1502 = arith.addi %select_n3A_1454, %add3A_1501 : vector<16xi32>
      %gather3A_1503 = tpu.vector_load_idx %arg11[%add3A_1502] : memref<16032xf32, #tpu.memory_space<vmem>>[vector<16xi32>], vector<16xf32>,
      %add3A_1504 = arith.addf %add3A_1408, %gather3A_1503 : vector<16xf32>
      %add3A_1505 = arith.constant 10020 : i32
      %add3A_1506 = vector.broadcast %add3A_1505 : i32 to vector<16xi32>
      %add3A_1507 = arith.addi %select_n3A_1454, %add3A_1506 : vector<16xi32>
      %gather3A_1508 = tpu.vector_load_idx %arg11[%add3A_1507] : memref<16032xf32, #tpu.memory_space<vmem>>[vector<16xi32>], vector<16xf32>,
      %add3A_1509 = arith.addf %add3A_1413, %gather3A_1508 : vector<16xf32>
      %add3A_1510 = arith.constant 11022 : i32
      %add3A_1511 = vector.broadcast %add3A_1510 : i32 to vector<16xi32>
      %add3A_1512 = arith.addi %select_n3A_1454, %add3A_1511 : vector<16xi32>
      %gather3A_1513 = tpu.vector_load_idx %arg11[%add3A_1512] : memref<16032xf32, #tpu.memory_space<vmem>>[vector<16xi32>], vector<16xf32>,
      %add3A_1514 = arith.addf %add3A_1418, %gather3A_1513 : vector<16xf32>
      %add3A_1515 = arith.constant 12024 : i32
      %add3A_1516 = vector.broadcast %add3A_1515 : i32 to vector<16xi32>
      %add3A_1517 = arith.addi %select_n3A_1454, %add3A_1516 : vector<16xi32>
      %gather3A_1518 = tpu.vector_load_idx %arg11[%add3A_1517] : memref<16032xf32, #tpu.memory_space<vmem>>[vector<16xi32>], vector<16xf32>,
      %add3A_1519 = arith.addf %add3A_1423, %gather3A_1518 : vector<16xf32>
      %add3A_1520 = arith.constant 13026 : i32
      %add3A_1521 = vector.broadcast %add3A_1520 : i32 to vector<16xi32>
      %add3A_1522 = arith.addi %select_n3A_1454, %add3A_1521 : vector<16xi32>
      %gather3A_1523 = tpu.vector_load_idx %arg11[%add3A_1522] : memref<16032xf32, #tpu.memory_space<vmem>>[vector<16xi32>], vector<16xf32>,
      %add3A_1524 = arith.addf %add3A_1428, %gather3A_1523 : vector<16xf32>
      %add3A_1525 = arith.constant 14028 : i32
      %add3A_1526 = vector.broadcast %add3A_1525 : i32 to vector<16xi32>
      %add3A_1527 = arith.addi %select_n3A_1454, %add3A_1526 : vector<16xi32>
      %gather3A_1528 = tpu.vector_load_idx %arg11[%add3A_1527] : memref<16032xf32, #tpu.memory_space<vmem>>[vector<16xi32>], vector<16xf32>,
      %add3A_1529 = arith.addf %add3A_1433, %gather3A_1528 : vector<16xf32>
      %add3A_1530 = arith.constant 15030 : i32
      %add3A_1531 = vector.broadcast %add3A_1530 : i32 to vector<16xi32>
      %add3A_1532 = arith.addi %select_n3A_1454, %add3A_1531 : vector<16xi32>
      %gather3A_1533 = tpu.vector_load_idx %arg11[%add3A_1532] : memref<16032xf32, #tpu.memory_space<vmem>>[vector<16xi32>], vector<16xf32>,
      %add3A_1534 = arith.addf %add3A_1438, %gather3A_1533 : vector<16xf32>
      %add3A_1535 = arith.constant 4096 : i32
      %add3A_1536 = arith.addi %add3A_1535, %mul3A_738 : i32
      %get3A_1537 = arith.index_cast %add3A_1536 : i32 to index
      %get3A_1538 = tpu.vector_load %arg10[%get3A_1537] {strides = array<i32>} : memref<10240xi32, #tpu.memory_space<vmem>>, vector<16xi32>,
      %ne3A_1539 = arith.constant 0 : i32
      %ne3A_1540 = vector.broadcast %ne3A_1539 : i32 to vector<16xi32>
      %ne3A_1541 = arith.cmpi ne, %get3A_1538, %ne3A_1540 : vector<16xi32>
      %jit3A_1542 = arith.constant 1.000000e+00 : f32
      %jit3A_1543 = arith.constant 0.000000e+00 : f32
      %broadcast_in_dim3A_1544 = vector.broadcast %jit3A_1542 : f32 to vector<16xf32>
      %broadcast_in_dim3A_1545 = vector.broadcast %jit3A_1543 : f32 to vector<16xf32>
      %select_n3A_1546 = arith.select %ne3A_1541, %broadcast_in_dim3A_1544, %broadcast_in_dim3A_1545 : vector<16xi1>, vector<16xf32>
      %add3A_1547 = arith.addf %add3A_1451, %select_n3A_1546 : vector<16xf32>
      %broadcast_in_dim3A_1548 = arith.constant 1001 : i32
      %broadcast_in_dim3A_1549 = vector.broadcast %broadcast_in_dim3A_1548 : i32 to vector<16xi32>
      %select_n3A_1550 = arith.select %ne3A_1541, %get3A_1538, %broadcast_in_dim3A_1549 : vector<16xi1>, vector<16xi32>
      %add3A_1551 = arith.constant 0 : i32
      %add3A_1552 = vector.broadcast %add3A_1551 : i32 to vector<16xi32>
      %add3A_1553 = arith.addi %select_n3A_1550, %add3A_1552 : vector<16xi32>
      %gather3A_1554 = tpu.vector_load_idx %arg11[%add3A_1553] : memref<16032xf32, #tpu.memory_space<vmem>>[vector<16xi32>], vector<16xf32>,
      %add3A_1555 = arith.addf %add3A_1459, %gather3A_1554 : vector<16xf32>
      %add3A_1556 = arith.constant 1002 : i32
      %add3A_1557 = vector.broadcast %add3A_1556 : i32 to vector<16xi32>
      %add3A_1558 = arith.addi %select_n3A_1550, %add3A_1557 : vector<16xi32>
      %gather3A_1559 = tpu.vector_load_idx %arg11[%add3A_1558] : memref<16032xf32, #tpu.memory_space<vmem>>[vector<16xi32>], vector<16xf32>,
      %add3A_1560 = arith.addf %add3A_1464, %gather3A_1559 : vector<16xf32>
      %add3A_1561 = arith.constant 2004 : i32
      %add3A_1562 = vector.broadcast %add3A_1561 : i32 to vector<16xi32>
      %add3A_1563 = arith.addi %select_n3A_1550, %add3A_1562 : vector<16xi32>
      %gather3A_1564 = tpu.vector_load_idx %arg11[%add3A_1563] : memref<16032xf32, #tpu.memory_space<vmem>>[vector<16xi32>], vector<16xf32>,
      %add3A_1565 = arith.addf %add3A_1469, %gather3A_1564 : vector<16xf32>
      %add3A_1566 = arith.constant 3006 : i32
      %add3A_1567 = vector.broadcast %add3A_1566 : i32 to vector<16xi32>
      %add3A_1568 = arith.addi %select_n3A_1550, %add3A_1567 : vector<16xi32>
      %gather3A_1569 = tpu.vector_load_idx %arg11[%add3A_1568] : memref<16032xf32, #tpu.memory_space<vmem>>[vector<16xi32>], vector<16xf32>,
      %add3A_1570 = arith.addf %add3A_1474, %gather3A_1569 : vector<16xf32>
      %add3A_1571 = arith.constant 4008 : i32
      %add3A_1572 = vector.broadcast %add3A_1571 : i32 to vector<16xi32>
      %add3A_1573 = arith.addi %select_n3A_1550, %add3A_1572 : vector<16xi32>
      %gather3A_1574 = tpu.vector_load_idx %arg11[%add3A_1573] : memref<16032xf32, #tpu.memory_space<vmem>>[vector<16xi32>], vector<16xf32>,
      %add3A_1575 = arith.addf %add3A_1479, %gather3A_1574 : vector<16xf32>
      %add3A_1576 = arith.constant 5010 : i32
      %add3A_1577 = vector.broadcast %add3A_1576 : i32 to vector<16xi32>
      %add3A_1578 = arith.addi %select_n3A_1550, %add3A_1577 : vector<16xi32>
      %gather3A_1579 = tpu.vector_load_idx %arg11[%add3A_1578] : memref<16032xf32, #tpu.memory_space<vmem>>[vector<16xi32>], vector<16xf32>,
      %add3A_1580 = arith.addf %add3A_1484, %gather3A_1579 : vector<16xf32>
      %add3A_1581 = arith.constant 6012 : i32
      %add3A_1582 = vector.broadcast %add3A_1581 : i32 to vector<16xi32>
      %add3A_1583 = arith.addi %select_n3A_1550, %add3A_1582 : vector<16xi32>
      %gather3A_1584 = tpu.vector_load_idx %arg11[%add3A_1583] : memref<16032xf32, #tpu.memory_space<vmem>>[vector<16xi32>], vector<16xf32>,
      %add3A_1585 = arith.addf %add3A_1489, %gather3A_1584 : vector<16xf32>
      %add3A_1586 = arith.constant 7014 : i32
      %add3A_1587 = vector.broadcast %add3A_1586 : i32 to vector<16xi32>
      %add3A_1588 = arith.addi %select_n3A_1550, %add3A_1587 : vector<16xi32>
      %gather3A_1589 = tpu.vector_load_idx %arg11[%add3A_1588] : memref<16032xf32, #tpu.memory_space<vmem>>[vector<16xi32>], vector<16xf32>,
      %add3A_1590 = arith.addf %add3A_1494, %gather3A_1589 : vector<16xf32>
      %add3A_1591 = arith.constant 8016 : i32
      %add3A_1592 = vector.broadcast %add3A_1591 : i32 to vector<16xi32>
      %add3A_1593 = arith.addi %select_n3A_1550, %add3A_1592 : vector<16xi32>
      %gather3A_1594 = tpu.vector_load_idx %arg11[%add3A_1593] : memref<16032xf32, #tpu.memory_space<vmem>>[vector<16xi32>], vector<16xf32>,
      %add3A_1595 = arith.addf %add3A_1499, %gather3A_1594 : vector<16xf32>
      %add3A_1596 = arith.constant 9018 : i32
      %add3A_1597 = vector.broadcast %add3A_1596 : i32 to vector<16xi32>
      %add3A_1598 = arith.addi %select_n3A_1550, %add3A_1597 : vector<16xi32>
      %gather3A_1599 = tpu.vector_load_idx %arg11[%add3A_1598] : memref<16032xf32, #tpu.memory_space<vmem>>[vector<16xi32>], vector<16xf32>,
      %add3A_1600 = arith.addf %add3A_1504, %gather3A_1599 : vector<16xf32>
      %add3A_1601 = arith.constant 10020 : i32
      %add3A_1602 = vector.broadcast %add3A_1601 : i32 to vector<16xi32>
      %add3A_1603 = arith.addi %select_n3A_1550, %add3A_1602 : vector<16xi32>
      %gather3A_1604 = tpu.vector_load_idx %arg11[%add3A_1603] : memref<16032xf32, #tpu.memory_space<vmem>>[vector<16xi32>], vector<16xf32>,
      %add3A_1605 = arith.addf %add3A_1509, %gather3A_1604 : vector<16xf32>
      %add3A_1606 = arith.constant 11022 : i32
      %add3A_1607 = vector.broadcast %add3A_1606 : i32 to vector<16xi32>
      %add3A_1608 = arith.addi %select_n3A_1550, %add3A_1607 : vector<16xi32>
      %gather3A_1609 = tpu.vector_load_idx %arg11[%add3A_1608] : memref<16032xf32, #tpu.memory_space<vmem>>[vector<16xi32>], vector<16xf32>,
      %add3A_1610 = arith.addf %add3A_1514, %gather3A_1609 : vector<16xf32>
      %add3A_1611 = arith.constant 12024 : i32
      %add3A_1612 = vector.broadcast %add3A_1611 : i32 to vector<16xi32>
      %add3A_1613 = arith.addi %select_n3A_1550, %add3A_1612 : vector<16xi32>
      %gather3A_1614 = tpu.vector_load_idx %arg11[%add3A_1613] : memref<16032xf32, #tpu.memory_space<vmem>>[vector<16xi32>], vector<16xf32>,
      %add3A_1615 = arith.addf %add3A_1519, %gather3A_1614 : vector<16xf32>
      %add3A_1616 = arith.constant 13026 : i32
      %add3A_1617 = vector.broadcast %add3A_1616 : i32 to vector<16xi32>
      %add3A_1618 = arith.addi %select_n3A_1550, %add3A_1617 : vector<16xi32>
      %gather3A_1619 = tpu.vector_load_idx %arg11[%add3A_1618] : memref<16032xf32, #tpu.memory_space<vmem>>[vector<16xi32>], vector<16xf32>,
      %add3A_1620 = arith.addf %add3A_1524, %gather3A_1619 : vector<16xf32>
      %add3A_1621 = arith.constant 14028 : i32
      %add3A_1622 = vector.broadcast %add3A_1621 : i32 to vector<16xi32>
      %add3A_1623 = arith.addi %select_n3A_1550, %add3A_1622 : vector<16xi32>
      %gather3A_1624 = tpu.vector_load_idx %arg11[%add3A_1623] : memref<16032xf32, #tpu.memory_space<vmem>>[vector<16xi32>], vector<16xf32>,
      %add3A_1625 = arith.addf %add3A_1529, %gather3A_1624 : vector<16xf32>
      %add3A_1626 = arith.constant 15030 : i32
      %add3A_1627 = vector.broadcast %add3A_1626 : i32 to vector<16xi32>
      %add3A_1628 = arith.addi %select_n3A_1550, %add3A_1627 : vector<16xi32>
      %gather3A_1629 = tpu.vector_load_idx %arg11[%add3A_1628] : memref<16032xf32, #tpu.memory_space<vmem>>[vector<16xi32>], vector<16xf32>,
      %add3A_1630 = arith.addf %add3A_1534, %gather3A_1629 : vector<16xf32>
      %add3A_1631 = arith.constant 4608 : i32
      %add3A_1632 = arith.addi %add3A_1631, %mul3A_738 : i32
      %get3A_1633 = arith.index_cast %add3A_1632 : i32 to index
      %get3A_1634 = tpu.vector_load %arg10[%get3A_1633] {strides = array<i32>} : memref<10240xi32, #tpu.memory_space<vmem>>, vector<16xi32>,
      %ne3A_1635 = arith.constant 0 : i32
      %ne3A_1636 = vector.broadcast %ne3A_1635 : i32 to vector<16xi32>
      %ne3A_1637 = arith.cmpi ne, %get3A_1634, %ne3A_1636 : vector<16xi32>
      %jit3A_1638 = arith.constant 1.000000e+00 : f32
      %jit3A_1639 = arith.constant 0.000000e+00 : f32
      %broadcast_in_dim3A_1640 = vector.broadcast %jit3A_1638 : f32 to vector<16xf32>
      %broadcast_in_dim3A_1641 = vector.broadcast %jit3A_1639 : f32 to vector<16xf32>
      %select_n3A_1642 = arith.select %ne3A_1637, %broadcast_in_dim3A_1640, %broadcast_in_dim3A_1641 : vector<16xi1>, vector<16xf32>
      %add3A_1643 = arith.addf %add3A_1547, %select_n3A_1642 : vector<16xf32>
      %broadcast_in_dim3A_1644 = arith.constant 1001 : i32
      %broadcast_in_dim3A_1645 = vector.broadcast %broadcast_in_dim3A_1644 : i32 to vector<16xi32>
      %select_n3A_1646 = arith.select %ne3A_1637, %get3A_1634, %broadcast_in_dim3A_1645 : vector<16xi1>, vector<16xi32>
      %add3A_1647 = arith.constant 0 : i32
      %add3A_1648 = vector.broadcast %add3A_1647 : i32 to vector<16xi32>
      %add3A_1649 = arith.addi %select_n3A_1646, %add3A_1648 : vector<16xi32>
      %gather3A_1650 = tpu.vector_load_idx %arg11[%add3A_1649] : memref<16032xf32, #tpu.memory_space<vmem>>[vector<16xi32>], vector<16xf32>,
      %add3A_1651 = arith.addf %add3A_1555, %gather3A_1650 : vector<16xf32>
      %add3A_1652 = arith.constant 1002 : i32
      %add3A_1653 = vector.broadcast %add3A_1652 : i32 to vector<16xi32>
      %add3A_1654 = arith.addi %select_n3A_1646, %add3A_1653 : vector<16xi32>
      %gather3A_1655 = tpu.vector_load_idx %arg11[%add3A_1654] : memref<16032xf32, #tpu.memory_space<vmem>>[vector<16xi32>], vector<16xf32>,
      %add3A_1656 = arith.addf %add3A_1560, %gather3A_1655 : vector<16xf32>
      %add3A_1657 = arith.constant 2004 : i32
      %add3A_1658 = vector.broadcast %add3A_1657 : i32 to vector<16xi32>
      %add3A_1659 = arith.addi %select_n3A_1646, %add3A_1658 : vector<16xi32>
      %gather3A_1660 = tpu.vector_load_idx %arg11[%add3A_1659] : memref<16032xf32, #tpu.memory_space<vmem>>[vector<16xi32>], vector<16xf32>,
      %add3A_1661 = arith.addf %add3A_1565, %gather3A_1660 : vector<16xf32>
      %add3A_1662 = arith.constant 3006 : i32
      %add3A_1663 = vector.broadcast %add3A_1662 : i32 to vector<16xi32>
      %add3A_1664 = arith.addi %select_n3A_1646, %add3A_1663 : vector<16xi32>
      %gather3A_1665 = tpu.vector_load_idx %arg11[%add3A_1664] : memref<16032xf32, #tpu.memory_space<vmem>>[vector<16xi32>], vector<16xf32>,
      %add3A_1666 = arith.addf %add3A_1570, %gather3A_1665 : vector<16xf32>
      %add3A_1667 = arith.constant 4008 : i32
      %add3A_1668 = vector.broadcast %add3A_1667 : i32 to vector<16xi32>
      %add3A_1669 = arith.addi %select_n3A_1646, %add3A_1668 : vector<16xi32>
      %gather3A_1670 = tpu.vector_load_idx %arg11[%add3A_1669] : memref<16032xf32, #tpu.memory_space<vmem>>[vector<16xi32>], vector<16xf32>,
      %add3A_1671 = arith.addf %add3A_1575, %gather3A_1670 : vector<16xf32>
      %add3A_1672 = arith.constant 5010 : i32
      %add3A_1673 = vector.broadcast %add3A_1672 : i32 to vector<16xi32>
      %add3A_1674 = arith.addi %select_n3A_1646, %add3A_1673 : vector<16xi32>
      %gather3A_1675 = tpu.vector_load_idx %arg11[%add3A_1674] : memref<16032xf32, #tpu.memory_space<vmem>>[vector<16xi32>], vector<16xf32>,
      %add3A_1676 = arith.addf %add3A_1580, %gather3A_1675 : vector<16xf32>
      %add3A_1677 = arith.constant 6012 : i32
      %add3A_1678 = vector.broadcast %add3A_1677 : i32 to vector<16xi32>
      %add3A_1679 = arith.addi %select_n3A_1646, %add3A_1678 : vector<16xi32>
      %gather3A_1680 = tpu.vector_load_idx %arg11[%add3A_1679] : memref<16032xf32, #tpu.memory_space<vmem>>[vector<16xi32>], vector<16xf32>,
      %add3A_1681 = arith.addf %add3A_1585, %gather3A_1680 : vector<16xf32>
      %add3A_1682 = arith.constant 7014 : i32
      %add3A_1683 = vector.broadcast %add3A_1682 : i32 to vector<16xi32>
      %add3A_1684 = arith.addi %select_n3A_1646, %add3A_1683 : vector<16xi32>
      %gather3A_1685 = tpu.vector_load_idx %arg11[%add3A_1684] : memref<16032xf32, #tpu.memory_space<vmem>>[vector<16xi32>], vector<16xf32>,
      %add3A_1686 = arith.addf %add3A_1590, %gather3A_1685 : vector<16xf32>
      %add3A_1687 = arith.constant 8016 : i32
      %add3A_1688 = vector.broadcast %add3A_1687 : i32 to vector<16xi32>
      %add3A_1689 = arith.addi %select_n3A_1646, %add3A_1688 : vector<16xi32>
      %gather3A_1690 = tpu.vector_load_idx %arg11[%add3A_1689] : memref<16032xf32, #tpu.memory_space<vmem>>[vector<16xi32>], vector<16xf32>,
      %add3A_1691 = arith.addf %add3A_1595, %gather3A_1690 : vector<16xf32>
      %add3A_1692 = arith.constant 9018 : i32
      %add3A_1693 = vector.broadcast %add3A_1692 : i32 to vector<16xi32>
      %add3A_1694 = arith.addi %select_n3A_1646, %add3A_1693 : vector<16xi32>
      %gather3A_1695 = tpu.vector_load_idx %arg11[%add3A_1694] : memref<16032xf32, #tpu.memory_space<vmem>>[vector<16xi32>], vector<16xf32>,
      %add3A_1696 = arith.addf %add3A_1600, %gather3A_1695 : vector<16xf32>
      %add3A_1697 = arith.constant 10020 : i32
      %add3A_1698 = vector.broadcast %add3A_1697 : i32 to vector<16xi32>
      %add3A_1699 = arith.addi %select_n3A_1646, %add3A_1698 : vector<16xi32>
      %gather3A_1700 = tpu.vector_load_idx %arg11[%add3A_1699] : memref<16032xf32, #tpu.memory_space<vmem>>[vector<16xi32>], vector<16xf32>,
      %add3A_1701 = arith.addf %add3A_1605, %gather3A_1700 : vector<16xf32>
      %add3A_1702 = arith.constant 11022 : i32
      %add3A_1703 = vector.broadcast %add3A_1702 : i32 to vector<16xi32>
      %add3A_1704 = arith.addi %select_n3A_1646, %add3A_1703 : vector<16xi32>
      %gather3A_1705 = tpu.vector_load_idx %arg11[%add3A_1704] : memref<16032xf32, #tpu.memory_space<vmem>>[vector<16xi32>], vector<16xf32>,
      %add3A_1706 = arith.addf %add3A_1610, %gather3A_1705 : vector<16xf32>
      %add3A_1707 = arith.constant 12024 : i32
      %add3A_1708 = vector.broadcast %add3A_1707 : i32 to vector<16xi32>
      %add3A_1709 = arith.addi %select_n3A_1646, %add3A_1708 : vector<16xi32>
      %gather3A_1710 = tpu.vector_load_idx %arg11[%add3A_1709] : memref<16032xf32, #tpu.memory_space<vmem>>[vector<16xi32>], vector<16xf32>,
      %add3A_1711 = arith.addf %add3A_1615, %gather3A_1710 : vector<16xf32>
      %add3A_1712 = arith.constant 13026 : i32
      %add3A_1713 = vector.broadcast %add3A_1712 : i32 to vector<16xi32>
      %add3A_1714 = arith.addi %select_n3A_1646, %add3A_1713 : vector<16xi32>
      %gather3A_1715 = tpu.vector_load_idx %arg11[%add3A_1714] : memref<16032xf32, #tpu.memory_space<vmem>>[vector<16xi32>], vector<16xf32>,
      %add3A_1716 = arith.addf %add3A_1620, %gather3A_1715 : vector<16xf32>
      %add3A_1717 = arith.constant 14028 : i32
      %add3A_1718 = vector.broadcast %add3A_1717 : i32 to vector<16xi32>
      %add3A_1719 = arith.addi %select_n3A_1646, %add3A_1718 : vector<16xi32>
      %gather3A_1720 = tpu.vector_load_idx %arg11[%add3A_1719] : memref<16032xf32, #tpu.memory_space<vmem>>[vector<16xi32>], vector<16xf32>,
      %add3A_1721 = arith.addf %add3A_1625, %gather3A_1720 : vector<16xf32>
      %add3A_1722 = arith.constant 15030 : i32
      %add3A_1723 = vector.broadcast %add3A_1722 : i32 to vector<16xi32>
      %add3A_1724 = arith.addi %select_n3A_1646, %add3A_1723 : vector<16xi32>
      %gather3A_1725 = tpu.vector_load_idx %arg11[%add3A_1724] : memref<16032xf32, #tpu.memory_space<vmem>>[vector<16xi32>], vector<16xf32>,
      %add3A_1726 = arith.addf %add3A_1630, %gather3A_1725 : vector<16xf32>
      %add3A_1727 = arith.constant 5120 : i32
      %add3A_1728 = arith.addi %add3A_1727, %mul3A_738 : i32
      %get3A_1729 = arith.index_cast %add3A_1728 : i32 to index
      %get3A_1730 = tpu.vector_load %arg10[%get3A_1729] {strides = array<i32>} : memref<10240xi32, #tpu.memory_space<vmem>>, vector<16xi32>,
      %ne3A_1731 = arith.constant 0 : i32
      %ne3A_1732 = vector.broadcast %ne3A_1731 : i32 to vector<16xi32>
      %ne3A_1733 = arith.cmpi ne, %get3A_1730, %ne3A_1732 : vector<16xi32>
      %jit3A_1734 = arith.constant 1.000000e+00 : f32
      %jit3A_1735 = arith.constant 0.000000e+00 : f32
      %broadcast_in_dim3A_1736 = vector.broadcast %jit3A_1734 : f32 to vector<16xf32>
      %broadcast_in_dim3A_1737 = vector.broadcast %jit3A_1735 : f32 to vector<16xf32>
      %select_n3A_1738 = arith.select %ne3A_1733, %broadcast_in_dim3A_1736, %broadcast_in_dim3A_1737 : vector<16xi1>, vector<16xf32>
      %add3A_1739 = arith.addf %add3A_1643, %select_n3A_1738 : vector<16xf32>
      %broadcast_in_dim3A_1740 = arith.constant 1001 : i32
      %broadcast_in_dim3A_1741 = vector.broadcast %broadcast_in_dim3A_1740 : i32 to vector<16xi32>
      %select_n3A_1742 = arith.select %ne3A_1733, %get3A_1730, %broadcast_in_dim3A_1741 : vector<16xi1>, vector<16xi32>
      %add3A_1743 = arith.constant 0 : i32
      %add3A_1744 = vector.broadcast %add3A_1743 : i32 to vector<16xi32>
      %add3A_1745 = arith.addi %select_n3A_1742, %add3A_1744 : vector<16xi32>
      %gather3A_1746 = tpu.vector_load_idx %arg11[%add3A_1745] : memref<16032xf32, #tpu.memory_space<vmem>>[vector<16xi32>], vector<16xf32>,
      %add3A_1747 = arith.addf %add3A_1651, %gather3A_1746 : vector<16xf32>
      %add3A_1748 = arith.constant 1002 : i32
      %add3A_1749 = vector.broadcast %add3A_1748 : i32 to vector<16xi32>
      %add3A_1750 = arith.addi %select_n3A_1742, %add3A_1749 : vector<16xi32>
      %gather3A_1751 = tpu.vector_load_idx %arg11[%add3A_1750] : memref<16032xf32, #tpu.memory_space<vmem>>[vector<16xi32>], vector<16xf32>,
      %add3A_1752 = arith.addf %add3A_1656, %gather3A_1751 : vector<16xf32>
      %add3A_1753 = arith.constant 2004 : i32
      %add3A_1754 = vector.broadcast %add3A_1753 : i32 to vector<16xi32>
      %add3A_1755 = arith.addi %select_n3A_1742, %add3A_1754 : vector<16xi32>
      %gather3A_1756 = tpu.vector_load_idx %arg11[%add3A_1755] : memref<16032xf32, #tpu.memory_space<vmem>>[vector<16xi32>], vector<16xf32>,
      %add3A_1757 = arith.addf %add3A_1661, %gather3A_1756 : vector<16xf32>
      %add3A_1758 = arith.constant 3006 : i32
      %add3A_1759 = vector.broadcast %add3A_1758 : i32 to vector<16xi32>
      %add3A_1760 = arith.addi %select_n3A_1742, %add3A_1759 : vector<16xi32>
      %gather3A_1761 = tpu.vector_load_idx %arg11[%add3A_1760] : memref<16032xf32, #tpu.memory_space<vmem>>[vector<16xi32>], vector<16xf32>,
      %add3A_1762 = arith.addf %add3A_1666, %gather3A_1761 : vector<16xf32>
      %add3A_1763 = arith.constant 4008 : i32
      %add3A_1764 = vector.broadcast %add3A_1763 : i32 to vector<16xi32>
      %add3A_1765 = arith.addi %select_n3A_1742, %add3A_1764 : vector<16xi32>
      %gather3A_1766 = tpu.vector_load_idx %arg11[%add3A_1765] : memref<16032xf32, #tpu.memory_space<vmem>>[vector<16xi32>], vector<16xf32>,
      %add3A_1767 = arith.addf %add3A_1671, %gather3A_1766 : vector<16xf32>
      %add3A_1768 = arith.constant 5010 : i32
      %add3A_1769 = vector.broadcast %add3A_1768 : i32 to vector<16xi32>
      %add3A_1770 = arith.addi %select_n3A_1742, %add3A_1769 : vector<16xi32>
      %gather3A_1771 = tpu.vector_load_idx %arg11[%add3A_1770] : memref<16032xf32, #tpu.memory_space<vmem>>[vector<16xi32>], vector<16xf32>,
      %add3A_1772 = arith.addf %add3A_1676, %gather3A_1771 : vector<16xf32>
      %add3A_1773 = arith.constant 6012 : i32
      %add3A_1774 = vector.broadcast %add3A_1773 : i32 to vector<16xi32>
      %add3A_1775 = arith.addi %select_n3A_1742, %add3A_1774 : vector<16xi32>
      %gather3A_1776 = tpu.vector_load_idx %arg11[%add3A_1775] : memref<16032xf32, #tpu.memory_space<vmem>>[vector<16xi32>], vector<16xf32>,
      %add3A_1777 = arith.addf %add3A_1681, %gather3A_1776 : vector<16xf32>
      %add3A_1778 = arith.constant 7014 : i32
      %add3A_1779 = vector.broadcast %add3A_1778 : i32 to vector<16xi32>
      %add3A_1780 = arith.addi %select_n3A_1742, %add3A_1779 : vector<16xi32>
      %gather3A_1781 = tpu.vector_load_idx %arg11[%add3A_1780] : memref<16032xf32, #tpu.memory_space<vmem>>[vector<16xi32>], vector<16xf32>,
      %add3A_1782 = arith.addf %add3A_1686, %gather3A_1781 : vector<16xf32>
      %add3A_1783 = arith.constant 8016 : i32
      %add3A_1784 = vector.broadcast %add3A_1783 : i32 to vector<16xi32>
      %add3A_1785 = arith.addi %select_n3A_1742, %add3A_1784 : vector<16xi32>
      %gather3A_1786 = tpu.vector_load_idx %arg11[%add3A_1785] : memref<16032xf32, #tpu.memory_space<vmem>>[vector<16xi32>], vector<16xf32>,
      %add3A_1787 = arith.addf %add3A_1691, %gather3A_1786 : vector<16xf32>
      %add3A_1788 = arith.constant 9018 : i32
      %add3A_1789 = vector.broadcast %add3A_1788 : i32 to vector<16xi32>
      %add3A_1790 = arith.addi %select_n3A_1742, %add3A_1789 : vector<16xi32>
      %gather3A_1791 = tpu.vector_load_idx %arg11[%add3A_1790] : memref<16032xf32, #tpu.memory_space<vmem>>[vector<16xi32>], vector<16xf32>,
      %add3A_1792 = arith.addf %add3A_1696, %gather3A_1791 : vector<16xf32>
      %add3A_1793 = arith.constant 10020 : i32
      %add3A_1794 = vector.broadcast %add3A_1793 : i32 to vector<16xi32>
      %add3A_1795 = arith.addi %select_n3A_1742, %add3A_1794 : vector<16xi32>
      %gather3A_1796 = tpu.vector_load_idx %arg11[%add3A_1795] : memref<16032xf32, #tpu.memory_space<vmem>>[vector<16xi32>], vector<16xf32>,
      %add3A_1797 = arith.addf %add3A_1701, %gather3A_1796 : vector<16xf32>
      %add3A_1798 = arith.constant 11022 : i32
      %add3A_1799 = vector.broadcast %add3A_1798 : i32 to vector<16xi32>
      %add3A_1800 = arith.addi %select_n3A_1742, %add3A_1799 : vector<16xi32>
      %gather3A_1801 = tpu.vector_load_idx %arg11[%add3A_1800] : memref<16032xf32, #tpu.memory_space<vmem>>[vector<16xi32>], vector<16xf32>,
      %add3A_1802 = arith.addf %add3A_1706, %gather3A_1801 : vector<16xf32>
      %add3A_1803 = arith.constant 12024 : i32
      %add3A_1804 = vector.broadcast %add3A_1803 : i32 to vector<16xi32>
      %add3A_1805 = arith.addi %select_n3A_1742, %add3A_1804 : vector<16xi32>
      %gather3A_1806 = tpu.vector_load_idx %arg11[%add3A_1805] : memref<16032xf32, #tpu.memory_space<vmem>>[vector<16xi32>], vector<16xf32>,
      %add3A_1807 = arith.addf %add3A_1711, %gather3A_1806 : vector<16xf32>
      %add3A_1808 = arith.constant 13026 : i32
      %add3A_1809 = vector.broadcast %add3A_1808 : i32 to vector<16xi32>
      %add3A_1810 = arith.addi %select_n3A_1742, %add3A_1809 : vector<16xi32>
      %gather3A_1811 = tpu.vector_load_idx %arg11[%add3A_1810] : memref<16032xf32, #tpu.memory_space<vmem>>[vector<16xi32>], vector<16xf32>,
      %add3A_1812 = arith.addf %add3A_1716, %gather3A_1811 : vector<16xf32>
      %add3A_1813 = arith.constant 14028 : i32
      %add3A_1814 = vector.broadcast %add3A_1813 : i32 to vector<16xi32>
      %add3A_1815 = arith.addi %select_n3A_1742, %add3A_1814 : vector<16xi32>
      %gather3A_1816 = tpu.vector_load_idx %arg11[%add3A_1815] : memref<16032xf32, #tpu.memory_space<vmem>>[vector<16xi32>], vector<16xf32>,
      %add3A_1817 = arith.addf %add3A_1721, %gather3A_1816 : vector<16xf32>
      %add3A_1818 = arith.constant 15030 : i32
      %add3A_1819 = vector.broadcast %add3A_1818 : i32 to vector<16xi32>
      %add3A_1820 = arith.addi %select_n3A_1742, %add3A_1819 : vector<16xi32>
      %gather3A_1821 = tpu.vector_load_idx %arg11[%add3A_1820] : memref<16032xf32, #tpu.memory_space<vmem>>[vector<16xi32>], vector<16xf32>,
      %add3A_1822 = arith.addf %add3A_1726, %gather3A_1821 : vector<16xf32>
      %add3A_1823 = arith.constant 5632 : i32
      %add3A_1824 = arith.addi %add3A_1823, %mul3A_738 : i32
      %get3A_1825 = arith.index_cast %add3A_1824 : i32 to index
      %get3A_1826 = tpu.vector_load %arg10[%get3A_1825] {strides = array<i32>} : memref<10240xi32, #tpu.memory_space<vmem>>, vector<16xi32>,
      %ne3A_1827 = arith.constant 0 : i32
      %ne3A_1828 = vector.broadcast %ne3A_1827 : i32 to vector<16xi32>
      %ne3A_1829 = arith.cmpi ne, %get3A_1826, %ne3A_1828 : vector<16xi32>
      %jit3A_1830 = arith.constant 1.000000e+00 : f32
      %jit3A_1831 = arith.constant 0.000000e+00 : f32
      %broadcast_in_dim3A_1832 = vector.broadcast %jit3A_1830 : f32 to vector<16xf32>
      %broadcast_in_dim3A_1833 = vector.broadcast %jit3A_1831 : f32 to vector<16xf32>
      %select_n3A_1834 = arith.select %ne3A_1829, %broadcast_in_dim3A_1832, %broadcast_in_dim3A_1833 : vector<16xi1>, vector<16xf32>
      %add3A_1835 = arith.addf %add3A_1739, %select_n3A_1834 : vector<16xf32>
      %broadcast_in_dim3A_1836 = arith.constant 1001 : i32
      %broadcast_in_dim3A_1837 = vector.broadcast %broadcast_in_dim3A_1836 : i32 to vector<16xi32>
      %select_n3A_1838 = arith.select %ne3A_1829, %get3A_1826, %broadcast_in_dim3A_1837 : vector<16xi1>, vector<16xi32>
      %add3A_1839 = arith.constant 0 : i32
      %add3A_1840 = vector.broadcast %add3A_1839 : i32 to vector<16xi32>
      %add3A_1841 = arith.addi %select_n3A_1838, %add3A_1840 : vector<16xi32>
      %gather3A_1842 = tpu.vector_load_idx %arg11[%add3A_1841] : memref<16032xf32, #tpu.memory_space<vmem>>[vector<16xi32>], vector<16xf32>,
      %add3A_1843 = arith.addf %add3A_1747, %gather3A_1842 : vector<16xf32>
      %add3A_1844 = arith.constant 1002 : i32
      %add3A_1845 = vector.broadcast %add3A_1844 : i32 to vector<16xi32>
      %add3A_1846 = arith.addi %select_n3A_1838, %add3A_1845 : vector<16xi32>
      %gather3A_1847 = tpu.vector_load_idx %arg11[%add3A_1846] : memref<16032xf32, #tpu.memory_space<vmem>>[vector<16xi32>], vector<16xf32>,
      %add3A_1848 = arith.addf %add3A_1752, %gather3A_1847 : vector<16xf32>
      %add3A_1849 = arith.constant 2004 : i32
      %add3A_1850 = vector.broadcast %add3A_1849 : i32 to vector<16xi32>
      %add3A_1851 = arith.addi %select_n3A_1838, %add3A_1850 : vector<16xi32>
      %gather3A_1852 = tpu.vector_load_idx %arg11[%add3A_1851] : memref<16032xf32, #tpu.memory_space<vmem>>[vector<16xi32>], vector<16xf32>,
      %add3A_1853 = arith.addf %add3A_1757, %gather3A_1852 : vector<16xf32>
      %add3A_1854 = arith.constant 3006 : i32
      %add3A_1855 = vector.broadcast %add3A_1854 : i32 to vector<16xi32>
      %add3A_1856 = arith.addi %select_n3A_1838, %add3A_1855 : vector<16xi32>
      %gather3A_1857 = tpu.vector_load_idx %arg11[%add3A_1856] : memref<16032xf32, #tpu.memory_space<vmem>>[vector<16xi32>], vector<16xf32>,
      %add3A_1858 = arith.addf %add3A_1762, %gather3A_1857 : vector<16xf32>
      %add3A_1859 = arith.constant 4008 : i32
      %add3A_1860 = vector.broadcast %add3A_1859 : i32 to vector<16xi32>
      %add3A_1861 = arith.addi %select_n3A_1838, %add3A_1860 : vector<16xi32>
      %gather3A_1862 = tpu.vector_load_idx %arg11[%add3A_1861] : memref<16032xf32, #tpu.memory_space<vmem>>[vector<16xi32>], vector<16xf32>,
      %add3A_1863 = arith.addf %add3A_1767, %gather3A_1862 : vector<16xf32>
      %add3A_1864 = arith.constant 5010 : i32
      %add3A_1865 = vector.broadcast %add3A_1864 : i32 to vector<16xi32>
      %add3A_1866 = arith.addi %select_n3A_1838, %add3A_1865 : vector<16xi32>
      %gather3A_1867 = tpu.vector_load_idx %arg11[%add3A_1866] : memref<16032xf32, #tpu.memory_space<vmem>>[vector<16xi32>], vector<16xf32>,
      %add3A_1868 = arith.addf %add3A_1772, %gather3A_1867 : vector<16xf32>
      %add3A_1869 = arith.constant 6012 : i32
      %add3A_1870 = vector.broadcast %add3A_1869 : i32 to vector<16xi32>
      %add3A_1871 = arith.addi %select_n3A_1838, %add3A_1870 : vector<16xi32>
      %gather3A_1872 = tpu.vector_load_idx %arg11[%add3A_1871] : memref<16032xf32, #tpu.memory_space<vmem>>[vector<16xi32>], vector<16xf32>,
      %add3A_1873 = arith.addf %add3A_1777, %gather3A_1872 : vector<16xf32>
      %add3A_1874 = arith.constant 7014 : i32
      %add3A_1875 = vector.broadcast %add3A_1874 : i32 to vector<16xi32>
      %add3A_1876 = arith.addi %select_n3A_1838, %add3A_1875 : vector<16xi32>
      %gather3A_1877 = tpu.vector_load_idx %arg11[%add3A_1876] : memref<16032xf32, #tpu.memory_space<vmem>>[vector<16xi32>], vector<16xf32>,
      %add3A_1878 = arith.addf %add3A_1782, %gather3A_1877 : vector<16xf32>
      %add3A_1879 = arith.constant 8016 : i32
      %add3A_1880 = vector.broadcast %add3A_1879 : i32 to vector<16xi32>
      %add3A_1881 = arith.addi %select_n3A_1838, %add3A_1880 : vector<16xi32>
      %gather3A_1882 = tpu.vector_load_idx %arg11[%add3A_1881] : memref<16032xf32, #tpu.memory_space<vmem>>[vector<16xi32>], vector<16xf32>,
      %add3A_1883 = arith.addf %add3A_1787, %gather3A_1882 : vector<16xf32>
      %add3A_1884 = arith.constant 9018 : i32
      %add3A_1885 = vector.broadcast %add3A_1884 : i32 to vector<16xi32>
      %add3A_1886 = arith.addi %select_n3A_1838, %add3A_1885 : vector<16xi32>
      %gather3A_1887 = tpu.vector_load_idx %arg11[%add3A_1886] : memref<16032xf32, #tpu.memory_space<vmem>>[vector<16xi32>], vector<16xf32>,
      %add3A_1888 = arith.addf %add3A_1792, %gather3A_1887 : vector<16xf32>
      %add3A_1889 = arith.constant 10020 : i32
      %add3A_1890 = vector.broadcast %add3A_1889 : i32 to vector<16xi32>
      %add3A_1891 = arith.addi %select_n3A_1838, %add3A_1890 : vector<16xi32>
      %gather3A_1892 = tpu.vector_load_idx %arg11[%add3A_1891] : memref<16032xf32, #tpu.memory_space<vmem>>[vector<16xi32>], vector<16xf32>,
      %add3A_1893 = arith.addf %add3A_1797, %gather3A_1892 : vector<16xf32>
      %add3A_1894 = arith.constant 11022 : i32
      %add3A_1895 = vector.broadcast %add3A_1894 : i32 to vector<16xi32>
      %add3A_1896 = arith.addi %select_n3A_1838, %add3A_1895 : vector<16xi32>
      %gather3A_1897 = tpu.vector_load_idx %arg11[%add3A_1896] : memref<16032xf32, #tpu.memory_space<vmem>>[vector<16xi32>], vector<16xf32>,
      %add3A_1898 = arith.addf %add3A_1802, %gather3A_1897 : vector<16xf32>
      %add3A_1899 = arith.constant 12024 : i32
      %add3A_1900 = vector.broadcast %add3A_1899 : i32 to vector<16xi32>
      %add3A_1901 = arith.addi %select_n3A_1838, %add3A_1900 : vector<16xi32>
      %gather3A_1902 = tpu.vector_load_idx %arg11[%add3A_1901] : memref<16032xf32, #tpu.memory_space<vmem>>[vector<16xi32>], vector<16xf32>,
      %add3A_1903 = arith.addf %add3A_1807, %gather3A_1902 : vector<16xf32>
      %add3A_1904 = arith.constant 13026 : i32
      %add3A_1905 = vector.broadcast %add3A_1904 : i32 to vector<16xi32>
      %add3A_1906 = arith.addi %select_n3A_1838, %add3A_1905 : vector<16xi32>
      %gather3A_1907 = tpu.vector_load_idx %arg11[%add3A_1906] : memref<16032xf32, #tpu.memory_space<vmem>>[vector<16xi32>], vector<16xf32>,
      %add3A_1908 = arith.addf %add3A_1812, %gather3A_1907 : vector<16xf32>
      %add3A_1909 = arith.constant 14028 : i32
      %add3A_1910 = vector.broadcast %add3A_1909 : i32 to vector<16xi32>
      %add3A_1911 = arith.addi %select_n3A_1838, %add3A_1910 : vector<16xi32>
      %gather3A_1912 = tpu.vector_load_idx %arg11[%add3A_1911] : memref<16032xf32, #tpu.memory_space<vmem>>[vector<16xi32>], vector<16xf32>,
      %add3A_1913 = arith.addf %add3A_1817, %gather3A_1912 : vector<16xf32>
      %add3A_1914 = arith.constant 15030 : i32
      %add3A_1915 = vector.broadcast %add3A_1914 : i32 to vector<16xi32>
      %add3A_1916 = arith.addi %select_n3A_1838, %add3A_1915 : vector<16xi32>
      %gather3A_1917 = tpu.vector_load_idx %arg11[%add3A_1916] : memref<16032xf32, #tpu.memory_space<vmem>>[vector<16xi32>], vector<16xf32>,
      %add3A_1918 = arith.addf %add3A_1822, %gather3A_1917 : vector<16xf32>
      %add3A_1919 = arith.constant 6144 : i32
      %add3A_1920 = arith.addi %add3A_1919, %mul3A_738 : i32
      %get3A_1921 = arith.index_cast %add3A_1920 : i32 to index
      %get3A_1922 = tpu.vector_load %arg10[%get3A_1921] {strides = array<i32>} : memref<10240xi32, #tpu.memory_space<vmem>>, vector<16xi32>,
      %ne3A_1923 = arith.constant 0 : i32
      %ne3A_1924 = vector.broadcast %ne3A_1923 : i32 to vector<16xi32>
      %ne3A_1925 = arith.cmpi ne, %get3A_1922, %ne3A_1924 : vector<16xi32>
      %jit3A_1926 = arith.constant 1.000000e+00 : f32
      %jit3A_1927 = arith.constant 0.000000e+00 : f32
      %broadcast_in_dim3A_1928 = vector.broadcast %jit3A_1926 : f32 to vector<16xf32>
      %broadcast_in_dim3A_1929 = vector.broadcast %jit3A_1927 : f32 to vector<16xf32>
      %select_n3A_1930 = arith.select %ne3A_1925, %broadcast_in_dim3A_1928, %broadcast_in_dim3A_1929 : vector<16xi1>, vector<16xf32>
      %add3A_1931 = arith.addf %add3A_1835, %select_n3A_1930 : vector<16xf32>
      %broadcast_in_dim3A_1932 = arith.constant 1001 : i32
      %broadcast_in_dim3A_1933 = vector.broadcast %broadcast_in_dim3A_1932 : i32 to vector<16xi32>
      %select_n3A_1934 = arith.select %ne3A_1925, %get3A_1922, %broadcast_in_dim3A_1933 : vector<16xi1>, vector<16xi32>
      %add3A_1935 = arith.constant 0 : i32
      %add3A_1936 = vector.broadcast %add3A_1935 : i32 to vector<16xi32>
      %add3A_1937 = arith.addi %select_n3A_1934, %add3A_1936 : vector<16xi32>
      %gather3A_1938 = tpu.vector_load_idx %arg11[%add3A_1937] : memref<16032xf32, #tpu.memory_space<vmem>>[vector<16xi32>], vector<16xf32>,
      %add3A_1939 = arith.addf %add3A_1843, %gather3A_1938 : vector<16xf32>
      %add3A_1940 = arith.constant 1002 : i32
      %add3A_1941 = vector.broadcast %add3A_1940 : i32 to vector<16xi32>
      %add3A_1942 = arith.addi %select_n3A_1934, %add3A_1941 : vector<16xi32>
      %gather3A_1943 = tpu.vector_load_idx %arg11[%add3A_1942] : memref<16032xf32, #tpu.memory_space<vmem>>[vector<16xi32>], vector<16xf32>,
      %add3A_1944 = arith.addf %add3A_1848, %gather3A_1943 : vector<16xf32>
      %add3A_1945 = arith.constant 2004 : i32
      %add3A_1946 = vector.broadcast %add3A_1945 : i32 to vector<16xi32>
      %add3A_1947 = arith.addi %select_n3A_1934, %add3A_1946 : vector<16xi32>
      %gather3A_1948 = tpu.vector_load_idx %arg11[%add3A_1947] : memref<16032xf32, #tpu.memory_space<vmem>>[vector<16xi32>], vector<16xf32>,
      %add3A_1949 = arith.addf %add3A_1853, %gather3A_1948 : vector<16xf32>
      %add3A_1950 = arith.constant 3006 : i32
      %add3A_1951 = vector.broadcast %add3A_1950 : i32 to vector<16xi32>
      %add3A_1952 = arith.addi %select_n3A_1934, %add3A_1951 : vector<16xi32>
      %gather3A_1953 = tpu.vector_load_idx %arg11[%add3A_1952] : memref<16032xf32, #tpu.memory_space<vmem>>[vector<16xi32>], vector<16xf32>,
      %add3A_1954 = arith.addf %add3A_1858, %gather3A_1953 : vector<16xf32>
      %add3A_1955 = arith.constant 4008 : i32
      %add3A_1956 = vector.broadcast %add3A_1955 : i32 to vector<16xi32>
      %add3A_1957 = arith.addi %select_n3A_1934, %add3A_1956 : vector<16xi32>
      %gather3A_1958 = tpu.vector_load_idx %arg11[%add3A_1957] : memref<16032xf32, #tpu.memory_space<vmem>>[vector<16xi32>], vector<16xf32>,
      %add3A_1959 = arith.addf %add3A_1863, %gather3A_1958 : vector<16xf32>
      %add3A_1960 = arith.constant 5010 : i32
      %add3A_1961 = vector.broadcast %add3A_1960 : i32 to vector<16xi32>
      %add3A_1962 = arith.addi %select_n3A_1934, %add3A_1961 : vector<16xi32>
      %gather3A_1963 = tpu.vector_load_idx %arg11[%add3A_1962] : memref<16032xf32, #tpu.memory_space<vmem>>[vector<16xi32>], vector<16xf32>,
      %add3A_1964 = arith.addf %add3A_1868, %gather3A_1963 : vector<16xf32>
      %add3A_1965 = arith.constant 6012 : i32
      %add3A_1966 = vector.broadcast %add3A_1965 : i32 to vector<16xi32>
      %add3A_1967 = arith.addi %select_n3A_1934, %add3A_1966 : vector<16xi32>
      %gather3A_1968 = tpu.vector_load_idx %arg11[%add3A_1967] : memref<16032xf32, #tpu.memory_space<vmem>>[vector<16xi32>], vector<16xf32>,
      %add3A_1969 = arith.addf %add3A_1873, %gather3A_1968 : vector<16xf32>
      %add3A_1970 = arith.constant 7014 : i32
      %add3A_1971 = vector.broadcast %add3A_1970 : i32 to vector<16xi32>
      %add3A_1972 = arith.addi %select_n3A_1934, %add3A_1971 : vector<16xi32>
      %gather3A_1973 = tpu.vector_load_idx %arg11[%add3A_1972] : memref<16032xf32, #tpu.memory_space<vmem>>[vector<16xi32>], vector<16xf32>,
      %add3A_1974 = arith.addf %add3A_1878, %gather3A_1973 : vector<16xf32>
      %add3A_1975 = arith.constant 8016 : i32
      %add3A_1976 = vector.broadcast %add3A_1975 : i32 to vector<16xi32>
      %add3A_1977 = arith.addi %select_n3A_1934, %add3A_1976 : vector<16xi32>
      %gather3A_1978 = tpu.vector_load_idx %arg11[%add3A_1977] : memref<16032xf32, #tpu.memory_space<vmem>>[vector<16xi32>], vector<16xf32>,
      %add3A_1979 = arith.addf %add3A_1883, %gather3A_1978 : vector<16xf32>
      %add3A_1980 = arith.constant 9018 : i32
      %add3A_1981 = vector.broadcast %add3A_1980 : i32 to vector<16xi32>
      %add3A_1982 = arith.addi %select_n3A_1934, %add3A_1981 : vector<16xi32>
      %gather3A_1983 = tpu.vector_load_idx %arg11[%add3A_1982] : memref<16032xf32, #tpu.memory_space<vmem>>[vector<16xi32>], vector<16xf32>,
      %add3A_1984 = arith.addf %add3A_1888, %gather3A_1983 : vector<16xf32>
      %add3A_1985 = arith.constant 10020 : i32
      %add3A_1986 = vector.broadcast %add3A_1985 : i32 to vector<16xi32>
      %add3A_1987 = arith.addi %select_n3A_1934, %add3A_1986 : vector<16xi32>
      %gather3A_1988 = tpu.vector_load_idx %arg11[%add3A_1987] : memref<16032xf32, #tpu.memory_space<vmem>>[vector<16xi32>], vector<16xf32>,
      %add3A_1989 = arith.addf %add3A_1893, %gather3A_1988 : vector<16xf32>
      %add3A_1990 = arith.constant 11022 : i32
      %add3A_1991 = vector.broadcast %add3A_1990 : i32 to vector<16xi32>
      %add3A_1992 = arith.addi %select_n3A_1934, %add3A_1991 : vector<16xi32>
      %gather3A_1993 = tpu.vector_load_idx %arg11[%add3A_1992] : memref<16032xf32, #tpu.memory_space<vmem>>[vector<16xi32>], vector<16xf32>,
      %add3A_1994 = arith.addf %add3A_1898, %gather3A_1993 : vector<16xf32>
      %add3A_1995 = arith.constant 12024 : i32
      %add3A_1996 = vector.broadcast %add3A_1995 : i32 to vector<16xi32>
      %add3A_1997 = arith.addi %select_n3A_1934, %add3A_1996 : vector<16xi32>
      %gather3A_1998 = tpu.vector_load_idx %arg11[%add3A_1997] : memref<16032xf32, #tpu.memory_space<vmem>>[vector<16xi32>], vector<16xf32>,
      %add3A_1999 = arith.addf %add3A_1903, %gather3A_1998 : vector<16xf32>
      %add3A_2000 = arith.constant 13026 : i32
      %add3A_2001 = vector.broadcast %add3A_2000 : i32 to vector<16xi32>
      %add3A_2002 = arith.addi %select_n3A_1934, %add3A_2001 : vector<16xi32>
      %gather3A_2003 = tpu.vector_load_idx %arg11[%add3A_2002] : memref<16032xf32, #tpu.memory_space<vmem>>[vector<16xi32>], vector<16xf32>,
      %add3A_2004 = arith.addf %add3A_1908, %gather3A_2003 : vector<16xf32>
      %add3A_2005 = arith.constant 14028 : i32
      %add3A_2006 = vector.broadcast %add3A_2005 : i32 to vector<16xi32>
      %add3A_2007 = arith.addi %select_n3A_1934, %add3A_2006 : vector<16xi32>
      %gather3A_2008 = tpu.vector_load_idx %arg11[%add3A_2007] : memref<16032xf32, #tpu.memory_space<vmem>>[vector<16xi32>], vector<16xf32>,
      %add3A_2009 = arith.addf %add3A_1913, %gather3A_2008 : vector<16xf32>
      %add3A_2010 = arith.constant 15030 : i32
      %add3A_2011 = vector.broadcast %add3A_2010 : i32 to vector<16xi32>
      %add3A_2012 = arith.addi %select_n3A_1934, %add3A_2011 : vector<16xi32>
      %gather3A_2013 = tpu.vector_load_idx %arg11[%add3A_2012] : memref<16032xf32, #tpu.memory_space<vmem>>[vector<16xi32>], vector<16xf32>,
      %add3A_2014 = arith.addf %add3A_1918, %gather3A_2013 : vector<16xf32>
      %add3A_2015 = arith.constant 6656 : i32
      %add3A_2016 = arith.addi %add3A_2015, %mul3A_738 : i32
      %get3A_2017 = arith.index_cast %add3A_2016 : i32 to index
      %get3A_2018 = tpu.vector_load %arg10[%get3A_2017] {strides = array<i32>} : memref<10240xi32, #tpu.memory_space<vmem>>, vector<16xi32>,
      %ne3A_2019 = arith.constant 0 : i32
      %ne3A_2020 = vector.broadcast %ne3A_2019 : i32 to vector<16xi32>
      %ne3A_2021 = arith.cmpi ne, %get3A_2018, %ne3A_2020 : vector<16xi32>
      %jit3A_2022 = arith.constant 1.000000e+00 : f32
      %jit3A_2023 = arith.constant 0.000000e+00 : f32
      %broadcast_in_dim3A_2024 = vector.broadcast %jit3A_2022 : f32 to vector<16xf32>
      %broadcast_in_dim3A_2025 = vector.broadcast %jit3A_2023 : f32 to vector<16xf32>
      %select_n3A_2026 = arith.select %ne3A_2021, %broadcast_in_dim3A_2024, %broadcast_in_dim3A_2025 : vector<16xi1>, vector<16xf32>
      %add3A_2027 = arith.addf %add3A_1931, %select_n3A_2026 : vector<16xf32>
      %broadcast_in_dim3A_2028 = arith.constant 1001 : i32
      %broadcast_in_dim3A_2029 = vector.broadcast %broadcast_in_dim3A_2028 : i32 to vector<16xi32>
      %select_n3A_2030 = arith.select %ne3A_2021, %get3A_2018, %broadcast_in_dim3A_2029 : vector<16xi1>, vector<16xi32>
      %add3A_2031 = arith.constant 0 : i32
      %add3A_2032 = vector.broadcast %add3A_2031 : i32 to vector<16xi32>
      %add3A_2033 = arith.addi %select_n3A_2030, %add3A_2032 : vector<16xi32>
      %gather3A_2034 = tpu.vector_load_idx %arg11[%add3A_2033] : memref<16032xf32, #tpu.memory_space<vmem>>[vector<16xi32>], vector<16xf32>,
      %add3A_2035 = arith.addf %add3A_1939, %gather3A_2034 : vector<16xf32>
      %add3A_2036 = arith.constant 1002 : i32
      %add3A_2037 = vector.broadcast %add3A_2036 : i32 to vector<16xi32>
      %add3A_2038 = arith.addi %select_n3A_2030, %add3A_2037 : vector<16xi32>
      %gather3A_2039 = tpu.vector_load_idx %arg11[%add3A_2038] : memref<16032xf32, #tpu.memory_space<vmem>>[vector<16xi32>], vector<16xf32>,
      %add3A_2040 = arith.addf %add3A_1944, %gather3A_2039 : vector<16xf32>
      %add3A_2041 = arith.constant 2004 : i32
      %add3A_2042 = vector.broadcast %add3A_2041 : i32 to vector<16xi32>
      %add3A_2043 = arith.addi %select_n3A_2030, %add3A_2042 : vector<16xi32>
      %gather3A_2044 = tpu.vector_load_idx %arg11[%add3A_2043] : memref<16032xf32, #tpu.memory_space<vmem>>[vector<16xi32>], vector<16xf32>,
      %add3A_2045 = arith.addf %add3A_1949, %gather3A_2044 : vector<16xf32>
      %add3A_2046 = arith.constant 3006 : i32
      %add3A_2047 = vector.broadcast %add3A_2046 : i32 to vector<16xi32>
      %add3A_2048 = arith.addi %select_n3A_2030, %add3A_2047 : vector<16xi32>
      %gather3A_2049 = tpu.vector_load_idx %arg11[%add3A_2048] : memref<16032xf32, #tpu.memory_space<vmem>>[vector<16xi32>], vector<16xf32>,
      %add3A_2050 = arith.addf %add3A_1954, %gather3A_2049 : vector<16xf32>
      %add3A_2051 = arith.constant 4008 : i32
      %add3A_2052 = vector.broadcast %add3A_2051 : i32 to vector<16xi32>
      %add3A_2053 = arith.addi %select_n3A_2030, %add3A_2052 : vector<16xi32>
      %gather3A_2054 = tpu.vector_load_idx %arg11[%add3A_2053] : memref<16032xf32, #tpu.memory_space<vmem>>[vector<16xi32>], vector<16xf32>,
      %add3A_2055 = arith.addf %add3A_1959, %gather3A_2054 : vector<16xf32>
      %add3A_2056 = arith.constant 5010 : i32
      %add3A_2057 = vector.broadcast %add3A_2056 : i32 to vector<16xi32>
      %add3A_2058 = arith.addi %select_n3A_2030, %add3A_2057 : vector<16xi32>
      %gather3A_2059 = tpu.vector_load_idx %arg11[%add3A_2058] : memref<16032xf32, #tpu.memory_space<vmem>>[vector<16xi32>], vector<16xf32>,
      %add3A_2060 = arith.addf %add3A_1964, %gather3A_2059 : vector<16xf32>
      %add3A_2061 = arith.constant 6012 : i32
      %add3A_2062 = vector.broadcast %add3A_2061 : i32 to vector<16xi32>
      %add3A_2063 = arith.addi %select_n3A_2030, %add3A_2062 : vector<16xi32>
      %gather3A_2064 = tpu.vector_load_idx %arg11[%add3A_2063] : memref<16032xf32, #tpu.memory_space<vmem>>[vector<16xi32>], vector<16xf32>,
      %add3A_2065 = arith.addf %add3A_1969, %gather3A_2064 : vector<16xf32>
      %add3A_2066 = arith.constant 7014 : i32
      %add3A_2067 = vector.broadcast %add3A_2066 : i32 to vector<16xi32>
      %add3A_2068 = arith.addi %select_n3A_2030, %add3A_2067 : vector<16xi32>
      %gather3A_2069 = tpu.vector_load_idx %arg11[%add3A_2068] : memref<16032xf32, #tpu.memory_space<vmem>>[vector<16xi32>], vector<16xf32>,
      %add3A_2070 = arith.addf %add3A_1974, %gather3A_2069 : vector<16xf32>
      %add3A_2071 = arith.constant 8016 : i32
      %add3A_2072 = vector.broadcast %add3A_2071 : i32 to vector<16xi32>
      %add3A_2073 = arith.addi %select_n3A_2030, %add3A_2072 : vector<16xi32>
      %gather3A_2074 = tpu.vector_load_idx %arg11[%add3A_2073] : memref<16032xf32, #tpu.memory_space<vmem>>[vector<16xi32>], vector<16xf32>,
      %add3A_2075 = arith.addf %add3A_1979, %gather3A_2074 : vector<16xf32>
      %add3A_2076 = arith.constant 9018 : i32
      %add3A_2077 = vector.broadcast %add3A_2076 : i32 to vector<16xi32>
      %add3A_2078 = arith.addi %select_n3A_2030, %add3A_2077 : vector<16xi32>
      %gather3A_2079 = tpu.vector_load_idx %arg11[%add3A_2078] : memref<16032xf32, #tpu.memory_space<vmem>>[vector<16xi32>], vector<16xf32>,
      %add3A_2080 = arith.addf %add3A_1984, %gather3A_2079 : vector<16xf32>
      %add3A_2081 = arith.constant 10020 : i32
      %add3A_2082 = vector.broadcast %add3A_2081 : i32 to vector<16xi32>
      %add3A_2083 = arith.addi %select_n3A_2030, %add3A_2082 : vector<16xi32>
      %gather3A_2084 = tpu.vector_load_idx %arg11[%add3A_2083] : memref<16032xf32, #tpu.memory_space<vmem>>[vector<16xi32>], vector<16xf32>,
      %add3A_2085 = arith.addf %add3A_1989, %gather3A_2084 : vector<16xf32>
      %add3A_2086 = arith.constant 11022 : i32
      %add3A_2087 = vector.broadcast %add3A_2086 : i32 to vector<16xi32>
      %add3A_2088 = arith.addi %select_n3A_2030, %add3A_2087 : vector<16xi32>
      %gather3A_2089 = tpu.vector_load_idx %arg11[%add3A_2088] : memref<16032xf32, #tpu.memory_space<vmem>>[vector<16xi32>], vector<16xf32>,
      %add3A_2090 = arith.addf %add3A_1994, %gather3A_2089 : vector<16xf32>
      %add3A_2091 = arith.constant 12024 : i32
      %add3A_2092 = vector.broadcast %add3A_2091 : i32 to vector<16xi32>
      %add3A_2093 = arith.addi %select_n3A_2030, %add3A_2092 : vector<16xi32>
      %gather3A_2094 = tpu.vector_load_idx %arg11[%add3A_2093] : memref<16032xf32, #tpu.memory_space<vmem>>[vector<16xi32>], vector<16xf32>,
      %add3A_2095 = arith.addf %add3A_1999, %gather3A_2094 : vector<16xf32>
      %add3A_2096 = arith.constant 13026 : i32
      %add3A_2097 = vector.broadcast %add3A_2096 : i32 to vector<16xi32>
      %add3A_2098 = arith.addi %select_n3A_2030, %add3A_2097 : vector<16xi32>
      %gather3A_2099 = tpu.vector_load_idx %arg11[%add3A_2098] : memref<16032xf32, #tpu.memory_space<vmem>>[vector<16xi32>], vector<16xf32>,
      %add3A_2100 = arith.addf %add3A_2004, %gather3A_2099 : vector<16xf32>
      %add3A_2101 = arith.constant 14028 : i32
      %add3A_2102 = vector.broadcast %add3A_2101 : i32 to vector<16xi32>
      %add3A_2103 = arith.addi %select_n3A_2030, %add3A_2102 : vector<16xi32>
      %gather3A_2104 = tpu.vector_load_idx %arg11[%add3A_2103] : memref<16032xf32, #tpu.memory_space<vmem>>[vector<16xi32>], vector<16xf32>,
      %add3A_2105 = arith.addf %add3A_2009, %gather3A_2104 : vector<16xf32>
      %add3A_2106 = arith.constant 15030 : i32
      %add3A_2107 = vector.broadcast %add3A_2106 : i32 to vector<16xi32>
      %add3A_2108 = arith.addi %select_n3A_2030, %add3A_2107 : vector<16xi32>
      %gather3A_2109 = tpu.vector_load_idx %arg11[%add3A_2108] : memref<16032xf32, #tpu.memory_space<vmem>>[vector<16xi32>], vector<16xf32>,
      %add3A_2110 = arith.addf %add3A_2014, %gather3A_2109 : vector<16xf32>
      %add3A_2111 = arith.constant 7168 : i32
      %add3A_2112 = arith.addi %add3A_2111, %mul3A_738 : i32
      %get3A_2113 = arith.index_cast %add3A_2112 : i32 to index
      %get3A_2114 = tpu.vector_load %arg10[%get3A_2113] {strides = array<i32>} : memref<10240xi32, #tpu.memory_space<vmem>>, vector<16xi32>,
      %ne3A_2115 = arith.constant 0 : i32
      %ne3A_2116 = vector.broadcast %ne3A_2115 : i32 to vector<16xi32>
      %ne3A_2117 = arith.cmpi ne, %get3A_2114, %ne3A_2116 : vector<16xi32>
      %jit3A_2118 = arith.constant 1.000000e+00 : f32
      %jit3A_2119 = arith.constant 0.000000e+00 : f32
      %broadcast_in_dim3A_2120 = vector.broadcast %jit3A_2118 : f32 to vector<16xf32>
      %broadcast_in_dim3A_2121 = vector.broadcast %jit3A_2119 : f32 to vector<16xf32>
      %select_n3A_2122 = arith.select %ne3A_2117, %broadcast_in_dim3A_2120, %broadcast_in_dim3A_2121 : vector<16xi1>, vector<16xf32>
      %add3A_2123 = arith.addf %add3A_2027, %select_n3A_2122 : vector<16xf32>
      %broadcast_in_dim3A_2124 = arith.constant 1001 : i32
      %broadcast_in_dim3A_2125 = vector.broadcast %broadcast_in_dim3A_2124 : i32 to vector<16xi32>
      %select_n3A_2126 = arith.select %ne3A_2117, %get3A_2114, %broadcast_in_dim3A_2125 : vector<16xi1>, vector<16xi32>
      %add3A_2127 = arith.constant 0 : i32
      %add3A_2128 = vector.broadcast %add3A_2127 : i32 to vector<16xi32>
      %add3A_2129 = arith.addi %select_n3A_2126, %add3A_2128 : vector<16xi32>
      %gather3A_2130 = tpu.vector_load_idx %arg11[%add3A_2129] : memref<16032xf32, #tpu.memory_space<vmem>>[vector<16xi32>], vector<16xf32>,
      %add3A_2131 = arith.addf %add3A_2035, %gather3A_2130 : vector<16xf32>
      %add3A_2132 = arith.constant 1002 : i32
      %add3A_2133 = vector.broadcast %add3A_2132 : i32 to vector<16xi32>
      %add3A_2134 = arith.addi %select_n3A_2126, %add3A_2133 : vector<16xi32>
      %gather3A_2135 = tpu.vector_load_idx %arg11[%add3A_2134] : memref<16032xf32, #tpu.memory_space<vmem>>[vector<16xi32>], vector<16xf32>,
      %add3A_2136 = arith.addf %add3A_2040, %gather3A_2135 : vector<16xf32>
      %add3A_2137 = arith.constant 2004 : i32
      %add3A_2138 = vector.broadcast %add3A_2137 : i32 to vector<16xi32>
      %add3A_2139 = arith.addi %select_n3A_2126, %add3A_2138 : vector<16xi32>
      %gather3A_2140 = tpu.vector_load_idx %arg11[%add3A_2139] : memref<16032xf32, #tpu.memory_space<vmem>>[vector<16xi32>], vector<16xf32>,
      %add3A_2141 = arith.addf %add3A_2045, %gather3A_2140 : vector<16xf32>
      %add3A_2142 = arith.constant 3006 : i32
      %add3A_2143 = vector.broadcast %add3A_2142 : i32 to vector<16xi32>
      %add3A_2144 = arith.addi %select_n3A_2126, %add3A_2143 : vector<16xi32>
      %gather3A_2145 = tpu.vector_load_idx %arg11[%add3A_2144] : memref<16032xf32, #tpu.memory_space<vmem>>[vector<16xi32>], vector<16xf32>,
      %add3A_2146 = arith.addf %add3A_2050, %gather3A_2145 : vector<16xf32>
      %add3A_2147 = arith.constant 4008 : i32
      %add3A_2148 = vector.broadcast %add3A_2147 : i32 to vector<16xi32>
      %add3A_2149 = arith.addi %select_n3A_2126, %add3A_2148 : vector<16xi32>
      %gather3A_2150 = tpu.vector_load_idx %arg11[%add3A_2149] : memref<16032xf32, #tpu.memory_space<vmem>>[vector<16xi32>], vector<16xf32>,
      %add3A_2151 = arith.addf %add3A_2055, %gather3A_2150 : vector<16xf32>
      %add3A_2152 = arith.constant 5010 : i32
      %add3A_2153 = vector.broadcast %add3A_2152 : i32 to vector<16xi32>
      %add3A_2154 = arith.addi %select_n3A_2126, %add3A_2153 : vector<16xi32>
      %gather3A_2155 = tpu.vector_load_idx %arg11[%add3A_2154] : memref<16032xf32, #tpu.memory_space<vmem>>[vector<16xi32>], vector<16xf32>,
      %add3A_2156 = arith.addf %add3A_2060, %gather3A_2155 : vector<16xf32>
      %add3A_2157 = arith.constant 6012 : i32
      %add3A_2158 = vector.broadcast %add3A_2157 : i32 to vector<16xi32>
      %add3A_2159 = arith.addi %select_n3A_2126, %add3A_2158 : vector<16xi32>
      %gather3A_2160 = tpu.vector_load_idx %arg11[%add3A_2159] : memref<16032xf32, #tpu.memory_space<vmem>>[vector<16xi32>], vector<16xf32>,
      %add3A_2161 = arith.addf %add3A_2065, %gather3A_2160 : vector<16xf32>
      %add3A_2162 = arith.constant 7014 : i32
      %add3A_2163 = vector.broadcast %add3A_2162 : i32 to vector<16xi32>
      %add3A_2164 = arith.addi %select_n3A_2126, %add3A_2163 : vector<16xi32>
      %gather3A_2165 = tpu.vector_load_idx %arg11[%add3A_2164] : memref<16032xf32, #tpu.memory_space<vmem>>[vector<16xi32>], vector<16xf32>,
      %add3A_2166 = arith.addf %add3A_2070, %gather3A_2165 : vector<16xf32>
      %add3A_2167 = arith.constant 8016 : i32
      %add3A_2168 = vector.broadcast %add3A_2167 : i32 to vector<16xi32>
      %add3A_2169 = arith.addi %select_n3A_2126, %add3A_2168 : vector<16xi32>
      %gather3A_2170 = tpu.vector_load_idx %arg11[%add3A_2169] : memref<16032xf32, #tpu.memory_space<vmem>>[vector<16xi32>], vector<16xf32>,
      %add3A_2171 = arith.addf %add3A_2075, %gather3A_2170 : vector<16xf32>
      %add3A_2172 = arith.constant 9018 : i32
      %add3A_2173 = vector.broadcast %add3A_2172 : i32 to vector<16xi32>
      %add3A_2174 = arith.addi %select_n3A_2126, %add3A_2173 : vector<16xi32>
      %gather3A_2175 = tpu.vector_load_idx %arg11[%add3A_2174] : memref<16032xf32, #tpu.memory_space<vmem>>[vector<16xi32>], vector<16xf32>,
      %add3A_2176 = arith.addf %add3A_2080, %gather3A_2175 : vector<16xf32>
      %add3A_2177 = arith.constant 10020 : i32
      %add3A_2178 = vector.broadcast %add3A_2177 : i32 to vector<16xi32>
      %add3A_2179 = arith.addi %select_n3A_2126, %add3A_2178 : vector<16xi32>
      %gather3A_2180 = tpu.vector_load_idx %arg11[%add3A_2179] : memref<16032xf32, #tpu.memory_space<vmem>>[vector<16xi32>], vector<16xf32>,
      %add3A_2181 = arith.addf %add3A_2085, %gather3A_2180 : vector<16xf32>
      %add3A_2182 = arith.constant 11022 : i32
      %add3A_2183 = vector.broadcast %add3A_2182 : i32 to vector<16xi32>
      %add3A_2184 = arith.addi %select_n3A_2126, %add3A_2183 : vector<16xi32>
      %gather3A_2185 = tpu.vector_load_idx %arg11[%add3A_2184] : memref<16032xf32, #tpu.memory_space<vmem>>[vector<16xi32>], vector<16xf32>,
      %add3A_2186 = arith.addf %add3A_2090, %gather3A_2185 : vector<16xf32>
      %add3A_2187 = arith.constant 12024 : i32
      %add3A_2188 = vector.broadcast %add3A_2187 : i32 to vector<16xi32>
      %add3A_2189 = arith.addi %select_n3A_2126, %add3A_2188 : vector<16xi32>
      %gather3A_2190 = tpu.vector_load_idx %arg11[%add3A_2189] : memref<16032xf32, #tpu.memory_space<vmem>>[vector<16xi32>], vector<16xf32>,
      %add3A_2191 = arith.addf %add3A_2095, %gather3A_2190 : vector<16xf32>
      %add3A_2192 = arith.constant 13026 : i32
      %add3A_2193 = vector.broadcast %add3A_2192 : i32 to vector<16xi32>
      %add3A_2194 = arith.addi %select_n3A_2126, %add3A_2193 : vector<16xi32>
      %gather3A_2195 = tpu.vector_load_idx %arg11[%add3A_2194] : memref<16032xf32, #tpu.memory_space<vmem>>[vector<16xi32>], vector<16xf32>,
      %add3A_2196 = arith.addf %add3A_2100, %gather3A_2195 : vector<16xf32>
      %add3A_2197 = arith.constant 14028 : i32
      %add3A_2198 = vector.broadcast %add3A_2197 : i32 to vector<16xi32>
      %add3A_2199 = arith.addi %select_n3A_2126, %add3A_2198 : vector<16xi32>
      %gather3A_2200 = tpu.vector_load_idx %arg11[%add3A_2199] : memref<16032xf32, #tpu.memory_space<vmem>>[vector<16xi32>], vector<16xf32>,
      %add3A_2201 = arith.addf %add3A_2105, %gather3A_2200 : vector<16xf32>
      %add3A_2202 = arith.constant 15030 : i32
      %add3A_2203 = vector.broadcast %add3A_2202 : i32 to vector<16xi32>
      %add3A_2204 = arith.addi %select_n3A_2126, %add3A_2203 : vector<16xi32>
      %gather3A_2205 = tpu.vector_load_idx %arg11[%add3A_2204] : memref<16032xf32, #tpu.memory_space<vmem>>[vector<16xi32>], vector<16xf32>,
      %add3A_2206 = arith.addf %add3A_2110, %gather3A_2205 : vector<16xf32>
      %add3A_2207 = arith.constant 7680 : i32
      %add3A_2208 = arith.addi %add3A_2207, %mul3A_738 : i32
      %get3A_2209 = arith.index_cast %add3A_2208 : i32 to index
      %get3A_2210 = tpu.vector_load %arg10[%get3A_2209] {strides = array<i32>} : memref<10240xi32, #tpu.memory_space<vmem>>, vector<16xi32>,
      %ne3A_2211 = arith.constant 0 : i32
      %ne3A_2212 = vector.broadcast %ne3A_2211 : i32 to vector<16xi32>
      %ne3A_2213 = arith.cmpi ne, %get3A_2210, %ne3A_2212 : vector<16xi32>
      %jit3A_2214 = arith.constant 1.000000e+00 : f32
      %jit3A_2215 = arith.constant 0.000000e+00 : f32
      %broadcast_in_dim3A_2216 = vector.broadcast %jit3A_2214 : f32 to vector<16xf32>
      %broadcast_in_dim3A_2217 = vector.broadcast %jit3A_2215 : f32 to vector<16xf32>
      %select_n3A_2218 = arith.select %ne3A_2213, %broadcast_in_dim3A_2216, %broadcast_in_dim3A_2217 : vector<16xi1>, vector<16xf32>
      %add3A_2219 = arith.addf %add3A_2123, %select_n3A_2218 : vector<16xf32>
      %broadcast_in_dim3A_2220 = arith.constant 1001 : i32
      %broadcast_in_dim3A_2221 = vector.broadcast %broadcast_in_dim3A_2220 : i32 to vector<16xi32>
      %select_n3A_2222 = arith.select %ne3A_2213, %get3A_2210, %broadcast_in_dim3A_2221 : vector<16xi1>, vector<16xi32>
      %add3A_2223 = arith.constant 0 : i32
      %add3A_2224 = vector.broadcast %add3A_2223 : i32 to vector<16xi32>
      %add3A_2225 = arith.addi %select_n3A_2222, %add3A_2224 : vector<16xi32>
      %gather3A_2226 = tpu.vector_load_idx %arg11[%add3A_2225] : memref<16032xf32, #tpu.memory_space<vmem>>[vector<16xi32>], vector<16xf32>,
      %add3A_2227 = arith.addf %add3A_2131, %gather3A_2226 : vector<16xf32>
      %add3A_2228 = arith.constant 1002 : i32
      %add3A_2229 = vector.broadcast %add3A_2228 : i32 to vector<16xi32>
      %add3A_2230 = arith.addi %select_n3A_2222, %add3A_2229 : vector<16xi32>
      %gather3A_2231 = tpu.vector_load_idx %arg11[%add3A_2230] : memref<16032xf32, #tpu.memory_space<vmem>>[vector<16xi32>], vector<16xf32>,
      %add3A_2232 = arith.addf %add3A_2136, %gather3A_2231 : vector<16xf32>
      %add3A_2233 = arith.constant 2004 : i32
      %add3A_2234 = vector.broadcast %add3A_2233 : i32 to vector<16xi32>
      %add3A_2235 = arith.addi %select_n3A_2222, %add3A_2234 : vector<16xi32>
      %gather3A_2236 = tpu.vector_load_idx %arg11[%add3A_2235] : memref<16032xf32, #tpu.memory_space<vmem>>[vector<16xi32>], vector<16xf32>,
      %add3A_2237 = arith.addf %add3A_2141, %gather3A_2236 : vector<16xf32>
      %add3A_2238 = arith.constant 3006 : i32
      %add3A_2239 = vector.broadcast %add3A_2238 : i32 to vector<16xi32>
      %add3A_2240 = arith.addi %select_n3A_2222, %add3A_2239 : vector<16xi32>
      %gather3A_2241 = tpu.vector_load_idx %arg11[%add3A_2240] : memref<16032xf32, #tpu.memory_space<vmem>>[vector<16xi32>], vector<16xf32>,
      %add3A_2242 = arith.addf %add3A_2146, %gather3A_2241 : vector<16xf32>
      %add3A_2243 = arith.constant 4008 : i32
      %add3A_2244 = vector.broadcast %add3A_2243 : i32 to vector<16xi32>
      %add3A_2245 = arith.addi %select_n3A_2222, %add3A_2244 : vector<16xi32>
      %gather3A_2246 = tpu.vector_load_idx %arg11[%add3A_2245] : memref<16032xf32, #tpu.memory_space<vmem>>[vector<16xi32>], vector<16xf32>,
      %add3A_2247 = arith.addf %add3A_2151, %gather3A_2246 : vector<16xf32>
      %add3A_2248 = arith.constant 5010 : i32
      %add3A_2249 = vector.broadcast %add3A_2248 : i32 to vector<16xi32>
      %add3A_2250 = arith.addi %select_n3A_2222, %add3A_2249 : vector<16xi32>
      %gather3A_2251 = tpu.vector_load_idx %arg11[%add3A_2250] : memref<16032xf32, #tpu.memory_space<vmem>>[vector<16xi32>], vector<16xf32>,
      %add3A_2252 = arith.addf %add3A_2156, %gather3A_2251 : vector<16xf32>
      %add3A_2253 = arith.constant 6012 : i32
      %add3A_2254 = vector.broadcast %add3A_2253 : i32 to vector<16xi32>
      %add3A_2255 = arith.addi %select_n3A_2222, %add3A_2254 : vector<16xi32>
      %gather3A_2256 = tpu.vector_load_idx %arg11[%add3A_2255] : memref<16032xf32, #tpu.memory_space<vmem>>[vector<16xi32>], vector<16xf32>,
      %add3A_2257 = arith.addf %add3A_2161, %gather3A_2256 : vector<16xf32>
      %add3A_2258 = arith.constant 7014 : i32
      %add3A_2259 = vector.broadcast %add3A_2258 : i32 to vector<16xi32>
      %add3A_2260 = arith.addi %select_n3A_2222, %add3A_2259 : vector<16xi32>
      %gather3A_2261 = tpu.vector_load_idx %arg11[%add3A_2260] : memref<16032xf32, #tpu.memory_space<vmem>>[vector<16xi32>], vector<16xf32>,
      %add3A_2262 = arith.addf %add3A_2166, %gather3A_2261 : vector<16xf32>
      %add3A_2263 = arith.constant 8016 : i32
      %add3A_2264 = vector.broadcast %add3A_2263 : i32 to vector<16xi32>
      %add3A_2265 = arith.addi %select_n3A_2222, %add3A_2264 : vector<16xi32>
      %gather3A_2266 = tpu.vector_load_idx %arg11[%add3A_2265] : memref<16032xf32, #tpu.memory_space<vmem>>[vector<16xi32>], vector<16xf32>,
      %add3A_2267 = arith.addf %add3A_2171, %gather3A_2266 : vector<16xf32>
      %add3A_2268 = arith.constant 9018 : i32
      %add3A_2269 = vector.broadcast %add3A_2268 : i32 to vector<16xi32>
      %add3A_2270 = arith.addi %select_n3A_2222, %add3A_2269 : vector<16xi32>
      %gather3A_2271 = tpu.vector_load_idx %arg11[%add3A_2270] : memref<16032xf32, #tpu.memory_space<vmem>>[vector<16xi32>], vector<16xf32>,
      %add3A_2272 = arith.addf %add3A_2176, %gather3A_2271 : vector<16xf32>
      %add3A_2273 = arith.constant 10020 : i32
      %add3A_2274 = vector.broadcast %add3A_2273 : i32 to vector<16xi32>
      %add3A_2275 = arith.addi %select_n3A_2222, %add3A_2274 : vector<16xi32>
      %gather3A_2276 = tpu.vector_load_idx %arg11[%add3A_2275] : memref<16032xf32, #tpu.memory_space<vmem>>[vector<16xi32>], vector<16xf32>,
      %add3A_2277 = arith.addf %add3A_2181, %gather3A_2276 : vector<16xf32>
      %add3A_2278 = arith.constant 11022 : i32
      %add3A_2279 = vector.broadcast %add3A_2278 : i32 to vector<16xi32>
      %add3A_2280 = arith.addi %select_n3A_2222, %add3A_2279 : vector<16xi32>
      %gather3A_2281 = tpu.vector_load_idx %arg11[%add3A_2280] : memref<16032xf32, #tpu.memory_space<vmem>>[vector<16xi32>], vector<16xf32>,
      %add3A_2282 = arith.addf %add3A_2186, %gather3A_2281 : vector<16xf32>
      %add3A_2283 = arith.constant 12024 : i32
      %add3A_2284 = vector.broadcast %add3A_2283 : i32 to vector<16xi32>
      %add3A_2285 = arith.addi %select_n3A_2222, %add3A_2284 : vector<16xi32>
      %gather3A_2286 = tpu.vector_load_idx %arg11[%add3A_2285] : memref<16032xf32, #tpu.memory_space<vmem>>[vector<16xi32>], vector<16xf32>,
      %add3A_2287 = arith.addf %add3A_2191, %gather3A_2286 : vector<16xf32>
      %add3A_2288 = arith.constant 13026 : i32
      %add3A_2289 = vector.broadcast %add3A_2288 : i32 to vector<16xi32>
      %add3A_2290 = arith.addi %select_n3A_2222, %add3A_2289 : vector<16xi32>
      %gather3A_2291 = tpu.vector_load_idx %arg11[%add3A_2290] : memref<16032xf32, #tpu.memory_space<vmem>>[vector<16xi32>], vector<16xf32>,
      %add3A_2292 = arith.addf %add3A_2196, %gather3A_2291 : vector<16xf32>
      %add3A_2293 = arith.constant 14028 : i32
      %add3A_2294 = vector.broadcast %add3A_2293 : i32 to vector<16xi32>
      %add3A_2295 = arith.addi %select_n3A_2222, %add3A_2294 : vector<16xi32>
      %gather3A_2296 = tpu.vector_load_idx %arg11[%add3A_2295] : memref<16032xf32, #tpu.memory_space<vmem>>[vector<16xi32>], vector<16xf32>,
      %add3A_2297 = arith.addf %add3A_2201, %gather3A_2296 : vector<16xf32>
      %add3A_2298 = arith.constant 15030 : i32
      %add3A_2299 = vector.broadcast %add3A_2298 : i32 to vector<16xi32>
      %add3A_2300 = arith.addi %select_n3A_2222, %add3A_2299 : vector<16xi32>
      %gather3A_2301 = tpu.vector_load_idx %arg11[%add3A_2300] : memref<16032xf32, #tpu.memory_space<vmem>>[vector<16xi32>], vector<16xf32>,
      %add3A_2302 = arith.addf %add3A_2206, %gather3A_2301 : vector<16xf32>
      %add3A_2303 = arith.constant 8192 : i32
      %add3A_2304 = arith.addi %add3A_2303, %mul3A_738 : i32
      %get3A_2305 = arith.index_cast %add3A_2304 : i32 to index
      %get3A_2306 = tpu.vector_load %arg10[%get3A_2305] {strides = array<i32>} : memref<10240xi32, #tpu.memory_space<vmem>>, vector<16xi32>,
      %ne3A_2307 = arith.constant 0 : i32
      %ne3A_2308 = vector.broadcast %ne3A_2307 : i32 to vector<16xi32>
      %ne3A_2309 = arith.cmpi ne, %get3A_2306, %ne3A_2308 : vector<16xi32>
      %jit3A_2310 = arith.constant 1.000000e+00 : f32
      %jit3A_2311 = arith.constant 0.000000e+00 : f32
      %broadcast_in_dim3A_2312 = vector.broadcast %jit3A_2310 : f32 to vector<16xf32>
      %broadcast_in_dim3A_2313 = vector.broadcast %jit3A_2311 : f32 to vector<16xf32>
      %select_n3A_2314 = arith.select %ne3A_2309, %broadcast_in_dim3A_2312, %broadcast_in_dim3A_2313 : vector<16xi1>, vector<16xf32>
      %add3A_2315 = arith.addf %add3A_2219, %select_n3A_2314 : vector<16xf32>
      %broadcast_in_dim3A_2316 = arith.constant 1001 : i32
      %broadcast_in_dim3A_2317 = vector.broadcast %broadcast_in_dim3A_2316 : i32 to vector<16xi32>
      %select_n3A_2318 = arith.select %ne3A_2309, %get3A_2306, %broadcast_in_dim3A_2317 : vector<16xi1>, vector<16xi32>
      %add3A_2319 = arith.constant 0 : i32
      %add3A_2320 = vector.broadcast %add3A_2319 : i32 to vector<16xi32>
      %add3A_2321 = arith.addi %select_n3A_2318, %add3A_2320 : vector<16xi32>
      %gather3A_2322 = tpu.vector_load_idx %arg11[%add3A_2321] : memref<16032xf32, #tpu.memory_space<vmem>>[vector<16xi32>], vector<16xf32>,
      %add3A_2323 = arith.addf %add3A_2227, %gather3A_2322 : vector<16xf32>
      %add3A_2324 = arith.constant 1002 : i32
      %add3A_2325 = vector.broadcast %add3A_2324 : i32 to vector<16xi32>
      %add3A_2326 = arith.addi %select_n3A_2318, %add3A_2325 : vector<16xi32>
      %gather3A_2327 = tpu.vector_load_idx %arg11[%add3A_2326] : memref<16032xf32, #tpu.memory_space<vmem>>[vector<16xi32>], vector<16xf32>,
      %add3A_2328 = arith.addf %add3A_2232, %gather3A_2327 : vector<16xf32>
      %add3A_2329 = arith.constant 2004 : i32
      %add3A_2330 = vector.broadcast %add3A_2329 : i32 to vector<16xi32>
      %add3A_2331 = arith.addi %select_n3A_2318, %add3A_2330 : vector<16xi32>
      %gather3A_2332 = tpu.vector_load_idx %arg11[%add3A_2331] : memref<16032xf32, #tpu.memory_space<vmem>>[vector<16xi32>], vector<16xf32>,
      %add3A_2333 = arith.addf %add3A_2237, %gather3A_2332 : vector<16xf32>
      %add3A_2334 = arith.constant 3006 : i32
      %add3A_2335 = vector.broadcast %add3A_2334 : i32 to vector<16xi32>
      %add3A_2336 = arith.addi %select_n3A_2318, %add3A_2335 : vector<16xi32>
      %gather3A_2337 = tpu.vector_load_idx %arg11[%add3A_2336] : memref<16032xf32, #tpu.memory_space<vmem>>[vector<16xi32>], vector<16xf32>,
      %add3A_2338 = arith.addf %add3A_2242, %gather3A_2337 : vector<16xf32>
      %add3A_2339 = arith.constant 4008 : i32
      %add3A_2340 = vector.broadcast %add3A_2339 : i32 to vector<16xi32>
      %add3A_2341 = arith.addi %select_n3A_2318, %add3A_2340 : vector<16xi32>
      %gather3A_2342 = tpu.vector_load_idx %arg11[%add3A_2341] : memref<16032xf32, #tpu.memory_space<vmem>>[vector<16xi32>], vector<16xf32>,
      %add3A_2343 = arith.addf %add3A_2247, %gather3A_2342 : vector<16xf32>
      %add3A_2344 = arith.constant 5010 : i32
      %add3A_2345 = vector.broadcast %add3A_2344 : i32 to vector<16xi32>
      %add3A_2346 = arith.addi %select_n3A_2318, %add3A_2345 : vector<16xi32>
      %gather3A_2347 = tpu.vector_load_idx %arg11[%add3A_2346] : memref<16032xf32, #tpu.memory_space<vmem>>[vector<16xi32>], vector<16xf32>,
      %add3A_2348 = arith.addf %add3A_2252, %gather3A_2347 : vector<16xf32>
      %add3A_2349 = arith.constant 6012 : i32
      %add3A_2350 = vector.broadcast %add3A_2349 : i32 to vector<16xi32>
      %add3A_2351 = arith.addi %select_n3A_2318, %add3A_2350 : vector<16xi32>
      %gather3A_2352 = tpu.vector_load_idx %arg11[%add3A_2351] : memref<16032xf32, #tpu.memory_space<vmem>>[vector<16xi32>], vector<16xf32>,
      %add3A_2353 = arith.addf %add3A_2257, %gather3A_2352 : vector<16xf32>
      %add3A_2354 = arith.constant 7014 : i32
      %add3A_2355 = vector.broadcast %add3A_2354 : i32 to vector<16xi32>
      %add3A_2356 = arith.addi %select_n3A_2318, %add3A_2355 : vector<16xi32>
      %gather3A_2357 = tpu.vector_load_idx %arg11[%add3A_2356] : memref<16032xf32, #tpu.memory_space<vmem>>[vector<16xi32>], vector<16xf32>,
      %add3A_2358 = arith.addf %add3A_2262, %gather3A_2357 : vector<16xf32>
      %add3A_2359 = arith.constant 8016 : i32
      %add3A_2360 = vector.broadcast %add3A_2359 : i32 to vector<16xi32>
      %add3A_2361 = arith.addi %select_n3A_2318, %add3A_2360 : vector<16xi32>
      %gather3A_2362 = tpu.vector_load_idx %arg11[%add3A_2361] : memref<16032xf32, #tpu.memory_space<vmem>>[vector<16xi32>], vector<16xf32>,
      %add3A_2363 = arith.addf %add3A_2267, %gather3A_2362 : vector<16xf32>
      %add3A_2364 = arith.constant 9018 : i32
      %add3A_2365 = vector.broadcast %add3A_2364 : i32 to vector<16xi32>
      %add3A_2366 = arith.addi %select_n3A_2318, %add3A_2365 : vector<16xi32>
      %gather3A_2367 = tpu.vector_load_idx %arg11[%add3A_2366] : memref<16032xf32, #tpu.memory_space<vmem>>[vector<16xi32>], vector<16xf32>,
      %add3A_2368 = arith.addf %add3A_2272, %gather3A_2367 : vector<16xf32>
      %add3A_2369 = arith.constant 10020 : i32
      %add3A_2370 = vector.broadcast %add3A_2369 : i32 to vector<16xi32>
      %add3A_2371 = arith.addi %select_n3A_2318, %add3A_2370 : vector<16xi32>
      %gather3A_2372 = tpu.vector_load_idx %arg11[%add3A_2371] : memref<16032xf32, #tpu.memory_space<vmem>>[vector<16xi32>], vector<16xf32>,
      %add3A_2373 = arith.addf %add3A_2277, %gather3A_2372 : vector<16xf32>
      %add3A_2374 = arith.constant 11022 : i32
      %add3A_2375 = vector.broadcast %add3A_2374 : i32 to vector<16xi32>
      %add3A_2376 = arith.addi %select_n3A_2318, %add3A_2375 : vector<16xi32>
      %gather3A_2377 = tpu.vector_load_idx %arg11[%add3A_2376] : memref<16032xf32, #tpu.memory_space<vmem>>[vector<16xi32>], vector<16xf32>,
      %add3A_2378 = arith.addf %add3A_2282, %gather3A_2377 : vector<16xf32>
      %add3A_2379 = arith.constant 12024 : i32
      %add3A_2380 = vector.broadcast %add3A_2379 : i32 to vector<16xi32>
      %add3A_2381 = arith.addi %select_n3A_2318, %add3A_2380 : vector<16xi32>
      %gather3A_2382 = tpu.vector_load_idx %arg11[%add3A_2381] : memref<16032xf32, #tpu.memory_space<vmem>>[vector<16xi32>], vector<16xf32>,
      %add3A_2383 = arith.addf %add3A_2287, %gather3A_2382 : vector<16xf32>
      %add3A_2384 = arith.constant 13026 : i32
      %add3A_2385 = vector.broadcast %add3A_2384 : i32 to vector<16xi32>
      %add3A_2386 = arith.addi %select_n3A_2318, %add3A_2385 : vector<16xi32>
      %gather3A_2387 = tpu.vector_load_idx %arg11[%add3A_2386] : memref<16032xf32, #tpu.memory_space<vmem>>[vector<16xi32>], vector<16xf32>,
      %add3A_2388 = arith.addf %add3A_2292, %gather3A_2387 : vector<16xf32>
      %add3A_2389 = arith.constant 14028 : i32
      %add3A_2390 = vector.broadcast %add3A_2389 : i32 to vector<16xi32>
      %add3A_2391 = arith.addi %select_n3A_2318, %add3A_2390 : vector<16xi32>
      %gather3A_2392 = tpu.vector_load_idx %arg11[%add3A_2391] : memref<16032xf32, #tpu.memory_space<vmem>>[vector<16xi32>], vector<16xf32>,
      %add3A_2393 = arith.addf %add3A_2297, %gather3A_2392 : vector<16xf32>
      %add3A_2394 = arith.constant 15030 : i32
      %add3A_2395 = vector.broadcast %add3A_2394 : i32 to vector<16xi32>
      %add3A_2396 = arith.addi %select_n3A_2318, %add3A_2395 : vector<16xi32>
      %gather3A_2397 = tpu.vector_load_idx %arg11[%add3A_2396] : memref<16032xf32, #tpu.memory_space<vmem>>[vector<16xi32>], vector<16xf32>,
      %add3A_2398 = arith.addf %add3A_2302, %gather3A_2397 : vector<16xf32>
      %add3A_2399 = arith.constant 8704 : i32
      %add3A_2400 = arith.addi %add3A_2399, %mul3A_738 : i32
      %get3A_2401 = arith.index_cast %add3A_2400 : i32 to index
      %get3A_2402 = tpu.vector_load %arg10[%get3A_2401] {strides = array<i32>} : memref<10240xi32, #tpu.memory_space<vmem>>, vector<16xi32>,
      %ne3A_2403 = arith.constant 0 : i32
      %ne3A_2404 = vector.broadcast %ne3A_2403 : i32 to vector<16xi32>
      %ne3A_2405 = arith.cmpi ne, %get3A_2402, %ne3A_2404 : vector<16xi32>
      %jit3A_2406 = arith.constant 1.000000e+00 : f32
      %jit3A_2407 = arith.constant 0.000000e+00 : f32
      %broadcast_in_dim3A_2408 = vector.broadcast %jit3A_2406 : f32 to vector<16xf32>
      %broadcast_in_dim3A_2409 = vector.broadcast %jit3A_2407 : f32 to vector<16xf32>
      %select_n3A_2410 = arith.select %ne3A_2405, %broadcast_in_dim3A_2408, %broadcast_in_dim3A_2409 : vector<16xi1>, vector<16xf32>
      %add3A_2411 = arith.addf %add3A_2315, %select_n3A_2410 : vector<16xf32>
      %broadcast_in_dim3A_2412 = arith.constant 1001 : i32
      %broadcast_in_dim3A_2413 = vector.broadcast %broadcast_in_dim3A_2412 : i32 to vector<16xi32>
      %select_n3A_2414 = arith.select %ne3A_2405, %get3A_2402, %broadcast_in_dim3A_2413 : vector<16xi1>, vector<16xi32>
      %add3A_2415 = arith.constant 0 : i32
      %add3A_2416 = vector.broadcast %add3A_2415 : i32 to vector<16xi32>
      %add3A_2417 = arith.addi %select_n3A_2414, %add3A_2416 : vector<16xi32>
      %gather3A_2418 = tpu.vector_load_idx %arg11[%add3A_2417] : memref<16032xf32, #tpu.memory_space<vmem>>[vector<16xi32>], vector<16xf32>,
      %add3A_2419 = arith.addf %add3A_2323, %gather3A_2418 : vector<16xf32>
      %add3A_2420 = arith.constant 1002 : i32
      %add3A_2421 = vector.broadcast %add3A_2420 : i32 to vector<16xi32>
      %add3A_2422 = arith.addi %select_n3A_2414, %add3A_2421 : vector<16xi32>
      %gather3A_2423 = tpu.vector_load_idx %arg11[%add3A_2422] : memref<16032xf32, #tpu.memory_space<vmem>>[vector<16xi32>], vector<16xf32>,
      %add3A_2424 = arith.addf %add3A_2328, %gather3A_2423 : vector<16xf32>
      %add3A_2425 = arith.constant 2004 : i32
      %add3A_2426 = vector.broadcast %add3A_2425 : i32 to vector<16xi32>
      %add3A_2427 = arith.addi %select_n3A_2414, %add3A_2426 : vector<16xi32>
      %gather3A_2428 = tpu.vector_load_idx %arg11[%add3A_2427] : memref<16032xf32, #tpu.memory_space<vmem>>[vector<16xi32>], vector<16xf32>,
      %add3A_2429 = arith.addf %add3A_2333, %gather3A_2428 : vector<16xf32>
      %add3A_2430 = arith.constant 3006 : i32
      %add3A_2431 = vector.broadcast %add3A_2430 : i32 to vector<16xi32>
      %add3A_2432 = arith.addi %select_n3A_2414, %add3A_2431 : vector<16xi32>
      %gather3A_2433 = tpu.vector_load_idx %arg11[%add3A_2432] : memref<16032xf32, #tpu.memory_space<vmem>>[vector<16xi32>], vector<16xf32>,
      %add3A_2434 = arith.addf %add3A_2338, %gather3A_2433 : vector<16xf32>
      %add3A_2435 = arith.constant 4008 : i32
      %add3A_2436 = vector.broadcast %add3A_2435 : i32 to vector<16xi32>
      %add3A_2437 = arith.addi %select_n3A_2414, %add3A_2436 : vector<16xi32>
      %gather3A_2438 = tpu.vector_load_idx %arg11[%add3A_2437] : memref<16032xf32, #tpu.memory_space<vmem>>[vector<16xi32>], vector<16xf32>,
      %add3A_2439 = arith.addf %add3A_2343, %gather3A_2438 : vector<16xf32>
      %add3A_2440 = arith.constant 5010 : i32
      %add3A_2441 = vector.broadcast %add3A_2440 : i32 to vector<16xi32>
      %add3A_2442 = arith.addi %select_n3A_2414, %add3A_2441 : vector<16xi32>
      %gather3A_2443 = tpu.vector_load_idx %arg11[%add3A_2442] : memref<16032xf32, #tpu.memory_space<vmem>>[vector<16xi32>], vector<16xf32>,
      %add3A_2444 = arith.addf %add3A_2348, %gather3A_2443 : vector<16xf32>
      %add3A_2445 = arith.constant 6012 : i32
      %add3A_2446 = vector.broadcast %add3A_2445 : i32 to vector<16xi32>
      %add3A_2447 = arith.addi %select_n3A_2414, %add3A_2446 : vector<16xi32>
      %gather3A_2448 = tpu.vector_load_idx %arg11[%add3A_2447] : memref<16032xf32, #tpu.memory_space<vmem>>[vector<16xi32>], vector<16xf32>,
      %add3A_2449 = arith.addf %add3A_2353, %gather3A_2448 : vector<16xf32>
      %add3A_2450 = arith.constant 7014 : i32
      %add3A_2451 = vector.broadcast %add3A_2450 : i32 to vector<16xi32>
      %add3A_2452 = arith.addi %select_n3A_2414, %add3A_2451 : vector<16xi32>
      %gather3A_2453 = tpu.vector_load_idx %arg11[%add3A_2452] : memref<16032xf32, #tpu.memory_space<vmem>>[vector<16xi32>], vector<16xf32>,
      %add3A_2454 = arith.addf %add3A_2358, %gather3A_2453 : vector<16xf32>
      %add3A_2455 = arith.constant 8016 : i32
      %add3A_2456 = vector.broadcast %add3A_2455 : i32 to vector<16xi32>
      %add3A_2457 = arith.addi %select_n3A_2414, %add3A_2456 : vector<16xi32>
      %gather3A_2458 = tpu.vector_load_idx %arg11[%add3A_2457] : memref<16032xf32, #tpu.memory_space<vmem>>[vector<16xi32>], vector<16xf32>,
      %add3A_2459 = arith.addf %add3A_2363, %gather3A_2458 : vector<16xf32>
      %add3A_2460 = arith.constant 9018 : i32
      %add3A_2461 = vector.broadcast %add3A_2460 : i32 to vector<16xi32>
      %add3A_2462 = arith.addi %select_n3A_2414, %add3A_2461 : vector<16xi32>
      %gather3A_2463 = tpu.vector_load_idx %arg11[%add3A_2462] : memref<16032xf32, #tpu.memory_space<vmem>>[vector<16xi32>], vector<16xf32>,
      %add3A_2464 = arith.addf %add3A_2368, %gather3A_2463 : vector<16xf32>
      %add3A_2465 = arith.constant 10020 : i32
      %add3A_2466 = vector.broadcast %add3A_2465 : i32 to vector<16xi32>
      %add3A_2467 = arith.addi %select_n3A_2414, %add3A_2466 : vector<16xi32>
      %gather3A_2468 = tpu.vector_load_idx %arg11[%add3A_2467] : memref<16032xf32, #tpu.memory_space<vmem>>[vector<16xi32>], vector<16xf32>,
      %add3A_2469 = arith.addf %add3A_2373, %gather3A_2468 : vector<16xf32>
      %add3A_2470 = arith.constant 11022 : i32
      %add3A_2471 = vector.broadcast %add3A_2470 : i32 to vector<16xi32>
      %add3A_2472 = arith.addi %select_n3A_2414, %add3A_2471 : vector<16xi32>
      %gather3A_2473 = tpu.vector_load_idx %arg11[%add3A_2472] : memref<16032xf32, #tpu.memory_space<vmem>>[vector<16xi32>], vector<16xf32>,
      %add3A_2474 = arith.addf %add3A_2378, %gather3A_2473 : vector<16xf32>
      %add3A_2475 = arith.constant 12024 : i32
      %add3A_2476 = vector.broadcast %add3A_2475 : i32 to vector<16xi32>
      %add3A_2477 = arith.addi %select_n3A_2414, %add3A_2476 : vector<16xi32>
      %gather3A_2478 = tpu.vector_load_idx %arg11[%add3A_2477] : memref<16032xf32, #tpu.memory_space<vmem>>[vector<16xi32>], vector<16xf32>,
      %add3A_2479 = arith.addf %add3A_2383, %gather3A_2478 : vector<16xf32>
      %add3A_2480 = arith.constant 13026 : i32
      %add3A_2481 = vector.broadcast %add3A_2480 : i32 to vector<16xi32>
      %add3A_2482 = arith.addi %select_n3A_2414, %add3A_2481 : vector<16xi32>
      %gather3A_2483 = tpu.vector_load_idx %arg11[%add3A_2482] : memref<16032xf32, #tpu.memory_space<vmem>>[vector<16xi32>], vector<16xf32>,
      %add3A_2484 = arith.addf %add3A_2388, %gather3A_2483 : vector<16xf32>
      %add3A_2485 = arith.constant 14028 : i32
      %add3A_2486 = vector.broadcast %add3A_2485 : i32 to vector<16xi32>
      %add3A_2487 = arith.addi %select_n3A_2414, %add3A_2486 : vector<16xi32>
      %gather3A_2488 = tpu.vector_load_idx %arg11[%add3A_2487] : memref<16032xf32, #tpu.memory_space<vmem>>[vector<16xi32>], vector<16xf32>,
      %add3A_2489 = arith.addf %add3A_2393, %gather3A_2488 : vector<16xf32>
      %add3A_2490 = arith.constant 15030 : i32
      %add3A_2491 = vector.broadcast %add3A_2490 : i32 to vector<16xi32>
      %add3A_2492 = arith.addi %select_n3A_2414, %add3A_2491 : vector<16xi32>
      %gather3A_2493 = tpu.vector_load_idx %arg11[%add3A_2492] : memref<16032xf32, #tpu.memory_space<vmem>>[vector<16xi32>], vector<16xf32>,
      %add3A_2494 = arith.addf %add3A_2398, %gather3A_2493 : vector<16xf32>
      %add3A_2495 = arith.constant 9216 : i32
      %add3A_2496 = arith.addi %add3A_2495, %mul3A_738 : i32
      %get3A_2497 = arith.index_cast %add3A_2496 : i32 to index
      %get3A_2498 = tpu.vector_load %arg10[%get3A_2497] {strides = array<i32>} : memref<10240xi32, #tpu.memory_space<vmem>>, vector<16xi32>,
      %ne3A_2499 = arith.constant 0 : i32
      %ne3A_2500 = vector.broadcast %ne3A_2499 : i32 to vector<16xi32>
      %ne3A_2501 = arith.cmpi ne, %get3A_2498, %ne3A_2500 : vector<16xi32>
      %jit3A_2502 = arith.constant 1.000000e+00 : f32
      %jit3A_2503 = arith.constant 0.000000e+00 : f32
      %broadcast_in_dim3A_2504 = vector.broadcast %jit3A_2502 : f32 to vector<16xf32>
      %broadcast_in_dim3A_2505 = vector.broadcast %jit3A_2503 : f32 to vector<16xf32>
      %select_n3A_2506 = arith.select %ne3A_2501, %broadcast_in_dim3A_2504, %broadcast_in_dim3A_2505 : vector<16xi1>, vector<16xf32>
      %add3A_2507 = arith.addf %add3A_2411, %select_n3A_2506 : vector<16xf32>
      %broadcast_in_dim3A_2508 = arith.constant 1001 : i32
      %broadcast_in_dim3A_2509 = vector.broadcast %broadcast_in_dim3A_2508 : i32 to vector<16xi32>
      %select_n3A_2510 = arith.select %ne3A_2501, %get3A_2498, %broadcast_in_dim3A_2509 : vector<16xi1>, vector<16xi32>
      %add3A_2511 = arith.constant 0 : i32
      %add3A_2512 = vector.broadcast %add3A_2511 : i32 to vector<16xi32>
      %add3A_2513 = arith.addi %select_n3A_2510, %add3A_2512 : vector<16xi32>
      %gather3A_2514 = tpu.vector_load_idx %arg11[%add3A_2513] : memref<16032xf32, #tpu.memory_space<vmem>>[vector<16xi32>], vector<16xf32>,
      %add3A_2515 = arith.addf %add3A_2419, %gather3A_2514 : vector<16xf32>
      %add3A_2516 = arith.constant 1002 : i32
      %add3A_2517 = vector.broadcast %add3A_2516 : i32 to vector<16xi32>
      %add3A_2518 = arith.addi %select_n3A_2510, %add3A_2517 : vector<16xi32>
      %gather3A_2519 = tpu.vector_load_idx %arg11[%add3A_2518] : memref<16032xf32, #tpu.memory_space<vmem>>[vector<16xi32>], vector<16xf32>,
      %add3A_2520 = arith.addf %add3A_2424, %gather3A_2519 : vector<16xf32>
      %add3A_2521 = arith.constant 2004 : i32
      %add3A_2522 = vector.broadcast %add3A_2521 : i32 to vector<16xi32>
      %add3A_2523 = arith.addi %select_n3A_2510, %add3A_2522 : vector<16xi32>
      %gather3A_2524 = tpu.vector_load_idx %arg11[%add3A_2523] : memref<16032xf32, #tpu.memory_space<vmem>>[vector<16xi32>], vector<16xf32>,
      %add3A_2525 = arith.addf %add3A_2429, %gather3A_2524 : vector<16xf32>
      %add3A_2526 = arith.constant 3006 : i32
      %add3A_2527 = vector.broadcast %add3A_2526 : i32 to vector<16xi32>
      %add3A_2528 = arith.addi %select_n3A_2510, %add3A_2527 : vector<16xi32>
      %gather3A_2529 = tpu.vector_load_idx %arg11[%add3A_2528] : memref<16032xf32, #tpu.memory_space<vmem>>[vector<16xi32>], vector<16xf32>,
      %add3A_2530 = arith.addf %add3A_2434, %gather3A_2529 : vector<16xf32>
      %add3A_2531 = arith.constant 4008 : i32
      %add3A_2532 = vector.broadcast %add3A_2531 : i32 to vector<16xi32>
      %add3A_2533 = arith.addi %select_n3A_2510, %add3A_2532 : vector<16xi32>
      %gather3A_2534 = tpu.vector_load_idx %arg11[%add3A_2533] : memref<16032xf32, #tpu.memory_space<vmem>>[vector<16xi32>], vector<16xf32>,
      %add3A_2535 = arith.addf %add3A_2439, %gather3A_2534 : vector<16xf32>
      %add3A_2536 = arith.constant 5010 : i32
      %add3A_2537 = vector.broadcast %add3A_2536 : i32 to vector<16xi32>
      %add3A_2538 = arith.addi %select_n3A_2510, %add3A_2537 : vector<16xi32>
      %gather3A_2539 = tpu.vector_load_idx %arg11[%add3A_2538] : memref<16032xf32, #tpu.memory_space<vmem>>[vector<16xi32>], vector<16xf32>,
      %add3A_2540 = arith.addf %add3A_2444, %gather3A_2539 : vector<16xf32>
      %add3A_2541 = arith.constant 6012 : i32
      %add3A_2542 = vector.broadcast %add3A_2541 : i32 to vector<16xi32>
      %add3A_2543 = arith.addi %select_n3A_2510, %add3A_2542 : vector<16xi32>
      %gather3A_2544 = tpu.vector_load_idx %arg11[%add3A_2543] : memref<16032xf32, #tpu.memory_space<vmem>>[vector<16xi32>], vector<16xf32>,
      %add3A_2545 = arith.addf %add3A_2449, %gather3A_2544 : vector<16xf32>
      %add3A_2546 = arith.constant 7014 : i32
      %add3A_2547 = vector.broadcast %add3A_2546 : i32 to vector<16xi32>
      %add3A_2548 = arith.addi %select_n3A_2510, %add3A_2547 : vector<16xi32>
      %gather3A_2549 = tpu.vector_load_idx %arg11[%add3A_2548] : memref<16032xf32, #tpu.memory_space<vmem>>[vector<16xi32>], vector<16xf32>,
      %add3A_2550 = arith.addf %add3A_2454, %gather3A_2549 : vector<16xf32>
      %add3A_2551 = arith.constant 8016 : i32
      %add3A_2552 = vector.broadcast %add3A_2551 : i32 to vector<16xi32>
      %add3A_2553 = arith.addi %select_n3A_2510, %add3A_2552 : vector<16xi32>
      %gather3A_2554 = tpu.vector_load_idx %arg11[%add3A_2553] : memref<16032xf32, #tpu.memory_space<vmem>>[vector<16xi32>], vector<16xf32>,
      %add3A_2555 = arith.addf %add3A_2459, %gather3A_2554 : vector<16xf32>
      %add3A_2556 = arith.constant 9018 : i32
      %add3A_2557 = vector.broadcast %add3A_2556 : i32 to vector<16xi32>
      %add3A_2558 = arith.addi %select_n3A_2510, %add3A_2557 : vector<16xi32>
      %gather3A_2559 = tpu.vector_load_idx %arg11[%add3A_2558] : memref<16032xf32, #tpu.memory_space<vmem>>[vector<16xi32>], vector<16xf32>,
      %add3A_2560 = arith.addf %add3A_2464, %gather3A_2559 : vector<16xf32>
      %add3A_2561 = arith.constant 10020 : i32
      %add3A_2562 = vector.broadcast %add3A_2561 : i32 to vector<16xi32>
      %add3A_2563 = arith.addi %select_n3A_2510, %add3A_2562 : vector<16xi32>
      %gather3A_2564 = tpu.vector_load_idx %arg11[%add3A_2563] : memref<16032xf32, #tpu.memory_space<vmem>>[vector<16xi32>], vector<16xf32>,
      %add3A_2565 = arith.addf %add3A_2469, %gather3A_2564 : vector<16xf32>
      %add3A_2566 = arith.constant 11022 : i32
      %add3A_2567 = vector.broadcast %add3A_2566 : i32 to vector<16xi32>
      %add3A_2568 = arith.addi %select_n3A_2510, %add3A_2567 : vector<16xi32>
      %gather3A_2569 = tpu.vector_load_idx %arg11[%add3A_2568] : memref<16032xf32, #tpu.memory_space<vmem>>[vector<16xi32>], vector<16xf32>,
      %add3A_2570 = arith.addf %add3A_2474, %gather3A_2569 : vector<16xf32>
      %add3A_2571 = arith.constant 12024 : i32
      %add3A_2572 = vector.broadcast %add3A_2571 : i32 to vector<16xi32>
      %add3A_2573 = arith.addi %select_n3A_2510, %add3A_2572 : vector<16xi32>
      %gather3A_2574 = tpu.vector_load_idx %arg11[%add3A_2573] : memref<16032xf32, #tpu.memory_space<vmem>>[vector<16xi32>], vector<16xf32>,
      %add3A_2575 = arith.addf %add3A_2479, %gather3A_2574 : vector<16xf32>
      %add3A_2576 = arith.constant 13026 : i32
      %add3A_2577 = vector.broadcast %add3A_2576 : i32 to vector<16xi32>
      %add3A_2578 = arith.addi %select_n3A_2510, %add3A_2577 : vector<16xi32>
      %gather3A_2579 = tpu.vector_load_idx %arg11[%add3A_2578] : memref<16032xf32, #tpu.memory_space<vmem>>[vector<16xi32>], vector<16xf32>,
      %add3A_2580 = arith.addf %add3A_2484, %gather3A_2579 : vector<16xf32>
      %add3A_2581 = arith.constant 14028 : i32
      %add3A_2582 = vector.broadcast %add3A_2581 : i32 to vector<16xi32>
      %add3A_2583 = arith.addi %select_n3A_2510, %add3A_2582 : vector<16xi32>
      %gather3A_2584 = tpu.vector_load_idx %arg11[%add3A_2583] : memref<16032xf32, #tpu.memory_space<vmem>>[vector<16xi32>], vector<16xf32>,
      %add3A_2585 = arith.addf %add3A_2489, %gather3A_2584 : vector<16xf32>
      %add3A_2586 = arith.constant 15030 : i32
      %add3A_2587 = vector.broadcast %add3A_2586 : i32 to vector<16xi32>
      %add3A_2588 = arith.addi %select_n3A_2510, %add3A_2587 : vector<16xi32>
      %gather3A_2589 = tpu.vector_load_idx %arg11[%add3A_2588] : memref<16032xf32, #tpu.memory_space<vmem>>[vector<16xi32>], vector<16xf32>,
      %add3A_2590 = arith.addf %add3A_2494, %gather3A_2589 : vector<16xf32>
      %add3A_2591 = arith.constant 9728 : i32
      %add3A_2592 = arith.addi %add3A_2591, %mul3A_738 : i32
      %get3A_2593 = arith.index_cast %add3A_2592 : i32 to index
      %get3A_2594 = tpu.vector_load %arg10[%get3A_2593] {strides = array<i32>} : memref<10240xi32, #tpu.memory_space<vmem>>, vector<16xi32>,
      %ne3A_2595 = arith.constant 0 : i32
      %ne3A_2596 = vector.broadcast %ne3A_2595 : i32 to vector<16xi32>
      %ne3A_2597 = arith.cmpi ne, %get3A_2594, %ne3A_2596 : vector<16xi32>
      %jit3A_2598 = arith.constant 1.000000e+00 : f32
      %jit3A_2599 = arith.constant 0.000000e+00 : f32
      %broadcast_in_dim3A_2600 = vector.broadcast %jit3A_2598 : f32 to vector<16xf32>
      %broadcast_in_dim3A_2601 = vector.broadcast %jit3A_2599 : f32 to vector<16xf32>
      %select_n3A_2602 = arith.select %ne3A_2597, %broadcast_in_dim3A_2600, %broadcast_in_dim3A_2601 : vector<16xi1>, vector<16xf32>
      %add3A_2603 = arith.addf %add3A_2507, %select_n3A_2602 : vector<16xf32>
      %broadcast_in_dim3A_2604 = arith.constant 1001 : i32
      %broadcast_in_dim3A_2605 = vector.broadcast %broadcast_in_dim3A_2604 : i32 to vector<16xi32>
      %select_n3A_2606 = arith.select %ne3A_2597, %get3A_2594, %broadcast_in_dim3A_2605 : vector<16xi1>, vector<16xi32>
      %add3A_2607 = arith.constant 0 : i32
      %add3A_2608 = vector.broadcast %add3A_2607 : i32 to vector<16xi32>
      %add3A_2609 = arith.addi %select_n3A_2606, %add3A_2608 : vector<16xi32>
      %gather3A_2610 = tpu.vector_load_idx %arg11[%add3A_2609] : memref<16032xf32, #tpu.memory_space<vmem>>[vector<16xi32>], vector<16xf32>,
      %add3A_2611 = arith.addf %add3A_2515, %gather3A_2610 : vector<16xf32>
      %add3A_2612 = arith.constant 1002 : i32
      %add3A_2613 = vector.broadcast %add3A_2612 : i32 to vector<16xi32>
      %add3A_2614 = arith.addi %select_n3A_2606, %add3A_2613 : vector<16xi32>
      %gather3A_2615 = tpu.vector_load_idx %arg11[%add3A_2614] : memref<16032xf32, #tpu.memory_space<vmem>>[vector<16xi32>], vector<16xf32>,
      %add3A_2616 = arith.addf %add3A_2520, %gather3A_2615 : vector<16xf32>
      %add3A_2617 = arith.constant 2004 : i32
      %add3A_2618 = vector.broadcast %add3A_2617 : i32 to vector<16xi32>
      %add3A_2619 = arith.addi %select_n3A_2606, %add3A_2618 : vector<16xi32>
      %gather3A_2620 = tpu.vector_load_idx %arg11[%add3A_2619] : memref<16032xf32, #tpu.memory_space<vmem>>[vector<16xi32>], vector<16xf32>,
      %add3A_2621 = arith.addf %add3A_2525, %gather3A_2620 : vector<16xf32>
      %add3A_2622 = arith.constant 3006 : i32
      %add3A_2623 = vector.broadcast %add3A_2622 : i32 to vector<16xi32>
      %add3A_2624 = arith.addi %select_n3A_2606, %add3A_2623 : vector<16xi32>
      %gather3A_2625 = tpu.vector_load_idx %arg11[%add3A_2624] : memref<16032xf32, #tpu.memory_space<vmem>>[vector<16xi32>], vector<16xf32>,
      %add3A_2626 = arith.addf %add3A_2530, %gather3A_2625 : vector<16xf32>
      %add3A_2627 = arith.constant 4008 : i32
      %add3A_2628 = vector.broadcast %add3A_2627 : i32 to vector<16xi32>
      %add3A_2629 = arith.addi %select_n3A_2606, %add3A_2628 : vector<16xi32>
      %gather3A_2630 = tpu.vector_load_idx %arg11[%add3A_2629] : memref<16032xf32, #tpu.memory_space<vmem>>[vector<16xi32>], vector<16xf32>,
      %add3A_2631 = arith.addf %add3A_2535, %gather3A_2630 : vector<16xf32>
      %add3A_2632 = arith.constant 5010 : i32
      %add3A_2633 = vector.broadcast %add3A_2632 : i32 to vector<16xi32>
      %add3A_2634 = arith.addi %select_n3A_2606, %add3A_2633 : vector<16xi32>
      %gather3A_2635 = tpu.vector_load_idx %arg11[%add3A_2634] : memref<16032xf32, #tpu.memory_space<vmem>>[vector<16xi32>], vector<16xf32>,
      %add3A_2636 = arith.addf %add3A_2540, %gather3A_2635 : vector<16xf32>
      %add3A_2637 = arith.constant 6012 : i32
      %add3A_2638 = vector.broadcast %add3A_2637 : i32 to vector<16xi32>
      %add3A_2639 = arith.addi %select_n3A_2606, %add3A_2638 : vector<16xi32>
      %gather3A_2640 = tpu.vector_load_idx %arg11[%add3A_2639] : memref<16032xf32, #tpu.memory_space<vmem>>[vector<16xi32>], vector<16xf32>,
      %add3A_2641 = arith.addf %add3A_2545, %gather3A_2640 : vector<16xf32>
      %add3A_2642 = arith.constant 7014 : i32
      %add3A_2643 = vector.broadcast %add3A_2642 : i32 to vector<16xi32>
      %add3A_2644 = arith.addi %select_n3A_2606, %add3A_2643 : vector<16xi32>
      %gather3A_2645 = tpu.vector_load_idx %arg11[%add3A_2644] : memref<16032xf32, #tpu.memory_space<vmem>>[vector<16xi32>], vector<16xf32>,
      %add3A_2646 = arith.addf %add3A_2550, %gather3A_2645 : vector<16xf32>
      %add3A_2647 = arith.constant 8016 : i32
      %add3A_2648 = vector.broadcast %add3A_2647 : i32 to vector<16xi32>
      %add3A_2649 = arith.addi %select_n3A_2606, %add3A_2648 : vector<16xi32>
      %gather3A_2650 = tpu.vector_load_idx %arg11[%add3A_2649] : memref<16032xf32, #tpu.memory_space<vmem>>[vector<16xi32>], vector<16xf32>,
      %add3A_2651 = arith.addf %add3A_2555, %gather3A_2650 : vector<16xf32>
      %add3A_2652 = arith.constant 9018 : i32
      %add3A_2653 = vector.broadcast %add3A_2652 : i32 to vector<16xi32>
      %add3A_2654 = arith.addi %select_n3A_2606, %add3A_2653 : vector<16xi32>
      %gather3A_2655 = tpu.vector_load_idx %arg11[%add3A_2654] : memref<16032xf32, #tpu.memory_space<vmem>>[vector<16xi32>], vector<16xf32>,
      %add3A_2656 = arith.addf %add3A_2560, %gather3A_2655 : vector<16xf32>
      %add3A_2657 = arith.constant 10020 : i32
      %add3A_2658 = vector.broadcast %add3A_2657 : i32 to vector<16xi32>
      %add3A_2659 = arith.addi %select_n3A_2606, %add3A_2658 : vector<16xi32>
      %gather3A_2660 = tpu.vector_load_idx %arg11[%add3A_2659] : memref<16032xf32, #tpu.memory_space<vmem>>[vector<16xi32>], vector<16xf32>,
      %add3A_2661 = arith.addf %add3A_2565, %gather3A_2660 : vector<16xf32>
      %add3A_2662 = arith.constant 11022 : i32
      %add3A_2663 = vector.broadcast %add3A_2662 : i32 to vector<16xi32>
      %add3A_2664 = arith.addi %select_n3A_2606, %add3A_2663 : vector<16xi32>
      %gather3A_2665 = tpu.vector_load_idx %arg11[%add3A_2664] : memref<16032xf32, #tpu.memory_space<vmem>>[vector<16xi32>], vector<16xf32>,
      %add3A_2666 = arith.addf %add3A_2570, %gather3A_2665 : vector<16xf32>
      %add3A_2667 = arith.constant 12024 : i32
      %add3A_2668 = vector.broadcast %add3A_2667 : i32 to vector<16xi32>
      %add3A_2669 = arith.addi %select_n3A_2606, %add3A_2668 : vector<16xi32>
      %gather3A_2670 = tpu.vector_load_idx %arg11[%add3A_2669] : memref<16032xf32, #tpu.memory_space<vmem>>[vector<16xi32>], vector<16xf32>,
      %add3A_2671 = arith.addf %add3A_2575, %gather3A_2670 : vector<16xf32>
      %add3A_2672 = arith.constant 13026 : i32
      %add3A_2673 = vector.broadcast %add3A_2672 : i32 to vector<16xi32>
      %add3A_2674 = arith.addi %select_n3A_2606, %add3A_2673 : vector<16xi32>
      %gather3A_2675 = tpu.vector_load_idx %arg11[%add3A_2674] : memref<16032xf32, #tpu.memory_space<vmem>>[vector<16xi32>], vector<16xf32>,
      %add3A_2676 = arith.addf %add3A_2580, %gather3A_2675 : vector<16xf32>
      %add3A_2677 = arith.constant 14028 : i32
      %add3A_2678 = vector.broadcast %add3A_2677 : i32 to vector<16xi32>
      %add3A_2679 = arith.addi %select_n3A_2606, %add3A_2678 : vector<16xi32>
      %gather3A_2680 = tpu.vector_load_idx %arg11[%add3A_2679] : memref<16032xf32, #tpu.memory_space<vmem>>[vector<16xi32>], vector<16xf32>,
      %add3A_2681 = arith.addf %add3A_2585, %gather3A_2680 : vector<16xf32>
      %add3A_2682 = arith.constant 15030 : i32
      %add3A_2683 = vector.broadcast %add3A_2682 : i32 to vector<16xi32>
      %add3A_2684 = arith.addi %select_n3A_2606, %add3A_2683 : vector<16xi32>
      %gather3A_2685 = tpu.vector_load_idx %arg11[%add3A_2684] : memref<16032xf32, #tpu.memory_space<vmem>>[vector<16xi32>], vector<16xf32>,
      %add3A_2686 = arith.addf %add3A_2590, %gather3A_2685 : vector<16xf32>
      %max3A = arith.constant 1.000000e+00 : f32
      %max3A_2687 = vector.broadcast %max3A : f32 to vector<16xf32>
      %max3A_2688 = arith.maximumf %add3A_2603, %max3A_2687 : vector<16xf32>
      %div3A = arith.constant 1.000000e+00 : f32
      %div3A_2689 = vector.broadcast %div3A : f32 to vector<16xf32>
      %div3A_2690 = arith.divf %div3A_2689, %max3A_2688 : vector<16xf32>
      %mul3A_2691 = arith.mulf %add3A_2611, %div3A_2690 : vector<16xf32>
      %add3A_2692 = arith.constant 0 : i32
      %add3A_2693 = arith.addi %add3A_2692, %mul3A_738 : i32
      %swap3A = arith.index_cast %add3A_2693 : i32 to index
      %swap3A_2694 = tpu.vector_load %arg12[%swap3A] {strides = array<i32>} : memref<8192xf32, #tpu.memory_space<vmem>>, vector<16xf32>,
      tpu.vector_store %arg12[%swap3A], %mul3A_2691 {strides = array<i32>} : memref<8192xf32, #tpu.memory_space<vmem>>, vector<16xf32>,
      %mul3A_2695 = arith.mulf %add3A_2616, %div3A_2690 : vector<16xf32>
      %add3A_2696 = arith.constant 512 : i32
      %add3A_2697 = arith.addi %add3A_2696, %mul3A_738 : i32
      %swap3A_2698 = arith.index_cast %add3A_2697 : i32 to index
      %swap3A_2699 = tpu.vector_load %arg12[%swap3A_2698] {strides = array<i32>} : memref<8192xf32, #tpu.memory_space<vmem>>, vector<16xf32>,
      tpu.vector_store %arg12[%swap3A_2698], %mul3A_2695 {strides = array<i32>} : memref<8192xf32, #tpu.memory_space<vmem>>, vector<16xf32>,
      %mul3A_2700 = arith.mulf %add3A_2621, %div3A_2690 : vector<16xf32>
      %add3A_2701 = arith.constant 1024 : i32
      %add3A_2702 = arith.addi %add3A_2701, %mul3A_738 : i32
      %swap3A_2703 = arith.index_cast %add3A_2702 : i32 to index
      %swap3A_2704 = tpu.vector_load %arg12[%swap3A_2703] {strides = array<i32>} : memref<8192xf32, #tpu.memory_space<vmem>>, vector<16xf32>,
      tpu.vector_store %arg12[%swap3A_2703], %mul3A_2700 {strides = array<i32>} : memref<8192xf32, #tpu.memory_space<vmem>>, vector<16xf32>,
      %mul3A_2705 = arith.mulf %add3A_2626, %div3A_2690 : vector<16xf32>
      %add3A_2706 = arith.constant 1536 : i32
      %add3A_2707 = arith.addi %add3A_2706, %mul3A_738 : i32
      %swap3A_2708 = arith.index_cast %add3A_2707 : i32 to index
      %swap3A_2709 = tpu.vector_load %arg12[%swap3A_2708] {strides = array<i32>} : memref<8192xf32, #tpu.memory_space<vmem>>, vector<16xf32>,
      tpu.vector_store %arg12[%swap3A_2708], %mul3A_2705 {strides = array<i32>} : memref<8192xf32, #tpu.memory_space<vmem>>, vector<16xf32>,
      %mul3A_2710 = arith.mulf %add3A_2631, %div3A_2690 : vector<16xf32>
      %add3A_2711 = arith.constant 2048 : i32
      %add3A_2712 = arith.addi %add3A_2711, %mul3A_738 : i32
      %swap3A_2713 = arith.index_cast %add3A_2712 : i32 to index
      %swap3A_2714 = tpu.vector_load %arg12[%swap3A_2713] {strides = array<i32>} : memref<8192xf32, #tpu.memory_space<vmem>>, vector<16xf32>,
      tpu.vector_store %arg12[%swap3A_2713], %mul3A_2710 {strides = array<i32>} : memref<8192xf32, #tpu.memory_space<vmem>>, vector<16xf32>,
      %mul3A_2715 = arith.mulf %add3A_2636, %div3A_2690 : vector<16xf32>
      %add3A_2716 = arith.constant 2560 : i32
      %add3A_2717 = arith.addi %add3A_2716, %mul3A_738 : i32
      %swap3A_2718 = arith.index_cast %add3A_2717 : i32 to index
      %swap3A_2719 = tpu.vector_load %arg12[%swap3A_2718] {strides = array<i32>} : memref<8192xf32, #tpu.memory_space<vmem>>, vector<16xf32>,
      tpu.vector_store %arg12[%swap3A_2718], %mul3A_2715 {strides = array<i32>} : memref<8192xf32, #tpu.memory_space<vmem>>, vector<16xf32>,
      %mul3A_2720 = arith.mulf %add3A_2641, %div3A_2690 : vector<16xf32>
      %add3A_2721 = arith.constant 3072 : i32
      %add3A_2722 = arith.addi %add3A_2721, %mul3A_738 : i32
      %swap3A_2723 = arith.index_cast %add3A_2722 : i32 to index
      %swap3A_2724 = tpu.vector_load %arg12[%swap3A_2723] {strides = array<i32>} : memref<8192xf32, #tpu.memory_space<vmem>>, vector<16xf32>,
      tpu.vector_store %arg12[%swap3A_2723], %mul3A_2720 {strides = array<i32>} : memref<8192xf32, #tpu.memory_space<vmem>>, vector<16xf32>,
      %mul3A_2725 = arith.mulf %add3A_2646, %div3A_2690 : vector<16xf32>
      %add3A_2726 = arith.constant 3584 : i32
      %add3A_2727 = arith.addi %add3A_2726, %mul3A_738 : i32
      %swap3A_2728 = arith.index_cast %add3A_2727 : i32 to index
      %swap3A_2729 = tpu.vector_load %arg12[%swap3A_2728] {strides = array<i32>} : memref<8192xf32, #tpu.memory_space<vmem>>, vector<16xf32>,
      tpu.vector_store %arg12[%swap3A_2728], %mul3A_2725 {strides = array<i32>} : memref<8192xf32, #tpu.memory_space<vmem>>, vector<16xf32>,
      %mul3A_2730 = arith.mulf %add3A_2651, %div3A_2690 : vector<16xf32>
      %add3A_2731 = arith.constant 4096 : i32
      %add3A_2732 = arith.addi %add3A_2731, %mul3A_738 : i32
      %swap3A_2733 = arith.index_cast %add3A_2732 : i32 to index
      %swap3A_2734 = tpu.vector_load %arg12[%swap3A_2733] {strides = array<i32>} : memref<8192xf32, #tpu.memory_space<vmem>>, vector<16xf32>,
      tpu.vector_store %arg12[%swap3A_2733], %mul3A_2730 {strides = array<i32>} : memref<8192xf32, #tpu.memory_space<vmem>>, vector<16xf32>,
      %mul3A_2735 = arith.mulf %add3A_2656, %div3A_2690 : vector<16xf32>
      %add3A_2736 = arith.constant 4608 : i32
      %add3A_2737 = arith.addi %add3A_2736, %mul3A_738 : i32
      %swap3A_2738 = arith.index_cast %add3A_2737 : i32 to index
      %swap3A_2739 = tpu.vector_load %arg12[%swap3A_2738] {strides = array<i32>} : memref<8192xf32, #tpu.memory_space<vmem>>, vector<16xf32>,
      tpu.vector_store %arg12[%swap3A_2738], %mul3A_2735 {strides = array<i32>} : memref<8192xf32, #tpu.memory_space<vmem>>, vector<16xf32>,
      %mul3A_2740 = arith.mulf %add3A_2661, %div3A_2690 : vector<16xf32>
      %add3A_2741 = arith.constant 5120 : i32
      %add3A_2742 = arith.addi %add3A_2741, %mul3A_738 : i32
      %swap3A_2743 = arith.index_cast %add3A_2742 : i32 to index
      %swap3A_2744 = tpu.vector_load %arg12[%swap3A_2743] {strides = array<i32>} : memref<8192xf32, #tpu.memory_space<vmem>>, vector<16xf32>,
      tpu.vector_store %arg12[%swap3A_2743], %mul3A_2740 {strides = array<i32>} : memref<8192xf32, #tpu.memory_space<vmem>>, vector<16xf32>,
      %mul3A_2745 = arith.mulf %add3A_2666, %div3A_2690 : vector<16xf32>
      %add3A_2746 = arith.constant 5632 : i32
      %add3A_2747 = arith.addi %add3A_2746, %mul3A_738 : i32
      %swap3A_2748 = arith.index_cast %add3A_2747 : i32 to index
      %swap3A_2749 = tpu.vector_load %arg12[%swap3A_2748] {strides = array<i32>} : memref<8192xf32, #tpu.memory_space<vmem>>, vector<16xf32>,
      tpu.vector_store %arg12[%swap3A_2748], %mul3A_2745 {strides = array<i32>} : memref<8192xf32, #tpu.memory_space<vmem>>, vector<16xf32>,
      %mul3A_2750 = arith.mulf %add3A_2671, %div3A_2690 : vector<16xf32>
      %add3A_2751 = arith.constant 6144 : i32
      %add3A_2752 = arith.addi %add3A_2751, %mul3A_738 : i32
      %swap3A_2753 = arith.index_cast %add3A_2752 : i32 to index
      %swap3A_2754 = tpu.vector_load %arg12[%swap3A_2753] {strides = array<i32>} : memref<8192xf32, #tpu.memory_space<vmem>>, vector<16xf32>,
      tpu.vector_store %arg12[%swap3A_2753], %mul3A_2750 {strides = array<i32>} : memref<8192xf32, #tpu.memory_space<vmem>>, vector<16xf32>,
      %mul3A_2755 = arith.mulf %add3A_2676, %div3A_2690 : vector<16xf32>
      %add3A_2756 = arith.constant 6656 : i32
      %add3A_2757 = arith.addi %add3A_2756, %mul3A_738 : i32
      %swap3A_2758 = arith.index_cast %add3A_2757 : i32 to index
      %swap3A_2759 = tpu.vector_load %arg12[%swap3A_2758] {strides = array<i32>} : memref<8192xf32, #tpu.memory_space<vmem>>, vector<16xf32>,
      tpu.vector_store %arg12[%swap3A_2758], %mul3A_2755 {strides = array<i32>} : memref<8192xf32, #tpu.memory_space<vmem>>, vector<16xf32>,
      %mul3A_2760 = arith.mulf %add3A_2681, %div3A_2690 : vector<16xf32>
      %add3A_2761 = arith.constant 7168 : i32
      %add3A_2762 = arith.addi %add3A_2761, %mul3A_738 : i32
      %swap3A_2763 = arith.index_cast %add3A_2762 : i32 to index
      %swap3A_2764 = tpu.vector_load %arg12[%swap3A_2763] {strides = array<i32>} : memref<8192xf32, #tpu.memory_space<vmem>>, vector<16xf32>,
      tpu.vector_store %arg12[%swap3A_2763], %mul3A_2760 {strides = array<i32>} : memref<8192xf32, #tpu.memory_space<vmem>>, vector<16xf32>,
      %mul3A_2765 = arith.mulf %add3A_2686, %div3A_2690 : vector<16xf32>
      %add3A_2766 = arith.constant 7680 : i32
      %add3A_2767 = arith.addi %add3A_2766, %mul3A_738 : i32
      %swap3A_2768 = arith.index_cast %add3A_2767 : i32 to index
      %swap3A_2769 = tpu.vector_load %arg12[%swap3A_2768] {strides = array<i32>} : memref<8192xf32, #tpu.memory_space<vmem>>, vector<16xf32>,
      tpu.vector_store %arg12[%swap3A_2768], %mul3A_2765 {strides = array<i32>} : memref<8192xf32, #tpu.memory_space<vmem>>, vector<16xf32>,
    }
    %scan3A_407 = arith.constant 32 : i32
    %dma_start3A_408 = arith.constant 0 : i32
    %dma_start3A_409 = arith.constant 0 : i32
    %dma_start3A_410 = tpu.memref_slice %arg12[%dma_start3A_409] : memref<8192xf32, #tpu.memory_space<vmem>> -> memref<512xf32, #tpu.memory_space<vmem>>
    %dma_start3A_411 = tpu.memref_slice %arg7[%dma_start3A_408, %mul3A_2] : memref<16x16384xf32, #tpu.memory_space<hbm>> -> memref<1x512xf32, #tpu.memory_space<hbm>>
    %dma_start3A_412 = tpu.memref_squeeze %dma_start3A_411 : memref<1x512xf32, #tpu.memory_space<hbm>> -> memref<512xf32, #tpu.memory_space<hbm>>
    %dma_start3A_413 = tpu.memref_slice %arg7[%dma_start3A_408, %mul3A_2] : memref<16x16384xf32, #tpu.memory_space<hbm>> -> memref<1x512xf32, #tpu.memory_space<hbm>>
    %dma_start3A_414 = tpu.memref_squeeze %dma_start3A_413 : memref<1x512xf32, #tpu.memory_space<hbm>> -> memref<512xf32, #tpu.memory_space<hbm>>
    %dma_start3A_415 = arith.constant 0 : i32
    %dma_start3A_416 = tpu.memref_slice %arg12[%dma_start3A_415] : memref<8192xf32, #tpu.memory_space<vmem>> -> memref<512xf32, #tpu.memory_space<vmem>>
    tpu.enqueue_dma source(%dma_start3A_416 : memref<512xf32, #tpu.memory_space<vmem>>) target(%dma_start3A_414 : memref<512xf32, #tpu.memory_space<hbm>>) target_semaphore(%arg14 : memref<!tpu.dma_semaphore, #tpu.memory_space<semaphore_mem>>)
    %dma_start3A_417 = arith.constant 1 : i32
    %dma_start3A_418 = arith.constant 512 : i32
    %dma_start3A_419 = tpu.memref_slice %arg12[%dma_start3A_418] : memref<8192xf32, #tpu.memory_space<vmem>> -> memref<512xf32, #tpu.memory_space<vmem>>
    %dma_start3A_420 = tpu.memref_slice %arg7[%dma_start3A_417, %mul3A_2] : memref<16x16384xf32, #tpu.memory_space<hbm>> -> memref<1x512xf32, #tpu.memory_space<hbm>>
    %dma_start3A_421 = tpu.memref_squeeze %dma_start3A_420 : memref<1x512xf32, #tpu.memory_space<hbm>> -> memref<512xf32, #tpu.memory_space<hbm>>
    %dma_start3A_422 = tpu.memref_slice %arg7[%dma_start3A_417, %mul3A_2] : memref<16x16384xf32, #tpu.memory_space<hbm>> -> memref<1x512xf32, #tpu.memory_space<hbm>>
    %dma_start3A_423 = tpu.memref_squeeze %dma_start3A_422 : memref<1x512xf32, #tpu.memory_space<hbm>> -> memref<512xf32, #tpu.memory_space<hbm>>
    %dma_start3A_424 = arith.constant 512 : i32
    %dma_start3A_425 = tpu.memref_slice %arg12[%dma_start3A_424] : memref<8192xf32, #tpu.memory_space<vmem>> -> memref<512xf32, #tpu.memory_space<vmem>>
    tpu.enqueue_dma source(%dma_start3A_425 : memref<512xf32, #tpu.memory_space<vmem>>) target(%dma_start3A_423 : memref<512xf32, #tpu.memory_space<hbm>>) target_semaphore(%arg14 : memref<!tpu.dma_semaphore, #tpu.memory_space<semaphore_mem>>)
    %dma_start3A_426 = arith.constant 2 : i32
    %dma_start3A_427 = arith.constant 1024 : i32
    %dma_start3A_428 = tpu.memref_slice %arg12[%dma_start3A_427] : memref<8192xf32, #tpu.memory_space<vmem>> -> memref<512xf32, #tpu.memory_space<vmem>>
    %dma_start3A_429 = tpu.memref_slice %arg7[%dma_start3A_426, %mul3A_2] : memref<16x16384xf32, #tpu.memory_space<hbm>> -> memref<1x512xf32, #tpu.memory_space<hbm>>
    %dma_start3A_430 = tpu.memref_squeeze %dma_start3A_429 : memref<1x512xf32, #tpu.memory_space<hbm>> -> memref<512xf32, #tpu.memory_space<hbm>>
    %dma_start3A_431 = tpu.memref_slice %arg7[%dma_start3A_426, %mul3A_2] : memref<16x16384xf32, #tpu.memory_space<hbm>> -> memref<1x512xf32, #tpu.memory_space<hbm>>
    %dma_start3A_432 = tpu.memref_squeeze %dma_start3A_431 : memref<1x512xf32, #tpu.memory_space<hbm>> -> memref<512xf32, #tpu.memory_space<hbm>>
    %dma_start3A_433 = arith.constant 1024 : i32
    %dma_start3A_434 = tpu.memref_slice %arg12[%dma_start3A_433] : memref<8192xf32, #tpu.memory_space<vmem>> -> memref<512xf32, #tpu.memory_space<vmem>>
    tpu.enqueue_dma source(%dma_start3A_434 : memref<512xf32, #tpu.memory_space<vmem>>) target(%dma_start3A_432 : memref<512xf32, #tpu.memory_space<hbm>>) target_semaphore(%arg14 : memref<!tpu.dma_semaphore, #tpu.memory_space<semaphore_mem>>)
    %dma_start3A_435 = arith.constant 3 : i32
    %dma_start3A_436 = arith.constant 1536 : i32
    %dma_start3A_437 = tpu.memref_slice %arg12[%dma_start3A_436] : memref<8192xf32, #tpu.memory_space<vmem>> -> memref<512xf32, #tpu.memory_space<vmem>>
    %dma_start3A_438 = tpu.memref_slice %arg7[%dma_start3A_435, %mul3A_2] : memref<16x16384xf32, #tpu.memory_space<hbm>> -> memref<1x512xf32, #tpu.memory_space<hbm>>
    %dma_start3A_439 = tpu.memref_squeeze %dma_start3A_438 : memref<1x512xf32, #tpu.memory_space<hbm>> -> memref<512xf32, #tpu.memory_space<hbm>>
    %dma_start3A_440 = tpu.memref_slice %arg7[%dma_start3A_435, %mul3A_2] : memref<16x16384xf32, #tpu.memory_space<hbm>> -> memref<1x512xf32, #tpu.memory_space<hbm>>
    %dma_start3A_441 = tpu.memref_squeeze %dma_start3A_440 : memref<1x512xf32, #tpu.memory_space<hbm>> -> memref<512xf32, #tpu.memory_space<hbm>>
    %dma_start3A_442 = arith.constant 1536 : i32
    %dma_start3A_443 = tpu.memref_slice %arg12[%dma_start3A_442] : memref<8192xf32, #tpu.memory_space<vmem>> -> memref<512xf32, #tpu.memory_space<vmem>>
    tpu.enqueue_dma source(%dma_start3A_443 : memref<512xf32, #tpu.memory_space<vmem>>) target(%dma_start3A_441 : memref<512xf32, #tpu.memory_space<hbm>>) target_semaphore(%arg14 : memref<!tpu.dma_semaphore, #tpu.memory_space<semaphore_mem>>)
    %dma_start3A_444 = arith.constant 4 : i32
    %dma_start3A_445 = arith.constant 2048 : i32
    %dma_start3A_446 = tpu.memref_slice %arg12[%dma_start3A_445] : memref<8192xf32, #tpu.memory_space<vmem>> -> memref<512xf32, #tpu.memory_space<vmem>>
    %dma_start3A_447 = tpu.memref_slice %arg7[%dma_start3A_444, %mul3A_2] : memref<16x16384xf32, #tpu.memory_space<hbm>> -> memref<1x512xf32, #tpu.memory_space<hbm>>
    %dma_start3A_448 = tpu.memref_squeeze %dma_start3A_447 : memref<1x512xf32, #tpu.memory_space<hbm>> -> memref<512xf32, #tpu.memory_space<hbm>>
    %dma_start3A_449 = tpu.memref_slice %arg7[%dma_start3A_444, %mul3A_2] : memref<16x16384xf32, #tpu.memory_space<hbm>> -> memref<1x512xf32, #tpu.memory_space<hbm>>
    %dma_start3A_450 = tpu.memref_squeeze %dma_start3A_449 : memref<1x512xf32, #tpu.memory_space<hbm>> -> memref<512xf32, #tpu.memory_space<hbm>>
    %dma_start3A_451 = arith.constant 2048 : i32
    %dma_start3A_452 = tpu.memref_slice %arg12[%dma_start3A_451] : memref<8192xf32, #tpu.memory_space<vmem>> -> memref<512xf32, #tpu.memory_space<vmem>>
    tpu.enqueue_dma source(%dma_start3A_452 : memref<512xf32, #tpu.memory_space<vmem>>) target(%dma_start3A_450 : memref<512xf32, #tpu.memory_space<hbm>>) target_semaphore(%arg14 : memref<!tpu.dma_semaphore, #tpu.memory_space<semaphore_mem>>)
    %dma_start3A_453 = arith.constant 5 : i32
    %dma_start3A_454 = arith.constant 2560 : i32
    %dma_start3A_455 = tpu.memref_slice %arg12[%dma_start3A_454] : memref<8192xf32, #tpu.memory_space<vmem>> -> memref<512xf32, #tpu.memory_space<vmem>>
    %dma_start3A_456 = tpu.memref_slice %arg7[%dma_start3A_453, %mul3A_2] : memref<16x16384xf32, #tpu.memory_space<hbm>> -> memref<1x512xf32, #tpu.memory_space<hbm>>
    %dma_start3A_457 = tpu.memref_squeeze %dma_start3A_456 : memref<1x512xf32, #tpu.memory_space<hbm>> -> memref<512xf32, #tpu.memory_space<hbm>>
    %dma_start3A_458 = tpu.memref_slice %arg7[%dma_start3A_453, %mul3A_2] : memref<16x16384xf32, #tpu.memory_space<hbm>> -> memref<1x512xf32, #tpu.memory_space<hbm>>
    %dma_start3A_459 = tpu.memref_squeeze %dma_start3A_458 : memref<1x512xf32, #tpu.memory_space<hbm>> -> memref<512xf32, #tpu.memory_space<hbm>>
    %dma_start3A_460 = arith.constant 2560 : i32
    %dma_start3A_461 = tpu.memref_slice %arg12[%dma_start3A_460] : memref<8192xf32, #tpu.memory_space<vmem>> -> memref<512xf32, #tpu.memory_space<vmem>>
    tpu.enqueue_dma source(%dma_start3A_461 : memref<512xf32, #tpu.memory_space<vmem>>) target(%dma_start3A_459 : memref<512xf32, #tpu.memory_space<hbm>>) target_semaphore(%arg14 : memref<!tpu.dma_semaphore, #tpu.memory_space<semaphore_mem>>)
    %dma_start3A_462 = arith.constant 6 : i32
    %dma_start3A_463 = arith.constant 3072 : i32
    %dma_start3A_464 = tpu.memref_slice %arg12[%dma_start3A_463] : memref<8192xf32, #tpu.memory_space<vmem>> -> memref<512xf32, #tpu.memory_space<vmem>>
    %dma_start3A_465 = tpu.memref_slice %arg7[%dma_start3A_462, %mul3A_2] : memref<16x16384xf32, #tpu.memory_space<hbm>> -> memref<1x512xf32, #tpu.memory_space<hbm>>
    %dma_start3A_466 = tpu.memref_squeeze %dma_start3A_465 : memref<1x512xf32, #tpu.memory_space<hbm>> -> memref<512xf32, #tpu.memory_space<hbm>>
    %dma_start3A_467 = tpu.memref_slice %arg7[%dma_start3A_462, %mul3A_2] : memref<16x16384xf32, #tpu.memory_space<hbm>> -> memref<1x512xf32, #tpu.memory_space<hbm>>
    %dma_start3A_468 = tpu.memref_squeeze %dma_start3A_467 : memref<1x512xf32, #tpu.memory_space<hbm>> -> memref<512xf32, #tpu.memory_space<hbm>>
    %dma_start3A_469 = arith.constant 3072 : i32
    %dma_start3A_470 = tpu.memref_slice %arg12[%dma_start3A_469] : memref<8192xf32, #tpu.memory_space<vmem>> -> memref<512xf32, #tpu.memory_space<vmem>>
    tpu.enqueue_dma source(%dma_start3A_470 : memref<512xf32, #tpu.memory_space<vmem>>) target(%dma_start3A_468 : memref<512xf32, #tpu.memory_space<hbm>>) target_semaphore(%arg14 : memref<!tpu.dma_semaphore, #tpu.memory_space<semaphore_mem>>)
    %dma_start3A_471 = arith.constant 7 : i32
    %dma_start3A_472 = arith.constant 3584 : i32
    %dma_start3A_473 = tpu.memref_slice %arg12[%dma_start3A_472] : memref<8192xf32, #tpu.memory_space<vmem>> -> memref<512xf32, #tpu.memory_space<vmem>>
    %dma_start3A_474 = tpu.memref_slice %arg7[%dma_start3A_471, %mul3A_2] : memref<16x16384xf32, #tpu.memory_space<hbm>> -> memref<1x512xf32, #tpu.memory_space<hbm>>
    %dma_start3A_475 = tpu.memref_squeeze %dma_start3A_474 : memref<1x512xf32, #tpu.memory_space<hbm>> -> memref<512xf32, #tpu.memory_space<hbm>>
    %dma_start3A_476 = tpu.memref_slice %arg7[%dma_start3A_471, %mul3A_2] : memref<16x16384xf32, #tpu.memory_space<hbm>> -> memref<1x512xf32, #tpu.memory_space<hbm>>
    %dma_start3A_477 = tpu.memref_squeeze %dma_start3A_476 : memref<1x512xf32, #tpu.memory_space<hbm>> -> memref<512xf32, #tpu.memory_space<hbm>>
    %dma_start3A_478 = arith.constant 3584 : i32
    %dma_start3A_479 = tpu.memref_slice %arg12[%dma_start3A_478] : memref<8192xf32, #tpu.memory_space<vmem>> -> memref<512xf32, #tpu.memory_space<vmem>>
    tpu.enqueue_dma source(%dma_start3A_479 : memref<512xf32, #tpu.memory_space<vmem>>) target(%dma_start3A_477 : memref<512xf32, #tpu.memory_space<hbm>>) target_semaphore(%arg14 : memref<!tpu.dma_semaphore, #tpu.memory_space<semaphore_mem>>)
    %dma_start3A_480 = arith.constant 8 : i32
    %dma_start3A_481 = arith.constant 4096 : i32
    %dma_start3A_482 = tpu.memref_slice %arg12[%dma_start3A_481] : memref<8192xf32, #tpu.memory_space<vmem>> -> memref<512xf32, #tpu.memory_space<vmem>>
    %dma_start3A_483 = tpu.memref_slice %arg7[%dma_start3A_480, %mul3A_2] : memref<16x16384xf32, #tpu.memory_space<hbm>> -> memref<1x512xf32, #tpu.memory_space<hbm>>
    %dma_start3A_484 = tpu.memref_squeeze %dma_start3A_483 : memref<1x512xf32, #tpu.memory_space<hbm>> -> memref<512xf32, #tpu.memory_space<hbm>>
    %dma_start3A_485 = tpu.memref_slice %arg7[%dma_start3A_480, %mul3A_2] : memref<16x16384xf32, #tpu.memory_space<hbm>> -> memref<1x512xf32, #tpu.memory_space<hbm>>
    %dma_start3A_486 = tpu.memref_squeeze %dma_start3A_485 : memref<1x512xf32, #tpu.memory_space<hbm>> -> memref<512xf32, #tpu.memory_space<hbm>>
    %dma_start3A_487 = arith.constant 4096 : i32
    %dma_start3A_488 = tpu.memref_slice %arg12[%dma_start3A_487] : memref<8192xf32, #tpu.memory_space<vmem>> -> memref<512xf32, #tpu.memory_space<vmem>>
    tpu.enqueue_dma source(%dma_start3A_488 : memref<512xf32, #tpu.memory_space<vmem>>) target(%dma_start3A_486 : memref<512xf32, #tpu.memory_space<hbm>>) target_semaphore(%arg14 : memref<!tpu.dma_semaphore, #tpu.memory_space<semaphore_mem>>)
    %dma_start3A_489 = arith.constant 9 : i32
    %dma_start3A_490 = arith.constant 4608 : i32
    %dma_start3A_491 = tpu.memref_slice %arg12[%dma_start3A_490] : memref<8192xf32, #tpu.memory_space<vmem>> -> memref<512xf32, #tpu.memory_space<vmem>>
    %dma_start3A_492 = tpu.memref_slice %arg7[%dma_start3A_489, %mul3A_2] : memref<16x16384xf32, #tpu.memory_space<hbm>> -> memref<1x512xf32, #tpu.memory_space<hbm>>
    %dma_start3A_493 = tpu.memref_squeeze %dma_start3A_492 : memref<1x512xf32, #tpu.memory_space<hbm>> -> memref<512xf32, #tpu.memory_space<hbm>>
    %dma_start3A_494 = tpu.memref_slice %arg7[%dma_start3A_489, %mul3A_2] : memref<16x16384xf32, #tpu.memory_space<hbm>> -> memref<1x512xf32, #tpu.memory_space<hbm>>
    %dma_start3A_495 = tpu.memref_squeeze %dma_start3A_494 : memref<1x512xf32, #tpu.memory_space<hbm>> -> memref<512xf32, #tpu.memory_space<hbm>>
    %dma_start3A_496 = arith.constant 4608 : i32
    %dma_start3A_497 = tpu.memref_slice %arg12[%dma_start3A_496] : memref<8192xf32, #tpu.memory_space<vmem>> -> memref<512xf32, #tpu.memory_space<vmem>>
    tpu.enqueue_dma source(%dma_start3A_497 : memref<512xf32, #tpu.memory_space<vmem>>) target(%dma_start3A_495 : memref<512xf32, #tpu.memory_space<hbm>>) target_semaphore(%arg14 : memref<!tpu.dma_semaphore, #tpu.memory_space<semaphore_mem>>)
    %dma_start3A_498 = arith.constant 10 : i32
    %dma_start3A_499 = arith.constant 5120 : i32
    %dma_start3A_500 = tpu.memref_slice %arg12[%dma_start3A_499] : memref<8192xf32, #tpu.memory_space<vmem>> -> memref<512xf32, #tpu.memory_space<vmem>>
    %dma_start3A_501 = tpu.memref_slice %arg7[%dma_start3A_498, %mul3A_2] : memref<16x16384xf32, #tpu.memory_space<hbm>> -> memref<1x512xf32, #tpu.memory_space<hbm>>
    %dma_start3A_502 = tpu.memref_squeeze %dma_start3A_501 : memref<1x512xf32, #tpu.memory_space<hbm>> -> memref<512xf32, #tpu.memory_space<hbm>>
    %dma_start3A_503 = tpu.memref_slice %arg7[%dma_start3A_498, %mul3A_2] : memref<16x16384xf32, #tpu.memory_space<hbm>> -> memref<1x512xf32, #tpu.memory_space<hbm>>
    %dma_start3A_504 = tpu.memref_squeeze %dma_start3A_503 : memref<1x512xf32, #tpu.memory_space<hbm>> -> memref<512xf32, #tpu.memory_space<hbm>>
    %dma_start3A_505 = arith.constant 5120 : i32
    %dma_start3A_506 = tpu.memref_slice %arg12[%dma_start3A_505] : memref<8192xf32, #tpu.memory_space<vmem>> -> memref<512xf32, #tpu.memory_space<vmem>>
    tpu.enqueue_dma source(%dma_start3A_506 : memref<512xf32, #tpu.memory_space<vmem>>) target(%dma_start3A_504 : memref<512xf32, #tpu.memory_space<hbm>>) target_semaphore(%arg14 : memref<!tpu.dma_semaphore, #tpu.memory_space<semaphore_mem>>)
    %dma_start3A_507 = arith.constant 11 : i32
    %dma_start3A_508 = arith.constant 5632 : i32
    %dma_start3A_509 = tpu.memref_slice %arg12[%dma_start3A_508] : memref<8192xf32, #tpu.memory_space<vmem>> -> memref<512xf32, #tpu.memory_space<vmem>>
    %dma_start3A_510 = tpu.memref_slice %arg7[%dma_start3A_507, %mul3A_2] : memref<16x16384xf32, #tpu.memory_space<hbm>> -> memref<1x512xf32, #tpu.memory_space<hbm>>
    %dma_start3A_511 = tpu.memref_squeeze %dma_start3A_510 : memref<1x512xf32, #tpu.memory_space<hbm>> -> memref<512xf32, #tpu.memory_space<hbm>>
    %dma_start3A_512 = tpu.memref_slice %arg7[%dma_start3A_507, %mul3A_2] : memref<16x16384xf32, #tpu.memory_space<hbm>> -> memref<1x512xf32, #tpu.memory_space<hbm>>
    %dma_start3A_513 = tpu.memref_squeeze %dma_start3A_512 : memref<1x512xf32, #tpu.memory_space<hbm>> -> memref<512xf32, #tpu.memory_space<hbm>>
    %dma_start3A_514 = arith.constant 5632 : i32
    %dma_start3A_515 = tpu.memref_slice %arg12[%dma_start3A_514] : memref<8192xf32, #tpu.memory_space<vmem>> -> memref<512xf32, #tpu.memory_space<vmem>>
    tpu.enqueue_dma source(%dma_start3A_515 : memref<512xf32, #tpu.memory_space<vmem>>) target(%dma_start3A_513 : memref<512xf32, #tpu.memory_space<hbm>>) target_semaphore(%arg14 : memref<!tpu.dma_semaphore, #tpu.memory_space<semaphore_mem>>)
    %dma_start3A_516 = arith.constant 12 : i32
    %dma_start3A_517 = arith.constant 6144 : i32
    %dma_start3A_518 = tpu.memref_slice %arg12[%dma_start3A_517] : memref<8192xf32, #tpu.memory_space<vmem>> -> memref<512xf32, #tpu.memory_space<vmem>>
    %dma_start3A_519 = tpu.memref_slice %arg7[%dma_start3A_516, %mul3A_2] : memref<16x16384xf32, #tpu.memory_space<hbm>> -> memref<1x512xf32, #tpu.memory_space<hbm>>
    %dma_start3A_520 = tpu.memref_squeeze %dma_start3A_519 : memref<1x512xf32, #tpu.memory_space<hbm>> -> memref<512xf32, #tpu.memory_space<hbm>>
    %dma_start3A_521 = tpu.memref_slice %arg7[%dma_start3A_516, %mul3A_2] : memref<16x16384xf32, #tpu.memory_space<hbm>> -> memref<1x512xf32, #tpu.memory_space<hbm>>
    %dma_start3A_522 = tpu.memref_squeeze %dma_start3A_521 : memref<1x512xf32, #tpu.memory_space<hbm>> -> memref<512xf32, #tpu.memory_space<hbm>>
    %dma_start3A_523 = arith.constant 6144 : i32
    %dma_start3A_524 = tpu.memref_slice %arg12[%dma_start3A_523] : memref<8192xf32, #tpu.memory_space<vmem>> -> memref<512xf32, #tpu.memory_space<vmem>>
    tpu.enqueue_dma source(%dma_start3A_524 : memref<512xf32, #tpu.memory_space<vmem>>) target(%dma_start3A_522 : memref<512xf32, #tpu.memory_space<hbm>>) target_semaphore(%arg14 : memref<!tpu.dma_semaphore, #tpu.memory_space<semaphore_mem>>)
    %dma_start3A_525 = arith.constant 13 : i32
    %dma_start3A_526 = arith.constant 6656 : i32
    %dma_start3A_527 = tpu.memref_slice %arg12[%dma_start3A_526] : memref<8192xf32, #tpu.memory_space<vmem>> -> memref<512xf32, #tpu.memory_space<vmem>>
    %dma_start3A_528 = tpu.memref_slice %arg7[%dma_start3A_525, %mul3A_2] : memref<16x16384xf32, #tpu.memory_space<hbm>> -> memref<1x512xf32, #tpu.memory_space<hbm>>
    %dma_start3A_529 = tpu.memref_squeeze %dma_start3A_528 : memref<1x512xf32, #tpu.memory_space<hbm>> -> memref<512xf32, #tpu.memory_space<hbm>>
    %dma_start3A_530 = tpu.memref_slice %arg7[%dma_start3A_525, %mul3A_2] : memref<16x16384xf32, #tpu.memory_space<hbm>> -> memref<1x512xf32, #tpu.memory_space<hbm>>
    %dma_start3A_531 = tpu.memref_squeeze %dma_start3A_530 : memref<1x512xf32, #tpu.memory_space<hbm>> -> memref<512xf32, #tpu.memory_space<hbm>>
    %dma_start3A_532 = arith.constant 6656 : i32
    %dma_start3A_533 = tpu.memref_slice %arg12[%dma_start3A_532] : memref<8192xf32, #tpu.memory_space<vmem>> -> memref<512xf32, #tpu.memory_space<vmem>>
    tpu.enqueue_dma source(%dma_start3A_533 : memref<512xf32, #tpu.memory_space<vmem>>) target(%dma_start3A_531 : memref<512xf32, #tpu.memory_space<hbm>>) target_semaphore(%arg14 : memref<!tpu.dma_semaphore, #tpu.memory_space<semaphore_mem>>)
    %dma_start3A_534 = arith.constant 14 : i32
    %dma_start3A_535 = arith.constant 7168 : i32
    %dma_start3A_536 = tpu.memref_slice %arg12[%dma_start3A_535] : memref<8192xf32, #tpu.memory_space<vmem>> -> memref<512xf32, #tpu.memory_space<vmem>>
    %dma_start3A_537 = tpu.memref_slice %arg7[%dma_start3A_534, %mul3A_2] : memref<16x16384xf32, #tpu.memory_space<hbm>> -> memref<1x512xf32, #tpu.memory_space<hbm>>
    %dma_start3A_538 = tpu.memref_squeeze %dma_start3A_537 : memref<1x512xf32, #tpu.memory_space<hbm>> -> memref<512xf32, #tpu.memory_space<hbm>>
    %dma_start3A_539 = tpu.memref_slice %arg7[%dma_start3A_534, %mul3A_2] : memref<16x16384xf32, #tpu.memory_space<hbm>> -> memref<1x512xf32, #tpu.memory_space<hbm>>
    %dma_start3A_540 = tpu.memref_squeeze %dma_start3A_539 : memref<1x512xf32, #tpu.memory_space<hbm>> -> memref<512xf32, #tpu.memory_space<hbm>>
    %dma_start3A_541 = arith.constant 7168 : i32
    %dma_start3A_542 = tpu.memref_slice %arg12[%dma_start3A_541] : memref<8192xf32, #tpu.memory_space<vmem>> -> memref<512xf32, #tpu.memory_space<vmem>>
    tpu.enqueue_dma source(%dma_start3A_542 : memref<512xf32, #tpu.memory_space<vmem>>) target(%dma_start3A_540 : memref<512xf32, #tpu.memory_space<hbm>>) target_semaphore(%arg14 : memref<!tpu.dma_semaphore, #tpu.memory_space<semaphore_mem>>)
    %dma_start3A_543 = arith.constant 15 : i32
    %dma_start3A_544 = arith.constant 7680 : i32
    %dma_start3A_545 = tpu.memref_slice %arg12[%dma_start3A_544] : memref<8192xf32, #tpu.memory_space<vmem>> -> memref<512xf32, #tpu.memory_space<vmem>>
    %dma_start3A_546 = tpu.memref_slice %arg7[%dma_start3A_543, %mul3A_2] : memref<16x16384xf32, #tpu.memory_space<hbm>> -> memref<1x512xf32, #tpu.memory_space<hbm>>
    %dma_start3A_547 = tpu.memref_squeeze %dma_start3A_546 : memref<1x512xf32, #tpu.memory_space<hbm>> -> memref<512xf32, #tpu.memory_space<hbm>>
    %dma_start3A_548 = tpu.memref_slice %arg7[%dma_start3A_543, %mul3A_2] : memref<16x16384xf32, #tpu.memory_space<hbm>> -> memref<1x512xf32, #tpu.memory_space<hbm>>
    %dma_start3A_549 = tpu.memref_squeeze %dma_start3A_548 : memref<1x512xf32, #tpu.memory_space<hbm>> -> memref<512xf32, #tpu.memory_space<hbm>>
    %dma_start3A_550 = arith.constant 7680 : i32
    %dma_start3A_551 = tpu.memref_slice %arg12[%dma_start3A_550] : memref<8192xf32, #tpu.memory_space<vmem>> -> memref<512xf32, #tpu.memory_space<vmem>>
    tpu.enqueue_dma source(%dma_start3A_551 : memref<512xf32, #tpu.memory_space<vmem>>) target(%dma_start3A_549 : memref<512xf32, #tpu.memory_space<hbm>>) target_semaphore(%arg14 : memref<!tpu.dma_semaphore, #tpu.memory_space<semaphore_mem>>)
    %dma_wait3A_552 = arith.constant 0 : i32
    %dma_wait3A_553 = arith.constant 0 : i32
    %dma_wait3A_554 = arith.constant 0 : i32
    %dma_wait3A_555 = tpu.memref_slice %arg9[%dma_wait3A_553, %dma_wait3A_554] : memref<512x32xf32, #tpu.memory_space<vmem>> -> memref<128x32xf32, #tpu.memory_space<vmem>>
    %dma_wait3A_556 = arith.constant 0 : i32
    %dma_wait3A_557 = tpu.memref_slice %arg8[%dma_wait3A_552, %dma_wait3A_556] : memref<4x128xi32, #tpu.memory_space<vmem>> -> memref<1x128xi32, #tpu.memory_space<vmem>>
    %dma_wait3A_558 = tpu.memref_squeeze %dma_wait3A_557 : memref<1x128xi32, #tpu.memory_space<vmem>> -> memref<128xi32, #tpu.memory_space<vmem>>
    %dma_wait3A_559 = arith.constant 0 : i32
    %dma_wait3A_560 = arith.constant 0 : i32
    %dma_wait3A_561 = tpu.memref_slice %arg2[%dma_wait3A_559, %dma_wait3A_560] : memref<100001x32xf32, #tpu.memory_space<hbm>> -> memref<100001x32xf32, #tpu.memory_space<hbm>>
    tpu.wait_indirect_dma semaphore(%arg13 : memref<!tpu.dma_semaphore, #tpu.memory_space<semaphore_mem>>) src(%dma_wait3A_561 : memref<100001x32xf32, #tpu.memory_space<hbm>>) dst(%dma_wait3A_555 : memref<128x32xf32, #tpu.memory_space<vmem>>)
    %dma_wait3A_562 = arith.constant 1 : i32
    %dma_wait3A_563 = arith.constant 128 : i32
    %dma_wait3A_564 = arith.constant 0 : i32
    %dma_wait3A_565 = tpu.memref_slice %arg9[%dma_wait3A_563, %dma_wait3A_564] : memref<512x32xf32, #tpu.memory_space<vmem>> -> memref<128x32xf32, #tpu.memory_space<vmem>>
    %dma_wait3A_566 = arith.constant 0 : i32
    %dma_wait3A_567 = tpu.memref_slice %arg8[%dma_wait3A_562, %dma_wait3A_566] : memref<4x128xi32, #tpu.memory_space<vmem>> -> memref<1x128xi32, #tpu.memory_space<vmem>>
    %dma_wait3A_568 = tpu.memref_squeeze %dma_wait3A_567 : memref<1x128xi32, #tpu.memory_space<vmem>> -> memref<128xi32, #tpu.memory_space<vmem>>
    %dma_wait3A_569 = arith.constant 0 : i32
    %dma_wait3A_570 = arith.constant 0 : i32
    %dma_wait3A_571 = tpu.memref_slice %arg2[%dma_wait3A_569, %dma_wait3A_570] : memref<100001x32xf32, #tpu.memory_space<hbm>> -> memref<100001x32xf32, #tpu.memory_space<hbm>>
    tpu.wait_indirect_dma semaphore(%arg13 : memref<!tpu.dma_semaphore, #tpu.memory_space<semaphore_mem>>) src(%dma_wait3A_571 : memref<100001x32xf32, #tpu.memory_space<hbm>>) dst(%dma_wait3A_565 : memref<128x32xf32, #tpu.memory_space<vmem>>)
    %dma_wait3A_572 = arith.constant 2 : i32
    %dma_wait3A_573 = arith.constant 256 : i32
    %dma_wait3A_574 = arith.constant 0 : i32
    %dma_wait3A_575 = tpu.memref_slice %arg9[%dma_wait3A_573, %dma_wait3A_574] : memref<512x32xf32, #tpu.memory_space<vmem>> -> memref<128x32xf32, #tpu.memory_space<vmem>>
    %dma_wait3A_576 = arith.constant 0 : i32
    %dma_wait3A_577 = tpu.memref_slice %arg8[%dma_wait3A_572, %dma_wait3A_576] : memref<4x128xi32, #tpu.memory_space<vmem>> -> memref<1x128xi32, #tpu.memory_space<vmem>>
    %dma_wait3A_578 = tpu.memref_squeeze %dma_wait3A_577 : memref<1x128xi32, #tpu.memory_space<vmem>> -> memref<128xi32, #tpu.memory_space<vmem>>
    %dma_wait3A_579 = arith.constant 0 : i32
    %dma_wait3A_580 = arith.constant 0 : i32
    %dma_wait3A_581 = tpu.memref_slice %arg2[%dma_wait3A_579, %dma_wait3A_580] : memref<100001x32xf32, #tpu.memory_space<hbm>> -> memref<100001x32xf32, #tpu.memory_space<hbm>>
    tpu.wait_indirect_dma semaphore(%arg13 : memref<!tpu.dma_semaphore, #tpu.memory_space<semaphore_mem>>) src(%dma_wait3A_581 : memref<100001x32xf32, #tpu.memory_space<hbm>>) dst(%dma_wait3A_575 : memref<128x32xf32, #tpu.memory_space<vmem>>)
    %dma_wait3A_582 = arith.constant 3 : i32
    %dma_wait3A_583 = arith.constant 384 : i32
    %dma_wait3A_584 = arith.constant 0 : i32
    %dma_wait3A_585 = tpu.memref_slice %arg9[%dma_wait3A_583, %dma_wait3A_584] : memref<512x32xf32, #tpu.memory_space<vmem>> -> memref<128x32xf32, #tpu.memory_space<vmem>>
    %dma_wait3A_586 = arith.constant 0 : i32
    %dma_wait3A_587 = tpu.memref_slice %arg8[%dma_wait3A_582, %dma_wait3A_586] : memref<4x128xi32, #tpu.memory_space<vmem>> -> memref<1x128xi32, #tpu.memory_space<vmem>>
    %dma_wait3A_588 = tpu.memref_squeeze %dma_wait3A_587 : memref<1x128xi32, #tpu.memory_space<vmem>> -> memref<128xi32, #tpu.memory_space<vmem>>
    %dma_wait3A_589 = arith.constant 0 : i32
    %dma_wait3A_590 = arith.constant 0 : i32
    %dma_wait3A_591 = tpu.memref_slice %arg2[%dma_wait3A_589, %dma_wait3A_590] : memref<100001x32xf32, #tpu.memory_space<hbm>> -> memref<100001x32xf32, #tpu.memory_space<hbm>>
    tpu.wait_indirect_dma semaphore(%arg13 : memref<!tpu.dma_semaphore, #tpu.memory_space<semaphore_mem>>) src(%dma_wait3A_591 : memref<100001x32xf32, #tpu.memory_space<hbm>>) dst(%dma_wait3A_585 : memref<128x32xf32, #tpu.memory_space<vmem>>)
    "tpu.region"() ({
      %run_scoped3A = tpu.sem_alloc : memref<!tpu.dma_semaphore, #tpu.memory_space<semaphore_mem>>
      %dma_start3A_736 = arith.constant 0 : i32
      %dma_start3A_737 = tpu.memref_slice %arg6[%mul3A_2, %dma_start3A_736] : memref<16384x32xf32, #tpu.memory_space<hbm>> -> memref<512x32xf32, #tpu.memory_space<hbm>>
      %dma_start3A_738 = arith.constant 0 : i32
      %dma_start3A_739 = tpu.memref_slice %arg6[%mul3A_2, %dma_start3A_738] : memref<16384x32xf32, #tpu.memory_space<hbm>> -> memref<512x32xf32, #tpu.memory_space<hbm>>
      tpu.enqueue_dma source(%arg9 : memref<512x32xf32, #tpu.memory_space<vmem>>) target(%dma_start3A_739 : memref<512x32xf32, #tpu.memory_space<hbm>>) target_semaphore(%run_scoped3A : memref<!tpu.dma_semaphore, #tpu.memory_space<semaphore_mem>>)
      %dma_wait3A_740 = arith.constant 0 : i32
      %dma_wait3A_741 = tpu.memref_slice %arg6[%mul3A_2, %dma_wait3A_740] : memref<16384x32xf32, #tpu.memory_space<hbm>> -> memref<512x32xf32, #tpu.memory_space<hbm>>
      %dma_wait3A_742 = arith.constant 0 : i32
      %dma_wait3A_743 = tpu.memref_slice %arg6[%mul3A_2, %dma_wait3A_742] : memref<16384x32xf32, #tpu.memory_space<hbm>> -> memref<512x32xf32, #tpu.memory_space<hbm>>
      tpu.wait_dma2 semaphore(%run_scoped3A : memref<!tpu.dma_semaphore, #tpu.memory_space<semaphore_mem>>) src(%arg9 : memref<512x32xf32, #tpu.memory_space<vmem>>) dst(%dma_wait3A_743 : memref<512x32xf32, #tpu.memory_space<hbm>>)
      tpu.yield
    }) : () -> ()
    %dma_wait3A_592 = arith.constant 0 : i32
    %dma_wait3A_593 = arith.constant 0 : i32
    %dma_wait3A_594 = tpu.memref_slice %arg12[%dma_wait3A_593] : memref<8192xf32, #tpu.memory_space<vmem>> -> memref<512xf32, #tpu.memory_space<vmem>>
    %dma_wait3A_595 = tpu.memref_slice %arg7[%dma_wait3A_592, %mul3A_2] : memref<16x16384xf32, #tpu.memory_space<hbm>> -> memref<1x512xf32, #tpu.memory_space<hbm>>
    %dma_wait3A_596 = tpu.memref_squeeze %dma_wait3A_595 : memref<1x512xf32, #tpu.memory_space<hbm>> -> memref<512xf32, #tpu.memory_space<hbm>>
    %dma_wait3A_597 = tpu.memref_slice %arg7[%dma_wait3A_592, %mul3A_2] : memref<16x16384xf32, #tpu.memory_space<hbm>> -> memref<1x512xf32, #tpu.memory_space<hbm>>
    %dma_wait3A_598 = tpu.memref_squeeze %dma_wait3A_597 : memref<1x512xf32, #tpu.memory_space<hbm>> -> memref<512xf32, #tpu.memory_space<hbm>>
    %dma_wait3A_599 = arith.constant 0 : i32
    %dma_wait3A_600 = tpu.memref_slice %arg12[%dma_wait3A_599] : memref<8192xf32, #tpu.memory_space<vmem>> -> memref<512xf32, #tpu.memory_space<vmem>>
    tpu.wait_dma2 semaphore(%arg14 : memref<!tpu.dma_semaphore, #tpu.memory_space<semaphore_mem>>) src(%dma_wait3A_600 : memref<512xf32, #tpu.memory_space<vmem>>) dst(%dma_wait3A_598 : memref<512xf32, #tpu.memory_space<hbm>>)
    %dma_wait3A_601 = arith.constant 1 : i32
    %dma_wait3A_602 = arith.constant 512 : i32
    %dma_wait3A_603 = tpu.memref_slice %arg12[%dma_wait3A_602] : memref<8192xf32, #tpu.memory_space<vmem>> -> memref<512xf32, #tpu.memory_space<vmem>>
    %dma_wait3A_604 = tpu.memref_slice %arg7[%dma_wait3A_601, %mul3A_2] : memref<16x16384xf32, #tpu.memory_space<hbm>> -> memref<1x512xf32, #tpu.memory_space<hbm>>
    %dma_wait3A_605 = tpu.memref_squeeze %dma_wait3A_604 : memref<1x512xf32, #tpu.memory_space<hbm>> -> memref<512xf32, #tpu.memory_space<hbm>>
    %dma_wait3A_606 = tpu.memref_slice %arg7[%dma_wait3A_601, %mul3A_2] : memref<16x16384xf32, #tpu.memory_space<hbm>> -> memref<1x512xf32, #tpu.memory_space<hbm>>
    %dma_wait3A_607 = tpu.memref_squeeze %dma_wait3A_606 : memref<1x512xf32, #tpu.memory_space<hbm>> -> memref<512xf32, #tpu.memory_space<hbm>>
    %dma_wait3A_608 = arith.constant 512 : i32
    %dma_wait3A_609 = tpu.memref_slice %arg12[%dma_wait3A_608] : memref<8192xf32, #tpu.memory_space<vmem>> -> memref<512xf32, #tpu.memory_space<vmem>>
    tpu.wait_dma2 semaphore(%arg14 : memref<!tpu.dma_semaphore, #tpu.memory_space<semaphore_mem>>) src(%dma_wait3A_609 : memref<512xf32, #tpu.memory_space<vmem>>) dst(%dma_wait3A_607 : memref<512xf32, #tpu.memory_space<hbm>>)
    %dma_wait3A_610 = arith.constant 2 : i32
    %dma_wait3A_611 = arith.constant 1024 : i32
    %dma_wait3A_612 = tpu.memref_slice %arg12[%dma_wait3A_611] : memref<8192xf32, #tpu.memory_space<vmem>> -> memref<512xf32, #tpu.memory_space<vmem>>
    %dma_wait3A_613 = tpu.memref_slice %arg7[%dma_wait3A_610, %mul3A_2] : memref<16x16384xf32, #tpu.memory_space<hbm>> -> memref<1x512xf32, #tpu.memory_space<hbm>>
    %dma_wait3A_614 = tpu.memref_squeeze %dma_wait3A_613 : memref<1x512xf32, #tpu.memory_space<hbm>> -> memref<512xf32, #tpu.memory_space<hbm>>
    %dma_wait3A_615 = tpu.memref_slice %arg7[%dma_wait3A_610, %mul3A_2] : memref<16x16384xf32, #tpu.memory_space<hbm>> -> memref<1x512xf32, #tpu.memory_space<hbm>>
    %dma_wait3A_616 = tpu.memref_squeeze %dma_wait3A_615 : memref<1x512xf32, #tpu.memory_space<hbm>> -> memref<512xf32, #tpu.memory_space<hbm>>
    %dma_wait3A_617 = arith.constant 1024 : i32
    %dma_wait3A_618 = tpu.memref_slice %arg12[%dma_wait3A_617] : memref<8192xf32, #tpu.memory_space<vmem>> -> memref<512xf32, #tpu.memory_space<vmem>>
    tpu.wait_dma2 semaphore(%arg14 : memref<!tpu.dma_semaphore, #tpu.memory_space<semaphore_mem>>) src(%dma_wait3A_618 : memref<512xf32, #tpu.memory_space<vmem>>) dst(%dma_wait3A_616 : memref<512xf32, #tpu.memory_space<hbm>>)
    %dma_wait3A_619 = arith.constant 3 : i32
    %dma_wait3A_620 = arith.constant 1536 : i32
    %dma_wait3A_621 = tpu.memref_slice %arg12[%dma_wait3A_620] : memref<8192xf32, #tpu.memory_space<vmem>> -> memref<512xf32, #tpu.memory_space<vmem>>
    %dma_wait3A_622 = tpu.memref_slice %arg7[%dma_wait3A_619, %mul3A_2] : memref<16x16384xf32, #tpu.memory_space<hbm>> -> memref<1x512xf32, #tpu.memory_space<hbm>>
    %dma_wait3A_623 = tpu.memref_squeeze %dma_wait3A_622 : memref<1x512xf32, #tpu.memory_space<hbm>> -> memref<512xf32, #tpu.memory_space<hbm>>
    %dma_wait3A_624 = tpu.memref_slice %arg7[%dma_wait3A_619, %mul3A_2] : memref<16x16384xf32, #tpu.memory_space<hbm>> -> memref<1x512xf32, #tpu.memory_space<hbm>>
    %dma_wait3A_625 = tpu.memref_squeeze %dma_wait3A_624 : memref<1x512xf32, #tpu.memory_space<hbm>> -> memref<512xf32, #tpu.memory_space<hbm>>
    %dma_wait3A_626 = arith.constant 1536 : i32
    %dma_wait3A_627 = tpu.memref_slice %arg12[%dma_wait3A_626] : memref<8192xf32, #tpu.memory_space<vmem>> -> memref<512xf32, #tpu.memory_space<vmem>>
    tpu.wait_dma2 semaphore(%arg14 : memref<!tpu.dma_semaphore, #tpu.memory_space<semaphore_mem>>) src(%dma_wait3A_627 : memref<512xf32, #tpu.memory_space<vmem>>) dst(%dma_wait3A_625 : memref<512xf32, #tpu.memory_space<hbm>>)
    %dma_wait3A_628 = arith.constant 4 : i32
    %dma_wait3A_629 = arith.constant 2048 : i32
    %dma_wait3A_630 = tpu.memref_slice %arg12[%dma_wait3A_629] : memref<8192xf32, #tpu.memory_space<vmem>> -> memref<512xf32, #tpu.memory_space<vmem>>
    %dma_wait3A_631 = tpu.memref_slice %arg7[%dma_wait3A_628, %mul3A_2] : memref<16x16384xf32, #tpu.memory_space<hbm>> -> memref<1x512xf32, #tpu.memory_space<hbm>>
    %dma_wait3A_632 = tpu.memref_squeeze %dma_wait3A_631 : memref<1x512xf32, #tpu.memory_space<hbm>> -> memref<512xf32, #tpu.memory_space<hbm>>
    %dma_wait3A_633 = tpu.memref_slice %arg7[%dma_wait3A_628, %mul3A_2] : memref<16x16384xf32, #tpu.memory_space<hbm>> -> memref<1x512xf32, #tpu.memory_space<hbm>>
    %dma_wait3A_634 = tpu.memref_squeeze %dma_wait3A_633 : memref<1x512xf32, #tpu.memory_space<hbm>> -> memref<512xf32, #tpu.memory_space<hbm>>
    %dma_wait3A_635 = arith.constant 2048 : i32
    %dma_wait3A_636 = tpu.memref_slice %arg12[%dma_wait3A_635] : memref<8192xf32, #tpu.memory_space<vmem>> -> memref<512xf32, #tpu.memory_space<vmem>>
    tpu.wait_dma2 semaphore(%arg14 : memref<!tpu.dma_semaphore, #tpu.memory_space<semaphore_mem>>) src(%dma_wait3A_636 : memref<512xf32, #tpu.memory_space<vmem>>) dst(%dma_wait3A_634 : memref<512xf32, #tpu.memory_space<hbm>>)
    %dma_wait3A_637 = arith.constant 5 : i32
    %dma_wait3A_638 = arith.constant 2560 : i32
    %dma_wait3A_639 = tpu.memref_slice %arg12[%dma_wait3A_638] : memref<8192xf32, #tpu.memory_space<vmem>> -> memref<512xf32, #tpu.memory_space<vmem>>
    %dma_wait3A_640 = tpu.memref_slice %arg7[%dma_wait3A_637, %mul3A_2] : memref<16x16384xf32, #tpu.memory_space<hbm>> -> memref<1x512xf32, #tpu.memory_space<hbm>>
    %dma_wait3A_641 = tpu.memref_squeeze %dma_wait3A_640 : memref<1x512xf32, #tpu.memory_space<hbm>> -> memref<512xf32, #tpu.memory_space<hbm>>
    %dma_wait3A_642 = tpu.memref_slice %arg7[%dma_wait3A_637, %mul3A_2] : memref<16x16384xf32, #tpu.memory_space<hbm>> -> memref<1x512xf32, #tpu.memory_space<hbm>>
    %dma_wait3A_643 = tpu.memref_squeeze %dma_wait3A_642 : memref<1x512xf32, #tpu.memory_space<hbm>> -> memref<512xf32, #tpu.memory_space<hbm>>
    %dma_wait3A_644 = arith.constant 2560 : i32
    %dma_wait3A_645 = tpu.memref_slice %arg12[%dma_wait3A_644] : memref<8192xf32, #tpu.memory_space<vmem>> -> memref<512xf32, #tpu.memory_space<vmem>>
    tpu.wait_dma2 semaphore(%arg14 : memref<!tpu.dma_semaphore, #tpu.memory_space<semaphore_mem>>) src(%dma_wait3A_645 : memref<512xf32, #tpu.memory_space<vmem>>) dst(%dma_wait3A_643 : memref<512xf32, #tpu.memory_space<hbm>>)
    %dma_wait3A_646 = arith.constant 6 : i32
    %dma_wait3A_647 = arith.constant 3072 : i32
    %dma_wait3A_648 = tpu.memref_slice %arg12[%dma_wait3A_647] : memref<8192xf32, #tpu.memory_space<vmem>> -> memref<512xf32, #tpu.memory_space<vmem>>
    %dma_wait3A_649 = tpu.memref_slice %arg7[%dma_wait3A_646, %mul3A_2] : memref<16x16384xf32, #tpu.memory_space<hbm>> -> memref<1x512xf32, #tpu.memory_space<hbm>>
    %dma_wait3A_650 = tpu.memref_squeeze %dma_wait3A_649 : memref<1x512xf32, #tpu.memory_space<hbm>> -> memref<512xf32, #tpu.memory_space<hbm>>
    %dma_wait3A_651 = tpu.memref_slice %arg7[%dma_wait3A_646, %mul3A_2] : memref<16x16384xf32, #tpu.memory_space<hbm>> -> memref<1x512xf32, #tpu.memory_space<hbm>>
    %dma_wait3A_652 = tpu.memref_squeeze %dma_wait3A_651 : memref<1x512xf32, #tpu.memory_space<hbm>> -> memref<512xf32, #tpu.memory_space<hbm>>
    %dma_wait3A_653 = arith.constant 3072 : i32
    %dma_wait3A_654 = tpu.memref_slice %arg12[%dma_wait3A_653] : memref<8192xf32, #tpu.memory_space<vmem>> -> memref<512xf32, #tpu.memory_space<vmem>>
    tpu.wait_dma2 semaphore(%arg14 : memref<!tpu.dma_semaphore, #tpu.memory_space<semaphore_mem>>) src(%dma_wait3A_654 : memref<512xf32, #tpu.memory_space<vmem>>) dst(%dma_wait3A_652 : memref<512xf32, #tpu.memory_space<hbm>>)
    %dma_wait3A_655 = arith.constant 7 : i32
    %dma_wait3A_656 = arith.constant 3584 : i32
    %dma_wait3A_657 = tpu.memref_slice %arg12[%dma_wait3A_656] : memref<8192xf32, #tpu.memory_space<vmem>> -> memref<512xf32, #tpu.memory_space<vmem>>
    %dma_wait3A_658 = tpu.memref_slice %arg7[%dma_wait3A_655, %mul3A_2] : memref<16x16384xf32, #tpu.memory_space<hbm>> -> memref<1x512xf32, #tpu.memory_space<hbm>>
    %dma_wait3A_659 = tpu.memref_squeeze %dma_wait3A_658 : memref<1x512xf32, #tpu.memory_space<hbm>> -> memref<512xf32, #tpu.memory_space<hbm>>
    %dma_wait3A_660 = tpu.memref_slice %arg7[%dma_wait3A_655, %mul3A_2] : memref<16x16384xf32, #tpu.memory_space<hbm>> -> memref<1x512xf32, #tpu.memory_space<hbm>>
    %dma_wait3A_661 = tpu.memref_squeeze %dma_wait3A_660 : memref<1x512xf32, #tpu.memory_space<hbm>> -> memref<512xf32, #tpu.memory_space<hbm>>
    %dma_wait3A_662 = arith.constant 3584 : i32
    %dma_wait3A_663 = tpu.memref_slice %arg12[%dma_wait3A_662] : memref<8192xf32, #tpu.memory_space<vmem>> -> memref<512xf32, #tpu.memory_space<vmem>>
    tpu.wait_dma2 semaphore(%arg14 : memref<!tpu.dma_semaphore, #tpu.memory_space<semaphore_mem>>) src(%dma_wait3A_663 : memref<512xf32, #tpu.memory_space<vmem>>) dst(%dma_wait3A_661 : memref<512xf32, #tpu.memory_space<hbm>>)
    %dma_wait3A_664 = arith.constant 8 : i32
    %dma_wait3A_665 = arith.constant 4096 : i32
    %dma_wait3A_666 = tpu.memref_slice %arg12[%dma_wait3A_665] : memref<8192xf32, #tpu.memory_space<vmem>> -> memref<512xf32, #tpu.memory_space<vmem>>
    %dma_wait3A_667 = tpu.memref_slice %arg7[%dma_wait3A_664, %mul3A_2] : memref<16x16384xf32, #tpu.memory_space<hbm>> -> memref<1x512xf32, #tpu.memory_space<hbm>>
    %dma_wait3A_668 = tpu.memref_squeeze %dma_wait3A_667 : memref<1x512xf32, #tpu.memory_space<hbm>> -> memref<512xf32, #tpu.memory_space<hbm>>
    %dma_wait3A_669 = tpu.memref_slice %arg7[%dma_wait3A_664, %mul3A_2] : memref<16x16384xf32, #tpu.memory_space<hbm>> -> memref<1x512xf32, #tpu.memory_space<hbm>>
    %dma_wait3A_670 = tpu.memref_squeeze %dma_wait3A_669 : memref<1x512xf32, #tpu.memory_space<hbm>> -> memref<512xf32, #tpu.memory_space<hbm>>
    %dma_wait3A_671 = arith.constant 4096 : i32
    %dma_wait3A_672 = tpu.memref_slice %arg12[%dma_wait3A_671] : memref<8192xf32, #tpu.memory_space<vmem>> -> memref<512xf32, #tpu.memory_space<vmem>>
    tpu.wait_dma2 semaphore(%arg14 : memref<!tpu.dma_semaphore, #tpu.memory_space<semaphore_mem>>) src(%dma_wait3A_672 : memref<512xf32, #tpu.memory_space<vmem>>) dst(%dma_wait3A_670 : memref<512xf32, #tpu.memory_space<hbm>>)
    %dma_wait3A_673 = arith.constant 9 : i32
    %dma_wait3A_674 = arith.constant 4608 : i32
    %dma_wait3A_675 = tpu.memref_slice %arg12[%dma_wait3A_674] : memref<8192xf32, #tpu.memory_space<vmem>> -> memref<512xf32, #tpu.memory_space<vmem>>
    %dma_wait3A_676 = tpu.memref_slice %arg7[%dma_wait3A_673, %mul3A_2] : memref<16x16384xf32, #tpu.memory_space<hbm>> -> memref<1x512xf32, #tpu.memory_space<hbm>>
    %dma_wait3A_677 = tpu.memref_squeeze %dma_wait3A_676 : memref<1x512xf32, #tpu.memory_space<hbm>> -> memref<512xf32, #tpu.memory_space<hbm>>
    %dma_wait3A_678 = tpu.memref_slice %arg7[%dma_wait3A_673, %mul3A_2] : memref<16x16384xf32, #tpu.memory_space<hbm>> -> memref<1x512xf32, #tpu.memory_space<hbm>>
    %dma_wait3A_679 = tpu.memref_squeeze %dma_wait3A_678 : memref<1x512xf32, #tpu.memory_space<hbm>> -> memref<512xf32, #tpu.memory_space<hbm>>
    %dma_wait3A_680 = arith.constant 4608 : i32
    %dma_wait3A_681 = tpu.memref_slice %arg12[%dma_wait3A_680] : memref<8192xf32, #tpu.memory_space<vmem>> -> memref<512xf32, #tpu.memory_space<vmem>>
    tpu.wait_dma2 semaphore(%arg14 : memref<!tpu.dma_semaphore, #tpu.memory_space<semaphore_mem>>) src(%dma_wait3A_681 : memref<512xf32, #tpu.memory_space<vmem>>) dst(%dma_wait3A_679 : memref<512xf32, #tpu.memory_space<hbm>>)
    %dma_wait3A_682 = arith.constant 10 : i32
    %dma_wait3A_683 = arith.constant 5120 : i32
    %dma_wait3A_684 = tpu.memref_slice %arg12[%dma_wait3A_683] : memref<8192xf32, #tpu.memory_space<vmem>> -> memref<512xf32, #tpu.memory_space<vmem>>
    %dma_wait3A_685 = tpu.memref_slice %arg7[%dma_wait3A_682, %mul3A_2] : memref<16x16384xf32, #tpu.memory_space<hbm>> -> memref<1x512xf32, #tpu.memory_space<hbm>>
    %dma_wait3A_686 = tpu.memref_squeeze %dma_wait3A_685 : memref<1x512xf32, #tpu.memory_space<hbm>> -> memref<512xf32, #tpu.memory_space<hbm>>
    %dma_wait3A_687 = tpu.memref_slice %arg7[%dma_wait3A_682, %mul3A_2] : memref<16x16384xf32, #tpu.memory_space<hbm>> -> memref<1x512xf32, #tpu.memory_space<hbm>>
    %dma_wait3A_688 = tpu.memref_squeeze %dma_wait3A_687 : memref<1x512xf32, #tpu.memory_space<hbm>> -> memref<512xf32, #tpu.memory_space<hbm>>
    %dma_wait3A_689 = arith.constant 5120 : i32
    %dma_wait3A_690 = tpu.memref_slice %arg12[%dma_wait3A_689] : memref<8192xf32, #tpu.memory_space<vmem>> -> memref<512xf32, #tpu.memory_space<vmem>>
    tpu.wait_dma2 semaphore(%arg14 : memref<!tpu.dma_semaphore, #tpu.memory_space<semaphore_mem>>) src(%dma_wait3A_690 : memref<512xf32, #tpu.memory_space<vmem>>) dst(%dma_wait3A_688 : memref<512xf32, #tpu.memory_space<hbm>>)
    %dma_wait3A_691 = arith.constant 11 : i32
    %dma_wait3A_692 = arith.constant 5632 : i32
    %dma_wait3A_693 = tpu.memref_slice %arg12[%dma_wait3A_692] : memref<8192xf32, #tpu.memory_space<vmem>> -> memref<512xf32, #tpu.memory_space<vmem>>
    %dma_wait3A_694 = tpu.memref_slice %arg7[%dma_wait3A_691, %mul3A_2] : memref<16x16384xf32, #tpu.memory_space<hbm>> -> memref<1x512xf32, #tpu.memory_space<hbm>>
    %dma_wait3A_695 = tpu.memref_squeeze %dma_wait3A_694 : memref<1x512xf32, #tpu.memory_space<hbm>> -> memref<512xf32, #tpu.memory_space<hbm>>
    %dma_wait3A_696 = tpu.memref_slice %arg7[%dma_wait3A_691, %mul3A_2] : memref<16x16384xf32, #tpu.memory_space<hbm>> -> memref<1x512xf32, #tpu.memory_space<hbm>>
    %dma_wait3A_697 = tpu.memref_squeeze %dma_wait3A_696 : memref<1x512xf32, #tpu.memory_space<hbm>> -> memref<512xf32, #tpu.memory_space<hbm>>
    %dma_wait3A_698 = arith.constant 5632 : i32
    %dma_wait3A_699 = tpu.memref_slice %arg12[%dma_wait3A_698] : memref<8192xf32, #tpu.memory_space<vmem>> -> memref<512xf32, #tpu.memory_space<vmem>>
    tpu.wait_dma2 semaphore(%arg14 : memref<!tpu.dma_semaphore, #tpu.memory_space<semaphore_mem>>) src(%dma_wait3A_699 : memref<512xf32, #tpu.memory_space<vmem>>) dst(%dma_wait3A_697 : memref<512xf32, #tpu.memory_space<hbm>>)
    %dma_wait3A_700 = arith.constant 12 : i32
    %dma_wait3A_701 = arith.constant 6144 : i32
    %dma_wait3A_702 = tpu.memref_slice %arg12[%dma_wait3A_701] : memref<8192xf32, #tpu.memory_space<vmem>> -> memref<512xf32, #tpu.memory_space<vmem>>
    %dma_wait3A_703 = tpu.memref_slice %arg7[%dma_wait3A_700, %mul3A_2] : memref<16x16384xf32, #tpu.memory_space<hbm>> -> memref<1x512xf32, #tpu.memory_space<hbm>>
    %dma_wait3A_704 = tpu.memref_squeeze %dma_wait3A_703 : memref<1x512xf32, #tpu.memory_space<hbm>> -> memref<512xf32, #tpu.memory_space<hbm>>
    %dma_wait3A_705 = tpu.memref_slice %arg7[%dma_wait3A_700, %mul3A_2] : memref<16x16384xf32, #tpu.memory_space<hbm>> -> memref<1x512xf32, #tpu.memory_space<hbm>>
    %dma_wait3A_706 = tpu.memref_squeeze %dma_wait3A_705 : memref<1x512xf32, #tpu.memory_space<hbm>> -> memref<512xf32, #tpu.memory_space<hbm>>
    %dma_wait3A_707 = arith.constant 6144 : i32
    %dma_wait3A_708 = tpu.memref_slice %arg12[%dma_wait3A_707] : memref<8192xf32, #tpu.memory_space<vmem>> -> memref<512xf32, #tpu.memory_space<vmem>>
    tpu.wait_dma2 semaphore(%arg14 : memref<!tpu.dma_semaphore, #tpu.memory_space<semaphore_mem>>) src(%dma_wait3A_708 : memref<512xf32, #tpu.memory_space<vmem>>) dst(%dma_wait3A_706 : memref<512xf32, #tpu.memory_space<hbm>>)
    %dma_wait3A_709 = arith.constant 13 : i32
    %dma_wait3A_710 = arith.constant 6656 : i32
    %dma_wait3A_711 = tpu.memref_slice %arg12[%dma_wait3A_710] : memref<8192xf32, #tpu.memory_space<vmem>> -> memref<512xf32, #tpu.memory_space<vmem>>
    %dma_wait3A_712 = tpu.memref_slice %arg7[%dma_wait3A_709, %mul3A_2] : memref<16x16384xf32, #tpu.memory_space<hbm>> -> memref<1x512xf32, #tpu.memory_space<hbm>>
    %dma_wait3A_713 = tpu.memref_squeeze %dma_wait3A_712 : memref<1x512xf32, #tpu.memory_space<hbm>> -> memref<512xf32, #tpu.memory_space<hbm>>
    %dma_wait3A_714 = tpu.memref_slice %arg7[%dma_wait3A_709, %mul3A_2] : memref<16x16384xf32, #tpu.memory_space<hbm>> -> memref<1x512xf32, #tpu.memory_space<hbm>>
    %dma_wait3A_715 = tpu.memref_squeeze %dma_wait3A_714 : memref<1x512xf32, #tpu.memory_space<hbm>> -> memref<512xf32, #tpu.memory_space<hbm>>
    %dma_wait3A_716 = arith.constant 6656 : i32
    %dma_wait3A_717 = tpu.memref_slice %arg12[%dma_wait3A_716] : memref<8192xf32, #tpu.memory_space<vmem>> -> memref<512xf32, #tpu.memory_space<vmem>>
    tpu.wait_dma2 semaphore(%arg14 : memref<!tpu.dma_semaphore, #tpu.memory_space<semaphore_mem>>) src(%dma_wait3A_717 : memref<512xf32, #tpu.memory_space<vmem>>) dst(%dma_wait3A_715 : memref<512xf32, #tpu.memory_space<hbm>>)
    %dma_wait3A_718 = arith.constant 14 : i32
    %dma_wait3A_719 = arith.constant 7168 : i32
    %dma_wait3A_720 = tpu.memref_slice %arg12[%dma_wait3A_719] : memref<8192xf32, #tpu.memory_space<vmem>> -> memref<512xf32, #tpu.memory_space<vmem>>
    %dma_wait3A_721 = tpu.memref_slice %arg7[%dma_wait3A_718, %mul3A_2] : memref<16x16384xf32, #tpu.memory_space<hbm>> -> memref<1x512xf32, #tpu.memory_space<hbm>>
    %dma_wait3A_722 = tpu.memref_squeeze %dma_wait3A_721 : memref<1x512xf32, #tpu.memory_space<hbm>> -> memref<512xf32, #tpu.memory_space<hbm>>
    %dma_wait3A_723 = tpu.memref_slice %arg7[%dma_wait3A_718, %mul3A_2] : memref<16x16384xf32, #tpu.memory_space<hbm>> -> memref<1x512xf32, #tpu.memory_space<hbm>>
    %dma_wait3A_724 = tpu.memref_squeeze %dma_wait3A_723 : memref<1x512xf32, #tpu.memory_space<hbm>> -> memref<512xf32, #tpu.memory_space<hbm>>
    %dma_wait3A_725 = arith.constant 7168 : i32
    %dma_wait3A_726 = tpu.memref_slice %arg12[%dma_wait3A_725] : memref<8192xf32, #tpu.memory_space<vmem>> -> memref<512xf32, #tpu.memory_space<vmem>>
    tpu.wait_dma2 semaphore(%arg14 : memref<!tpu.dma_semaphore, #tpu.memory_space<semaphore_mem>>) src(%dma_wait3A_726 : memref<512xf32, #tpu.memory_space<vmem>>) dst(%dma_wait3A_724 : memref<512xf32, #tpu.memory_space<hbm>>)
    %dma_wait3A_727 = arith.constant 15 : i32
    %dma_wait3A_728 = arith.constant 7680 : i32
    %dma_wait3A_729 = tpu.memref_slice %arg12[%dma_wait3A_728] : memref<8192xf32, #tpu.memory_space<vmem>> -> memref<512xf32, #tpu.memory_space<vmem>>
    %dma_wait3A_730 = tpu.memref_slice %arg7[%dma_wait3A_727, %mul3A_2] : memref<16x16384xf32, #tpu.memory_space<hbm>> -> memref<1x512xf32, #tpu.memory_space<hbm>>
    %dma_wait3A_731 = tpu.memref_squeeze %dma_wait3A_730 : memref<1x512xf32, #tpu.memory_space<hbm>> -> memref<512xf32, #tpu.memory_space<hbm>>
    %dma_wait3A_732 = tpu.memref_slice %arg7[%dma_wait3A_727, %mul3A_2] : memref<16x16384xf32, #tpu.memory_space<hbm>> -> memref<1x512xf32, #tpu.memory_space<hbm>>
    %dma_wait3A_733 = tpu.memref_squeeze %dma_wait3A_732 : memref<1x512xf32, #tpu.memory_space<hbm>> -> memref<512xf32, #tpu.memory_space<hbm>>
    %dma_wait3A_734 = arith.constant 7680 : i32
    %dma_wait3A_735 = tpu.memref_slice %arg12[%dma_wait3A_734] : memref<8192xf32, #tpu.memory_space<vmem>> -> memref<512xf32, #tpu.memory_space<vmem>>
    tpu.wait_dma2 semaphore(%arg14 : memref<!tpu.dma_semaphore, #tpu.memory_space<semaphore_mem>>) src(%dma_wait3A_735 : memref<512xf32, #tpu.memory_space<vmem>>) dst(%dma_wait3A_733 : memref<512xf32, #tpu.memory_space<hbm>>)
    return
  }
}

module attributes {stable_mosaic.version = 14 : i64} {
  func.func @_tc_body(%arg0: i32, %arg1: memref<2048x32xf32, #tpu.memory_space<vmem>>, %arg2: memref<16x2048xf32, #tpu.memory_space<vmem>>, %arg3: memref<32x32xf32, #tpu.memory_space<vmem>>, %arg4: memref<16x32xf32, #tpu.memory_space<vmem>>, %arg5: memref<1x32xf32, #tpu.memory_space<vmem>>, %arg6: memref<2048x32xf32, #tpu.memory_space<vmem>>) attributes {dimension_semantics = [#tpu.dimension_semantics<arbitrary>], iteration_bounds = array<i64: 8>, scalar_prefetch = 0 : i64, scratch_operands = 0 : i64, tpu.core_type = #tpu.core_type<tc>, window_params = [{transform_indices = @transform_0, window_bounds = array<i64: 2048, 32>}, {transform_indices = @transform_1, window_bounds = array<i64: 16, 2048>}, {pipeline_mode = #tpu.pipeline_mode<synchronous>, transform_indices = @transform_2, window_bounds = array<i64: 32, 32>}, {pipeline_mode = #tpu.pipeline_mode<synchronous>, transform_indices = @transform_3, window_bounds = array<i64: 16, 32>}, {pipeline_mode = #tpu.pipeline_mode<synchronous>, transform_indices = @transform_4, window_bounds = array<i64: 1, 32>}, {transform_indices = @transform_5, window_bounds = array<i64: 2048, 32>}]} {
    %get3A = arith.constant 0 : index
    %get3A_0 = arith.constant 0 : index
    %get3A_1 = vector.load %arg1[%get3A, %get3A_0] : memref<2048x32xf32, #tpu.memory_space<vmem>>, vector<2048x32xf32>
    %get3A_2 = arith.constant 0 : index
    %get3A_3 = arith.constant 0 : index
    %get3A_4 = vector.load %arg3[%get3A_2, %get3A_3] : memref<32x32xf32, #tpu.memory_space<vmem>>, vector<32x32xf32>
    %dot_general3A = arith.constant dense<0.000000e+00> : vector<2048x32xf32>
    %dot_general3A_5 = tpu.matmul %get3A_1, %get3A_4, %dot_general3A {dimension_numbers = #tpu.dot_dimension_numbers<[1], [0], [0], [1], [0, 0, 1, 1], [], []>, transpose_lhs_hint = false} : vector<2048x32xf32>, vector<32x32xf32>, vector<2048x32xf32> -> vector<2048x32xf32>
    %get3A_6 = arith.constant 0 : index
    %get3A_7 = arith.constant 0 : index
    %get3A_8 = vector.load %arg2[%get3A_6, %get3A_7] : memref<16x2048xf32, #tpu.memory_space<vmem>>, vector<16x2048xf32>
    %get3A_9 = arith.constant 0 : index
    %get3A_10 = arith.constant 0 : index
    %get3A_11 = vector.load %arg4[%get3A_9, %get3A_10] : memref<16x32xf32, #tpu.memory_space<vmem>>, vector<16x32xf32>
    %dot_general3A_12 = arith.constant dense<0.000000e+00> : vector<2048x32xf32>
    %dot_general3A_13 = tpu.matmul %get3A_8, %get3A_11, %dot_general3A_12 {dimension_numbers = #tpu.dot_dimension_numbers<[0], [0], [1], [1], [0, 1, 1, 1], [], []>, transpose_lhs_hint = false} : vector<16x2048xf32>, vector<16x32xf32>, vector<2048x32xf32> -> vector<2048x32xf32>
    %add3A = arith.addf %dot_general3A_5, %dot_general3A_13 : vector<2048x32xf32>
    %get3A_14 = arith.constant 0 : index
    %get3A_15 = arith.constant 0 : index
    %get3A_16 = vector.load %arg5[%get3A_14, %get3A_15] : memref<1x32xf32, #tpu.memory_space<vmem>>, vector<1x32xf32>
    %add3A_17 = vector.broadcast %get3A_16 : vector<1x32xf32> to vector<2048x32xf32>
    %add3A_18 = arith.addf %add3A, %add3A_17 : vector<2048x32xf32>
    %swap3A = arith.constant 0 : index
    %swap3A_19 = arith.constant 0 : index
    %swap3A_20 = vector.load %arg6[%swap3A, %swap3A_19] : memref<2048x32xf32, #tpu.memory_space<vmem>>, vector<2048x32xf32>
    tpu.vector_store %arg6[%swap3A, %swap3A_19], %add3A_18 {strides = array<i32>} : memref<2048x32xf32, #tpu.memory_space<vmem>>, vector<2048x32xf32>,
    return
  }
  func.func @transform_0(%arg0: i32) -> (i32, i32) {
    %c0_i32 = arith.constant 0 : i32
    %c0_i32_0 = arith.constant 0 : i32
    return %arg0, %c0_i32 : i32, i32
  }
  func.func @transform_1(%arg0: i32) -> (i32, i32) {
    %c0_i32 = arith.constant 0 : i32
    %c0_i32_0 = arith.constant 0 : i32
    return %c0_i32, %arg0 : i32, i32
  }
  func.func @transform_2(%arg0: i32) -> (i32, i32) {
    %c0_i32 = arith.constant 0 : i32
    %c0_i32_0 = arith.constant 0 : i32
    %c0_i32_1 = arith.constant 0 : i32
    return %c0_i32, %c0_i32_0 : i32, i32
  }
  func.func @transform_3(%arg0: i32) -> (i32, i32) {
    %c0_i32 = arith.constant 0 : i32
    %c0_i32_0 = arith.constant 0 : i32
    %c0_i32_1 = arith.constant 0 : i32
    return %c0_i32, %c0_i32_0 : i32, i32
  }
  func.func @transform_4(%arg0: i32) -> (i32, i32) {
    %c0_i32 = arith.constant 0 : i32
    %c0_i32_0 = arith.constant 0 : i32
    %c0_i32_1 = arith.constant 0 : i32
    return %c0_i32, %c0_i32_0 : i32, i32
  }
  func.func @transform_5(%arg0: i32) -> (i32, i32) {
    %c0_i32 = arith.constant 0 : i32
    %c0_i32_0 = arith.constant 0 : i32
    return %arg0, %c0_i32 : i32, i32
  }
}

</mosaic_0001>

<sc_bundles>
// kernel: kernel.4.cloned.1.call-start
scs
__scs_entry_jumppad:
0x0: {  	(pc) =	sbr.rel $0x88, $3  }
0x1: {  	(tag) =	ssettag $0x0;
	lr =	simm.s32 $0x1  }
0x2: {  	[smem:$0x3F9B] =	sst lr;
	_ =	strace $0xD0000000  }
0x3: {  	_ = 	snop  }
0x4: {  	_ = 	snop  }
0x5: {  	_ = 	snop  }
0x6: {  	_ = 	snop  }
0x7: {  	_ = 	snop  }
__scs_overlays_trampoline_lowered:
0x8: {  	[smem:$0x3FAA] =	sst s0  }
0x9: {  	[smem:$0x3FAB] =	sst s1  }
0xa: {  	[smem:$0x3FAC] =	sst s2  }
0xb: {  	[smem:$0x3FAD] =	sst s3  }
0xc: {  	[smem:$0x3FAE] =	sst s4  }
0xd: {  	[smem:$0x3FAF] =	sst s5  }
0xe: {  	[smem:$0x3FB0] =	sst s6  }
0xf: {  	[smem:$0x3FB1] =	sst s7  }
0x10: {  	[smem:$0x3FB2] =	sst s8  }
0x11: {  	[smem:$0x3FB3] =	sst s9;
	s0 =	simm.s32 @!p0 $0x0  }
0x12: {  	s1 =	sld [smem:$0x3F99];
	s0 =	simm.s32 @p0 $0x1  }
0x13: {  	[smem:$0x3FB4] =	sst s0;
	s0 =	simm.s32 @!p1 $0x0  }
0x14: {  	s2 =	sld [smem:$0x3F98];
	s0 =	simm.s32 @p1 $0x1  }
0x15: {  	[smem:$0x3FB5] =	sst s0;
	s0 =	simm.s32 @!p2 $0x0  }
0x16: {  	s3 =	sld [smem:$0x3FDB];
	s0 =	simm.s32 @p2 $0x1  }
0x17: {  	s4 =	simm.s32 $0x1BF5;
	[smem:$0x3FB7] =	sst s0  }
0x18: {  	s0 =	sld [smem:$0x3F9A];
	_ =	swait.ge [sflag:s4], $0x0  }
0x19: {  	s7 =	sld [smem:$0x3F9B]  }
0x1a: {  	s8 =	sadd.s32 $0xFFFFE003, lr  }
0x1b: {  	s9 =	sadd.s32 $0xFFFFFEF7, lr;
	s5 =	simm.s32 $0xFFFFFFFF;
	p2 =	slt.u32 s8, $0xFFFFF086  }
0x1c: {  	p1 =	slt.u32 s9, $0xF7A;
	s5 =	simm.s32 @!p2 $0x0  }
0x1d: {  	s5 =	simm.s32 @p1 $0x1;
	p0 =	seq.s32 s7, s2  }
0x1e: {  	s7 =	smul.u32 @!p0 $0xF7A, s2;
	p2 =	seq.s32 @!p0 s5, $0x0  }
0x1f: {  	s9 =	smul.u32 $0xF7A, s1;
	s8 =	simm.s32 @!p0 $0x1BF5;
	p2 =	por !p2, p0  }
0x20: {  	[sflag:s8] =	ssyncset.s32 @!p0 $0xFFFFF086;
	s6 =	sadd.s32 @!p0 s3, s7;
	s7 =	simm.s32 @!p0 $0x108  }
0x21: {  	s3 =	sadd.s32 s3, s9;
	s6 =	sadd.s32 @!p0 $0x88, s6;
	s7 =	simm.s32 @p2 $0x1082  }
0x22: {  	[simem:s7], [sflag:s8] =	dma.local @!p0 [hbm:s6], $0xF7A  }
0x23: {  	s9 =	sor.u32 $0xD0000000, s2;
	s6 =	simm.s32 $0x108;
	_ =	swait.ge @!p0 [sflag:s8], $0x0  }
0x24: {  	s3 =	sadd.s32 $0x88, s3;
	s6 =	simm.s32 @!p1 $0x1082;
	[sflag:s4] =	ssyncset.s32 $0xFFFFF086  }
0x25: {  	[simem:s6], [sflag:s4] =	dma.local [hbm:s3], $0xF7A  }
0x26: {  	[smem:$0x3F9B] =	sst s1;
	(tag) =	ssettag s2;
	_ =	strace s9  }
0x27: {  	s1 =	sld [smem:$0x3FAB]  }
0x28: {  	s2 =	sld [smem:$0x3FAC]  }
0x29: {  	s4 =	sld [smem:$0x3FAE]  }
0x2a: {  	p0 =	seq.s32 s5, $0x0;
	s5 =	sld [smem:$0x3FAF]  }
0x2b: {  	s6 =	sld [smem:$0x3FB0]  }
0x2c: {  	s7 =	sld [smem:$0x3FB1]  }
0x2d: {  	s3 =	simm.s32 $0x108;
	s8 =	sld [smem:$0x3FB2]  }
0x2e: {  	s3 =	simm.s32 @!p0 $0x1082;
	s9 =	sld [smem:$0x3FB3]  }
0x2f: {  	lr =	sadd.s32 s0, s3;
	s0 =	sld [smem:$0x3FAA]  }
0x30: {  	s3 =	sld [smem:$0x3FAD]  }
0x31: {  	[smem:$0x3FB6] =	sst s10  }
0x32: {  	s10 =	sld [smem:$0x3FB4];
	_ =	sdelay $0x3  }
0x33: {  	p0 =	seq.s32 s10, $0x1;
	s10 =	sld [smem:$0x3FB6];
	_ =	sdelay $0x3  }
0x34: {  	[smem:$0x3FB6] =	sst s10  }
0x35: {  	s10 =	sld [smem:$0x3FB5];
	_ =	sdelay $0x3  }
0x36: {  	p1 =	seq.s32 s10, $0x1;
	s10 =	sld [smem:$0x3FB6];
	_ =	sdelay $0x3  }
0x37: {  	[smem:$0x3FB6] =	sst s10  }
0x38: {  	s10 =	sld [smem:$0x3FB7]  }
0x39: {  	_ = 	snop;
	(pc) =	sbr.ind lr, $3  }
0x3a: {  	_ = 	snop  }
0x3b: {  	_ = 	snop  }
0x3c: {  	p2 =	seq.s32 s10, $0x1;
	s10 =	sld [smem:$0x3FB6]  }
0x3d: {  	_ =	shalt  }
0x3e: {  	_ =	shalt  }
0x3f: {  	_ =	shalt  }
0x40: {  	_ =	shalt  }
0x41: {  	_ =	shalt  }
0x42: {  	_ =	shalt  }
0x43: {  	_ =	shalt  }
0x44: {  	_ =	shalt  }
0x45: {  	_ =	shalt  }
0x46: {  	_ =	shalt  }
0x47: {  	_ =	shalt  }
0x48: {  	_ =	shalt  }
0x49: {  	_ =	shalt  }
0x4a: {  	_ =	shalt  }
0x4b: {  	_ =	shalt  }
0x4c: {  	_ =	shalt  }
0x4d: {  	_ =	shalt  }
0x4e: {  	_ =	shalt  }
0x4f: {  	_ =	shalt  }
0x50: {  	_ =	shalt  }
0x51: {  	_ =	shalt  }
0x52: {  	_ =	shalt  }
0x53: {  	_ =	shalt  }
0x54: {  	_ =	shalt  }
0x55: {  	_ =	shalt  }
0x56: {  	_ =	shalt  }
0x57: {  	_ =	shalt  }
0x58: {  	_ =	shalt  }
0x59: {  	_ =	shalt  }
0x5a: {  	_ =	shalt  }
0x5b: {  	_ =	shalt  }
0x5c: {  	_ =	shalt  }
0x5d: {  	_ =	shalt  }
0x5e: {  	_ =	shalt  }
0x5f: {  	_ =	shalt  }
0x60: {  	_ =	shalt  }
0x61: {  	_ =	shalt  }
0x62: {  	_ =	shalt  }
0x63: {  	_ =	shalt  }
0x64: {  	_ =	shalt  }
0x65: {  	_ =	shalt  }
0x66: {  	_ =	shalt  }
0x67: {  	_ =	shalt  }
0x68: {  	_ =	shalt  }
0x69: {  	_ =	shalt  }
0x6a: {  	_ =	shalt  }
0x6b: {  	_ =	shalt  }
0x6c: {  	_ =	shalt  }
0x6d: {  	_ =	shalt  }
0x6e: {  	_ =	shalt  }
0x6f: {  	_ =	shalt  }
0x70: {  	_ =	shalt  }
0x71: {  	_ =	shalt  }
0x72: {  	_ =	shalt  }
0x73: {  	_ =	shalt  }
0x74: {  	_ =	shalt  }
0x75: {  	_ =	shalt  }
0x76: {  	_ =	shalt  }
0x77: {  	_ =	shalt  }
0x78: {  	_ =	shalt  }
0x79: {  	_ =	shalt  }
0x7a: {  	_ =	shalt  }
0x7b: {  	_ =	shalt  }
0x7c: {  	_ =	shalt  }
0x7d: {  	_ =	shalt  }
0x7e: {  	_ =	shalt  }
0x7f: {  	_ =	shalt  }
0x80: {  	_ =	shalt  }
0x81: {  	_ =	shalt  }
0x82: {  	_ =	shalt  }
0x83: {  	_ =	shalt  }
0x84: {  	_ =	shalt  }
0x85: {  	_ =	shalt  }
0x86: {  	_ =	shalt  }
0x87: {  	_ =	shalt  }
.Lfunc_end0:
.L_simem_size_0:
called_computation_lowered:
.L_overlay_start_0:
0x88: {  	s2 =	sld [smem:$0x3FD9]  }
0x89: {  	s3 =	sld [smem:$0x3FFE];
	_ =	sdelay $0x1  }
0x8a: {  	s1 =	srdreg.scid  }
0x8b: {  	s0 =	sand.u32 $0x1, s1  }
0x8c: {  	s17 =	sshll.u32 s0, $0xA;
	s2 =	sadd.s32 s3, s2  }
0x8d: {  	s2 =	sadd.s32 s2, s17  }
0x8e: {  	[smem:$0x3FC2] =	sst s2  }
0x8f: {  	_ = 	snop  }
0x90: {  	s2 =	sld [smem:$0x3FC9]  }
0x91: {  	s18 =	sld [smem:$0x3FD0];
	(tm) =	ssettm $0x1  }
0x92: {  	s4 =	sld [smem:$0x3FFB];
	_ =	sdelay $0x3  }
0x93: {  	_ =	strace s4  }
0x94: {  	s4 =	sld [smem:$0x3FFC];
	_ =	sdelay $0x3  }
0x95: {  	_ =	strace s4  }
0x96: {  	s4 =	sld [smem:$0x3FFD];
	_ =	sdelay $0x3  }
0x97: {  	_ =	strace s4  }
0x98: {  	_ =	strace $0x8FFFFFFF  }
0x99: {  	s19 =	sld [smem:$0x3FDB];
	_ =	sdelay $0x1  }
0x9a: {  	s5 =	simm.s32 $_scs_section_size  }
0x9b: {  	s6 =	simm.s32 $_size__tile_overlayer_lowered;
	s7 =	simm.s32 $_tile_overlayer_lowered  }
0x9c: {  	s22 =	simm.s32 $0x1BFF;
	s21 =	sshll.u32 s7, $0x1;
	s4 =	sadd.s32 s5, s19  }
0x9d: {  	s8 =	simm.s32 $0x0;
	s20 =	sshll.u32 s6, $0x1;
	s6 =	sadd.s32 s21, s4  }
0x9e: {  	[timem:s8], [sflag:s22] =	dma.local [hbm:s6], s20  }
0x9f: {  	_ =	swait.ge [sflag:s22], s20  }
0xa0: {  	s5 =	ssub.s32 $0x0, s20;
	[sflag:s22] =	ssyncset.done $0x0  }
0xa1: {  	[sflag:s22] =	ssyncadd.s32 s5;
	_ =	sdelay $0x1  }
0xa2: {  	s23 =	simm.s32 $0x1B8B  }
0xa3: {  	_ =	swait.ge [sflag:s23], $0x1  }
0xa4: {  	[sflag:s23] =	ssyncset.done $0x0  }
0xa5: {  	s25 =	simm.s32 $0x1B8E;
	s24 =	sld [smem:$0x3FFE];
	[sflag:s23] =	ssyncadd.s32 $0xFFFFFFFF  }
0xa6: {  	s26 =	simm.s32 $execute0_lowered;
	[smem:$0x3FD2] =	sst s25  }
0xa7: {  	s6 =	sshll.u32 s26, $0x1;
	_ =	strace $0x80000046;
	[dreg:$0x1] =	wrdreg $0xFFFFFFFF  }
0xa8: {  	s28 =	simm.s32 $_size_execute0_lowered;
	s4 =	sadd.s32 s4, s6;
	[dreg:$0x0] =	wrdreg $0x0  }
0xa9: {  	s6 =	sshll.u32 s28, $0x1;
	[dreg:$0x2] =	wrdreg s4  }
0xaa: {  	[dreg:$0x3] =	wrdreg s6  }
0xab: {  	[dreg:$0x4] =	wrdreg $0xC0  }
0xac: {  	_ =	task [dreg:s8], $0x5FFFF  }
0xad: {  	[dreg:$0x1] =	wrdreg $0xFFFFFFFF  }
0xae: {  	[dreg:$0x0] =	wrdreg $0x60  }
0xaf: {  	[dreg:$0x2] =	wrdreg s24  }
0xb0: {  	[dreg:$0x3] =	wrdreg s2  }
0xb1: {  	[dreg:$0x4] =	wrdreg s18  }
0xb2: {  	[dreg:$0x5] =	wrdreg $0x9  }
0xb3: {  	_ =	task.clear_ibuf [dreg:s8], $0x6FFFF;
	_ =	strace $0x90000046  }
0xb4: {  	s29 =	simm.s32 $0x9;
	_ =	strace $0x80000048  }
0xb5: {  	_ =	swait.ge [sflag:s29], $0x1  }
0xb6: {  	[sflag:s29] =	ssyncadd.s32 $0xFFFFFFFF  }
0xb7: {  	_ =	strace $0x90000048  }
0xb8: {  	_ =	sfence  }
0xb9: {  	s30 =	sld [smem:$0x0];
	_ =	sdelay $0x2  }
0xba: {  	s31 =	sshll.u32 s1, $0xD;
	s1 =	sshrl.u32 s1, $0x2  }
0xbb: {  	s3 =	sand.u32 $0x4000, s31;
	s1 =	sadd.s32 s1, s30  }
0xbc: {  	s0 =	sor.u32 s3, s0;
	s1 =	sshll.u32 s1, $0x11  }
0xbd: {  	s0 =	sor.u32 s1, s0  }
0xbe: {  	s0 =	sadd.s32 $0x8F2B, s0  }
0xbf: {  	[sflag:s0] =	ssyncadd.remote.s32 $0x1  }
0xc0: {  	_ =	sfence.sel $0xFFFF  }
0xc1: {  	[dreg:$0x0] =	wrdreg $0xFFFFFFFF;
	(pc) =	sbr.abs _section_cstart, $3  }
0xc2: {  	[dreg:$0x1] =	wrdreg $0xFFFFFFFF  }
0xc3: {  	_ =	task.clear_ibuf [dreg:s8], $0x2FFFF;
	_ =	strace $0x9FFFFFFF  }
0xc4: {  	(tm) =	ssettm $0x7FFFFFFF  }
0xc5: {  	_ =	shalt  }
tec
execute0_lowered:
.L_overlay_start_1:
0x0: {  	(tag) =	ssettag $0x1  }
0x1: {  	s8 =	rddreg [dreg:$0x0]  }
0x2: {  	s0 =	rddreg [dreg:$0x1]  }
0x3: {  	s2 =	srdreg.scid;
	s1 =	simm.s32 $0x0;
	s4 =	stileid.u32  }
0x4: {  	s2 =	sand.u32 $0x1, s2;
	[smem:$0x7FF] =	sst s1;
	s4 =	sshll.u32 s4, $0x1  }
0x5: {  	s5 =	sadd.s32 $0x1200, s8;
	s3 =	ssub.s32 $0x2, s2;
	s7 =	sor.u32 s2, s4  }
0x6: {  	s9 =	sadd.s32 $0xBA00, s8;
	s6 =	sshrl.u32 s3, $0x1;
	s2 =	sshll.u32 s7, $0x6  }
0x7: {  	s7 =	sshll.u32 s7, $0xB;
	s10 =	ssub.s32 s3, s6;
	s0 =	sadd.s32 s0, s2  }
0x8: {  	s3 =	sadd.s32 s5, s2;
	s4 =	sor.u32 $0x1000, s2;
	s6 =	sor.u32 $0x1800, s2  }
0x9: {  	s13 =	sor.u32 $0x3000, s2;
	[dreg:$0x4] =	wrdreg s0;
	s11 =	sadd.s32 s5, s4  }
0xa: {  	s16 =	sor.u32 $0x4800, s2;
	s23 =	sadd.s32 s5, s6;
	[dreg:$0x6] =	wrdreg s11  }
0xb: {  	s19 =	sor.u32 $0x6000, s2;
	s24 =	sadd.s32 s5, s13;
	[dreg:$0x7] =	wrdreg s23  }
0xc: {  	s0 =	sor.u32 $0x800, s2;
	s25 =	sadd.s32 s5, s16;
	[dreg:$0xa] =	wrdreg s24  }
0xd: {  	s26 =	sadd.s32 s5, s19;
	s6 =	sadd.s32 s9, s6;
	[dreg:$0xd] =	wrdreg s25  }
0xe: {  	s29 =	sadd.s32 s9, s16;
	s11 =	sor.u32 $0x2000, s2;
	[dreg:$0x10] =	wrdreg s26  }
0xf: {  	s16 =	simm.s32 $0x200;
	[dreg:$0x17] =	wrdreg s6;
	s12 =	sadd.s32 s5, s11  }
0x10: {  	s22 =	sadd.s32 s5, s0;
	[dreg:$0x8] =	wrdreg s12;
	s12 =	sor.u32 $0x2800, s2  }
0x11: {  	s0 =	sadd.s32 s9, s0;
	[dreg:$0x5] =	wrdreg s22;
	s14 =	sadd.s32 s5, s12  }
0x12: {  	s25 =	sadd.s32 s9, s13;
	[dreg:$0x9] =	wrdreg s14;
	s14 =	sor.u32 $0x3800, s2  }
0x13: {  	s13 =	sadd.s32 $0x9800, s3;
	[dreg:$0x15] =	wrdreg s0;
	s15 =	sadd.s32 s5, s14  }
0x14: {  	s22 =	sor.u32 $0x7800, s2;
	[dreg:$0xb] =	wrdreg s15;
	s15 =	sor.u32 $0x4000, s2  }
0x15: {  	s0 =	sadd.s32 s9, s19;
	s19 =	simm.s32 $0x1;
	s17 =	sadd.s32 s5, s15  }
0x16: {  	s24 =	sadd.s32 s9, s12;
	[dreg:$0xc] =	wrdreg s17;
	s17 =	sor.u32 $0x5000, s2  }
0x17: {  	s12 =	sadd.s32 $0x9000, s3;
	s26 =	sadd.s32 s9, s14;
	s18 =	sadd.s32 s5, s17  }
0x18: {  	s14 =	simm.s32 $0x3;
	[dreg:$0xe] =	wrdreg s18;
	s18 =	sor.u32 $0x5800, s2  }
0x19: {  	s28 =	sadd.s32 s9, s15;
	s15 =	simm.s32 $0x80;
	s20 =	sadd.s32 s5, s18  }
0x1a: {  	s30 =	sadd.s32 s9, s17;
	[dreg:$0xf] =	wrdreg s20;
	s20 =	sor.u32 $0x6800, s2  }
0x1b: {  	s17 =	simm.s32 $0x6A00;
	s31 =	sadd.s32 s9, s18;
	s21 =	sadd.s32 s5, s20  }
0x1c: {  	[dreg:$0x11] =	wrdreg s21;
	s21 =	sor.u32 $0x7000, s2;
	s2 =	sadd.s32 s9, s2  }
0x1d: {  	s18 =	simm.s32 $0x2;
	s23 =	sadd.s32 s5, s21;
	[dreg:$0x14] =	wrdreg s2  }
0x1e: {  	s5 =	sadd.s32 s5, s22;
	s2 =	sadd.s32 s9, s20;
	[dreg:$0x12] =	wrdreg s23  }
0x1f: {  	s20 =	simm.s32 $0x0;
	[dreg:$0x13] =	wrdreg s5;
	s5 =	sadd.s32 s9, s4  }
0x20: {  	s23 =	sadd.s32 s9, s11;
	s4 =	sadd.s32 s9, s21;
	s21 =	rddreg [dreg:$0x2]  }
0x21: {  	s11 =	sadd.s32 $0x8800, s3;
	[dreg:$0x16] =	wrdreg s5;
	s5 =	sadd.s32 s9, s22  }
0x22: {  	s6 =	sadd.s32 s21, s7;
	s7 =	sadd.s32 $0x187E00, s8;
	s8 =	sadd.s32 $0xB200, s8  }
0x23: {  	s9 =	smax.u32 s10, $0x1;
	s10 =	sadd.s32 $0x8000, s3;
	_ =	strace $0x80000047  }
.LBB2_1:
0x24: {  	s21 =	rddreg [dreg:$0x4]  }
0x25: {  	[tilespmem:s1], [sflag:$0x3] =	stream.linear.gather [hbm4b:s21+s1], $0x200, $0x38;
	[tilespmem:$0xC8A0] =	vst v63  }
0x26: {  	_ =	swait.ge [sflag:s14], $0x200  }
0x27: {  	[sflag:s14] =	ssyncset.done $0x0  }
0x28: {  	[sflag:s14] =	ssyncadd.s32 $0xFFFFFE00  }
0x29: {  	[tilespmem:s16], [sflag:$0x1] =	stream.indirect.gather [hbm4b:s7+s15], $0x20, s1, s15, $0xb8;
	[tilespmem:$0xC8A0] =	vst v63  }
0x2a: {  	s22 =	simm.s32 $0x1200  }
0x2b: {  	[tilespmem:s22], [sflag:$0x1] =	stream.indirect.gather [hbm4b:s7+s15], $0x20, s15, s15, $0xb8;
	[tilespmem:$0xC8A0] =	vst v63  }
0x2c: {  	s21 =	simm.s32 $0x100;
	s22 =	simm.s32 $0x2200  }
0x2d: {  	[tilespmem:s22], [sflag:$0x1] =	stream.indirect.gather [hbm4b:s7+s15], $0x20, s21, s15, $0xb8;
	[tilespmem:$0xC8A0] =	vst v63  }
0x2e: {  	s21 =	simm.s32 $0x180;
	s22 =	simm.s32 $0x3200  }
0x2f: {  	[tilespmem:s22], [sflag:$0x1] =	stream.indirect.gather [hbm4b:s7+s15], $0x20, s21, s15, $0xb8;
	[tilespmem:$0xC8A0] =	vst v63  }
0x30: {  	_ = 	snop  }
0x31: {  	[tilespmem:s17], [sflag:$0x2] =	stream.linear.gather [hbm4b:s8+s1], $0x3EA0, $0x38;
	[tilespmem:$0xC8A0] =	vst v63  }
0x32: {  	s22 =	simm.s32 $0x4200  }
0x33: {  	[tilespmem:s22], [sflag:$0x2] =	stream.linear.gather [hbm4b:s3+s1], $0x200, $0x38;
	[tilespmem:$0xC8A0] =	vst v63  }
0x34: {  	s21 =	rddreg [dreg:$0x5];
	s22 =	simm.s32 $0x4400  }
0x35: {  	[tilespmem:s22], [sflag:$0x2] =	stream.linear.gather [hbm4b:s21+s1], $0x200, $0x38;
	[tilespmem:$0xC8A0] =	vst v63  }
0x36: {  	s21 =	rddreg [dreg:$0x6];
	s22 =	simm.s32 $0x4600  }
0x37: {  	[tilespmem:s22], [sflag:$0x2] =	stream.linear.gather [hbm4b:s21+s1], $0x200, $0x38;
	[tilespmem:$0xC8A0] =	vst v63  }
0x38: {  	s21 =	rddreg [dreg:$0x7];
	s22 =	simm.s32 $0x4800  }
0x39: {  	[tilespmem:s22], [sflag:$0x2] =	stream.linear.gather [hbm4b:s21+s1], $0x200, $0x38;
	[tilespmem:$0xC8A0] =	vst v63  }
0x3a: {  	s21 =	rddreg [dreg:$0x8];
	s22 =	simm.s32 $0x4A00  }
0x3b: {  	[tilespmem:s22], [sflag:$0x2] =	stream.linear.gather [hbm4b:s21+s1], $0x200, $0x38;
	[tilespmem:$0xC8A0] =	vst v63  }
0x3c: {  	s21 =	rddreg [dreg:$0x9];
	s22 =	simm.s32 $0x4C00  }
0x3d: {  	[tilespmem:s22], [sflag:$0x2] =	stream.linear.gather [hbm4b:s21+s1], $0x200, $0x38;
	[tilespmem:$0xC8A0] =	vst v63  }
0x3e: {  	s21 =	rddreg [dreg:$0xa];
	s22 =	simm.s32 $0x4E00  }
0x3f: {  	[tilespmem:s22], [sflag:$0x2] =	stream.linear.gather [hbm4b:s21+s1], $0x200, $0x38;
	[tilespmem:$0xC8A0] =	vst v63  }
0x40: {  	s21 =	rddreg [dreg:$0xb];
	s22 =	simm.s32 $0x5000  }
0x41: {  	[tilespmem:s22], [sflag:$0x2] =	stream.linear.gather [hbm4b:s21+s1], $0x200, $0x38;
	[tilespmem:$0xC8A0] =	vst v63  }
0x42: {  	s21 =	rddreg [dreg:$0xc];
	s22 =	simm.s32 $0x5200  }
0x43: {  	[tilespmem:s22], [sflag:$0x2] =	stream.linear.gather [hbm4b:s21+s1], $0x200, $0x38;
	[tilespmem:$0xC8A0] =	vst v63  }
0x44: {  	s21 =	rddreg [dreg:$0xd];
	s22 =	simm.s32 $0x5400  }
0x45: {  	[tilespmem:s22], [sflag:$0x2] =	stream.linear.gather [hbm4b:s21+s1], $0x200, $0x38;
	[tilespmem:$0xC8A0] =	vst v63  }
0x46: {  	s21 =	rddreg [dreg:$0xe];
	s22 =	simm.s32 $0x5600  }
0x47: {  	[tilespmem:s22], [sflag:$0x2] =	stream.linear.gather [hbm4b:s21+s1], $0x200, $0x38;
	[tilespmem:$0xC8A0] =	vst v63  }
0x48: {  	s21 =	rddreg [dreg:$0xf];
	s22 =	simm.s32 $0x5800  }
0x49: {  	[tilespmem:s22], [sflag:$0x2] =	stream.linear.gather [hbm4b:s21+s1], $0x200, $0x38;
	[tilespmem:$0xC8A0] =	vst v63  }
0x4a: {  	s21 =	rddreg [dreg:$0x10];
	s22 =	simm.s32 $0x5A00  }
0x4b: {  	[tilespmem:s22], [sflag:$0x2] =	stream.linear.gather [hbm4b:s21+s1], $0x200, $0x38;
	[tilespmem:$0xC8A0] =	vst v63  }
0x4c: {  	s21 =	rddreg [dreg:$0x11];
	s22 =	simm.s32 $0x5C00  }
0x4d: {  	[tilespmem:s22], [sflag:$0x2] =	stream.linear.gather [hbm4b:s21+s1], $0x200, $0x38;
	[tilespmem:$0xC8A0] =	vst v63  }
0x4e: {  	s21 =	rddreg [dreg:$0x12];
	s22 =	simm.s32 $0x5E00  }
0x4f: {  	[tilespmem:s22], [sflag:$0x2] =	stream.linear.gather [hbm4b:s21+s1], $0x200, $0x38;
	[tilespmem:$0xC8A0] =	vst v63  }
0x50: {  	s21 =	rddreg [dreg:$0x13];
	s22 =	simm.s32 $0x6000  }
0x51: {  	[tilespmem:s22], [sflag:$0x2] =	stream.linear.gather [hbm4b:s21+s1], $0x200, $0x38;
	[tilespmem:$0xC8A0] =	vst v63  }
0x52: {  	s22 =	simm.s32 $0x6200  }
0x53: {  	[tilespmem:s22], [sflag:$0x2] =	stream.linear.gather [hbm4b:s10+s1], $0x200, $0x38;
	[tilespmem:$0xC8A0] =	vst v63  }
0x54: {  	s22 =	simm.s32 $0x6400  }
0x55: {  	[tilespmem:s22], [sflag:$0x2] =	stream.linear.gather [hbm4b:s11+s1], $0x200, $0x38;
	[tilespmem:$0xC8A0] =	vst v63  }
0x56: {  	s22 =	simm.s32 $0x6600  }
0x57: {  	[tilespmem:s22], [sflag:$0x2] =	stream.linear.gather [hbm4b:s12+s1], $0x200, $0x38;
	[tilespmem:$0xC8A0] =	vst v63  }
0x58: {  	s22 =	simm.s32 $0x6800  }
0x59: {  	[tilespmem:s22], [sflag:$0x2] =	stream.linear.gather [hbm4b:s13+s1], $0x200, $0x38;
	[tilespmem:$0xC8A0] =	vst v63  }
0x5a: {  	_ =	swait.ge [sflag:s18], $0x3EA0  }
0x5b: {  	[sflag:s18] =	ssyncset.done $0x0  }
0x5c: {  	[sflag:s18] =	ssyncadd.s32 $0xFFFFC160  }
0x5d: {  	_ =	swait.ge [sflag:s18], $0x200  }
0x5e: {  	[sflag:s18] =	ssyncset.done $0x0  }
0x5f: {  	[sflag:s18] =	ssyncadd.s32 $0xFFFFFE00  }
0x60: {  	_ =	swait.ge [sflag:s18], $0x200  }
0x61: {  	[sflag:s18] =	ssyncset.done $0x0  }
0x62: {  	[sflag:s18] =	ssyncadd.s32 $0xFFFFFE00  }
0x63: {  	_ =	swait.ge [sflag:s18], $0x200  }
0x64: {  	[sflag:s18] =	ssyncset.done $0x0  }
0x65: {  	[sflag:s18] =	ssyncadd.s32 $0xFFFFFE00  }
0x66: {  	_ =	swait.ge [sflag:s18], $0x200  }
0x67: {  	[sflag:s18] =	ssyncset.done $0x0  }
0x68: {  	[sflag:s18] =	ssyncadd.s32 $0xFFFFFE00  }
0x69: {  	_ =	swait.ge [sflag:s18], $0x200  }
0x6a: {  	[sflag:s18] =	ssyncset.done $0x0  }
0x6b: {  	[sflag:s18] =	ssyncadd.s32 $0xFFFFFE00  }
0x6c: {  	_ =	swait.ge [sflag:s18], $0x200  }
0x6d: {  	[sflag:s18] =	ssyncset.done $0x0  }
0x6e: {  	[sflag:s18] =	ssyncadd.s32 $0xFFFFFE00  }
0x6f: {  	_ =	swait.ge [sflag:s18], $0x200  }
0x70: {  	[sflag:s18] =	ssyncset.done $0x0  }
0x71: {  	[sflag:s18] =	ssyncadd.s32 $0xFFFFFE00  }
0x72: {  	_ =	swait.ge [sflag:s18], $0x200  }
0x73: {  	[sflag:s18] =	ssyncset.done $0x0  }
0x74: {  	[sflag:s18] =	ssyncadd.s32 $0xFFFFFE00  }
0x75: {  	_ =	swait.ge [sflag:s18], $0x200  }
0x76: {  	[sflag:s18] =	ssyncset.done $0x0  }
0x77: {  	[sflag:s18] =	ssyncadd.s32 $0xFFFFFE00  }
0x78: {  	_ =	swait.ge [sflag:s18], $0x200  }
0x79: {  	[sflag:s18] =	ssyncset.done $0x0  }
0x7a: {  	[sflag:s18] =	ssyncadd.s32 $0xFFFFFE00  }
0x7b: {  	_ =	swait.ge [sflag:s18], $0x200  }
0x7c: {  	[sflag:s18] =	ssyncset.done $0x0  }
0x7d: {  	[sflag:s18] =	ssyncadd.s32 $0xFFFFFE00  }
0x7e: {  	_ =	swait.ge [sflag:s18], $0x200  }
0x7f: {  	[sflag:s18] =	ssyncset.done $0x0  }
0x80: {  	[sflag:s18] =	ssyncadd.s32 $0xFFFFFE00  }
0x81: {  	_ =	swait.ge [sflag:s18], $0x200  }
0x82: {  	[sflag:s18] =	ssyncset.done $0x0  }
0x83: {  	[sflag:s18] =	ssyncadd.s32 $0xFFFFFE00  }
0x84: {  	_ =	swait.ge [sflag:s18], $0x200  }
0x85: {  	[sflag:s18] =	ssyncset.done $0x0  }
0x86: {  	[sflag:s18] =	ssyncadd.s32 $0xFFFFFE00  }
0x87: {  	_ =	swait.ge [sflag:s18], $0x200  }
0x88: {  	[sflag:s18] =	ssyncset.done $0x0  }
0x89: {  	[sflag:s18] =	ssyncadd.s32 $0xFFFFFE00  }
0x8a: {  	_ =	swait.ge [sflag:s18], $0x200  }
0x8b: {  	[sflag:s18] =	ssyncset.done $0x0  }
0x8c: {  	[sflag:s18] =	ssyncadd.s32 $0xFFFFFE00  }
0x8d: {  	_ =	swait.ge [sflag:s18], $0x200  }
0x8e: {  	[sflag:s18] =	ssyncset.done $0x0  }
0x8f: {  	[sflag:s18] =	ssyncadd.s32 $0xFFFFFE00  }
0x90: {  	_ =	swait.ge [sflag:s18], $0x200  }
0x91: {  	[sflag:s18] =	ssyncset.done $0x0  }
0x92: {  	[sflag:s18] =	ssyncadd.s32 $0xFFFFFE00  }
0x93: {  	_ =	swait.ge [sflag:s18], $0x200  }
0x94: {  	[sflag:s18] =	ssyncset.done $0x0  }
0x95: {  	[sflag:s18] =	ssyncadd.s32 $0xFFFFFE00  }
0x96: {  	_ =	swait.ge [sflag:s18], $0x200  }
0x97: {  	[sflag:s18] =	ssyncset.done $0x0  }
0x98: {  	s21 =	simm.s32 $0xFFFFF800;
	[sflag:s18] =	ssyncadd.s32 $0xFFFFFE00  }
.LBB2_2:
0x99: {  	s22 =	sshra.s32 s21, $0x2  }
0x9a: {  	v0 =	vld [tilespmem:s22+$0x4400]  }
0x9b: {  	v7 =	vld [tilespmem:s22+$0x4600];
	_ =	sdelay $0x3  }
0x9c: {  	vm0 =	veq.s32 v0, $0x0  }
0x9d: {  	vm9 =	veq.s32 v7, $0x0;
	v1 =	vsel vm0, $0x3E9, v0  }
0x9e: {  	v62 =	vsel vm9, $0x3E9, v7  }
0x9f: {  	v2 =	vadd.s32 $0x7D4, v1  }
0xa0: {  	v3 =	vadd.s32 $0xBBE, v1  }
0xa1: {  	v4 =	vadd.s32 $0xFA8, v1  }
0xa2: {  	v5 =	vadd.s32 $0x1392, v1;
	v25 =	vld.idx.msk [tilespmem:v1+s17+$0x0], $0xffff  }
0xa3: {  	v44 =	vadd.s32 $0x177C, v1;
	v28 =	vld.idx.msk [tilespmem:v62+s17+$0x0], $0xffff  }
0xa4: {  	v47 =	vadd.s32 $0x1B66, v1;
	v63 =	vld.idx.msk [tilespmem:v2+s17+$0x0], $0xffff  }
0xa5: {  	v49 =	vadd.s32 $0x1F50, v1;
	v45 =	vld.idx.msk [tilespmem:v3+s17+$0x0], $0xffff  }
0xa6: {  	v51 =	vadd.s32 $0x233A, v1;
	v48 =	vld.idx.msk [tilespmem:v4+s17+$0x0], $0xffff  }
0xa7: {  	v6 =	vadd.s32 $0x2724, v1;
	v50 =	vld.idx.msk [tilespmem:v5+s17+$0x0], $0xffff  }
0xa8: {  	v53 =	vadd.s32 $0x2B0E, v1;
	v52 =	vld.idx.msk [tilespmem:v44+s17+$0x0], $0xffff  }
0xa9: {  	v55 =	vadd.s32 $0x2EF8, v1;
	v54 =	vld.idx.msk [tilespmem:v47+s17+$0x0], $0xffff  }
0xaa: {  	v57 =	vadd.s32 $0x32E2, v1;
	v56 =	vld.idx.msk [tilespmem:v49+s17+$0x0], $0xffff  }
0xab: {  	v59 =	vadd.s32 $0x36CC, v1;
	v58 =	vld.idx.msk [tilespmem:v51+s17+$0x0], $0xffff  }
0xac: {  	v10 =	vadd.s32 $0x3EA, v62;
	v60 =	vld.idx.msk [tilespmem:v6+s17+$0x0], $0xffff  }
0xad: {  	v12 =	vadd.s32 $0x7D4, v62;
	v61 =	vld.idx.msk [tilespmem:v53+s17+$0x0], $0xffff  }
0xae: {  	v21 =	vadd.s32 $0xFA8, v62;
	v9 =	vld.idx.msk [tilespmem:v55+s17+$0x0], $0xffff  }
0xaf: {  	v22 =	vadd.s32 $0x1392, v62;
	v11 =	vld.idx.msk [tilespmem:v57+s17+$0x0], $0xffff  }
0xb0: {  	v23 =	vadd.s32 $0x177C, v62;
	v13 =	vld.idx.msk [tilespmem:v59+s17+$0x0], $0xffff  }
0xb1: {  	v24 =	vadd.s32 $0x1B66, v62;
	v7 =	vld.idx.msk [tilespmem:v10+s17+$0x0], $0xffff  }
0xb2: {  	v26 =	vadd.s32 $0x1F50, v62;
	v17 =	vld.idx.msk [tilespmem:v12+s17+$0x0], $0xffff  }
0xb3: {  	v10 =	vld.idx.msk [tilespmem:v21+s17+$0x0], $0xffff  }
0xb4: {  	v0 =	vadd.s32 $0x3EA, v1;
	v1 =	vadd.s32 $0x3AB6, v1;
	v5 =	vld.idx.msk [tilespmem:v22+s17+$0x0], $0xffff  }
0xb5: {  	v8 =	vadd.s32 $0x233A, v62;
	v3 =	vld.idx.msk [tilespmem:v23+s17+$0x0], $0xffff  }
0xb6: {  	v2 =	vld.idx.msk [tilespmem:v24+s17+$0x0], $0xffff  }
0xb7: {  	v12 =	vadd.s32 $0x2B0E, v62;
	v24 =	vld.idx.msk [tilespmem:v26+s17+$0x0], $0xffff  }
0xb8: {  	[tilespmem:$0x1F5F0] =	vst v11;
	v11 =	vld [tilespmem:s22+$0x4800]  }
0xb9: {  	v30 =	vadd.s32 $0x3AB6, v62;
	v20 =	vld.idx.msk [tilespmem:v1+s17+$0x0], $0xffff  }
0xba: {  	v16 =	vld.idx.msk [tilespmem:v8+s17+$0x0], $0xffff;
	[tilespmem:$0x1F5E0] =	vst v9;
	v9 =	vadd.s32 $0x2724, v62  }
0xbb: {  	v21 =	vld [tilespmem:s22+$0x4A00];
	[tilespmem:$0x1F600] =	vst v13;
	v13 =	vadd.s32 $0x2EF8, v62  }
0xbc: {  	v27 =	vadd.s32 $0x32E2, v62;
	v4 =	vld.idx.msk [tilespmem:v12+s17+$0x0], $0xffff  }
0xbd: {  	v29 =	vadd.s32 $0x36CC, v62;
	[tilespmem:$0x1F560] =	vst v48;
	v48 =	vld [tilespmem:s22+$0x4C00];
	vm8 =	veq.s32 v11, $0x0  }
0xbe: {  	[tilespmem:$0x1F610] =	vst v20;
	v20 =	vld.idx.msk [tilespmem:v30+s17+$0x0], $0xffff;
	v31 =	vsel vm8, $0x3E9, v11  }
0xbf: {  	v55 =	vld.idx.msk [tilespmem:v9+s17+$0x0], $0xffff;
	v15 =	vadd.s32 $0x3EA, v31  }
0xc0: {  	v6 =	vld.idx.msk [tilespmem:v13+s17+$0x0], $0xffff;
	v34 =	vadd.s32 $0x7D4, v31  }
0xc1: {  	v13 =	vld.idx.msk [tilespmem:v27+s17+$0x0], $0xffff;
	v35 =	vadd.s32 $0xBBE, v31  }
0xc2: {  	v11 =	vld.idx.msk [tilespmem:v29+s17+$0x0], $0xffff;
	v40 =	vadd.s32 $0x1392, v31  }
0xc3: {  	v41 =	vadd.s32 $0x177C, v31;
	v9 =	vld.idx.msk [tilespmem:v31+s17+$0x0], $0xffff  }
0xc4: {  	[tilespmem:$0x1F580] =	vst v52;
	v52 =	vadd.s32 $0x1B66, v31;
	v39 =	vld.idx.msk [tilespmem:v15+s17+$0x0], $0xffff  }
0xc5: {  	v53 =	vadd.s32 $0x1F50, v31;
	v49 =	vld.idx.msk [tilespmem:v34+s17+$0x0], $0xffff  }
0xc6: {  	[tilespmem:$0x1F590] =	vst v54;
	v54 =	vadd.s32 $0x2724, v31;
	v44 =	vld.idx.msk [tilespmem:v35+s17+$0x0], $0xffff  }
0xc7: {  	[tilespmem:$0x1F5A0] =	vst v56;
	v56 =	vadd.s32 $0x2B0E, v31;
	v34 =	vld.idx.msk [tilespmem:v40+s17+$0x0], $0xffff  }
0xc8: {  	v57 =	vadd.s32 $0x2EF8, v31;
	v40 =	vld.idx.msk [tilespmem:v41+s17+$0x0], $0xffff  }
0xc9: {  	[tilespmem:$0x1F5B0] =	vst v58;
	v58 =	vadd.s32 $0x32E2, v31;
	v37 =	vld.idx.msk [tilespmem:v52+s17+$0x0], $0xffff  }
0xca: {  	v59 =	vadd.s32 $0x36CC, v31;
	v41 =	vld.idx.msk [tilespmem:v53+s17+$0x0], $0xffff  }
0xcb: {  	vm7 =	veq.s32 v21, $0x0;
	v12 =	vadd.s32 $0x3AB6, v31;
	v33 =	vld.idx.msk [tilespmem:v54+s17+$0x0], $0xffff  }
0xcc: {  	v15 =	vsel vm7, $0x3E9, v21;
	v23 =	vld.idx.msk [tilespmem:v56+s17+$0x0], $0xffff  }
0xcd: {  	[tilespmem:$0x1F5C0] =	vst v60;
	v30 =	vld.idx.msk [tilespmem:v57+s17+$0x0], $0xffff;
	v60 =	vadd.s32 $0x3EA, v15  }
0xce: {  	[tilespmem:$0x1F5D0] =	vst v61;
	v26 =	vld.idx.msk [tilespmem:v58+s17+$0x0], $0xffff;
	v61 =	vadd.s32 $0x7D4, v15  }
0xcf: {  	v14 =	vadd.s32 $0xBBE, v62;
	v27 =	vld.idx.msk [tilespmem:v59+s17+$0x0], $0xffff;
	v62 =	vadd.s32 $0xBBE, v15  }
0xd0: {  	v38 =	vld.idx.msk [tilespmem:v12+s17+$0x0], $0xffff;
	v21 =	vadd.s32 $0xFA8, v15  }
0xd1: {  	v22 =	vadd.s32 $0x1392, v15;
	v8 =	vld.idx.msk [tilespmem:v15+s17+$0x0], $0xffff  }
0xd2: {  	v18 =	vadd.s32 $0xFA8, v31;
	v19 =	vadd.s32 $0x233A, v31;
	v31 =	vadd.s32 $0x177C, v15;
	v58 =	vld.idx.msk [tilespmem:v60+s17+$0x0], $0xffff  }
0xd3: {  	v43 =	vadd.s32 $0x1F50, v15;
	v29 =	vld.idx.msk [tilespmem:v61+s17+$0x0], $0xffff  }
0xd4: {  	[tilespmem:$0x1F550] =	vst v45;
	v45 =	vadd.s32 $0x233A, v15;
	v32 =	vld.idx.msk [tilespmem:v62+s17+$0x0], $0xffff  }
0xd5: {  	v47 =	vadd.s32 $0x2724, v15;
	v42 =	vld.idx.msk [tilespmem:v21+s17+$0x0], $0xffff  }
0xd6: {  	v35 =	vadd.s32 $0x1B66, v15;
	v62 =	vld.idx.msk [tilespmem:v22+s17+$0x0], $0xffff  }
0xd7: {  	v51 =	vadd.s32 $0x2B0E, v15;
	v54 =	vld.idx.msk [tilespmem:v31+s17+$0x0], $0xffff  }
0xd8: {  	v53 =	vadd.s32 $0x36CC, v15;
	v61 =	vld.idx.msk [tilespmem:v43+s17+$0x0], $0xffff  }
0xd9: {  	vm6 =	veq.s32 v48, $0x0;
	v52 =	vadd.s32 $0x2EF8, v15;
	v43 =	vld.idx.msk [tilespmem:v45+s17+$0x0], $0xffff  }
0xda: {  	v22 =	vadd.s32 $0x32E2, v15;
	v45 =	vld.idx.msk [tilespmem:v47+s17+$0x0], $0xffff;
	v15 =	vadd.s32 $0x3AB6, v15;
	v47 =	vsel vm6, $0x3E9, v48  }
0xdb: {  	v60 =	vld.idx.msk [tilespmem:v35+s17+$0x0], $0xffff;
	v31 =	vadd.s32 $0x3EA, v47  }
0xdc: {  	v12 =	vld.idx.msk [tilespmem:v51+s17+$0x0], $0xffff;
	v56 =	vadd.s32 $0x7D4, v47  }
0xdd: {  	v21 =	vld.idx.msk [tilespmem:v53+s17+$0x0], $0xffff;
	v57 =	vadd.s32 $0xBBE, v47  }
0xde: {  	[tilespmem:$0x1F630] =	vst v32;
	v32 =	vld.idx.msk [tilespmem:v52+s17+$0x0], $0xffff  }
0xdf: {  	v59 =	vadd.s32 $0xFA8, v47;
	v35 =	vld.idx.msk [tilespmem:v15+s17+$0x0], $0xffff  }
0xe0: {  	[tilespmem:$0x1F640] =	vst v42;
	v42 =	vadd.s32 $0x1392, v47;
	v48 =	vld.idx.msk [tilespmem:v31+s17+$0x0], $0xffff  }
0xe1: {  	v51 =	vld.idx.msk [tilespmem:v56+s17+$0x0], $0xffff  }
0xe2: {  	v53 =	vld.idx.msk [tilespmem:v57+s17+$0x0], $0xffff;
	v56 =	vadd.s32 $0x1B66, v47  }
0xe3: {  	[tilespmem:$0x1F620] =	vst v29;
	v29 =	vld.idx.msk [tilespmem:v22+s17+$0x0], $0xffff;
	v52 =	vadd.s32 $0x177C, v47  }
0xe4: {  	v57 =	vld.idx.msk [tilespmem:v59+s17+$0x0], $0xffff;
	v59 =	vadd.s32 $0x1F50, v47  }
0xe5: {  	[tilespmem:$0x1F650] =	vst v35;
	v31 =	vld.idx.msk [tilespmem:v42+s17+$0x0], $0xffff;
	v35 =	vadd.s32 $0x233A, v47  }
0xe6: {  	v42 =	vadd.s32 $0x2724, v47;
	[tilespmem:$0x1F660] =	vst v48;
	v48 =	vld [tilespmem:s22+$0x4E00]  }
0xe7: {  	[tilespmem:$0x1F680] =	vst v53;
	v53 =	vld.idx.msk [tilespmem:v56+s17+$0x0], $0xffff  }
0xe8: {  	v52 =	vld.idx.msk [tilespmem:v52+s17+$0x0], $0xffff;
	v56 =	vadd.s32 $0x2B0E, v47  }
0xe9: {  	[tilespmem:$0x1F690] =	vst v57;
	v57 =	vld.idx.msk [tilespmem:v59+s17+$0x0], $0xffff  }
0xea: {  	[tilespmem:$0x1F670] =	vst v51;
	v22 =	vld.idx.msk [tilespmem:v35+s17+$0x0], $0xffff  }
0xeb: {  	[tilespmem:$0x1F6A0] =	vst v31;
	v51 =	vld.idx.msk [tilespmem:v42+s17+$0x0], $0xffff;
	vm5 =	veq.s32 v48, $0x0  }
0xec: {  	v59 =	vadd.s32 $0x2EF8, v47;
	v31 =	vld.idx.msk [tilespmem:v47+s17+$0x0], $0xffff;
	[tilespmem:$0x1F6C0] =	vst v53;
	v53 =	vadd.s32 $0x3AB6, v47;
	v42 =	vsel vm5, $0x3E9, v48  }
0xed: {  	[tilespmem:$0x1F6B0] =	vst v52;
	v35 =	vadd.s32 $0x32E2, v47;
	v52 =	vadd.s32 $0x36CC, v47;
	v47 =	vld.idx.msk [tilespmem:v56+s17+$0x0], $0xffff;
	v56 =	vadd.s32 $0x3EA, v42;
	_ =	sdelay $0x2  }
0xee: {  	v46 =	vld.idx.msk [tilespmem:v0+s17+$0x0], $0xffff  }
0xef: {  	v0 =	vld.idx.msk [tilespmem:v53+s17+$0x0], $0xffff  }
0xf0: {  	v53 =	vadd.s32 $0x1392, v42;
	v56 =	vld.idx.msk [tilespmem:v56+s17+$0x0], $0xffff;
	_ =	sdelay $0x1  }
0xf1: {  	[tilespmem:$0x1F570] =	vst v50;
	v15 =	vadd.s32 $0x1B66, v42  }
0xf2: {  	[tilespmem:$0x1F6F0] =	vst v51;
	v51 =	vld.idx.msk [tilespmem:v52+s17+$0x0], $0xffff  }
0xf3: {  	v50 =	vld.idx.msk [tilespmem:v18+s17+$0x0], $0xffff;
	[tilespmem:$0x1F720] =	vst v0  }
0xf4: {  	v0 =	vld.idx.msk [tilespmem:v53+s17+$0x0], $0xffff;
	[tilespmem:$0x1F730] =	vst v56;
	v56 =	vadd.s32 $0x233A, v42  }
0xf5: {  	[tilespmem:$0x1F6D0] =	vst v57;
	v57 =	vld.idx.msk [tilespmem:v59+s17+$0x0], $0xffff  }
0xf6: {  	v18 =	vld.idx.msk [tilespmem:v15+s17+$0x0], $0xffff  }
0xf7: {  	v59 =	vadd.s32 $0x7D4, v42;
	[tilespmem:$0x1F710] =	vst v51;
	v51 =	vld [tilespmem:s22+$0x5000]  }
0xf8: {  	v52 =	vadd.s32 $0xFA8, v42  }
0xf9: {  	[tilespmem:$0x1F770] =	vst v0;
	v0 =	vld.idx.msk [tilespmem:v56+s17+$0x0], $0xffff;
	v56 =	vadd.s32 $0x32E2, v42;
	_ =	sdelay $0x1  }
0xfa: {  	v48 =	vld.idx.msk [tilespmem:v35+s17+$0x0], $0xffff;
	v35 =	vadd.s32 $0xBBE, v42;
	[tilespmem:$0x1F700] =	vst v57  }
0xfb: {  	v57 =	vld.idx.msk [tilespmem:v59+s17+$0x0], $0xffff;
	[tilespmem:$0x1F790] =	vst v18;
	v18 =	vadd.s32 $0x2B0E, v42;
	vm3 =	veq.s32 v51, $0x0  }
0xfc: {  	[tilespmem:$0x1F6E0] =	vst v22;
	v59 =	vadd.s32 $0x177C, v42;
	v22 =	vld.idx.msk [tilespmem:v52+s17+$0x0], $0xffff;
	v51 =	vsel vm3, $0x3E9, v51  }
0xfd: {  	v52 =	vadd.s32 $0xBBE, v51;
	[tilespmem:$0x1F7B0] =	vst v0;
	v0 =	vld.idx.msk [tilespmem:v56+s17+$0x0], $0xffff  }
0xfe: {  	v36 =	vld.idx.msk [tilespmem:v19+s17+$0x0], $0xffff  }
0xff: {  	v19 =	vld.idx.msk [tilespmem:v35+s17+$0x0], $0xffff;
	v35 =	vadd.s32 $0x1F50, v42  }
0x100: {  	v18 =	vld.idx.msk [tilespmem:v18+s17+$0x0], $0xffff  }
0x101: {  	v59 =	vld.idx.msk [tilespmem:v59+s17+$0x0], $0xffff  }
0x102: {  	[tilespmem:$0x1F7F0] =	vst v0;
	v0 =	vld.idx.msk [tilespmem:v52+s17+$0x0], $0xffff  }
0x103: {  	[tilespmem:$0x1F740] =	vst v57;
	v57 =	vadd.s32 $0x2724, v42  }
0x104: {  	[tilespmem:$0x1F750] =	vst v19;
	v19 =	vld.idx.msk [tilespmem:v35+s17+$0x0], $0xffff;
	v35 =	vadd.s32 $0x2EF8, v42  }
0x105: {  	[tilespmem:$0x1F7D0] =	vst v18;
	v18 =	vadd.s32 $0x3EA, v51  }
0x106: {  	[tilespmem:$0x1F780] =	vst v59;
	v59 =	vadd.s32 $0x36CC, v42  }
0x107: {  	v15 =	vld.idx.msk [tilespmem:v42+s17+$0x0], $0xffff;
	[tilespmem:$0x1F840] =	vst v0;
	v0 =	vadd.s32 $0x1B66, v51  }
0x108: {  	v57 =	vld.idx.msk [tilespmem:v57+s17+$0x0], $0xffff  }
0x109: {  	[tilespmem:$0x1F7A0] =	vst v19;
	v19 =	vld.idx.msk [tilespmem:v35+s17+$0x0], $0xffff;
	v35 =	vadd.s32 $0x7D4, v51  }
0x10a: {  	v42 =	vadd.s32 $0x3AB6, v42;
	v18 =	vld.idx.msk [tilespmem:v18+s17+$0x0], $0xffff  }
0x10b: {  	v53 =	vld.idx.msk [tilespmem:v59+s17+$0x0], $0xffff;
	v56 =	vadd.s32 $0xFA8, v51  }
0x10c: {  	v59 =	vadd.s32 $0x1392, v51;
	v0 =	vld.idx.msk [tilespmem:v0+s17+$0x0], $0xffff  }
0x10d: {  	[tilespmem:$0x1F7C0] =	vst v57  }
0x10e: {  	[tilespmem:$0x1F7E0] =	vst v19;
	v19 =	vld.idx.msk [tilespmem:v35+s17+$0x0], $0xffff;
	v35 =	vadd.s32 $0x1F50, v51  }
0x10f: {  	v57 =	vld.idx.msk [tilespmem:v42+s17+$0x0], $0xffff;
	[tilespmem:$0x1F820] =	vst v18;
	v18 =	vadd.s32 $0x177C, v51  }
0x110: {  	[tilespmem:$0x1F760] =	vst v22;
	v22 =	vld.idx.msk [tilespmem:v56+s17+$0x0], $0xffff  }
0x111: {  	v56 =	vld.idx.msk [tilespmem:v59+s17+$0x0], $0xffff;
	[tilespmem:$0x1F880] =	vst v0;
	v0 =	vadd.s32 $0x2B0E, v51  }
0x112: {  	v52 =	vld [tilespmem:s22+$0x5200]  }
0x113: {  	[tilespmem:$0x1F830] =	vst v19;
	v19 =	vld.idx.msk [tilespmem:v35+s17+$0x0], $0xffff  }
0x114: {  	v35 =	vadd.s32 $0x2EF8, v51;
	v18 =	vld.idx.msk [tilespmem:v18+s17+$0x0], $0xffff;
	_ =	sdelay $0x1  }
0x115: {  	[tilespmem:$0x1F810] =	vst v57;
	v57 =	vadd.s32 $0x233A, v51;
	v0 =	vld.idx.msk [tilespmem:v0+s17+$0x0], $0xffff  }
0x116: {  	v59 =	vadd.s32 $0x2724, v51  }
0x117: {  	[tilespmem:$0x1F860] =	vst v56  }
0x118: {  	v56 =	vadd.s32 $0x32E2, v51;
	vm4 =	veq.s32 v52, $0x0;
	[tilespmem:$0x1F870] =	vst v18;
	v18 =	vld.idx.msk [tilespmem:v35+s17+$0x0], $0xffff  }
0x119: {  	[tilespmem:$0x1F800] =	vst v53;
	v52 =	vsel vm4, $0x3E9, v52  }
0x11a: {  	v53 =	vld.idx.msk [tilespmem:v57+s17+$0x0], $0xffff;
	[tilespmem:$0x1F8C0] =	vst v0;
	v0 =	vadd.s32 $0x3EA, v52  }
0x11b: {  	v57 =	vld.idx.msk [tilespmem:v59+s17+$0x0], $0xffff;
	v59 =	vadd.s32 $0x36CC, v51  }
0x11c: {  	[tilespmem:$0x1F890] =	vst v19;
	v19 =	vld.idx.msk [tilespmem:v51+s17+$0x0], $0xffff;
	v51 =	vadd.s32 $0x3AB6, v51  }
0x11d: {  	v35 =	vld.idx.msk [tilespmem:v56+s17+$0x0], $0xffff;
	[tilespmem:$0x1F8D0] =	vst v18;
	v18 =	vadd.s32 $0x7D4, v52  }
0x11e: {  	v56 =	vadd.s32 $0xFA8, v52  }
0x11f: {  	[tilespmem:$0x1F850] =	vst v22;
	v0 =	vld.idx.msk [tilespmem:v0+s17+$0x0], $0xffff  }
0x120: {  	[tilespmem:$0x1F8A0] =	vst v53;
	v53 =	vld.idx.msk [tilespmem:v59+s17+$0x0], $0xffff  }
0x121: {  	[tilespmem:$0x1F8B0] =	vst v57;
	v57 =	vld.idx.msk [tilespmem:v51+s17+$0x0], $0xffff  }
0x122: {  	v22 =	vadd.s32 $0xBBE, v52;
	[tilespmem:$0x1F8E0] =	vst v35;
	v35 =	vld.idx.msk [tilespmem:v18+s17+$0x0], $0xffff  }
0x123: {  	v56 =	vld.idx.msk [tilespmem:v56+s17+$0x0], $0xffff;
	v18 =	vadd.s32 $0x1B66, v52  }
0x124: {  	[tilespmem:$0x1F910] =	vst v0;
	v0 =	vadd.s32 $0x177C, v52  }
0x125: {  	v59 =	vadd.s32 $0x1392, v52;
	[tilespmem:$0x1F8F0] =	vst v53  }
0x126: {  	[tilespmem:$0x1F900] =	vst v57;
	v57 =	vadd.s32 $0x1F50, v52  }
0x127: {  	v53 =	vld.idx.msk [tilespmem:v22+s17+$0x0], $0xffff;
	[tilespmem:$0x1F920] =	vst v35;
	v35 =	vadd.s32 $0x233A, v52  }
0x128: {  	v51 =	vadd.s32 $0x2724, v52;
	[tilespmem:$0x1F940] =	vst v56;
	v56 =	vld.idx.msk [tilespmem:v18+s17+$0x0], $0xffff  }
0x129: {  	v0 =	vld.idx.msk [tilespmem:v0+s17+$0x0], $0xffff  }
0x12a: {  	v59 =	vld.idx.msk [tilespmem:v59+s17+$0x0], $0xffff  }
0x12b: {  	v57 =	vld.idx.msk [tilespmem:v57+s17+$0x0], $0xffff  }
0x12c: {  	[tilespmem:$0x1F930] =	vst v53;
	v18 =	vld.idx.msk [tilespmem:v35+s17+$0x0], $0xffff  }
0x12d: {  	[tilespmem:$0x1F970] =	vst v56;
	v56 =	vld.idx.msk [tilespmem:v51+s17+$0x0], $0xffff  }
0x12e: {  	[tilespmem:$0x1F960] =	vst v0;
	v0 =	vadd.s32 $0x2B0E, v52  }
0x12f: {  	[tilespmem:$0x1F950] =	vst v59  }
0x130: {  	[tilespmem:$0x1F980] =	vst v57  }
0x131: {  	v53 =	vld [tilespmem:s22+$0x5400];
	[tilespmem:$0x1F990] =	vst v18  }
0x132: {  	v14 =	vld.idx.msk [tilespmem:v14+s17+$0x0], $0xffff;
	[tilespmem:$0x1F9A0] =	vst v56  }
0x133: {  	v59 =	vadd.s32 $0x2EF8, v52;
	v0 =	vld.idx.msk [tilespmem:v0+s17+$0x0], $0xffff  }
0x134: {  	v35 =	vadd.s32 $0x32E2, v52  }
0x135: {  	v57 =	vadd.s32 $0x36CC, v52  }
0x136: {  	vm1 =	veq.s32 v53, $0x0  }
0x137: {  	v53 =	vsel vm1, $0x3E9, v53  }
0x138: {  	v1 =	vld.idx.msk [tilespmem:v59+s17+$0x0], $0xffff;
	[tilespmem:$0x1F9B0] =	vst v0;
	v0 =	vadd.s32 $0x3EA, v53  }
0x139: {  	v59 =	vld.idx.msk [tilespmem:v35+s17+$0x0], $0xffff  }
0x13a: {  	v22 =	vadd.s32 $0x7D4, v53;
	v56 =	vld.idx.msk [tilespmem:v57+s17+$0x0], $0xffff  }
0x13b: {  	v57 =	vadd.s32 $0xFA8, v53;
	_ =	sdelay $0x1  }
0x13c: {  	v0 =	vld.idx.msk [tilespmem:v0+s17+$0x0], $0xffff  }
0x13d: {  	v18 =	vld.idx.msk [tilespmem:v52+s17+$0x0], $0xffff;
	v52 =	vadd.s32 $0x3AB6, v52;
	[tilespmem:$0x1F9D0] =	vst v59  }
0x13e: {  	[tilespmem:$0x1F9E0] =	vst v56;
	v56 =	vadd.s32 $0x1392, v53;
	v59 =	vld.idx.msk [tilespmem:v22+s17+$0x0], $0xffff  }
0x13f: {  	v42 =	vadd.s32 $0x1F50, v53;
	v57 =	vld.idx.msk [tilespmem:v57+s17+$0x0], $0xffff  }
0x140: {  	v35 =	vadd.s32 $0xBBE, v53  }
0x141: {  	[tilespmem:$0x1FA00] =	vst v0;
	v0 =	vadd.s32 $0x177C, v53  }
0x142: {  	v52 =	vld.idx.msk [tilespmem:v52+s17+$0x0], $0xffff  }
0x143: {  	v51 =	vadd.s32 $0x233A, v53;
	[tilespmem:$0x1FA10] =	vst v59;
	v59 =	vld.idx.msk [tilespmem:v56+s17+$0x0], $0xffff  }
0x144: {  	[tilespmem:$0x1FA30] =	vst v57;
	v57 =	vld.idx.msk [tilespmem:v42+s17+$0x0], $0xffff;
	v42 =	vadd.s32 $0x2EF8, v53  }
0x145: {  	v22 =	vld.idx.msk [tilespmem:v35+s17+$0x0], $0xffff;
	v35 =	vadd.s32 $0x1B66, v53  }
0x146: {  	v0 =	vld.idx.msk [tilespmem:v0+s17+$0x0], $0xffff  }
0x147: {  	[tilespmem:$0x1F9F0] =	vst v52;
	v56 =	vld [tilespmem:s22+$0x5600]  }
0x148: {  	v52 =	vadd.s32 $0x2724, v53;
	[tilespmem:$0x1FA40] =	vst v59;
	v59 =	vld.idx.msk [tilespmem:v51+s17+$0x0], $0xffff  }
0x149: {  	v42 =	vld.idx.msk [tilespmem:v42+s17+$0x0], $0xffff  }
0x14a: {  	v35 =	vld.idx.msk [tilespmem:v35+s17+$0x0], $0xffff;
	v51 =	vadd.s32 $0x32E2, v53  }
0x14b: {  	[tilespmem:$0x1FA50] =	vst v0;
	v0 =	vadd.s32 $0x2B0E, v53  }
0x14c: {  	[tilespmem:$0x1FA20] =	vst v22;
	vm2 =	veq.s32 v56, $0x0  }
0x14d: {  	v22 =	vld.idx.msk [tilespmem:v52+s17+$0x0], $0xffff;
	v56 =	vsel vm2, $0x3E9, v56;
	[tilespmem:$0x1FA80] =	vst v59  }
0x14e: {  	v59 =	vld.idx.msk [tilespmem:v53+s17+$0x0], $0xffff;
	[tilespmem:$0x1FAB0] =	vst v42;
	v42 =	vadd.s32 $0x7D4, v56  }
0x14f: {  	[tilespmem:$0x1FA60] =	vst v35;
	v35 =	vadd.s32 $0x36CC, v53;
	v51 =	vld.idx.msk [tilespmem:v51+s17+$0x0], $0xffff;
	v53 =	vadd.s32 $0x3AB6, v53  }
0x150: {  	v0 =	vld.idx.msk [tilespmem:v0+s17+$0x0], $0xffff;
	_ =	sdelay $0x2  }
0x151: {  	[tilespmem:$0x1FA90] =	vst v22;
	v42 =	vld.idx.msk [tilespmem:v42+s17+$0x0], $0xffff  }
0x152: {  	[tilespmem:$0x1FAC0] =	vst v51;
	v51 =	vadd.s32 $0xBBE, v56;
	v22 =	vld.idx.msk [tilespmem:v53+s17+$0x0], $0xffff  }
0x153: {  	[tilespmem:$0x1FAA0] =	vst v0;
	v0 =	vadd.s32 $0x3EA, v56;
	_ =	sdelay $0x1  }
0x154: {  	[tilespmem:$0x1FA70] =	vst v57;
	v57 =	vadd.s32 $0xFA8, v56  }
0x155: {  	v52 =	vld.idx.msk [tilespmem:v35+s17+$0x0], $0xffff;
	v35 =	vadd.s32 $0x1392, v56;
	[tilespmem:$0x1FB10] =	vst v42  }
0x156: {  	v42 =	vadd.s32 $0x1B66, v56;
	[tilespmem:$0x1FAE0] =	vst v22;
	v22 =	vld.idx.msk [tilespmem:v51+s17+$0x0], $0xffff  }
0x157: {  	v51 =	vadd.s32 $0x1F50, v56;
	v0 =	vld.idx.msk [tilespmem:v0+s17+$0x0], $0xffff;
	_ =	sdelay $0x1  }
0x158: {  	v57 =	vld.idx.msk [tilespmem:v57+s17+$0x0], $0xffff  }
0x159: {  	v35 =	vld.idx.msk [tilespmem:v35+s17+$0x0], $0xffff  }
0x15a: {  	[tilespmem:$0x1FAD0] =	vst v52;
	v52 =	vadd.s32 $0x233A, v56;
	v42 =	vld.idx.msk [tilespmem:v42+s17+$0x0], $0xffff  }
0x15b: {  	v51 =	vld.idx.msk [tilespmem:v51+s17+$0x0], $0xffff;
	[tilespmem:$0x1FB00] =	vst v0;
	v0 =	vadd.s32 $0x177C, v56  }
0x15c: {  	v53 =	vadd.s32 $0x2724, v56  }
0x15d: {  	[tilespmem:$0x1FB20] =	vst v57  }
0x15e: {  	v57 =	vld [tilespmem:s22+$0x5800];
	[tilespmem:$0x1FB30] =	vst v35  }
0x15f: {  	v35 =	vimm.f32 $1.000000000e+00;
	v52 =	vld.idx.msk [tilespmem:v52+s17+$0x0], $0xffff;
	[tilespmem:$0x1FB50] =	vst v42  }
0x160: {  	v42 =	vsel vm0, $0x0, v35;
	[tilespmem:$0x1FB60] =	vst v51;
	v51 =	vsel vm9, $0x0, v35;
	v0 =	vld.idx.msk [tilespmem:v0+s17+$0x0], $0xffff  }
0x161: {  	v42 =	vadd.f32 v51, v42;
	v51 =	vld.idx.msk [tilespmem:v53+s17+$0x0], $0xffff;
	_ =	sdelay $0x1  }
0x162: {  	[tilespmem:$0x1F9C0] =	vst v1  }
0x163: {  	v1 =	vadd.s32 $0x2EF8, v56;
	[tilespmem:$0x1FB70] =	vst v52  }
0x164: {  	vm13 =	veq.s32 v57, $0x0;
	v52 =	vadd.f32 $0.0e+00, v63;
	v63 =	vld.idx.msk [tilespmem:v56+s17+$0x0], $0xffff;
	[tilespmem:$0x1FB40] =	vst v0;
	v0 =	vadd.f32 $0.0e+00, v25  }
0x165: {  	v53 =	vadd.s32 $0x3AB6, v56;
	[tilespmem:$0x1FB80] =	vst v51;
	v51 =	vadd.s32 $0x36CC, v56;
	v25 =	vadd.s32 $0x2B0E, v56  }
0x166: {  	v0 =	vadd.f32 v28, v0;
	v28 =	vadd.s32 $0x32E2, v56;
	v56 =	vsel vm13, $0x3E9, v57;
	v57 =	vld [tilespmem:$0x1F560];
	_ =	sdelay $0x2  }
0x167: {  	[tilespmem:$0x1FAF0] =	vst v63;
	v63 =	vld [tilespmem:$0x1F550]  }
0x168: {  	v46 =	vadd.f32 $0.0e+00, v46  }
0x169: {  	v17 =	vadd.f32 v17, v52;
	v52 =	vadd.f32 $0.0e+00, v57;
	v57 =	vld [tilespmem:$0x1F570];
	_ =	sdelay $0x1  }
0x16a: {  	v7 =	vadd.f32 v7, v46;
	v1 =	vld.idx.msk [tilespmem:v1+s17+$0x0], $0xffff  }
0x16b: {  	v46 =	vadd.f32 $0.0e+00, v63;
	v28 =	vld.idx.msk [tilespmem:v28+s17+$0x0], $0xffff  }
0x16c: {  	v7 =	vadd.f32 v39, v7;
	v53 =	vld.idx.msk [tilespmem:v53+s17+$0x0], $0xffff  }
0x16d: {  	v14 =	vadd.f32 v14, v46;
	v46 =	vadd.f32 $0.0e+00, v57;
	v57 =	vld [tilespmem:$0x1F580];
	_ =	sdelay $0x1  }
0x16e: {  	v7 =	vadd.f32 v58, v7;
	v58 =	vld [tilespmem:s22+$0x5C00];
	[tilespmem:$0x1FB90] =	vst v1;
	v1 =	vadd.s32 $0x7D4, v56  }
0x16f: {  	v51 =	vld.idx.msk [tilespmem:v51+s17+$0x0], $0xffff;
	[tilespmem:$0x1FBA0] =	vst v28;
	v28 =	vadd.s32 $0xBBE, v56  }
0x170: {  	[tilespmem:$0x1FBC0] =	vst v53;
	v53 =	vadd.s32 $0x1392, v56;
	v63 =	vld.idx.msk [tilespmem:v25+s17+$0x0], $0xffff  }
0x171: {  	v10 =	vadd.f32 v10, v52;
	v52 =	vadd.f32 $0.0e+00, v57;
	v57 =	vld [tilespmem:$0x1F590]  }
0x172: {  	v0 =	vadd.f32 v9, v0;
	v9 =	vadd.s32 $0x36CC, v56;
	v39 =	vld.idx.msk [tilespmem:v56+s17+$0x0], $0xffff  }
0x173: {  	v25 =	vadd.s32 $0x3EA, v56;
	v1 =	vld.idx.msk [tilespmem:v1+s17+$0x0], $0xffff  }
0x174: {  	v28 =	vld.idx.msk [tilespmem:v28+s17+$0x0], $0xffff  }
0x175: {  	v0 =	vadd.f32 v8, v0;
	v53 =	vld.idx.msk [tilespmem:v53+s17+$0x0], $0xffff  }
0x176: {  	v5 =	vadd.f32 v5, v46;
	v46 =	vadd.f32 $0.0e+00, v57;
	v57 =	vld [tilespmem:$0x1F5A0]  }
0x177: {  	[tilespmem:$0x1FBB0] =	vst v51;
	v51 =	vadd.s32 $0xFA8, v56;
	v0 =	vadd.f32 v31, v0;
	v9 =	vld.idx.msk [tilespmem:v9+s17+$0x0], $0xffff  }
0x178: {  	v25 =	vld.idx.msk [tilespmem:v25+s17+$0x0], $0xffff;
	[tilespmem:$0x1FBD0] =	vst v39;
	v39 =	vadd.s32 $0x3AB6, v56  }
0x179: {  	v0 =	vadd.f32 v15, v0;
	v15 =	vld [tilespmem:$0x1F9E0];
	[tilespmem:$0x1FC00] =	vst v28;
	v28 =	vadd.s32 $0x1B66, v56  }
0x17a: {  	v2 =	vadd.f32 v2, v46;
	v46 =	vld [tilespmem:$0x1F5B0]  }
0x17b: {  	v3 =	vadd.f32 v3, v52;
	v52 =	vadd.f32 $0.0e+00, v57;
	v57 =	vld [tilespmem:$0x1F5C0]  }
0x17c: {  	v51 =	vld.idx.msk [tilespmem:v51+s17+$0x0], $0xffff  }
0x17d: {  	v17 =	vadd.f32 v49, v17;
	v49 =	vld.idx.msk [tilespmem:v39+s17+$0x0], $0xffff  }
0x17e: {  	[tilespmem:$0x1FBF0] =	vst v1;
	v1 =	vadd.s32 $0x177C, v56;
	v28 =	vld.idx.msk [tilespmem:v28+s17+$0x0], $0xffff  }
0x17f: {  	v24 =	vadd.f32 v24, v52;
	v52 =	vld [tilespmem:$0x1F5D0]  }
0x180: {  	[tilespmem:$0x1FBE0] =	vst v25;
	v25 =	vadd.f32 $0.0e+00, v46;
	v46 =	vadd.f32 $0.0e+00, v57;
	v57 =	vld [tilespmem:$0x1F5E0]  }
0x181: {  	v0 =	vadd.f32 v19, v0;
	v19 =	vld [tilespmem:$0x1F850];
	[tilespmem:$0x1FC20] =	vst v53;
	v53 =	vadd.s32 $0x233A, v56  }
0x182: {  	v39 =	vld [tilespmem:$0x1F620]  }
0x183: {  	v1 =	vld.idx.msk [tilespmem:v1+s17+$0x0], $0xffff;
	[tilespmem:$0x1FC40] =	vst v28;
	v28 =	vsel vm8, $0x0, v35  }
0x184: {  	[tilespmem:$0x1FC80] =	vst v49;
	v49 =	vld [tilespmem:$0x1F640];
	v16 =	vadd.f32 v16, v25;
	v28 =	vadd.f32 v28, v42  }
0x185: {  	v42 =	vadd.s32 $0x32E2, v56;
	v25 =	vadd.f32 $0.0e+00, v52;
	v52 =	vadd.f32 $0.0e+00, v57;
	v57 =	vld [tilespmem:$0x1F5F0]  }
0x186: {  	v53 =	vld.idx.msk [tilespmem:v53+s17+$0x0], $0xffff  }
0x187: {  	v10 =	vadd.f32 v50, v10;
	v6 =	vadd.f32 v6, v52;
	v52 =	vld [tilespmem:$0x1F600]  }
0x188: {  	vm15 =	veq.s32 v58, $0x0;
	v3 =	vadd.f32 v40, v3;
	v40 =	vld [tilespmem:$0x1F630]  }
0x189: {  	[tilespmem:$0x1FC10] =	vst v51;
	v51 =	vadd.s32 $0x1F50, v56;
	v10 =	vadd.f32 v49, v10;
	v49 =	vld [tilespmem:$0x1F650];
	v4 =	vadd.f32 v4, v25  }
0x18a: {  	v46 =	vadd.f32 v55, v46;
	v55 =	vadd.s32 $0x2724, v56;
	v50 =	vld.idx.msk [tilespmem:v42+s17+$0x0], $0xffff;
	v25 =	vadd.f32 $0.0e+00, v57  }
0x18b: {  	v4 =	vadd.f32 v23, v4;
	v23 =	vsel vm15, $0x3E9, v58;
	v58 =	vld [tilespmem:$0x1F660]  }
0x18c: {  	[tilespmem:$0x1FC30] =	vst v1;
	v52 =	vadd.f32 $0.0e+00, v52;
	v1 =	vadd.f32 v13, v25;
	v25 =	vld [tilespmem:$0x1F610]  }
0x18d: {  	v57 =	vld [tilespmem:s22+$0x5A00]  }
0x18e: {  	v11 =	vadd.f32 v11, v52;
	v52 =	vld.idx.msk [tilespmem:v51+s17+$0x0], $0xffff;
	v51 =	vadd.s32 $0x2EF8, v56;
	v1 =	vadd.f32 v26, v1  }
0x18f: {  	v55 =	vld.idx.msk [tilespmem:v55+s17+$0x0], $0xffff;
	v4 =	vadd.f32 v12, v4  }
0x190: {  	v6 =	vadd.f32 v30, v6;
	v1 =	vadd.f32 v29, v1;
	v29 =	vld [tilespmem:$0x1F690]  }
0x191: {  	v4 =	vadd.f32 v47, v4;
	v47 =	vld [tilespmem:$0x1F710];
	v13 =	vadd.f32 $0.0e+00, v25;
	v25 =	vadd.s32 $0x2B0E, v56  }
0x192: {  	v6 =	vadd.f32 v32, v6;
	v32 =	vld [tilespmem:$0x1F6B0];
	vm14 =	veq.s32 v57, $0x0  }
0x193: {  	[tilespmem:$0x1FC50] =	vst v52;
	v52 =	vsel vm14, $0x3E9, v57;
	v51 =	vld.idx.msk [tilespmem:v51+s17+$0x0], $0xffff  }
0x194: {  	v14 =	vadd.f32 v44, v14;
	v13 =	vadd.f32 v20, v13;
	v20 =	vld [tilespmem:$0x1F740];
	v44 =	vadd.s32 $0x3EA, v52  }
0x195: {  	v5 =	vadd.f32 v34, v5;
	v34 =	vadd.s32 $0x7D4, v52;
	v10 =	vadd.f32 v29, v10;
	v29 =	vld [tilespmem:$0x1F750]  }
0x196: {  	v30 =	vsel vm7, $0x0, v35;
	v57 =	vadd.s32 $0xBBE, v52;
	v56 =	vld.idx.msk [tilespmem:v25+s17+$0x0], $0xffff  }
0x197: {  	[tilespmem:$0x1FC70] =	vst v9;
	v9 =	vadd.s32 $0xFA8, v52;
	v25 =	vadd.f32 v30, v28;
	v30 =	vld [tilespmem:$0x1F6A0]  }
0x198: {  	v14 =	vadd.f32 v40, v14;
	[tilespmem:$0x1FC60] =	vst v50;
	v50 =	vadd.s32 $0x1392, v52;
	v40 =	vld.idx.msk [tilespmem:v52+s17+$0x0], $0xffff  }
0x199: {  	v16 =	vadd.f32 v36, v16;
	v33 =	vadd.f32 v33, v46;
	v36 =	vadd.s32 $0x1B66, v52;
	v42 =	vld.idx.msk [tilespmem:v44+s17+$0x0], $0xffff  }
0x19a: {  	v2 =	vadd.f32 v37, v2;
	v13 =	vadd.f32 v38, v13;
	v38 =	vadd.s32 $0x1F50, v52;
	v46 =	vld.idx.msk [tilespmem:v34+s17+$0x0], $0xffff  }
0x19b: {  	v11 =	vadd.f32 v27, v11;
	v27 =	vadd.f32 v45, v33;
	v45 =	vsel vm6, $0x0, v35;
	v57 =	vld.idx.msk [tilespmem:v57+s17+$0x0], $0xffff  }
0x19c: {  	v24 =	vadd.f32 v41, v24;
	v25 =	vadd.f32 v45, v25;
	v45 =	vadd.s32 $0x1B66, v23;
	v37 =	vld.idx.msk [tilespmem:v9+s17+$0x0], $0xffff  }
0x19d: {  	v7 =	vadd.f32 v58, v7;
	v58 =	vadd.s32 $0x233A, v23;
	v41 =	vld.idx.msk [tilespmem:v50+s17+$0x0], $0xffff  }
0x19e: {  	v5 =	vadd.f32 v62, v5;
	v24 =	vadd.f32 v61, v24;
	v61 =	vld.idx.msk [tilespmem:v36+s17+$0x0], $0xffff  }
0x19f: {  	v3 =	vadd.f32 v54, v3;
	v34 =	vadd.s32 $0x177C, v52;
	v8 =	vld.idx.msk [tilespmem:v38+s17+$0x0], $0xffff  }
0x1a0: {  	v44 =	vadd.s32 $0x233A, v52;
	v5 =	vadd.f32 v30, v5;
	v30 =	vld [tilespmem:$0x1F760]  }
0x1a1: {  	v3 =	vadd.f32 v32, v3;
	v50 =	vadd.s32 $0x2724, v52;
	v32 =	vld.idx.msk [tilespmem:v45+s17+$0x0], $0xffff  }
0x1a2: {  	v62 =	vadd.s32 $0x2B0E, v52;
	v45 =	vld.idx.msk [tilespmem:v58+s17+$0x0], $0xffff  }
0x1a3: {  	v58 =	vld.idx.msk [tilespmem:v23+s17+$0x0], $0xffff  }
0x1a4: {  	v54 =	vld.idx.msk [tilespmem:v34+s17+$0x0], $0xffff  }
0x1a5: {  	v36 =	vadd.s32 $0x32E2, v52;
	v34 =	vld.idx.msk [tilespmem:v44+s17+$0x0], $0xffff  }
0x1a6: {  	[tilespmem:$0x1FC90] =	vst v37;
	v37 =	vld.idx.msk [tilespmem:v50+s17+$0x0], $0xffff  }
0x1a7: {  	v50 =	vld.idx.msk [tilespmem:v62+s17+$0x0], $0xffff  }
0x1a8: {  	v33 =	vadd.s32 $0x2EF8, v52;
	[tilespmem:$0x1FCB0] =	vst v61;
	v61 =	vld [tilespmem:$0x1F670]  }
0x1a9: {  	v38 =	vadd.s32 $0x36CC, v52;
	v62 =	vld [tilespmem:$0x1F680]  }
0x1aa: {  	v12 =	vld.idx.msk [tilespmem:v36+s17+$0x0], $0xffff  }
0x1ab: {  	v36 =	vld [tilespmem:$0x1F6D0]  }
0x1ac: {  	[tilespmem:$0x1FCA0] =	vst v41;
	v41 =	vld [tilespmem:$0x1F6F0]  }
0x1ad: {  	[tilespmem:$0x1FCC0] =	vst v8;
	v8 =	vld.idx.msk [tilespmem:v33+s17+$0x0], $0xffff  }
0x1ae: {  	v9 =	vadd.f32 v39, v17;
	v44 =	vadd.s32 $0x3AB6, v52;
	v17 =	vld.idx.msk [tilespmem:v38+s17+$0x0], $0xffff  }
0x1af: {  	v52 =	vadd.s32 $0x3EA, v23;
	v33 =	vld [tilespmem:$0x1F6C0]  }
0x1b0: {  	v38 =	vld [tilespmem:$0x1F6E0]  }
0x1b1: {  	v28 =	vadd.s32 $0xBBE, v23;
	[tilespmem:$0x1FD90] =	vst v32;
	v32 =	vld [tilespmem:$0x1F810]  }
0x1b2: {  	[tilespmem:$0x1FDA0] =	vst v45;
	v45 =	vld [tilespmem:$0x1F840]  }
0x1b3: {  	[tilespmem:$0x1FCE0] =	vst v37;
	v37 =	vld.idx.msk [tilespmem:v44+s17+$0x0], $0xffff  }
0x1b4: {  	v39 =	vld.idx.msk [tilespmem:v52+s17+$0x0], $0xffff  }
0x1b5: {  	v2 =	vadd.f32 v60, v2;
	v60 =	vadd.s32 $0x7D4, v23;
	v44 =	vld [tilespmem:$0x1F700]  }
0x1b6: {  	v31 =	vadd.s32 $0xFA8, v23;
	[tilespmem:$0x1FD10] =	vst v12;
	v12 =	vld.idx.msk [tilespmem:v28+s17+$0x0], $0xffff  }
0x1b7: {  	[tilespmem:$0x1FCF0] =	vst v50;
	v50 =	vld [tilespmem:$0x1F720]  }
0x1b8: {  	v14 =	vadd.f32 v62, v14;
	v62 =	vld [tilespmem:s22+$0x5E00]  }
0x1b9: {  	[tilespmem:$0x1FCD0] =	vst v34;
	v24 =	vadd.f32 v36, v24;
	v36 =	vld [tilespmem:$0x1F790]  }
0x1ba: {  	v34 =	vadd.s32 $0x1392, v23;
	[tilespmem:$0x1FD00] =	vst v8;
	v8 =	vld.idx.msk [tilespmem:v60+s17+$0x0], $0xffff  }
0x1bb: {  	[tilespmem:$0x1FD20] =	vst v17;
	v17 =	vld.idx.msk [tilespmem:v31+s17+$0x0], $0xffff  }
0x1bc: {  	v13 =	vadd.f32 v49, v13;
	v49 =	vadd.s32 $0x1F50, v23;
	v60 =	vld [tilespmem:$0x1F730]  }
0x1bd: {  	v31 =	vld [tilespmem:$0x1F770]  }
0x1be: {  	v9 =	vadd.f32 v61, v9;
	v61 =	vadd.s32 $0x2724, v23;
	v14 =	vadd.f32 v29, v14;
	v29 =	vld [tilespmem:$0x1F880]  }
0x1bf: {  	v52 =	vld.idx.msk [tilespmem:v34+s17+$0x0], $0xffff  }
0x1c0: {  	v16 =	vadd.f32 v43, v16;
	v43 =	vadd.s32 $0x177C, v23;
	v34 =	vld [tilespmem:$0x1F780]  }
0x1c1: {  	[tilespmem:$0x1FD30] =	vst v39;
	v39 =	vld.idx.msk [tilespmem:v49+s17+$0x0], $0xffff  }
0x1c2: {  	v6 =	vadd.f32 v44, v6;
	v44 =	vld [tilespmem:$0x1F7B0]  }
0x1c3: {  	v26 =	vadd.f32 v41, v27;
	v41 =	vld.idx.msk [tilespmem:v61+s17+$0x0], $0xffff  }
0x1c4: {  	v13 =	vadd.f32 v50, v13;
	v50 =	vld [tilespmem:$0x1F7D0]  }
0x1c5: {  	[tilespmem:$0x1FD40] =	vst v8;
	v8 =	vld.idx.msk [tilespmem:v43+s17+$0x0], $0xffff  }
0x1c6: {  	v1 =	vadd.f32 v48, v1;
	v48 =	vsel vm5, $0x0, v35;
	v43 =	vld [tilespmem:$0x1F7A0]  }
0x1c7: {  	v11 =	vadd.f32 v21, v11;
	[tilespmem:$0x1FD60] =	vst v17;
	v17 =	vadd.f32 v48, v25;
	v48 =	vld [tilespmem:$0x1F7C0]  }
0x1c8: {  	vm9 =	veq.s32 v62, $0x0;
	v7 =	vadd.f32 v60, v7;
	v60 =	vld [tilespmem:$0x1F7F0]  }
0x1c9: {  	v11 =	vadd.f32 v47, v11;
	v2 =	vadd.f32 v33, v2;
	v27 =	vsel vm9, $0x3E9, v62;
	v62 =	vld [tilespmem:$0x1F800]  }
0x1ca: {  	v47 =	vadd.s32 $0x32E2, v23;
	v16 =	vadd.f32 v38, v16;
	v33 =	vadd.s32 $0x2B0E, v23;
	v25 =	vld [tilespmem:$0x1F870]  }
0x1cb: {  	v38 =	vadd.s32 $0x2EF8, v23;
	v2 =	vadd.f32 v36, v2;
	v5 =	vadd.f32 v31, v5;
	v31 =	vld [tilespmem:$0x1F890]  }
0x1cc: {  	v9 =	vadd.f32 v20, v9;
	v20 =	vsel vm3, $0x0, v35;
	v13 =	vadd.f32 v32, v13;
	v32 =	vld [tilespmem:$0x1F8A0]  }
0x1cd: {  	v49 =	vadd.s32 $0x36CC, v23;
	v23 =	vadd.s32 $0x3AB6, v23;
	v2 =	vadd.f32 v29, v2;
	v29 =	vld [tilespmem:s22+$0x6000]  }
0x1ce: {  	[tilespmem:$0x1FD50] =	vst v12;
	v12 =	vadd.f32 v20, v17;
	v20 =	vld [tilespmem:$0x1F860]  }
0x1cf: {  	[tilespmem:$0x1FD70] =	vst v52;
	v52 =	vld [tilespmem:$0x1F7E0]  }
0x1d0: {  	v16 =	vadd.f32 v44, v16;
	v44 =	vld.idx.msk [tilespmem:v47+s17+$0x0], $0xffff  }
0x1d1: {  	v3 =	vadd.f32 v34, v3;
	v34 =	vld [tilespmem:$0x1F820]  }
0x1d2: {  	v14 =	vadd.f32 v45, v14;
	v45 =	vld.idx.msk [tilespmem:v23+s17+$0x0], $0xffff  }
0x1d3: {  	v23 =	vld [tilespmem:$0x1F960]  }
0x1d4: {  	[tilespmem:$0x1FD80] =	vst v8;
	v8 =	vadd.f32 v30, v10;
	v10 =	vld.idx.msk [tilespmem:v33+s17+$0x0], $0xffff  }
0x1d5: {  	v28 =	vadd.s32 $0x7D4, v27;
	v24 =	vadd.f32 v43, v24;
	v43 =	vld.idx.msk [tilespmem:v38+s17+$0x0], $0xffff  }
0x1d6: {  	v36 =	vadd.s32 $0xFA8, v27;
	v26 =	vadd.f32 v48, v26;
	v48 =	vld.idx.msk [tilespmem:v49+s17+$0x0], $0xffff  }
0x1d7: {  	v38 =	vld [tilespmem:$0x1F830]  }
0x1d8: {  	v11 =	vadd.f32 v62, v11;
	v62 =	vld [tilespmem:$0x1F8C0]  }
0x1d9: {  	v1 =	vadd.f32 v60, v1;
	v60 =	vld [tilespmem:$0x1F8E0]  }
0x1da: {  	v30 =	vld.idx.msk [tilespmem:v28+s17+$0x0], $0xffff  }
0x1db: {  	v61 =	vadd.s32 $0x3EA, v27;
	v49 =	vld.idx.msk [tilespmem:v36+s17+$0x0], $0xffff  }
0x1dc: {  	v33 =	vadd.s32 $0xBBE, v27;
	v36 =	vld [tilespmem:$0x1F8F0]  }
0x1dd: {  	v24 =	vadd.f32 v31, v24;
	v31 =	vld [tilespmem:$0x1F910]  }
0x1de: {  	v5 =	vadd.f32 v20, v5;
	v20 =	vld [tilespmem:$0x1FB00]  }
0x1df: {  	v6 =	vadd.f32 v52, v6;
	v52 =	vld [tilespmem:$0x1F8D0]  }
0x1e0: {  	v8 =	vadd.f32 v19, v8;
	v19 =	vadd.s32 $0x1F50, v27;
	[tilespmem:$0x1FDB0] =	vst v10;
	v10 =	vld.idx.msk [tilespmem:v61+s17+$0x0], $0xffff  }
0x1e1: {  	v33 =	vld.idx.msk [tilespmem:v33+s17+$0x0], $0xffff  }
0x1e2: {  	v61 =	vld [tilespmem:$0x1F8B0]  }
0x1e3: {  	v7 =	vadd.f32 v34, v7;
	v34 =	vadd.s32 $0x1B66, v27;
	v1 =	vadd.f32 v60, v1;
	v60 =	vld [tilespmem:$0x1F950]  }
0x1e4: {  	[tilespmem:$0x1FDD0] =	vst v30;
	v30 =	vld [tilespmem:$0x1F900]  }
0x1e5: {  	v11 =	vadd.f32 v36, v11;
	v36 =	vld.idx.msk [tilespmem:v19+s17+$0x0], $0xffff  }
0x1e6: {  	v47 =	vadd.s32 $0x1392, v27;
	v3 =	vadd.f32 v25, v3;
	v7 =	vadd.f32 v31, v7;
	v31 =	vld [tilespmem:$0x1F970]  }
0x1e7: {  	v11 =	vadd.f32 v15, v11;
	v15 =	vld [tilespmem:$0x1FA50]  }
0x1e8: {  	v16 =	vadd.f32 v32, v16;
	v3 =	vadd.f32 v23, v3;
	v32 =	vld.idx.msk [tilespmem:v34+s17+$0x0], $0xffff  }
0x1e9: {  	v23 =	vadd.s32 $0x36CC, v27;
	v9 =	vadd.f32 v38, v9;
	v38 =	vsel vm4, $0x0, v35;
	v34 =	vld [tilespmem:$0x1F930]  }
0x1ea: {  	v12 =	vadd.f32 v38, v12;
	v38 =	vadd.s32 $0x2EF8, v27;
	v6 =	vadd.f32 v52, v6;
	v52 =	vld [tilespmem:$0x1F940]  }
0x1eb: {  	v25 =	vadd.f32 v61, v26;
	v61 =	vld.idx.msk [tilespmem:v47+s17+$0x0], $0xffff  }
0x1ec: {  	[tilespmem:$0x1FDE0] =	vst v33;
	v33 =	vld [tilespmem:$0x1F920]  }
0x1ed: {  	v5 =	vadd.f32 v60, v5;
	v60 =	vld [tilespmem:$0x1F9D0]  }
0x1ee: {  	v26 =	vadd.f32 v18, v0;
	v18 =	vld.idx.msk [tilespmem:v23+s17+$0x0], $0xffff  }
0x1ef: {  	v4 =	vadd.f32 v50, v4;
	[tilespmem:$0x1FDC0] =	vst v10;
	v38 =	vld.idx.msk [tilespmem:v38+s17+$0x0], $0xffff  }
0x1f0: {  	v10 =	vadd.s32 $0x177C, v27;
	[tilespmem:$0x1FE10] =	vst v36;
	v36 =	vld [tilespmem:$0x1F9B0]  }
0x1f1: {  	v4 =	vadd.f32 v62, v4;
	v62 =	vadd.s32 $0x233A, v27;
	v26 =	vadd.f32 v59, v26;
	v59 =	vld [tilespmem:$0x1FA30]  }
0x1f2: {  	v47 =	vadd.s32 $0x2724, v27;
	[tilespmem:$0x1FE00] =	vst v32;
	v32 =	vld [tilespmem:$0x1F980]  }
0x1f3: {  	v14 =	vadd.f32 v34, v14;
	v34 =	vld [tilespmem:$0x1F9A0]  }
0x1f4: {  	v8 =	vadd.f32 v52, v8;
	v52 =	vld [tilespmem:$0x1F9C0]  }
0x1f5: {  	v0 =	vadd.s32 $0x2B0E, v27;
	v50 =	vld.idx.msk [tilespmem:v10+s17+$0x0], $0xffff  }
0x1f6: {  	[tilespmem:$0x1FDF0] =	vst v61;
	v61 =	vld.idx.msk [tilespmem:v62+s17+$0x0], $0xffff  }
0x1f7: {  	vm10 =	veq.s32 v29, $0x0;
	v13 =	vadd.f32 v30, v13;
	v30 =	vld.idx.msk [tilespmem:v47+s17+$0x0], $0xffff  }
0x1f8: {  	v29 =	vsel vm10, $0x3E9, v29;
	v47 =	vld.idx.msk [tilespmem:v27+s17+$0x0], $0xffff  }
0x1f9: {  	v2 =	vadd.f32 v31, v2;
	v31 =	vadd.s32 $0xFA8, v29;
	v9 =	vadd.f32 v33, v9;
	v33 =	vld [tilespmem:$0x1F990]  }
0x1fa: {  	v17 =	vadd.s32 $0x7D4, v29;
	v0 =	vld.idx.msk [tilespmem:v0+s17+$0x0], $0xffff  }
0x1fb: {  	v62 =	vadd.s32 $0x32E2, v27;
	v1 =	vadd.f32 v60, v1;
	v60 =	vld [tilespmem:$0x1FA40]  }
0x1fc: {  	[tilespmem:$0x1FE50] =	vst v38;
	v38 =	vld [tilespmem:$0x1FA20]  }
0x1fd: {  	v27 =	vadd.s32 $0x3AB6, v27;
	v4 =	vadd.f32 v36, v4;
	v36 =	vld [tilespmem:$0x1FA10]  }
0x1fe: {  	[tilespmem:$0x1FE70] =	vst v18;
	v18 =	vld.idx.msk [tilespmem:v31+s17+$0x0], $0xffff  }
0x1ff: {  	v6 =	vadd.f32 v52, v6;
	v52 =	vld.idx.msk [tilespmem:v17+s17+$0x0], $0xffff  }
0x200: {  	[tilespmem:$0x1FE20] =	vst v61;
	v61 =	vld.idx.msk [tilespmem:v62+s17+$0x0], $0xffff  }
0x201: {  	[tilespmem:$0x1FE30] =	vst v30;
	v30 =	vadd.f32 v34, v25;
	v25 =	vld [tilespmem:$0x1F9F0]  }
0x202: {  	v24 =	vadd.f32 v32, v24;
	v32 =	vld.idx.msk [tilespmem:v27+s17+$0x0], $0xffff  }
0x203: {  	v28 =	vadd.f32 v33, v16;
	v33 =	vld [tilespmem:$0x1FA00]  }
0x204: {  	v17 =	vadd.f32 v60, v5;
	v60 =	vld [tilespmem:$0x1FAD0]  }
0x205: {  	v16 =	vadd.s32 $0x3EA, v29;
	v5 =	vld [tilespmem:$0x1FB30]  }
0x206: {  	v62 =	vadd.s32 $0xBBE, v29;
	v27 =	vadd.f32 v38, v14;
	v38 =	vld [tilespmem:$0x1FAB0]  }
0x207: {  	v9 =	vadd.f32 v36, v9;
	v36 =	vld [tilespmem:$0x1FAA0]  }
0x208: {  	v27 =	vadd.f32 v22, v27;
	v22 =	vld.idx.msk [tilespmem:v29+s17+$0x0], $0xffff  }
0x209: {  	[tilespmem:$0x1FEA0] =	vst v52;
	v52 =	vld [tilespmem:$0x1FAC0]  }
0x20a: {  	v14 =	vadd.s32 $0x177C, v29;
	v34 =	vld.idx.msk [tilespmem:v16+s17+$0x0], $0xffff  }
0x20b: {  	[tilespmem:$0x1FE60] =	vst v61;
	v61 =	vld.idx.msk [tilespmem:v62+s17+$0x0], $0xffff  }
0x20c: {  	v23 =	vadd.s32 $0x1392, v29;
	[tilespmem:$0x1FE80] =	vst v32;
	v32 =	vld [tilespmem:$0x1FA70]  }
0x20d: {  	v16 =	vld [tilespmem:$0x1FA60]  }
0x20e: {  	v19 =	vsel vm1, $0x0, v35;
	v7 =	vadd.f32 v33, v7;
	v62 =	vadd.s32 $0x1B66, v29;
	v33 =	vld [tilespmem:$0x1FA80]  }
0x20f: {  	v12 =	vadd.f32 v19, v12;
	v19 =	vadd.s32 $0x1F50, v29;
	v8 =	vadd.f32 v59, v8;
	v59 =	vld.idx.msk [tilespmem:v14+s17+$0x0], $0xffff  }
0x210: {  	v14 =	vld [tilespmem:$0x1FAE0]  }
0x211: {  	v31 =	vadd.f32 v32, v24;
	v24 =	vld.idx.msk [tilespmem:v23+s17+$0x0], $0xffff  }
0x212: {  	[tilespmem:$0x1FE90] =	vst v34;
	v34 =	vld [tilespmem:$0x1FA90]  }
0x213: {  	[tilespmem:$0x1FEB0] =	vst v61;
	v61 =	vld.idx.msk [tilespmem:v62+s17+$0x0], $0xffff  }
0x214: {  	v13 =	vadd.f32 v25, v13;
	v10 =	vadd.f32 v16, v2;
	v16 =	vld.idx.msk [tilespmem:v19+s17+$0x0], $0xffff  }
0x215: {  	v32 =	vadd.f32 v33, v28;
	v33 =	vadd.f32 v36, v4;
	v19 =	vld [tilespmem:$0x1FAF0]  }
0x216: {  	v23 =	vadd.s32 $0x233A, v29;
	v36 =	vadd.f32 v38, v6;
	v38 =	vadd.f32 v60, v11;
	v60 =	vld [tilespmem:$0x1FB10]  }
0x217: {  	v28 =	vadd.s32 $0x2724, v29;
	v4 =	vld [tilespmem:$0x1FB20]  }
0x218: {  	v11 =	vadd.s32 $0x2B0E, v29;
	[tilespmem:$0x1FED0] =	vst v59;
	v59 =	vadd.f32 v14, v13;
	v14 =	vld [tilespmem:$0x1FB40]  }
0x219: {  	v13 =	vadd.f32 v20, v7;
	v7 =	vld [tilespmem:$0x1FBB0]  }
0x21a: {  	[tilespmem:$0x1FEC0] =	vst v18;
	v18 =	vadd.s32 $0x2EF8, v29;
	v30 =	vadd.f32 v34, v30;
	v34 =	vld [tilespmem:s22+$0x6200]  }
0x21b: {  	v25 =	vld.idx.msk [tilespmem:v23+s17+$0x0], $0xffff  }
0x21c: {  	[tilespmem:$0x1FEE0] =	vst v61;
	v61 =	vld.idx.msk [tilespmem:v28+s17+$0x0], $0xffff  }
0x21d: {  	v11 =	vld.idx.msk [tilespmem:v11+s17+$0x0], $0xffff  }
0x21e: {  	v6 =	vadd.f32 v52, v1;
	v52 =	vadd.s32 $0x32E2, v29;
	[tilespmem:$0x1FEF0] =	vst v16;
	v16 =	vld [tilespmem:$0x1FB50]  }
0x21f: {  	v8 =	vadd.f32 v4, v8;
	v4 =	vadd.f32 v5, v17;
	v17 =	vld.idx.msk [tilespmem:v18+s17+$0x0], $0xffff  }
0x220: {  	v62 =	vsel vm2, $0x0, v35;
	v18 =	vld [tilespmem:$0x1FB60]  }
0x221: {  	v12 =	vadd.f32 v62, v12;
	v62 =	vadd.s32 $0x36CC, v29;
	v28 =	vld [tilespmem:$0x1FB80]  }
0x222: {  	v26 =	vadd.f32 v19, v26;
	v19 =	vld [tilespmem:$0x1FB70]  }
0x223: {  	v15 =	vadd.f32 v15, v3;
	v29 =	vadd.s32 $0x3AB6, v29;
	v20 =	vld.idx.msk [tilespmem:v52+s17+$0x0], $0xffff  }
0x224: {  	v9 =	vadd.f32 v60, v9;
	v60 =	vld [tilespmem:$0x1FB90]  }
0x225: {  	v23 =	vld [tilespmem:$0x1FC40];
	v2 =	vadd.f32 v14, v15  }
0x226: {  	v15 =	vadd.f32 v28, v30;
	v30 =	vadd.f32 v63, v33;
	v33 =	vld.idx.msk [tilespmem:v62+s17+$0x0], $0xffff  }
0x227: {  	[tilespmem:$0x1FF10] =	vst v61;
	v61 =	vld [tilespmem:$0x1FBA0]  }
0x228: {  	v62 =	vld.idx.msk [tilespmem:v29+s17+$0x0], $0xffff  }
0x229: {  	[tilespmem:$0x1FF20] =	vst v11;
	v11 =	vld [tilespmem:$0x1FBC0]  }
0x22a: {  	v10 =	vadd.f32 v16, v10;
	v16 =	vld [tilespmem:$0x1FBD0]  }
0x22b: {  	v32 =	vadd.f32 v19, v32;
	v19 =	vld [tilespmem:$0x1FBE0]  }
0x22c: {  	[tilespmem:$0x1FF40] =	vst v20;
	v20 =	vld [tilespmem:$0x1FBF0]  }
0x22d: {  	vm11 =	veq.s32 v34, $0x0;
	v28 =	vld [tilespmem:$0x1FC10]  }
0x22e: {  	v29 =	vld [tilespmem:$0x1FCE0];
	v34 =	vsel vm11, $0x3E9, v34  }
0x22f: {  	[tilespmem:$0x1FE40] =	vst v0;
	v0 =	vadd.s32 $0x3EA, v34;
	v32 =	vadd.f32 v53, v32;
	v53 =	vld [tilespmem:$0x1FC60]  }
0x230: {  	v14 =	vsel vm13, $0x0, v35;
	v21 =	vadd.s32 $0x7D4, v34;
	v15 =	vadd.f32 v55, v15;
	v55 =	vld [tilespmem:$0x1FC70]  }
0x231: {  	v5 =	vadd.f32 v14, v12;
	[tilespmem:$0x1FF00] =	vst v25;
	v25 =	vadd.s32 $0xBBE, v34;
	v12 =	vadd.f32 v16, v26;
	v26 =	vld [tilespmem:$0x1FC00]  }
0x232: {  	v52 =	vadd.s32 $0xFA8, v34;
	[tilespmem:$0x1FF50] =	vst v33;
	v33 =	vadd.f32 v60, v36;
	v60 =	vld [tilespmem:$0x1FC20]  }
0x233: {  	v63 =	vadd.s32 $0x1392, v34;
	v36 =	vadd.f32 v61, v6;
	v61 =	vld [tilespmem:$0x1FC30]  }
0x234: {  	v31 =	vadd.f32 v18, v31;
	v18 =	vadd.s32 $0x177C, v34;
	v0 =	vld.idx.msk [tilespmem:v0+s17+$0x0], $0xffff  }
0x235: {  	[tilespmem:$0x1FF30] =	vst v17;
	v1 =	vadd.s32 $0x1B66, v34;
	v17 =	vld.idx.msk [tilespmem:v21+s17+$0x0], $0xffff  }
0x236: {  	v25 =	vld.idx.msk [tilespmem:v25+s17+$0x0], $0xffff  }
0x237: {  	v52 =	vld.idx.msk [tilespmem:v52+s17+$0x0], $0xffff  }
0x238: {  	[tilespmem:$0x1FF60] =	vst v62;
	v3 =	vadd.f32 v11, v59;
	v62 =	vld.idx.msk [tilespmem:v63+s17+$0x0], $0xffff  }
0x239: {  	v11 =	vadd.f32 v19, v13;
	v8 =	vadd.f32 v28, v8;
	v59 =	vadd.s32 $0x1F50, v34;
	v28 =	vld.idx.msk [tilespmem:v18+s17+$0x0], $0xffff  }
0x23a: {  	v38 =	vadd.f32 v7, v38;
	v1 =	vld.idx.msk [tilespmem:v1+s17+$0x0], $0xffff  }
0x23b: {  	v11 =	vadd.f32 v42, v11;
	v42 =	vld [tilespmem:$0x1FC90]  }
0x23c: {  	v6 =	vadd.f32 v20, v9;
	v63 =	vadd.s32 $0x233A, v34;
	v20 =	vadd.f32 v55, v38;
	v38 =	vld [tilespmem:$0x1FD10]  }
0x23d: {  	v7 =	vadd.f32 v26, v27;
	v27 =	vld [tilespmem:s22+$0x6400]  }
0x23e: {  	v18 =	vadd.f32 v56, v30;
	v56 =	vld.idx.msk [tilespmem:v59+s17+$0x0], $0xffff  }
0x23f: {  	[tilespmem:$0x1FF90] =	vst v25;
	v25 =	vld [tilespmem:$0x1FC50]  }
0x240: {  	[tilespmem:$0x1FF80] =	vst v17;
	v17 =	vld [tilespmem:$0x1FC80]  }
0x241: {  	v63 =	vld.idx.msk [tilespmem:v63+s17+$0x0], $0xffff  }
0x242: {  	v59 =	vadd.s32 $0x2EF8, v34;
	v7 =	vadd.f32 v57, v7;
	v57 =	vld [tilespmem:$0x1FCA0]  }
0x243: {  	v26 =	vadd.s32 $0x36CC, v34;
	[tilespmem:$0x1FFC0] =	vst v28;
	v28 =	vld [tilespmem:$0x1FCD0]  }
0x244: {  	v36 =	vadd.f32 v53, v36;
	[tilespmem:$0x1FFA0] =	vst v52;
	v8 =	vadd.f32 v42, v8;
	v42 =	vld [tilespmem:$0x1FD20]  }
0x245: {  	[tilespmem:$0x1FFD0] =	vst v1;
	v52 =	vadd.s32 $0x2B0E, v34;
	v1 =	vld [tilespmem:s22+$0x6600]  }
0x246: {  	v14 =	vadd.f32 v61, v2;
	v36 =	vadd.f32 v38, v36;
	v38 =	vld [tilespmem:$0x1FD80]  }
0x247: {  	v10 =	vadd.f32 v23, v10;
	v59 =	vld.idx.msk [tilespmem:v59+s17+$0x0], $0xffff  }
0x248: {  	v23 =	vsel vm14, $0x0, v35;
	v14 =	vadd.f32 v54, v14;
	v54 =	vld.idx.msk [tilespmem:v26+s17+$0x0], $0xffff;
	v16 =	vadd.f32 v17, v3  }
0x249: {  	v17 =	vadd.f32 v23, v5;
	v5 =	vadd.f32 v40, v12;
	v40 =	vld.idx.msk [tilespmem:v34+s17+$0x0], $0xffff  }
0x24a: {  	v4 =	vadd.f32 v60, v4;
	v60 =	vld.idx.msk [tilespmem:v52+s17+$0x0], $0xffff  }
0x24b: {  	v9 =	vadd.f32 v25, v31;
	v31 =	vadd.s32 $0x2724, v34;
	v23 =	vld [tilespmem:$0x1FCB0]  }
0x24c: {  	v25 =	vadd.s32 $0x32E2, v34;
	v20 =	vadd.f32 v42, v20;
	v42 =	vld [tilespmem:$0x1FD90]  }
0x24d: {  	v14 =	vadd.f32 v38, v14;
	v38 =	vld [tilespmem:$0x1FDF0]  }
0x24e: {  	v34 =	vadd.s32 $0x3AB6, v34;
	v21 =	vadd.f32 v58, v5;
	v5 =	vld [tilespmem:$0x1FD40]  }
0x24f: {  	vm12 =	veq.s32 v27, $0x0;
	v16 =	vadd.f32 v37, v16;
	v37 =	vld [tilespmem:$0x1FD70]  }
0x250: {  	[tilespmem:$0x1FF70] =	vst v0;
	v0 =	vsel vm12, $0x3E9, v27;
	v61 =	vld.idx.msk [tilespmem:v31+s17+$0x0], $0xffff  }
0x251: {  	v27 =	vadd.s32 $0x3EA, v0;
	v13 =	vadd.f32 v57, v4;
	v57 =	vld.idx.msk [tilespmem:v25+s17+$0x0], $0xffff  }
0x252: {  	v12 =	vadd.f32 v46, v6;
	v46 =	vadd.s32 $0x7D4, v0;
	v25 =	vld [tilespmem:$0x1FCC0]  }
0x253: {  	[tilespmem:$0x1FFB0] =	vst v62;
	v62 =	vadd.s32 $0xBBE, v0;
	v52 =	vld.idx.msk [tilespmem:v34+s17+$0x0], $0xffff  }
0x254: {  	v26 =	vadd.s32 $0xFA8, v0;
	v31 =	vld [tilespmem:$0x1FCF0]  }
0x255: {  	v34 =	vld [tilespmem:$0x1FD00]  }
0x256: {  	[tilespmem:$0x1FFE0] =	vst v56;
	v30 =	vadd.s32 $0x1392, v0;
	v56 =	vld.idx.msk [tilespmem:v27+s17+$0x0], $0xffff  }
0x257: {  	v55 =	vld.idx.msk [tilespmem:v46+s17+$0x0], $0xffff  }
0x258: {  	v15 =	vadd.f32 v29, v15;
	v29 =	vadd.s32 $0x1F50, v0;
	v53 =	vld.idx.msk [tilespmem:v62+s17+$0x0], $0xffff  }
0x259: {  	v58 =	vld.idx.msk [tilespmem:v26+s17+$0x0], $0xffff  }
0x25a: {  	v19 =	vadd.f32 v51, v33;
	vm13 =	veq.s32 v1, $0x0;
	v62 =	vld [tilespmem:$0x1FD30]  }
0x25b: {  	v32 =	vadd.f32 v28, v32;
	v28 =	vadd.s32 $0x1B66, v0;
	v1 =	vsel vm13, $0x3E9, v1;
	v51 =	vld.idx.msk [tilespmem:v30+s17+$0x0], $0xffff  }
0x25c: {  	v21 =	vadd.f32 v47, v21;
	v47 =	vadd.s32 $0x2B0E, v1;
	v10 =	vadd.f32 v23, v10;
	v23 =	vld [tilespmem:$0x1FD50]  }
0x25d: {  	v15 =	vadd.f32 v41, v15;
	v41 =	vld.idx.msk [tilespmem:v29+s17+$0x0], $0xffff  }
0x25e: {  	v46 =	vadd.s32 $0x177C, v0;
	v27 =	vsel vm15, $0x0, v35;
	v29 =	vld [tilespmem:$0x1FDB0]  }
0x25f: {  	v26 =	vadd.s32 $0x2724, v0;
	v17 =	vadd.f32 v27, v17;
	v27 =	vld [tilespmem:$0x1FDA0]  }
0x260: {  	v6 =	vadd.f32 v42, v10;
	v42 =	vld.idx.msk [tilespmem:v28+s17+$0x0], $0xffff  }
0x261: {  	v47 =	vld.idx.msk [tilespmem:v47+s17+$0x0], $0xffff  }
0x262: {  	v30 =	vadd.s32 $0x32E2, v0;
	v9 =	vadd.f32 v25, v9;
	v25 =	vld [tilespmem:$0x1FD60]  }
0x263: {  	v46 =	vld.idx.msk [tilespmem:v46+s17+$0x0], $0xffff  }
0x264: {  	v36 =	vadd.f32 v44, v36;
	v12 =	vadd.f32 v5, v12;
	v44 =	vld.idx.msk [tilespmem:v26+s17+$0x0], $0xffff  }
0x265: {  	v5 =	vadd.s32 $0x233A, v0;
	v13 =	vadd.f32 v37, v13;
	v7 =	vadd.f32 v23, v7;
	v23 =	vld [tilespmem:$0x1FDC0]  }
0x266: {  	v28 =	vadd.s32 $0x2EF8, v0;
	v26 =	vld [tilespmem:$0x1FDD0]  }
0x267: {  	v20 =	vadd.f32 v48, v20;
	v13 =	vadd.f32 v38, v13;
	v48 =	vld.idx.msk [tilespmem:v30+s17+$0x0], $0xffff  }
0x268: {  	v30 =	vld [tilespmem:$0x1FE90]  }
0x269: {  	v13 =	vadd.f32 v24, v13;
	v24 =	vld [tilespmem:$0x1FED0]  }
0x26a: {  	v9 =	vadd.f32 v39, v9;
	v39 =	vld.idx.msk [tilespmem:v5+s17+$0x0], $0xffff  }
0x26b: {  	v16 =	vadd.f32 v45, v16;
	v45 =	vld.idx.msk [tilespmem:v28+s17+$0x0], $0xffff  }
0x26c: {  	v18 =	vadd.f32 v31, v18;
	v11 =	vadd.f32 v62, v11;
	v62 =	vadd.s32 $0x2B0E, v0;
	v28 =	vld [tilespmem:$0x1FDE0]  }
0x26d: {  	v19 =	vadd.f32 v34, v19;
	v34 =	vadd.s32 $0x3EA, v1;
	v5 =	vld [tilespmem:$0x1FE00]  }
0x26e: {  	v37 =	vadd.s32 $0x7D4, v1;
	v10 =	vadd.f32 v29, v18;
	v18 =	vld [tilespmem:$0x1FE20]  }
0x26f: {  	v43 =	vadd.f32 v43, v19;
	v19 =	vld [tilespmem:$0x1FE30]  }
0x270: {  	v8 =	vadd.f32 v25, v8;
	v25 =	vld.idx.msk [tilespmem:v0+s17+$0x0], $0xffff  }
0x271: {  	v33 =	vsel vm9, $0x0, v35;
	v32 =	vadd.f32 v27, v32;
	v27 =	vadd.s32 $0xBBE, v1;
	v2 =	vld.idx.msk [tilespmem:v62+s17+$0x0], $0xffff  }
0x272: {  	v17 =	vadd.f32 v33, v17;
	v33 =	vld.idx.msk [tilespmem:v34+s17+$0x0], $0xffff  }
0x273: {  	v31 =	vadd.s32 $0x36CC, v0;
	v34 =	vld.idx.msk [tilespmem:v37+s17+$0x0], $0xffff  }
0x274: {  	v11 =	vadd.f32 v23, v11;
	v23 =	vld [tilespmem:$0x1FE40]  }
0x275: {  	v14 =	vadd.f32 v50, v14;
	v12 =	vadd.f32 v26, v12;
	v26 =	vld [tilespmem:$0x1FE50]  }
0x276: {  	v29 =	vadd.s32 $0xFA8, v1;
	v37 =	vld.idx.msk [tilespmem:v27+s17+$0x0], $0xffff  }
0x277: {  	v14 =	vadd.f32 v24, v14;
	v24 =	vld [tilespmem:$0x1FF40]  }
0x278: {  	v62 =	vadd.s32 $0x1392, v1;
	v8 =	vadd.f32 v49, v8;
	v49 =	vld.idx.msk [tilespmem:v31+s17+$0x0], $0xffff  }
0x279: {  	v5 =	vadd.f32 v5, v6;
	v6 =	vld [tilespmem:$0x1FE10]  }
0x27a: {  	v3 =	vadd.s32 $0x177C, v1;
	v15 =	vadd.f32 v19, v15;
	v19 =	vld [tilespmem:$0x1FE60]  }
0x27b: {  	v0 =	vadd.s32 $0x3AB6, v0;
	v38 =	vld.idx.msk [tilespmem:v29+s17+$0x0], $0xffff  }
0x27c: {  	v7 =	vadd.f32 v28, v7;
	v28 =	vld [tilespmem:$0x1FE80]  }
0x27d: {  	v31 =	vld.idx.msk [tilespmem:v62+s17+$0x0], $0xffff  }
0x27e: {  	v62 =	vld [tilespmem:$0x1FEA0]  }
0x27f: {  	v27 =	vadd.s32 $0x1B66, v1;
	v11 =	vadd.f32 v30, v11;
	v30 =	vld.idx.msk [tilespmem:v3+s17+$0x0], $0xffff  }
0x280: {  	v50 =	vld.idx.msk [tilespmem:v0+s17+$0x0], $0xffff  }
0x281: {  	v10 =	vadd.f32 v23, v10;
	v23 =	vld [tilespmem:$0x1FE70]  }
0x282: {  	v0 =	vld [tilespmem:s22+$0x6800]  }
0x283: {  	v29 =	vsel vm10, $0x0, v35;
	v12 =	vadd.f32 v62, v12;
	v62 =	vld [tilespmem:$0x1FF00]  }
0x284: {  	v17 =	vadd.f32 v29, v17;
	v43 =	vadd.f32 v26, v43;
	v26 =	vadd.s32 $0x1F50, v1;
	v29 =	vld.idx.msk [tilespmem:v27+s17+$0x0], $0xffff  }
0x285: {  	v21 =	vadd.f32 v22, v21;
	v27 =	vld [tilespmem:$0x1FEF0]  }
0x286: {  	v22 =	vadd.s32 $0x2724, v1;
	v32 =	vadd.f32 v18, v32;
	v36 =	vadd.f32 v19, v36;
	v19 =	vld [tilespmem:$0x1FEB0]  }
0x287: {  	v20 =	vadd.f32 v23, v20;
	v23 =	vld [tilespmem:$0x1FEC0]  }
0x288: {  	v32 =	vadd.f32 v62, v32;
	v62 =	vld [tilespmem:$0x1FF50]  }
0x289: {  	v9 =	vadd.f32 v6, v9;
	v18 =	vadd.f32 v28, v16;
	v6 =	vadd.s32 $0x2EF8, v1;
	v28 =	vld.idx.msk [tilespmem:v26+s17+$0x0], $0xffff  }
0x28a: {  	v26 =	vld [tilespmem:$0x1FEE0]  }
0x28b: {  	v16 =	vadd.s32 $0x233A, v1;
	v9 =	vadd.f32 v27, v9;
	v27 =	vld.idx.msk [tilespmem:v22+s17+$0x0], $0xffff  }
0x28c: {  	v22 =	vld [tilespmem:$0x1FF20]  }
0x28d: {  	v20 =	vadd.f32 v62, v20;
	v62 =	vld [tilespmem:$0x1FF70]  }
0x28e: {  	v36 =	vadd.f32 v24, v36;
	v24 =	vld.idx.msk [tilespmem:v6+s17+$0x0], $0xffff  }
0x28f: {  	v3 =	vadd.s32 $0x36CC, v1;
	vm14 =	veq.s32 v0, $0x0;
	v6 =	vld [tilespmem:$0x1FF60]  }
0x290: {  	v0 =	vsel vm14, $0x3E9, v0;
	v19 =	vadd.f32 v19, v7;
	v7 =	vadd.f32 v26, v5;
	v26 =	vld.idx.msk [tilespmem:v16+s17+$0x0], $0xffff  }
0x291: {  	v4 =	vadd.s32 $0x3EA, v0;
	v16 =	vld [tilespmem:$0x1FF10]  }
0x292: {  	v11 =	vadd.f32 v62, v11;
	v62 =	vld [tilespmem:$0x1FF90]  }
0x293: {  	v8 =	vadd.f32 v23, v8;
	v23 =	vld [tilespmem:$0x1FF30];
	v10 =	vadd.f32 v22, v10;
	v22 =	vsel vm11, $0x0, v35  }
0x294: {  	v18 =	vadd.f32 v6, v18;
	v6 =	vadd.f32 v22, v17;
	v22 =	vld.idx.msk [tilespmem:v3+s17+$0x0], $0xffff  }
0x295: {  	[tilespmem:$0x1FFF0] =	vst v2;
	v2 =	vadd.s32 $0x32E2, v1;
	v17 =	vadd.f32 v40, v21;
	v40 =	vld [tilespmem:$0x1FF80]  }
0x296: {  	v5 =	vadd.s32 $0x3AB6, v1;
	v4 =	vld.idx.msk [tilespmem:v4+s17+$0x0], $0xffff  }
0x297: {  	v19 =	vadd.f32 v62, v19;
	v62 =	vld [tilespmem:$0x1FFA0]  }
0x298: {  	v21 =	vadd.s32 $0xBBE, v0;
	v3 =	vld.idx.msk [tilespmem:v0+s17+$0x0], $0xffff  }
0x299: {  	v15 =	vadd.f32 v16, v15;
	v16 =	vld.idx.msk [tilespmem:v1+s17+$0x0], $0xffff  }
0x29a: {  	v18 =	vadd.f32 v52, v18;
	v52 =	vadd.s32 $0x2724, v0;
	v43 =	vadd.f32 v23, v43;
	v23 =	vld.idx.msk [tilespmem:v2+s17+$0x0], $0xffff  }
0x29b: {  	v2 =	vadd.s32 $0x7D4, v0;
	v5 =	vld.idx.msk [tilespmem:v5+s17+$0x0], $0xffff  }
0x29c: {  	v8 =	vadd.f32 v62, v8;
	v62 =	vld [tilespmem:$0x1FFB0]  }
0x29d: {  	v1 =	vadd.s32 $0x1392, v0;
	v21 =	vld.idx.msk [tilespmem:v21+s17+$0x0], $0xffff  }
0x29e: {  	v12 =	vadd.f32 v40, v12;
	v40 =	vadd.s32 $0xFA8, v0;
	v20 =	vadd.f32 v54, v20;
	v54 =	vld [tilespmem:s22+$0x6A00]  }
0x29f: {  	v36 =	vadd.f32 v57, v36;
	v15 =	vadd.f32 v61, v15;
	v61 =	vadd.s32 $0x1B66, v0;
	v52 =	vld.idx.msk [tilespmem:v52+s17+$0x0], $0xffff  }
0x2a0: {  	v10 =	vadd.f32 v60, v10;
	v60 =	vadd.s32 $0x1F50, v0;
	v2 =	vld.idx.msk [tilespmem:v2+s17+$0x0], $0xffff  }
0x2a1: {  	v36 =	vadd.f32 v48, v36;
	v13 =	vadd.f32 v62, v13;
	v62 =	vld [tilespmem:$0x1FFC0]  }
0x2a2: {  	v32 =	vadd.f32 v63, v32;
	v12 =	vadd.f32 v55, v12;
	v55 =	vadd.s32 $0x32E2, v0;
	v1 =	vld.idx.msk [tilespmem:v1+s17+$0x0], $0xffff  }
0x2a3: {  	v63 =	vsel vm12, $0x0, v35;
	v40 =	vld.idx.msk [tilespmem:v40+s17+$0x0], $0xffff;
	v11 =	vadd.f32 v56, v11;
	v56 =	vadd.s32 $0x2EF8, v0  }
0x2a4: {  	v57 =	vadd.s32 $0x233A, v0;
	v6 =	vadd.f32 v63, v6;
	v17 =	vadd.f32 v25, v17;
	v25 =	vld.idx.msk [tilespmem:v61+s17+$0x0], $0xffff  }
0x2a5: {  	v32 =	vadd.f32 v39, v32;
	v19 =	vadd.f32 v53, v19;
	v53 =	vld.idx.msk [tilespmem:v60+s17+$0x0], $0xffff;
	v60 =	vadd.s32 $0x36CC, v0  }
0x2a6: {  	v63 =	vadd.s32 $0x2B0E, v0;
	v18 =	vadd.f32 v50, v18;
	v14 =	vadd.f32 v62, v14;
	v62 =	vld [tilespmem:$0x1FFD0]  }
0x2a7: {  	v43 =	vadd.f32 v59, v43;
	v59 =	vsel vm13, $0x0, v35;
	v15 =	vadd.f32 v44, v15;
	v44 =	vld.idx.msk [tilespmem:v55+s17+$0x0], $0xffff  }
0x2a8: {  	v26 =	vadd.f32 v26, v32;
	v6 =	vadd.f32 v59, v6;
	vm15 =	veq.s32 v54, $0x0;
	v39 =	vld.idx.msk [tilespmem:v56+s17+$0x0], $0xffff  }
0x2a9: {  	v59 =	vimm.f32 $1.000000000e+00;
	v56 =	vld [tilespmem:$0x1FFF0];
	v14 =	vadd.f32 v46, v14;
	v46 =	vsel vm15, $0x3E9, v54  }
0x2aa: {  	v61 =	vsel vm14, $0x0, v35;
	v35 =	vadd.f32 v45, v43;
	v43 =	vld.idx.msk [tilespmem:v60+s17+$0x0], $0xffff;
	v54 =	vadd.s32 $0x7D4, v46  }
0x2ab: {  	v13 =	vadd.f32 v51, v13;
	v51 =	vld.idx.msk [tilespmem:v57+s17+$0x0], $0xffff;
	v60 =	vadd.s32 $0xBBE, v46;
	v7 =	vadd.f32 v62, v7  }
0x2ac: {  	v20 =	vadd.f32 v49, v20;
	v6 =	vadd.f32 v61, v6;
	v48 =	vadd.s32 $0xFA8, v46;
	v62 =	vld [tilespmem:$0x1FFE0]  }
0x2ad: {  	v61 =	vsel vm15, $0x0, v59;
	v59 =	vadd.s32 $0x1B66, v46;
	v7 =	vadd.f32 v42, v7;
	v42 =	vld.idx.msk [tilespmem:v63+s17+$0x0], $0xffff  }
0x2ae: {  	v16 =	vadd.f32 v16, v17;
	v6 =	vadd.f32 v61, v6;
	v61 =	vadd.s32 $0x233A, v46;
	v55 =	vld.idx.msk [tilespmem:v46+s17+$0x0], $0xffff  }
0x2af: {  	v23 =	vadd.f32 v23, v36;
	v5 =	vadd.f32 v5, v18;
	v50 =	vadd.s32 $0x2EF8, v46;
	v17 =	vld.idx.msk [tilespmem:v54+s17+$0x0], $0xffff  }
0x2b0: {  	v12 =	vadd.f32 v34, v12;
	v10 =	vadd.f32 v56, v10;
	v56 =	vadd.s32 $0x32E2, v46;
	v34 =	vld.idx.msk [tilespmem:v60+s17+$0x0], $0xffff  }
0x2b1: {  	v15 =	vadd.f32 v27, v15;
	v19 =	vadd.f32 v37, v19;
	v57 =	vadd.s32 $0x36CC, v46;
	v37 =	vld.idx.msk [tilespmem:v48+s17+$0x0], $0xffff  }
0x2b2: {  	v6 =	vmax.f32 v6, $1.000000000e+00;
	v8 =	vadd.f32 v58, v8;
	v58 =	vadd.s32 $0x177C, v46;
	v49 =	vld.idx.msk [tilespmem:v59+s17+$0x0], $0xffff  }
0x2b3: {  	v20 =	vadd.f32 v22, v20;
	(erf) = vrcp.f32 v6;
	v63 =	vadd.s32 $0x1392, v46;
	v6 =	vld.idx.msk [tilespmem:v61+s17+$0x0], $0xffff  }
0x2b4: {  	v3 =	vadd.f32 v3, v16;
	v11 =	vadd.f32 v33, v11;
	v60 =	vadd.s32 $0x1F50, v46;
	v61 =	vld.idx.msk [tilespmem:v50+s17+$0x0], $0xffff  }
0x2b5: {  	v24 =	vadd.f32 v24, v35;
	v14 =	vadd.f32 v30, v14;
	v48 =	vadd.s32 $0x2B0E, v46;
	v30 =	vld.idx.msk [tilespmem:v56+s17+$0x0], $0xffff  }
0x2b6: {  	v2 =	vadd.f32 v2, v12;
	v4 =	vadd.f32 v4, v11;
	v59 =	vadd.s32 $0x3AB6, v46;
	v33 =	vld.idx.msk [tilespmem:v57+s17+$0x0], $0xffff  }
0x2b7: {  	v7 =	vadd.f32 v29, v7;
	v29 =	vld.idx.msk [tilespmem:v58+s17+$0x0], $0xffff;
	v9 =	vadd.f32 v62, v9;
	v62 =	vadd.s32 $0x177C, v0  }
0x2b8: {  	v8 =	vadd.f32 v38, v8;
	v13 =	vadd.f32 v31, v13;
	v0 =	vadd.s32 $0x3AB6, v0;
	v31 =	vld.idx.msk [tilespmem:v63+s17+$0x0], $0xffff  }
0x2b9: {  	v10 =	vadd.f32 v47, v10;
	v9 =	vadd.f32 v41, v9;
	v41 =	vadd.s32 $0x3EA, v46;
	v54 =	vld.idx.msk [tilespmem:v60+s17+$0x0], $0xffff  }
0x2ba: {  	v8 =	vadd.f32 v40, v8;
	v1 =	vadd.f32 v1, v13;
	v63 =	vadd.s32 $0x2724, v46;
	v60 =	vld.idx.msk [tilespmem:v48+s17+$0x0], $0xffff  }
0x2bb: {  	v3 =	vadd.f32 v55, v3;
	v46 =	vadd.f32 v51, v26;
	v36 =	vld.idx.msk [tilespmem:v59+s17+$0x0], $0xffff  }
0x2bc: {  	v32 =	vpop (erf);
	v2 =	vadd.f32 v17, v2;
	v8 =	vadd.f32 v37, v8;
	v62 =	vld.idx.msk [tilespmem:v62+s17+$0x0], $0xffff  }
0x2bd: {  	v37 =	vadd.f32 v25, v7;
	v9 =	vadd.f32 v28, v9;
	v3 =	vmul.f32 v32, v3;
	v0 =	vld.idx.msk [tilespmem:v0+s17+$0x0], $0xffff  }
0x2be: {  	v6 =	vadd.f32 v6, v46;
	v2 =	vmul.f32 v32, v2;
	v45 =	vmul.f32 v8, v32;
	v41 =	vld.idx.msk [tilespmem:v41+s17+$0x0], $0xffff  }
0x2bf: {  	v40 =	vadd.f32 v53, v9;
	v58 =	vld.idx.msk [tilespmem:v63+s17+$0x0], $0xffff;
	[tilespmem:s22+$0xAAA0] =	vst v3;
	v1 =	vadd.f32 v31, v1  }
0x2c0: {  	v55 =	vmul.f32 v6, v32;
	v63 =	vadd.f32 v21, v19;
	[tilespmem:s22+$0xAEA0] =	vst v2;
	v3 =	vadd.f32 v49, v37  }
0x2c1: {  	[tilespmem:s22+$0xB2A0] =	vst v45;
	v49 =	vadd.f32 v42, v10;
	v7 =	vadd.f32 v54, v40;
	v1 =	vmul.f32 v1, v32  }
0x2c2: {  	v51 =	vadd.f32 v39, v24;
	[tilespmem:s22+$0xBCA0] =	vst v55;
	v35 =	vadd.f32 v34, v63;
	v50 =	vmul.f32 v3, v32  }
0x2c3: {  	v47 =	vadd.f32 v52, v15;
	v54 =	vadd.f32 v60, v49;
	v52 =	vmul.f32 v7, v32;
	[tilespmem:s22+$0xB4A0] =	vst v1  }
0x2c4: {  	v56 =	vadd.f32 v43, v20;
	v3 =	vadd.f32 v61, v51;
	v38 =	vmul.f32 v32, v35;
	[tilespmem:s22+$0xB8A0] =	vst v50  }
0x2c5: {  	v14 =	vadd.f32 v62, v14;
	v59 =	vmul.f32 v54, v32;
	v4 =	vadd.f32 v41, v4;
	[tilespmem:s22+$0xBAA0] =	vst v52  }
0x2c6: {  	v60 =	vadd.f32 v33, v56;
	v0 =	vadd.f32 v0, v5;
	v61 =	vmul.f32 v3, v32;
	[tilespmem:s22+$0xB0A0] =	vst v38  }
0x2c7: {  	v41 =	vadd.f32 v29, v14;
	[tilespmem:s22+$0xC0A0] =	vst v59;
	v4 =	vmul.f32 v32, v4  }
0x2c8: {  	v53 =	vadd.f32 v44, v23;
	v63 =	vmul.f32 v60, v32;
	v0 =	vadd.f32 v36, v0;
	[tilespmem:s22+$0xC2A0] =	vst v61  }
0x2c9: {  	p0 =	sne.s32 s21, $0xFFFFFFC0;
	v48 =	vmul.f32 v41, v32;
	[tilespmem:s22+$0xACA0] =	vst v4;
	v4 =	vadd.f32 v58, v47  }
.Ltmp0:
0x2ca: {  	[tilespmem:s22+$0xC6A0] =	vst v63;
	v0 =	vmul.f32 v0, v32;
	v58 =	vadd.f32 v30, v53;
	(pc) =	sbr.rel @p0 .LBB2_2-.Ltmp0, $4  }
0x2cb: {  	[tilespmem:s22+$0xB6A0] =	vst v48;
	v57 =	vmul.f32 v4, v32  }
0x2cc: {  	[tilespmem:s22+$0xC8A0] =	vst v0;
	v62 =	vmul.f32 v58, v32  }
0x2cd: {  	[tilespmem:s22+$0xBEA0] =	vst v57  }
0x2ce: {  	s21 =	sadd.s32 $0x40, s21;
	[tilespmem:s22+$0xC4A0] =	vst v62  }
0x2cf: {  	s21 =	rddreg [dreg:$0x14];
	s22 =	simm.s32 $0xA8A0  }
0x2d0: {  	[hbm4b:s21+s1] =	stream.linear.scatter [tilespmem:s22], [sflag:$0x2], $0x200, $0x38;
	[tilespmem:$0xC8A0] =	vst v63  }
0x2d1: {  	s21 =	rddreg [dreg:$0x15];
	s22 =	simm.s32 $0xAAA0  }
0x2d2: {  	[hbm4b:s21+s1] =	stream.linear.scatter [tilespmem:s22], [sflag:$0x2], $0x200, $0x38;
	[tilespmem:$0xC8A0] =	vst v63  }
0x2d3: {  	s21 =	rddreg [dreg:$0x16];
	s22 =	simm.s32 $0xACA0  }
0x2d4: {  	[hbm4b:s21+s1] =	stream.linear.scatter [tilespmem:s22], [sflag:$0x2], $0x200, $0x38;
	[tilespmem:$0xC8A0] =	vst v63  }
0x2d5: {  	s21 =	rddreg [dreg:$0x17];
	s22 =	simm.s32 $0xAEA0  }
0x2d6: {  	[hbm4b:s21+s1] =	stream.linear.scatter [tilespmem:s22], [sflag:$0x2], $0x200, $0x38;
	[tilespmem:$0xC8A0] =	vst v63  }
0x2d7: {  	s22 =	simm.s32 $0xB0A0  }
0x2d8: {  	[hbm4b:s23+s1] =	stream.linear.scatter [tilespmem:s22], [sflag:$0x2], $0x200, $0x38;
	[tilespmem:$0xC8A0] =	vst v63  }
0x2d9: {  	s22 =	simm.s32 $0xB2A0  }
0x2da: {  	[hbm4b:s24+s1] =	stream.linear.scatter [tilespmem:s22], [sflag:$0x2], $0x200, $0x38;
	[tilespmem:$0xC8A0] =	vst v63  }
0x2db: {  	s22 =	simm.s32 $0xB4A0  }
0x2dc: {  	[hbm4b:s25+s1] =	stream.linear.scatter [tilespmem:s22], [sflag:$0x2], $0x200, $0x38;
	[tilespmem:$0xC8A0] =	vst v63  }
0x2dd: {  	s22 =	simm.s32 $0xB6A0  }
0x2de: {  	[hbm4b:s26+s1] =	stream.linear.scatter [tilespmem:s22], [sflag:$0x2], $0x200, $0x38;
	[tilespmem:$0xC8A0] =	vst v63  }
0x2df: {  	s22 =	simm.s32 $0xB8A0  }
0x2e0: {  	[hbm4b:s28+s1] =	stream.linear.scatter [tilespmem:s22], [sflag:$0x2], $0x200, $0x38;
	[tilespmem:$0xC8A0] =	vst v63  }
0x2e1: {  	s22 =	simm.s32 $0xBAA0  }
0x2e2: {  	[hbm4b:s29+s1] =	stream.linear.scatter [tilespmem:s22], [sflag:$0x2], $0x200, $0x38;
	[tilespmem:$0xC8A0] =	vst v63  }
0x2e3: {  	s22 =	simm.s32 $0xBCA0  }
0x2e4: {  	[hbm4b:s30+s1] =	stream.linear.scatter [tilespmem:s22], [sflag:$0x2], $0x200, $0x38;
	[tilespmem:$0xC8A0] =	vst v63  }
0x2e5: {  	s22 =	simm.s32 $0xBEA0  }
0x2e6: {  	[hbm4b:s31+s1] =	stream.linear.scatter [tilespmem:s22], [sflag:$0x2], $0x200, $0x38;
	[tilespmem:$0xC8A0] =	vst v63  }
0x2e7: {  	s22 =	simm.s32 $0xC0A0  }
0x2e8: {  	[hbm4b:s0+s1] =	stream.linear.scatter [tilespmem:s22], [sflag:$0x2], $0x200, $0x38;
	[tilespmem:$0xC8A0] =	vst v63  }
0x2e9: {  	s22 =	simm.s32 $0xC2A0  }
0x2ea: {  	[hbm4b:s2+s1] =	stream.linear.scatter [tilespmem:s22], [sflag:$0x2], $0x200, $0x38;
	[tilespmem:$0xC8A0] =	vst v63  }
0x2eb: {  	s22 =	simm.s32 $0xC4A0  }
0x2ec: {  	[hbm4b:s4+s1] =	stream.linear.scatter [tilespmem:s22], [sflag:$0x2], $0x200, $0x38;
	[tilespmem:$0xC8A0] =	vst v63  }
0x2ed: {  	s22 =	simm.s32 $0xC6A0  }
0x2ee: {  	[hbm4b:s5+s1] =	stream.linear.scatter [tilespmem:s22], [sflag:$0x2], $0x200, $0x38;
	[tilespmem:$0xC8A0] =	vst v63  }
0x2ef: {  	_ =	swait.ge [sflag:s19], $0x1000  }
0x2f0: {  	[sflag:s19] =	ssyncset.done $0x0  }
0x2f1: {  	[sflag:s19] =	ssyncadd.s32 $0xFFFFF000  }
0x2f2: {  	_ =	swait.ge [sflag:s19], $0x1000  }
0x2f3: {  	[sflag:s19] =	ssyncset.done $0x0  }
0x2f4: {  	[sflag:s19] =	ssyncadd.s32 $0xFFFFF000  }
0x2f5: {  	_ =	swait.ge [sflag:s19], $0x1000  }
0x2f6: {  	[sflag:s19] =	ssyncset.done $0x0  }
0x2f7: {  	[sflag:s19] =	ssyncadd.s32 $0xFFFFF000  }
0x2f8: {  	_ =	swait.ge [sflag:s19], $0x1000  }
0x2f9: {  	[sflag:s19] =	ssyncset.done $0x0  }
0x2fa: {  	[sflag:s19] =	ssyncadd.s32 $0xFFFFF000  }
0x2fb: {  	[hbm4b:s6+s1] =	stream.linear.scatter [tilespmem:s16], [sflag:$0x3], $0x4000, $0x38;
	[tilespmem:$0xC8A0] =	vst v63  }
0x2fc: {  	_ =	swait.ge [sflag:s14], $0x4000  }
0x2fd: {  	[sflag:s14] =	ssyncset.done $0x0  }
0x2fe: {  	[sflag:s14] =	ssyncadd.s32 $0xFFFFC000  }
0x2ff: {  	_ =	swait.ge [sflag:s18], $0x200  }
0x300: {  	[sflag:s18] =	ssyncset.done $0x0  }
0x301: {  	[sflag:s18] =	ssyncadd.s32 $0xFFFFFE00  }
0x302: {  	_ =	swait.ge [sflag:s18], $0x200  }
0x303: {  	[sflag:s18] =	ssyncset.done $0x0  }
0x304: {  	[sflag:s18] =	ssyncadd.s32 $0xFFFFFE00  }
0x305: {  	_ =	swait.ge [sflag:s18], $0x200  }
0x306: {  	[sflag:s18] =	ssyncset.done $0x0  }
0x307: {  	[sflag:s18] =	ssyncadd.s32 $0xFFFFFE00  }
0x308: {  	_ =	swait.ge [sflag:s18], $0x200  }
0x309: {  	[sflag:s18] =	ssyncset.done $0x0  }
0x30a: {  	[sflag:s18] =	ssyncadd.s32 $0xFFFFFE00  }
0x30b: {  	_ =	swait.ge [sflag:s18], $0x200  }
0x30c: {  	[sflag:s18] =	ssyncset.done $0x0  }
0x30d: {  	[sflag:s18] =	ssyncadd.s32 $0xFFFFFE00  }
0x30e: {  	_ =	swait.ge [sflag:s18], $0x200  }
0x30f: {  	[sflag:s18] =	ssyncset.done $0x0  }
0x310: {  	[sflag:s18] =	ssyncadd.s32 $0xFFFFFE00  }
0x311: {  	_ =	swait.ge [sflag:s18], $0x200  }
0x312: {  	[sflag:s18] =	ssyncset.done $0x0  }
0x313: {  	[sflag:s18] =	ssyncadd.s32 $0xFFFFFE00  }
0x314: {  	_ =	swait.ge [sflag:s18], $0x200  }
0x315: {  	[sflag:s18] =	ssyncset.done $0x0  }
0x316: {  	[sflag:s18] =	ssyncadd.s32 $0xFFFFFE00  }
0x317: {  	_ =	swait.ge [sflag:s18], $0x200  }
0x318: {  	[sflag:s18] =	ssyncset.done $0x0  }
0x319: {  	[sflag:s18] =	ssyncadd.s32 $0xFFFFFE00  }
0x31a: {  	_ =	swait.ge [sflag:s18], $0x200  }
0x31b: {  	[sflag:s18] =	ssyncset.done $0x0  }
0x31c: {  	[sflag:s18] =	ssyncadd.s32 $0xFFFFFE00  }
0x31d: {  	_ =	swait.ge [sflag:s18], $0x200  }
0x31e: {  	[sflag:s18] =	ssyncset.done $0x0  }
0x31f: {  	[sflag:s18] =	ssyncadd.s32 $0xFFFFFE00  }
0x320: {  	_ =	swait.ge [sflag:s18], $0x200  }
0x321: {  	[sflag:s18] =	ssyncset.done $0x0  }
0x322: {  	[sflag:s18] =	ssyncadd.s32 $0xFFFFFE00  }
0x323: {  	_ =	swait.ge [sflag:s18], $0x200  }
0x324: {  	[sflag:s18] =	ssyncset.done $0x0  }
0x325: {  	[sflag:s18] =	ssyncadd.s32 $0xFFFFFE00  }
0x326: {  	_ =	swait.ge [sflag:s18], $0x200  }
0x327: {  	[sflag:s18] =	ssyncset.done $0x0  }
0x328: {  	s20 =	sadd.s32 $0x1, s20;
	[sflag:s18] =	ssyncadd.s32 $0xFFFFFE00  }
0x329: {  	p0 =	sne.s32 s20, s9;
	_ =	swait.ge [sflag:s18], $0x200  }
.Ltmp1:
0x32a: {  	[sflag:s18] =	ssyncset.done $0x0;
	(pc) =	sbr.rel @p0 .LBB2_1-.Ltmp1, $4  }
0x32b: {  	[sflag:s18] =	ssyncadd.s32 $0xFFFFFE00  }
0x32c: {  	_ =	swait.ge [sflag:s18], $0x200  }
0x32d: {  	[sflag:s18] =	ssyncset.done $0x0  }
0x32e: {  	[sflag:s18] =	ssyncadd.s32 $0xFFFFFE00  }
0x32f: {  	_ =	sfence.sel $0x180000  }
0x330: {  	[bflag:$0x0] =	sbarrier.arrive $0xFFFF  }
0x331: {  	_ =	strace $0x90000047  }
0x332: {  	s0 =	stileid.u32;
	[bflag:$0x2] =	sbarrier.arrive $0xFFFF  }
0x333: {  	p0 =	sne.s32 s0, $0x0;
	s0 =	rddreg [dreg:$0x3]  }
0x334: {  	s0 =	sadd.s32 @!p0 $0x100000, s0  }
0x335: {  	[sflag:s0] =	ssyncadd.tile.s32 @!p0 $0x1;
	_ =	shalt  }
.Lfunc_end2:
_tile_overlayer_lowered:
.L_overlay_start_2:
0x336: {  	(tag) =	ssettag $0x2  }
0x337: {  	s0 =	rddreg [dreg:$0x0];
	s2 =	stileid.u32  }
0x338: {  	s1 =	rddreg [dreg:$0x1];
	p0 =	sne.s32 s2, $0x0  }
0x339: {  	s3 =	rddreg [dreg:$0x2];
	[bflag:$0x3] =	sbarrier.arrive $0xFFFF;
	s2 =	simm.s32 @!p0 $0x1C03  }
0x33a: {  	[timem:s3], [sflag:s2] =	dma.local @!p0 [hbm:s0], s1  }
0x33b: {  	s0 =	simm.s32 @!p0 $0x3  }
0x33c: {  	_ =	swait.ge @!p0 [sflag:s0], s1  }
0x33d: {  	s1 =	ssub.s32 @!p0 $0x0, s1;
	[sflag:s0] =	ssyncset.done @!p0 $0x0  }
0x33e: {  	[sflag:s0] =	ssyncadd.s32 @!p0 s1  }
0x33f: {  	[bflag:$0x3] =	sbarrier.arrive $0xFFFF  }
0x340: {  	_ =	shalt  }

</sc_bundles>
